<compile_context>
chip_gen: v7x
topology: tpu7x:2x2x1
jax: 0.10.2.dev20260603
libtpu: 0.0.44.dev20260713+nightly
codegen_flags: <defaults>
</compile_context>

<pallas_src>
import jax
import jax.numpy as jnp
from jax import lax
from jax.experimental import pallas as pl
from jax.experimental.pallas import tpu as pltpu
from jax.experimental.pallas import tpu_sc as plsc

NN = 10000
EE = 320000
DD = 128
HH = 4
OO = 128

NC = 2
NS = 16
NW = NC * NS

NPAD = 10240
RPT = NPAD // NS
C1 = 80
C2 = 80
P1_CHUNKS = (EE // NS) // C1
P2_CHUNKS = (EE // NW) // C2

_f32 = jnp.float32
_i32 = jnp.int32


def _prep_body(h_ref, w_ref, p_ref, rw_ref, b_ref, feat_ref, elr_ref, res_ref):
    hb = h_ref[...]
    f = jnp.dot(hb, w_ref[...], preferred_element_type=_f32)
    feat_ref[...] = f
    elr_ref[...] = jnp.dot(f, p_ref[...], preferred_element_type=_f32)
    res_ref[...] = jnp.dot(hb, rw_ref[...], preferred_element_type=_f32) \
        + b_ref[0:1, :]


def _tc_prep(h, W, P128, RWm, bm8):
    bn = 400
    grid = NN // bn
    return pl.pallas_call(
        _prep_body,
        grid=(grid,),
        in_specs=[
            pl.BlockSpec((bn, DD), lambda i: (i, 0)),
            pl.BlockSpec((DD, HH * OO), lambda i: (0, 0)),
            pl.BlockSpec((HH * OO, 128), lambda i: (0, 0)),
            pl.BlockSpec((DD, OO), lambda i: (0, 0)),
            pl.BlockSpec((8, OO), lambda i: (0, 0)),
        ],
        out_specs=[
            pl.BlockSpec((bn, HH * OO), lambda i: (i, 0)),
            pl.BlockSpec((bn, 128), lambda i: (i, 0)),
            pl.BlockSpec((bn, OO), lambda i: (i, 0)),
        ],
        out_shape=[
            jax.ShapeDtypeStruct((NN, HH * OO), _f32),
            jax.ShapeDtypeStruct((NN, 128), _f32),
            jax.ShapeDtypeStruct((NN, OO), _f32),
        ],
    )(h, W, P128, RWm, bm8)


C2H = C2 // 2


def _sc_body(src_h, dst_h, elr_h, feat_h,
             out_h, ee_h, den_h,
             sidx0, sidx1, didx0, didx1, didxo0, didxo1,
             gsb0, gsb1, gdb0, gdb1, eec0, eec1, dbuf0, dbuf1,
             cbuf0, cbuf1, fq0, fq1, ybuf,
             dsp, asp,
             sem1, sem2, sem3, sem4, sem5, sem6, sem7, sem8):
    c = lax.axis_index("c")
    s = lax.axis_index("s")
    wid = s * NC + c
    iota = lax.iota(_i32, 16)
    zero16 = jnp.zeros((16,), _f32)

    @pl.loop(0, C2)
    def _zy(e):
        for j in range(OO // 16):
            ybuf[e, pl.ds(j * 16, 16)] = zero16

    for t in range((C1 * 8) // 16):
        plsc.store_scatter(eec0, [(iota >> 3) + 2 * t, iota & 7], zero16)

    rbase = s * RPT
    for k in range(RPT // C2):
        pltpu.sync_copy(ybuf, asp.at[pl.ds(rbase + k * C2, C2), :])
    for k in range(RPT // C1):
        pltpu.sync_copy(eec0, dsp.at[pl.ds(rbase + k * C1, C1), :])
    plsc.subcore_barrier()

    p1base = s * (EE // NS)

    def _p1_compute(gsb, gdb, eec):
        for g in range(C1 // 16):
            rows = iota + 16 * g
            for h in range(HH):
                hh = jnp.full((16,), h, _i32)
                e = plsc.load_gather(gsb, [rows, hh]) \
                    + plsc.load_gather(gdb, [rows, hh + HH])
                e = jnp.where(e > 0.0, e, e * 0.2)
                plsc.store_scatter(eec, [rows, hh], jnp.exp(e))

    @pl.loop(0, P1_CHUNKS // 2)
    def _p1(k):
        e0 = p1base + (2 * k) * C1
        e1 = e0 + C1
        a1 = pltpu.async_copy(src_h.at[pl.ds(e0, C1)], sidx0, sem1)
        a2 = pltpu.async_copy(dst_h.at[pl.ds(e0, C1)], didx0, sem2)
        a3 = pltpu.async_copy(src_h.at[pl.ds(e1, C1)], sidx1, sem3)
        a4 = pltpu.async_copy(dst_h.at[pl.ds(e1, C1)], didx1, sem4)
        a1.wait()
        a2.wait()
        a3.wait()
        a4.wait()
        g1 = pltpu.async_copy(elr_h.at[sidx0], gsb0, sem1)
        g2 = pltpu.async_copy(elr_h.at[didx0], gdb0, sem2)
        g3 = pltpu.async_copy(elr_h.at[sidx1], gsb1, sem3)
        g4 = pltpu.async_copy(elr_h.at[didx1], gdb1, sem4)
        g1.wait()
        g2.wait()
        _p1_compute(gsb0, gdb0, eec0)
        g3.wait()
        g4.wait()
        _p1_compute(gsb1, gdb1, eec1)
        s1 = pltpu.async_copy(eec0, dsp.at[didx0], sem1, add=True)
        s2 = pltpu.async_copy(eec1, dsp.at[didx1], sem2, add=True)
        w1 = pltpu.async_copy(eec0, ee_h.at[pl.ds(e0, C1), :], sem3)
        w2 = pltpu.async_copy(eec1, ee_h.at[pl.ds(e1, C1), :], sem4)
        s1.wait()
        s2.wait()
        w1.wait()
        w2.wait()

    plsc.subcore_barrier()
    pltpu.sync_copy(dsp.at[pl.ds(s * RPT, RPT), :],
                    den_h.at[pl.ds(c * NPAD + s * RPT, RPT), :])
    plsc.subcore_barrier()

    p2base = wid * (EE // NW)
    cbase = c * NPAD
    CQ = 16
    fqs = (fq0, fq1)
    qsem = (sem7, sem8)

    def _p2_fire_idx(ebase, sidx, didx, eec, ss, sd, se):
        pltpu.async_copy(src_h.at[pl.ds(ebase, C2)], sidx, ss)
        pltpu.async_copy(dst_h.at[pl.ds(ebase, C2)], didx, sd)
        pltpu.async_copy(ee_h.at[pl.ds(ebase, C2), :], eec, se)

    def _p2_den(ebase, didx, didxo, dbuf, sd, same):
        pltpu.make_async_copy(dst_h.at[pl.ds(ebase, C2)], didx, sd).wait()
        for g in range(C2 // 16):
            didxo[pl.ds(16 * g, 16)] = didx[pl.ds(16 * g, 16)] + cbase
        pltpu.async_copy(den_h.at[didxo], dbuf, same)

    def _p2_coeffs(ebase, eec, dbuf, cbuf, didxo, se, same):
        pltpu.make_async_copy(ee_h.at[pl.ds(ebase, C2), :], eec, se).wait()
        pltpu.make_async_copy(den_h.at[didxo], dbuf, same).wait()
        for g in range(C2 // 16):
            rows = iota + 16 * g
            for h in range(HH):
                hh = jnp.full((16,), h, _i32)
                d = plsc.load_gather(dbuf, [rows, hh])
                ev = plsc.load_gather(eec, [rows, hh])
                cf = ev * (1.0 / HH) / (d + 1e-9)
                plsc.store_scatter(cbuf, [rows, hh], cf)

    def _p2_body(ebase, sidx, didx, cbuf, ss):
        for q in range(5):
            if q < 4:
                pltpu.async_copy(
                    feat_h.at[sidx.at[pl.ds((q + 1) * CQ, CQ)]],
                    fqs[(q + 1) % 2], qsem[(q + 1) % 2])
            pltpu.make_async_copy(
                feat_h.at[sidx.at[pl.ds(q * CQ, CQ)]],
                fqs[q % 2], qsem[q % 2]).wait()
            fbuf = fqs[q % 2]

            @pl.loop(0, CQ)
            def _pe(e):
                ec = e + q * CQ
                ev = jnp.full((16,), ec, _i32)
                csp = [plsc.load_gather(cbuf, [ev, jnp.full((16,), h, _i32)])
                       for h in range(HH)]
                for j in range(OO // 16):
                    acc = csp[0] * fbuf[e, pl.ds(j * 16, 16)]
                    for h in range(1, HH):
                        acc = acc + csp[h] * fbuf[e, pl.ds(h * OO + j * 16, 16)]
                    ybuf[ec, pl.ds(j * 16, 16)] = acc

        pltpu.sync_copy(ybuf, asp.at[didx], add=True)

    @pl.loop(0, P2_CHUNKS)
    def _p2(i):
        e0 = p2base + i * C2
        _p2_fire_idx(e0, sidx0, didx0, eec0, sem1, sem2, sem3)
        pltpu.make_async_copy(src_h.at[pl.ds(e0, C2)], sidx0, sem1).wait()
        pltpu.async_copy(feat_h.at[sidx0.at[pl.ds(0, CQ)]], fq0, sem7)
        _p2_den(e0, didx0, didxo0, dbuf0, sem2, sem2)
        _p2_coeffs(e0, eec0, dbuf0, cbuf0, didxo0, sem3, sem2)
        _p2_body(e0, sidx0, didx0, cbuf0, sem1)

    plsc.subcore_barrier()

    pltpu.sync_copy(asp.at[pl.ds(s * RPT, RPT), :],
                    out_h.at[c, pl.ds(s * RPT, RPT), :])


def _sc_edge(src, dst, elr8, feat):
    mesh = plsc.VectorSubcoreMesh(core_axis_name="c", subcore_axis_name="s",
                                  num_cores=NC, num_subcores=NS)
    kern = pl.kernel(
        _sc_body,
        out_type=(
            jax.ShapeDtypeStruct((NC, NPAD, OO), _f32),
            jax.ShapeDtypeStruct((EE, 8), _f32),
            jax.ShapeDtypeStruct((NC * NPAD, 8), _f32),
        ),
        mesh=mesh,
        scratch_types=[
            pltpu.VMEM((C1,), _i32),
            pltpu.VMEM((C1,), _i32),
            pltpu.VMEM((C1,), _i32),
            pltpu.VMEM((C1,), _i32),
            pltpu.VMEM((C2,), _i32),
            pltpu.VMEM((C2,), _i32),
            pltpu.VMEM((C1, 8), _f32),
            pltpu.VMEM((C1, 8), _f32),
            pltpu.VMEM((C1, 8), _f32),
            pltpu.VMEM((C1, 8), _f32),
            pltpu.VMEM((C1, 8), _f32),
            pltpu.VMEM((C1, 8), _f32),
            pltpu.VMEM((C2, 8), _f32),
            pltpu.VMEM((C2, 8), _f32),
            pltpu.VMEM((C2, 8), _f32),
            pltpu.VMEM((C2, 8), _f32),
            pltpu.VMEM((16, HH * OO), _f32),
            pltpu.VMEM((16, HH * OO), _f32),
            pltpu.VMEM((C2, OO), _f32),
            pltpu.VMEM_SHARED((NPAD, 8), _f32),
            pltpu.VMEM_SHARED((NPAD, OO), _f32),
            pltpu.SemaphoreType.DMA,
            pltpu.SemaphoreType.DMA,
            pltpu.SemaphoreType.DMA,
            pltpu.SemaphoreType.DMA,
            pltpu.SemaphoreType.DMA,
            pltpu.SemaphoreType.DMA,
            pltpu.SemaphoreType.DMA,
            pltpu.SemaphoreType.DMA,
        ],
        compiler_params=pltpu.CompilerParams(needs_layout_passes=False,
                                             use_tc_tiling_on_sc=False),
    )
    return kern(src, dst, elr8, feat)


def _comb_body(a_ref, b_ref, r_ref, o_ref):
    o_ref[...] = a_ref[0] + b_ref[0] + r_ref[...]


def _tc_combine(parts, res):
    bn = 2000
    grid = NN // bn
    return pl.pallas_call(
        _comb_body,
        grid=(grid,),
        in_specs=[
            pl.BlockSpec((1, bn, OO), lambda i: (0, i, 0)),
            pl.BlockSpec((1, bn, OO), lambda i: (1, i, 0)),
            pl.BlockSpec((bn, OO), lambda i: (i, 0)),
        ],
        out_specs=pl.BlockSpec((bn, OO), lambda i: (i, 0)),
        out_shape=jax.ShapeDtypeStruct((NN, OO), _f32),
    )(parts, parts, res)


def kernel(h, edge_index, W, attn_l, attn_r, res_W, bias):
    src = edge_index[0].astype(_i32)
    dst = edge_index[1].astype(_i32)

    eyeH = jnp.eye(HH, dtype=_f32)
    Pl = (attn_l[:, :, None] * eyeH[:, None, :]).reshape(HH * OO, HH)
    Pr = (attn_r[:, :, None] * eyeH[:, None, :]).reshape(HH * OO, HH)
    P128 = jnp.pad(jnp.concatenate([Pl, Pr], axis=1),
                   ((0, 0), (0, 128 - 2 * HH)))
    RWm = res_W.reshape(DD, HH, OO).mean(axis=1)
    bm8 = jnp.broadcast_to(bias.reshape(HH, OO).mean(axis=0, keepdims=True),
                           (8, OO))

    feat, elr, res = _tc_prep(h, W, P128, RWm, bm8)
    elr8 = elr[:, 0:2 * HH]

    parts, _ee, _den = _sc_edge(src, dst, elr8, feat)
    return _tc_combine(parts, res)

# --- scband reference (transcript-rebuilt; emitter-appended) ---
"""Pipeline reference for scband-gatlayer-13469017441031 (READ-ONLY COPY).

The authoritative reference and input builder live on the scoring server;
editing this copy changes nothing except your own understanding.
"""

import jax, jax.numpy as jnp
import numpy as np

N = 10000
E = 320000
D = 128
H = 4
O = 128


def setup_inputs(seed: int = 0) -> dict:
    key = jax.random.key(seed)
    ks = jax.random.split(key, 8)
    h = jax.random.normal(ks[0], (N, D), dtype=jnp.float32)
    edge_index = jax.random.randint(ks[1], (2, E), 0, N)
    W = jax.random.normal(ks[2], (D, H * O), dtype=jnp.float32) * (1.0 / np.sqrt(D))
    attn_l = jax.random.normal(ks[3], (H, O), dtype=jnp.float32) * 0.1
    attn_r = jax.random.normal(ks[4], (H, O), dtype=jnp.float32) * 0.1
    res_W = jax.random.normal(ks[5], (D, H * O), dtype=jnp.float32) * (1.0 / np.sqrt(D))
    bias = jnp.zeros((H * O,), dtype=jnp.float32)
    return {"h": h, "edge_index": edge_index, "W": W, "attn_l": attn_l,
            "attn_r": attn_r, "res_W": res_W, "bias": bias}


def reference(h, edge_index, W, attn_l, attn_r, res_W, bias):
    # DGL GATConv forward (feat_drop=0, attn_drop=0, residual with res_fc linear
    # since in_dim != num_heads*out_dim), followed by mean over heads.
    src = edge_index[0]
    dst = edge_index[1]
    feat = (h @ W).reshape(N, H, O)                       # [N, H, O]
    el = jnp.sum(feat * attn_l[None, :, :], axis=-1)      # [N, H]
    er = jnp.sum(feat * attn_r[None, :, :], axis=-1)      # [N, H]
    e = el[src] + er[dst]                                 # [E, H]
    e = jnp.where(e > 0, e, 0.2 * e)                      # LeakyReLU(0.2)
    # edge softmax over incoming edges of each dst node
    emax = jax.ops.segment_max(e, dst, num_segments=N)    # [N, H]
    emax = jnp.where(jnp.isfinite(emax), emax, 0.0)
    ee = jnp.exp(e - emax[dst])                           # [E, H]
    denom = jax.ops.segment_sum(ee, dst, num_segments=N)  # [N, H]
    alpha = ee / (denom[dst] + 1e-9)                      # [E, H]
    msg = alpha[:, :, None] * feat[src]                   # [E, H, O]
    rst = jax.ops.segment_sum(msg, dst, num_segments=N)   # [N, H, O]
    resval = (h @ res_W).reshape(N, H, O)                 # residual projection
    rst = rst + resval + bias.reshape(H, O)[None, :, :]
    return rst.mean(axis=1)                               # mean over heads -> [N, O]

if __name__ == "__main__":
    import jax
    _d = setup_inputs()
    print(jax.jit(kernel)(*tuple(_d.values())))

</pallas_src>

<mosaic_0001>
#map = affine_map<(d0, d1) -> (0)>
#map1 = affine_map<(d0, d1) -> (0, 0)>
#map2 = affine_map<(d0, d1) -> (0, 0, 0)>
module attributes {stable_mosaic.version = 14 : i64} {
  func.func @_sc_body(%arg0: i32, %arg1: i32, %arg2: memref<320000xi32, #tpu.memory_space<hbm>>, %arg3: memref<320000xi32, #tpu.memory_space<hbm>>, %arg4: memref<10000x8xf32, #tpu.memory_space<hbm>>, %arg5: memref<10000x512xf32, #tpu.memory_space<hbm>>, %arg6: memref<2x10240x128xf32, #tpu.memory_space<hbm>>, %arg7: memref<320000x8xf32, #tpu.memory_space<hbm>>, %arg8: memref<20480x8xf32, #tpu.memory_space<hbm>>, %arg9: memref<80xi32, #tpu.memory_space<vmem>>, %arg10: memref<80xi32, #tpu.memory_space<vmem>>, %arg11: memref<80xi32, #tpu.memory_space<vmem>>, %arg12: memref<80xi32, #tpu.memory_space<vmem>>, %arg13: memref<80xi32, #tpu.memory_space<vmem>>, %arg14: memref<80xi32, #tpu.memory_space<vmem>>, %arg15: memref<80x8xf32, #tpu.memory_space<vmem>>, %arg16: memref<80x8xf32, #tpu.memory_space<vmem>>, %arg17: memref<80x8xf32, #tpu.memory_space<vmem>>, %arg18: memref<80x8xf32, #tpu.memory_space<vmem>>, %arg19: memref<80x8xf32, #tpu.memory_space<vmem>>, %arg20: memref<80x8xf32, #tpu.memory_space<vmem>>, %arg21: memref<80x8xf32, #tpu.memory_space<vmem>>, %arg22: memref<80x8xf32, #tpu.memory_space<vmem>>, %arg23: memref<80x8xf32, #tpu.memory_space<vmem>>, %arg24: memref<80x8xf32, #tpu.memory_space<vmem>>, %arg25: memref<16x512xf32, #tpu.memory_space<vmem>>, %arg26: memref<16x512xf32, #tpu.memory_space<vmem>>, %arg27: memref<80x128xf32, #tpu.memory_space<vmem>>, %arg28: memref<10240x8xf32, #tpu.memory_space<vmem_shared>>, %arg29: memref<10240x128xf32, #tpu.memory_space<vmem_shared>>, %arg30: memref<!tpu.dma_semaphore, #tpu.memory_space<semaphore_mem>>, %arg31: memref<!tpu.dma_semaphore, #tpu.memory_space<semaphore_mem>>, %arg32: memref<!tpu.dma_semaphore, #tpu.memory_space<semaphore_mem>>, %arg33: memref<!tpu.dma_semaphore, #tpu.memory_space<semaphore_mem>>, %arg34: memref<!tpu.dma_semaphore, #tpu.memory_space<semaphore_mem>>, %arg35: memref<!tpu.dma_semaphore, #tpu.memory_space<semaphore_mem>>, %arg36: memref<!tpu.dma_semaphore, #tpu.memory_space<semaphore_mem>>, %arg37: memref<!tpu.dma_semaphore, #tpu.memory_space<semaphore_mem>>) attributes {dimension_semantics = [#tpu.dimension_semantics<core_parallel>, #tpu.dimension_semantics<subcore_parallel>], iteration_bounds = array<i64: 2, 16>, scalar_prefetch = 0 : i64, scratch_operands = 29 : i64, tpu.core_type = #tpu.core_type<sc_vector_subcore>, window_params = [{transform_indices = #map}, {transform_indices = #map}, {transform_indices = #map1}, {transform_indices = #map1}, {transform_indices = #map2}, {transform_indices = #map1}, {transform_indices = #map1}]} {
    %mul3A = arith.constant 2 : i32
    %mul3A_0 = arith.muli %arg1, %mul3A : i32
    %add3A = arith.addi %mul3A_0, %arg0 : i32
    %iota3A = tpu.iota {dimensions = array<i32: 0>} : vector<16xi32>
    %broadcast_in_dim3A = arith.constant 0.000000e+00 : f32
    %broadcast_in_dim3A_1 = vector.broadcast %broadcast_in_dim3A : f32 to vector<16xf32>
    %scan3A = arith.constant 0 : i32
    %scan3A_2 = arith.constant 80 : i32
    %scan3A_3 = arith.addi %scan3A, %scan3A_2 : i32
    %scan3A_4 = arith.constant 1 : i32
    scf.for %scan3A_428 = %scan3A to %scan3A_3 step %scan3A_4  : i32 {
      %mul3A_429 = arith.constant 1 : i32
      %mul3A_430 = arith.muli %scan3A_428, %mul3A_429 : i32
      %add3A_431 = arith.constant 0 : i32
      %add3A_432 = arith.addi %add3A_431, %mul3A_430 : i32
      %swap3A = arith.index_cast %add3A_432 : i32 to index
      %swap3A_433 = arith.constant 0 : index
      %swap3A_434 = tpu.vector_load %arg27[%swap3A, %swap3A_433] {strides = array<i32>} : memref<80x128xf32, #tpu.memory_space<vmem>>, vector<16xf32>,
      tpu.vector_store %arg27[%swap3A, %swap3A_433], %broadcast_in_dim3A_1 {strides = array<i32>} : memref<80x128xf32, #tpu.memory_space<vmem>>, vector<16xf32>,
      %swap3A_435 = arith.index_cast %add3A_432 : i32 to index
      %swap3A_436 = arith.constant 16 : index
      %swap3A_437 = tpu.vector_load %arg27[%swap3A_435, %swap3A_436] {strides = array<i32>} : memref<80x128xf32, #tpu.memory_space<vmem>>, vector<16xf32>,
      tpu.vector_store %arg27[%swap3A_435, %swap3A_436], %broadcast_in_dim3A_1 {strides = array<i32>} : memref<80x128xf32, #tpu.memory_space<vmem>>, vector<16xf32>,
      %swap3A_438 = arith.index_cast %add3A_432 : i32 to index
      %swap3A_439 = arith.constant 32 : index
      %swap3A_440 = tpu.vector_load %arg27[%swap3A_438, %swap3A_439] {strides = array<i32>} : memref<80x128xf32, #tpu.memory_space<vmem>>, vector<16xf32>,
      tpu.vector_store %arg27[%swap3A_438, %swap3A_439], %broadcast_in_dim3A_1 {strides = array<i32>} : memref<80x128xf32, #tpu.memory_space<vmem>>, vector<16xf32>,
      %swap3A_441 = arith.index_cast %add3A_432 : i32 to index
      %swap3A_442 = arith.constant 48 : index
      %swap3A_443 = tpu.vector_load %arg27[%swap3A_441, %swap3A_442] {strides = array<i32>} : memref<80x128xf32, #tpu.memory_space<vmem>>, vector<16xf32>,
      tpu.vector_store %arg27[%swap3A_441, %swap3A_442], %broadcast_in_dim3A_1 {strides = array<i32>} : memref<80x128xf32, #tpu.memory_space<vmem>>, vector<16xf32>,
      %swap3A_444 = arith.index_cast %add3A_432 : i32 to index
      %swap3A_445 = arith.constant 64 : index
      %swap3A_446 = tpu.vector_load %arg27[%swap3A_444, %swap3A_445] {strides = array<i32>} : memref<80x128xf32, #tpu.memory_space<vmem>>, vector<16xf32>,
      tpu.vector_store %arg27[%swap3A_444, %swap3A_445], %broadcast_in_dim3A_1 {strides = array<i32>} : memref<80x128xf32, #tpu.memory_space<vmem>>, vector<16xf32>,
      %swap3A_447 = arith.index_cast %add3A_432 : i32 to index
      %swap3A_448 = arith.constant 80 : index
      %swap3A_449 = tpu.vector_load %arg27[%swap3A_447, %swap3A_448] {strides = array<i32>} : memref<80x128xf32, #tpu.memory_space<vmem>>, vector<16xf32>,
      tpu.vector_store %arg27[%swap3A_447, %swap3A_448], %broadcast_in_dim3A_1 {strides = array<i32>} : memref<80x128xf32, #tpu.memory_space<vmem>>, vector<16xf32>,
      %swap3A_450 = arith.index_cast %add3A_432 : i32 to index
      %swap3A_451 = arith.constant 96 : index
      %swap3A_452 = tpu.vector_load %arg27[%swap3A_450, %swap3A_451] {strides = array<i32>} : memref<80x128xf32, #tpu.memory_space<vmem>>, vector<16xf32>,
      tpu.vector_store %arg27[%swap3A_450, %swap3A_451], %broadcast_in_dim3A_1 {strides = array<i32>} : memref<80x128xf32, #tpu.memory_space<vmem>>, vector<16xf32>,
      %swap3A_453 = arith.index_cast %add3A_432 : i32 to index
      %swap3A_454 = arith.constant 112 : index
      %swap3A_455 = tpu.vector_load %arg27[%swap3A_453, %swap3A_454] {strides = array<i32>} : memref<80x128xf32, #tpu.memory_space<vmem>>, vector<16xf32>,
      tpu.vector_store %arg27[%swap3A_453, %swap3A_454], %broadcast_in_dim3A_1 {strides = array<i32>} : memref<80x128xf32, #tpu.memory_space<vmem>>, vector<16xf32>,
    }
    %scan3A_5 = arith.constant 80 : i32
    %shift_right_arithmetic3A = arith.constant 3 : i32
    %shift_right_arithmetic3A_6 = vector.broadcast %shift_right_arithmetic3A : i32 to vector<16xi32>
    %shift_right_arithmetic3A_7 = arith.shrsi %iota3A, %shift_right_arithmetic3A_6 : vector<16xi32>
    %add3A_8 = arith.constant 0 : i32
    %add3A_9 = vector.broadcast %add3A_8 : i32 to vector<16xi32>
    %add3A_10 = arith.addi %shift_right_arithmetic3A_7, %add3A_9 : vector<16xi32>
    %and3A = arith.constant 7 : i32
    %and3A_11 = vector.broadcast %and3A : i32 to vector<16xi32>
    %and3A_12 = arith.andi %iota3A, %and3A_11 : vector<16xi32>
    tpu.vector_store_idx %arg19[%add3A_10, %and3A_12], %broadcast_in_dim3A_1 : memref<80x8xf32, #tpu.memory_space<vmem>>[vector<16xi32>, vector<16xi32>], vector<16xf32>,
    %shift_right_arithmetic3A_13 = arith.constant 3 : i32
    %shift_right_arithmetic3A_14 = vector.broadcast %shift_right_arithmetic3A_13 : i32 to vector<16xi32>
    %shift_right_arithmetic3A_15 = arith.shrsi %iota3A, %shift_right_arithmetic3A_14 : vector<16xi32>
    %add3A_16 = arith.constant 2 : i32
    %add3A_17 = vector.broadcast %add3A_16 : i32 to vector<16xi32>
    %add3A_18 = arith.addi %shift_right_arithmetic3A_15, %add3A_17 : vector<16xi32>
    %and3A_19 = arith.constant 7 : i32
    %and3A_20 = vector.broadcast %and3A_19 : i32 to vector<16xi32>
    %and3A_21 = arith.andi %iota3A, %and3A_20 : vector<16xi32>
    tpu.vector_store_idx %arg19[%add3A_18, %and3A_21], %broadcast_in_dim3A_1 : memref<80x8xf32, #tpu.memory_space<vmem>>[vector<16xi32>, vector<16xi32>], vector<16xf32>,
    %shift_right_arithmetic3A_22 = arith.constant 3 : i32
    %shift_right_arithmetic3A_23 = vector.broadcast %shift_right_arithmetic3A_22 : i32 to vector<16xi32>
    %shift_right_arithmetic3A_24 = arith.shrsi %iota3A, %shift_right_arithmetic3A_23 : vector<16xi32>
    %add3A_25 = arith.constant 4 : i32
    %add3A_26 = vector.broadcast %add3A_25 : i32 to vector<16xi32>
    %add3A_27 = arith.addi %shift_right_arithmetic3A_24, %add3A_26 : vector<16xi32>
    %and3A_28 = arith.constant 7 : i32
    %and3A_29 = vector.broadcast %and3A_28 : i32 to vector<16xi32>
    %and3A_30 = arith.andi %iota3A, %and3A_29 : vector<16xi32>
    tpu.vector_store_idx %arg19[%add3A_27, %and3A_30], %broadcast_in_dim3A_1 : memref<80x8xf32, #tpu.memory_space<vmem>>[vector<16xi32>, vector<16xi32>], vector<16xf32>,
    %shift_right_arithmetic3A_31 = arith.constant 3 : i32
    %shift_right_arithmetic3A_32 = vector.broadcast %shift_right_arithmetic3A_31 : i32 to vector<16xi32>
    %shift_right_arithmetic3A_33 = arith.shrsi %iota3A, %shift_right_arithmetic3A_32 : vector<16xi32>
    %add3A_34 = arith.constant 6 : i32
    %add3A_35 = vector.broadcast %add3A_34 : i32 to vector<16xi32>
    %add3A_36 = arith.addi %shift_right_arithmetic3A_33, %add3A_35 : vector<16xi32>
    %and3A_37 = arith.constant 7 : i32
    %and3A_38 = vector.broadcast %and3A_37 : i32 to vector<16xi32>
    %and3A_39 = arith.andi %iota3A, %and3A_38 : vector<16xi32>
    tpu.vector_store_idx %arg19[%add3A_36, %and3A_39], %broadcast_in_dim3A_1 : memref<80x8xf32, #tpu.memory_space<vmem>>[vector<16xi32>, vector<16xi32>], vector<16xf32>,
    %shift_right_arithmetic3A_40 = arith.constant 3 : i32
    %shift_right_arithmetic3A_41 = vector.broadcast %shift_right_arithmetic3A_40 : i32 to vector<16xi32>
    %shift_right_arithmetic3A_42 = arith.shrsi %iota3A, %shift_right_arithmetic3A_41 : vector<16xi32>
    %add3A_43 = arith.constant 8 : i32
    %add3A_44 = vector.broadcast %add3A_43 : i32 to vector<16xi32>
    %add3A_45 = arith.addi %shift_right_arithmetic3A_42, %add3A_44 : vector<16xi32>
    %and3A_46 = arith.constant 7 : i32
    %and3A_47 = vector.broadcast %and3A_46 : i32 to vector<16xi32>
    %and3A_48 = arith.andi %iota3A, %and3A_47 : vector<16xi32>
    tpu.vector_store_idx %arg19[%add3A_45, %and3A_48], %broadcast_in_dim3A_1 : memref<80x8xf32, #tpu.memory_space<vmem>>[vector<16xi32>, vector<16xi32>], vector<16xf32>,
    %shift_right_arithmetic3A_49 = arith.constant 3 : i32
    %shift_right_arithmetic3A_50 = vector.broadcast %shift_right_arithmetic3A_49 : i32 to vector<16xi32>
    %shift_right_arithmetic3A_51 = arith.shrsi %iota3A, %shift_right_arithmetic3A_50 : vector<16xi32>
    %add3A_52 = arith.constant 10 : i32
    %add3A_53 = vector.broadcast %add3A_52 : i32 to vector<16xi32>
    %add3A_54 = arith.addi %shift_right_arithmetic3A_51, %add3A_53 : vector<16xi32>
    %and3A_55 = arith.constant 7 : i32
    %and3A_56 = vector.broadcast %and3A_55 : i32 to vector<16xi32>
    %and3A_57 = arith.andi %iota3A, %and3A_56 : vector<16xi32>
    tpu.vector_store_idx %arg19[%add3A_54, %and3A_57], %broadcast_in_dim3A_1 : memref<80x8xf32, #tpu.memory_space<vmem>>[vector<16xi32>, vector<16xi32>], vector<16xf32>,
    %shift_right_arithmetic3A_58 = arith.constant 3 : i32
    %shift_right_arithmetic3A_59 = vector.broadcast %shift_right_arithmetic3A_58 : i32 to vector<16xi32>
    %shift_right_arithmetic3A_60 = arith.shrsi %iota3A, %shift_right_arithmetic3A_59 : vector<16xi32>
    %add3A_61 = arith.constant 12 : i32
    %add3A_62 = vector.broadcast %add3A_61 : i32 to vector<16xi32>
    %add3A_63 = arith.addi %shift_right_arithmetic3A_60, %add3A_62 : vector<16xi32>
    %and3A_64 = arith.constant 7 : i32
    %and3A_65 = vector.broadcast %and3A_64 : i32 to vector<16xi32>
    %and3A_66 = arith.andi %iota3A, %and3A_65 : vector<16xi32>
    tpu.vector_store_idx %arg19[%add3A_63, %and3A_66], %broadcast_in_dim3A_1 : memref<80x8xf32, #tpu.memory_space<vmem>>[vector<16xi32>, vector<16xi32>], vector<16xf32>,
    %shift_right_arithmetic3A_67 = arith.constant 3 : i32
    %shift_right_arithmetic3A_68 = vector.broadcast %shift_right_arithmetic3A_67 : i32 to vector<16xi32>
    %shift_right_arithmetic3A_69 = arith.shrsi %iota3A, %shift_right_arithmetic3A_68 : vector<16xi32>
    %add3A_70 = arith.constant 14 : i32
    %add3A_71 = vector.broadcast %add3A_70 : i32 to vector<16xi32>
    %add3A_72 = arith.addi %shift_right_arithmetic3A_69, %add3A_71 : vector<16xi32>
    %and3A_73 = arith.constant 7 : i32
    %and3A_74 = vector.broadcast %and3A_73 : i32 to vector<16xi32>
    %and3A_75 = arith.andi %iota3A, %and3A_74 : vector<16xi32>
    tpu.vector_store_idx %arg19[%add3A_72, %and3A_75], %broadcast_in_dim3A_1 : memref<80x8xf32, #tpu.memory_space<vmem>>[vector<16xi32>, vector<16xi32>], vector<16xf32>,
    %shift_right_arithmetic3A_76 = arith.constant 3 : i32
    %shift_right_arithmetic3A_77 = vector.broadcast %shift_right_arithmetic3A_76 : i32 to vector<16xi32>
    %shift_right_arithmetic3A_78 = arith.shrsi %iota3A, %shift_right_arithmetic3A_77 : vector<16xi32>
    %add3A_79 = arith.constant 16 : i32
    %add3A_80 = vector.broadcast %add3A_79 : i32 to vector<16xi32>
    %add3A_81 = arith.addi %shift_right_arithmetic3A_78, %add3A_80 : vector<16xi32>
    %and3A_82 = arith.constant 7 : i32
    %and3A_83 = vector.broadcast %and3A_82 : i32 to vector<16xi32>
    %and3A_84 = arith.andi %iota3A, %and3A_83 : vector<16xi32>
    tpu.vector_store_idx %arg19[%add3A_81, %and3A_84], %broadcast_in_dim3A_1 : memref<80x8xf32, #tpu.memory_space<vmem>>[vector<16xi32>, vector<16xi32>], vector<16xf32>,
    %shift_right_arithmetic3A_85 = arith.constant 3 : i32
    %shift_right_arithmetic3A_86 = vector.broadcast %shift_right_arithmetic3A_85 : i32 to vector<16xi32>
    %shift_right_arithmetic3A_87 = arith.shrsi %iota3A, %shift_right_arithmetic3A_86 : vector<16xi32>
    %add3A_88 = arith.constant 18 : i32
    %add3A_89 = vector.broadcast %add3A_88 : i32 to vector<16xi32>
    %add3A_90 = arith.addi %shift_right_arithmetic3A_87, %add3A_89 : vector<16xi32>
    %and3A_91 = arith.constant 7 : i32
    %and3A_92 = vector.broadcast %and3A_91 : i32 to vector<16xi32>
    %and3A_93 = arith.andi %iota3A, %and3A_92 : vector<16xi32>
    tpu.vector_store_idx %arg19[%add3A_90, %and3A_93], %broadcast_in_dim3A_1 : memref<80x8xf32, #tpu.memory_space<vmem>>[vector<16xi32>, vector<16xi32>], vector<16xf32>,
    %shift_right_arithmetic3A_94 = arith.constant 3 : i32
    %shift_right_arithmetic3A_95 = vector.broadcast %shift_right_arithmetic3A_94 : i32 to vector<16xi32>
    %shift_right_arithmetic3A_96 = arith.shrsi %iota3A, %shift_right_arithmetic3A_95 : vector<16xi32>
    %add3A_97 = arith.constant 20 : i32
    %add3A_98 = vector.broadcast %add3A_97 : i32 to vector<16xi32>
    %add3A_99 = arith.addi %shift_right_arithmetic3A_96, %add3A_98 : vector<16xi32>
    %and3A_100 = arith.constant 7 : i32
    %and3A_101 = vector.broadcast %and3A_100 : i32 to vector<16xi32>
    %and3A_102 = arith.andi %iota3A, %and3A_101 : vector<16xi32>
    tpu.vector_store_idx %arg19[%add3A_99, %and3A_102], %broadcast_in_dim3A_1 : memref<80x8xf32, #tpu.memory_space<vmem>>[vector<16xi32>, vector<16xi32>], vector<16xf32>,
    %shift_right_arithmetic3A_103 = arith.constant 3 : i32
    %shift_right_arithmetic3A_104 = vector.broadcast %shift_right_arithmetic3A_103 : i32 to vector<16xi32>
    %shift_right_arithmetic3A_105 = arith.shrsi %iota3A, %shift_right_arithmetic3A_104 : vector<16xi32>
    %add3A_106 = arith.constant 22 : i32
    %add3A_107 = vector.broadcast %add3A_106 : i32 to vector<16xi32>
    %add3A_108 = arith.addi %shift_right_arithmetic3A_105, %add3A_107 : vector<16xi32>
    %and3A_109 = arith.constant 7 : i32
    %and3A_110 = vector.broadcast %and3A_109 : i32 to vector<16xi32>
    %and3A_111 = arith.andi %iota3A, %and3A_110 : vector<16xi32>
    tpu.vector_store_idx %arg19[%add3A_108, %and3A_111], %broadcast_in_dim3A_1 : memref<80x8xf32, #tpu.memory_space<vmem>>[vector<16xi32>, vector<16xi32>], vector<16xf32>,
    %shift_right_arithmetic3A_112 = arith.constant 3 : i32
    %shift_right_arithmetic3A_113 = vector.broadcast %shift_right_arithmetic3A_112 : i32 to vector<16xi32>
    %shift_right_arithmetic3A_114 = arith.shrsi %iota3A, %shift_right_arithmetic3A_113 : vector<16xi32>
    %add3A_115 = arith.constant 24 : i32
    %add3A_116 = vector.broadcast %add3A_115 : i32 to vector<16xi32>
    %add3A_117 = arith.addi %shift_right_arithmetic3A_114, %add3A_116 : vector<16xi32>
    %and3A_118 = arith.constant 7 : i32
    %and3A_119 = vector.broadcast %and3A_118 : i32 to vector<16xi32>
    %and3A_120 = arith.andi %iota3A, %and3A_119 : vector<16xi32>
    tpu.vector_store_idx %arg19[%add3A_117, %and3A_120], %broadcast_in_dim3A_1 : memref<80x8xf32, #tpu.memory_space<vmem>>[vector<16xi32>, vector<16xi32>], vector<16xf32>,
    %shift_right_arithmetic3A_121 = arith.constant 3 : i32
    %shift_right_arithmetic3A_122 = vector.broadcast %shift_right_arithmetic3A_121 : i32 to vector<16xi32>
    %shift_right_arithmetic3A_123 = arith.shrsi %iota3A, %shift_right_arithmetic3A_122 : vector<16xi32>
    %add3A_124 = arith.constant 26 : i32
    %add3A_125 = vector.broadcast %add3A_124 : i32 to vector<16xi32>
    %add3A_126 = arith.addi %shift_right_arithmetic3A_123, %add3A_125 : vector<16xi32>
    %and3A_127 = arith.constant 7 : i32
    %and3A_128 = vector.broadcast %and3A_127 : i32 to vector<16xi32>
    %and3A_129 = arith.andi %iota3A, %and3A_128 : vector<16xi32>
    tpu.vector_store_idx %arg19[%add3A_126, %and3A_129], %broadcast_in_dim3A_1 : memref<80x8xf32, #tpu.memory_space<vmem>>[vector<16xi32>, vector<16xi32>], vector<16xf32>,
    %shift_right_arithmetic3A_130 = arith.constant 3 : i32
    %shift_right_arithmetic3A_131 = vector.broadcast %shift_right_arithmetic3A_130 : i32 to vector<16xi32>
    %shift_right_arithmetic3A_132 = arith.shrsi %iota3A, %shift_right_arithmetic3A_131 : vector<16xi32>
    %add3A_133 = arith.constant 28 : i32
    %add3A_134 = vector.broadcast %add3A_133 : i32 to vector<16xi32>
    %add3A_135 = arith.addi %shift_right_arithmetic3A_132, %add3A_134 : vector<16xi32>
    %and3A_136 = arith.constant 7 : i32
    %and3A_137 = vector.broadcast %and3A_136 : i32 to vector<16xi32>
    %and3A_138 = arith.andi %iota3A, %and3A_137 : vector<16xi32>
    tpu.vector_store_idx %arg19[%add3A_135, %and3A_138], %broadcast_in_dim3A_1 : memref<80x8xf32, #tpu.memory_space<vmem>>[vector<16xi32>, vector<16xi32>], vector<16xf32>,
    %shift_right_arithmetic3A_139 = arith.constant 3 : i32
    %shift_right_arithmetic3A_140 = vector.broadcast %shift_right_arithmetic3A_139 : i32 to vector<16xi32>
    %shift_right_arithmetic3A_141 = arith.shrsi %iota3A, %shift_right_arithmetic3A_140 : vector<16xi32>
    %add3A_142 = arith.constant 30 : i32
    %add3A_143 = vector.broadcast %add3A_142 : i32 to vector<16xi32>
    %add3A_144 = arith.addi %shift_right_arithmetic3A_141, %add3A_143 : vector<16xi32>
    %and3A_145 = arith.constant 7 : i32
    %and3A_146 = vector.broadcast %and3A_145 : i32 to vector<16xi32>
    %and3A_147 = arith.andi %iota3A, %and3A_146 : vector<16xi32>
    tpu.vector_store_idx %arg19[%add3A_144, %and3A_147], %broadcast_in_dim3A_1 : memref<80x8xf32, #tpu.memory_space<vmem>>[vector<16xi32>, vector<16xi32>], vector<16xf32>,
    %shift_right_arithmetic3A_148 = arith.constant 3 : i32
    %shift_right_arithmetic3A_149 = vector.broadcast %shift_right_arithmetic3A_148 : i32 to vector<16xi32>
    %shift_right_arithmetic3A_150 = arith.shrsi %iota3A, %shift_right_arithmetic3A_149 : vector<16xi32>
    %add3A_151 = arith.constant 32 : i32
    %add3A_152 = vector.broadcast %add3A_151 : i32 to vector<16xi32>
    %add3A_153 = arith.addi %shift_right_arithmetic3A_150, %add3A_152 : vector<16xi32>
    %and3A_154 = arith.constant 7 : i32
    %and3A_155 = vector.broadcast %and3A_154 : i32 to vector<16xi32>
    %and3A_156 = arith.andi %iota3A, %and3A_155 : vector<16xi32>
    tpu.vector_store_idx %arg19[%add3A_153, %and3A_156], %broadcast_in_dim3A_1 : memref<80x8xf32, #tpu.memory_space<vmem>>[vector<16xi32>, vector<16xi32>], vector<16xf32>,
    %shift_right_arithmetic3A_157 = arith.constant 3 : i32
    %shift_right_arithmetic3A_158 = vector.broadcast %shift_right_arithmetic3A_157 : i32 to vector<16xi32>
    %shift_right_arithmetic3A_159 = arith.shrsi %iota3A, %shift_right_arithmetic3A_158 : vector<16xi32>
    %add3A_160 = arith.constant 34 : i32
    %add3A_161 = vector.broadcast %add3A_160 : i32 to vector<16xi32>
    %add3A_162 = arith.addi %shift_right_arithmetic3A_159, %add3A_161 : vector<16xi32>
    %and3A_163 = arith.constant 7 : i32
    %and3A_164 = vector.broadcast %and3A_163 : i32 to vector<16xi32>
    %and3A_165 = arith.andi %iota3A, %and3A_164 : vector<16xi32>
    tpu.vector_store_idx %arg19[%add3A_162, %and3A_165], %broadcast_in_dim3A_1 : memref<80x8xf32, #tpu.memory_space<vmem>>[vector<16xi32>, vector<16xi32>], vector<16xf32>,
    %shift_right_arithmetic3A_166 = arith.constant 3 : i32
    %shift_right_arithmetic3A_167 = vector.broadcast %shift_right_arithmetic3A_166 : i32 to vector<16xi32>
    %shift_right_arithmetic3A_168 = arith.shrsi %iota3A, %shift_right_arithmetic3A_167 : vector<16xi32>
    %add3A_169 = arith.constant 36 : i32
    %add3A_170 = vector.broadcast %add3A_169 : i32 to vector<16xi32>
    %add3A_171 = arith.addi %shift_right_arithmetic3A_168, %add3A_170 : vector<16xi32>
    %and3A_172 = arith.constant 7 : i32
    %and3A_173 = vector.broadcast %and3A_172 : i32 to vector<16xi32>
    %and3A_174 = arith.andi %iota3A, %and3A_173 : vector<16xi32>
    tpu.vector_store_idx %arg19[%add3A_171, %and3A_174], %broadcast_in_dim3A_1 : memref<80x8xf32, #tpu.memory_space<vmem>>[vector<16xi32>, vector<16xi32>], vector<16xf32>,
    %shift_right_arithmetic3A_175 = arith.constant 3 : i32
    %shift_right_arithmetic3A_176 = vector.broadcast %shift_right_arithmetic3A_175 : i32 to vector<16xi32>
    %shift_right_arithmetic3A_177 = arith.shrsi %iota3A, %shift_right_arithmetic3A_176 : vector<16xi32>
    %add3A_178 = arith.constant 38 : i32
    %add3A_179 = vector.broadcast %add3A_178 : i32 to vector<16xi32>
    %add3A_180 = arith.addi %shift_right_arithmetic3A_177, %add3A_179 : vector<16xi32>
    %and3A_181 = arith.constant 7 : i32
    %and3A_182 = vector.broadcast %and3A_181 : i32 to vector<16xi32>
    %and3A_183 = arith.andi %iota3A, %and3A_182 : vector<16xi32>
    tpu.vector_store_idx %arg19[%add3A_180, %and3A_183], %broadcast_in_dim3A_1 : memref<80x8xf32, #tpu.memory_space<vmem>>[vector<16xi32>, vector<16xi32>], vector<16xf32>,
    %shift_right_arithmetic3A_184 = arith.constant 3 : i32
    %shift_right_arithmetic3A_185 = vector.broadcast %shift_right_arithmetic3A_184 : i32 to vector<16xi32>
    %shift_right_arithmetic3A_186 = arith.shrsi %iota3A, %shift_right_arithmetic3A_185 : vector<16xi32>
    %add3A_187 = arith.constant 40 : i32
    %add3A_188 = vector.broadcast %add3A_187 : i32 to vector<16xi32>
    %add3A_189 = arith.addi %shift_right_arithmetic3A_186, %add3A_188 : vector<16xi32>
    %and3A_190 = arith.constant 7 : i32
    %and3A_191 = vector.broadcast %and3A_190 : i32 to vector<16xi32>
    %and3A_192 = arith.andi %iota3A, %and3A_191 : vector<16xi32>
    tpu.vector_store_idx %arg19[%add3A_189, %and3A_192], %broadcast_in_dim3A_1 : memref<80x8xf32, #tpu.memory_space<vmem>>[vector<16xi32>, vector<16xi32>], vector<16xf32>,
    %shift_right_arithmetic3A_193 = arith.constant 3 : i32
    %shift_right_arithmetic3A_194 = vector.broadcast %shift_right_arithmetic3A_193 : i32 to vector<16xi32>
    %shift_right_arithmetic3A_195 = arith.shrsi %iota3A, %shift_right_arithmetic3A_194 : vector<16xi32>
    %add3A_196 = arith.constant 42 : i32
    %add3A_197 = vector.broadcast %add3A_196 : i32 to vector<16xi32>
    %add3A_198 = arith.addi %shift_right_arithmetic3A_195, %add3A_197 : vector<16xi32>
    %and3A_199 = arith.constant 7 : i32
    %and3A_200 = vector.broadcast %and3A_199 : i32 to vector<16xi32>
    %and3A_201 = arith.andi %iota3A, %and3A_200 : vector<16xi32>
    tpu.vector_store_idx %arg19[%add3A_198, %and3A_201], %broadcast_in_dim3A_1 : memref<80x8xf32, #tpu.memory_space<vmem>>[vector<16xi32>, vector<16xi32>], vector<16xf32>,
    %shift_right_arithmetic3A_202 = arith.constant 3 : i32
    %shift_right_arithmetic3A_203 = vector.broadcast %shift_right_arithmetic3A_202 : i32 to vector<16xi32>
    %shift_right_arithmetic3A_204 = arith.shrsi %iota3A, %shift_right_arithmetic3A_203 : vector<16xi32>
    %add3A_205 = arith.constant 44 : i32
    %add3A_206 = vector.broadcast %add3A_205 : i32 to vector<16xi32>
    %add3A_207 = arith.addi %shift_right_arithmetic3A_204, %add3A_206 : vector<16xi32>
    %and3A_208 = arith.constant 7 : i32
    %and3A_209 = vector.broadcast %and3A_208 : i32 to vector<16xi32>
    %and3A_210 = arith.andi %iota3A, %and3A_209 : vector<16xi32>
    tpu.vector_store_idx %arg19[%add3A_207, %and3A_210], %broadcast_in_dim3A_1 : memref<80x8xf32, #tpu.memory_space<vmem>>[vector<16xi32>, vector<16xi32>], vector<16xf32>,
    %shift_right_arithmetic3A_211 = arith.constant 3 : i32
    %shift_right_arithmetic3A_212 = vector.broadcast %shift_right_arithmetic3A_211 : i32 to vector<16xi32>
    %shift_right_arithmetic3A_213 = arith.shrsi %iota3A, %shift_right_arithmetic3A_212 : vector<16xi32>
    %add3A_214 = arith.constant 46 : i32
    %add3A_215 = vector.broadcast %add3A_214 : i32 to vector<16xi32>
    %add3A_216 = arith.addi %shift_right_arithmetic3A_213, %add3A_215 : vector<16xi32>
    %and3A_217 = arith.constant 7 : i32
    %and3A_218 = vector.broadcast %and3A_217 : i32 to vector<16xi32>
    %and3A_219 = arith.andi %iota3A, %and3A_218 : vector<16xi32>
    tpu.vector_store_idx %arg19[%add3A_216, %and3A_219], %broadcast_in_dim3A_1 : memref<80x8xf32, #tpu.memory_space<vmem>>[vector<16xi32>, vector<16xi32>], vector<16xf32>,
    %shift_right_arithmetic3A_220 = arith.constant 3 : i32
    %shift_right_arithmetic3A_221 = vector.broadcast %shift_right_arithmetic3A_220 : i32 to vector<16xi32>
    %shift_right_arithmetic3A_222 = arith.shrsi %iota3A, %shift_right_arithmetic3A_221 : vector<16xi32>
    %add3A_223 = arith.constant 48 : i32
    %add3A_224 = vector.broadcast %add3A_223 : i32 to vector<16xi32>
    %add3A_225 = arith.addi %shift_right_arithmetic3A_222, %add3A_224 : vector<16xi32>
    %and3A_226 = arith.constant 7 : i32
    %and3A_227 = vector.broadcast %and3A_226 : i32 to vector<16xi32>
    %and3A_228 = arith.andi %iota3A, %and3A_227 : vector<16xi32>
    tpu.vector_store_idx %arg19[%add3A_225, %and3A_228], %broadcast_in_dim3A_1 : memref<80x8xf32, #tpu.memory_space<vmem>>[vector<16xi32>, vector<16xi32>], vector<16xf32>,
    %shift_right_arithmetic3A_229 = arith.constant 3 : i32
    %shift_right_arithmetic3A_230 = vector.broadcast %shift_right_arithmetic3A_229 : i32 to vector<16xi32>
    %shift_right_arithmetic3A_231 = arith.shrsi %iota3A, %shift_right_arithmetic3A_230 : vector<16xi32>
    %add3A_232 = arith.constant 50 : i32
    %add3A_233 = vector.broadcast %add3A_232 : i32 to vector<16xi32>
    %add3A_234 = arith.addi %shift_right_arithmetic3A_231, %add3A_233 : vector<16xi32>
    %and3A_235 = arith.constant 7 : i32
    %and3A_236 = vector.broadcast %and3A_235 : i32 to vector<16xi32>
    %and3A_237 = arith.andi %iota3A, %and3A_236 : vector<16xi32>
    tpu.vector_store_idx %arg19[%add3A_234, %and3A_237], %broadcast_in_dim3A_1 : memref<80x8xf32, #tpu.memory_space<vmem>>[vector<16xi32>, vector<16xi32>], vector<16xf32>,
    %shift_right_arithmetic3A_238 = arith.constant 3 : i32
    %shift_right_arithmetic3A_239 = vector.broadcast %shift_right_arithmetic3A_238 : i32 to vector<16xi32>
    %shift_right_arithmetic3A_240 = arith.shrsi %iota3A, %shift_right_arithmetic3A_239 : vector<16xi32>
    %add3A_241 = arith.constant 52 : i32
    %add3A_242 = vector.broadcast %add3A_241 : i32 to vector<16xi32>
    %add3A_243 = arith.addi %shift_right_arithmetic3A_240, %add3A_242 : vector<16xi32>
    %and3A_244 = arith.constant 7 : i32
    %and3A_245 = vector.broadcast %and3A_244 : i32 to vector<16xi32>
    %and3A_246 = arith.andi %iota3A, %and3A_245 : vector<16xi32>
    tpu.vector_store_idx %arg19[%add3A_243, %and3A_246], %broadcast_in_dim3A_1 : memref<80x8xf32, #tpu.memory_space<vmem>>[vector<16xi32>, vector<16xi32>], vector<16xf32>,
    %shift_right_arithmetic3A_247 = arith.constant 3 : i32
    %shift_right_arithmetic3A_248 = vector.broadcast %shift_right_arithmetic3A_247 : i32 to vector<16xi32>
    %shift_right_arithmetic3A_249 = arith.shrsi %iota3A, %shift_right_arithmetic3A_248 : vector<16xi32>
    %add3A_250 = arith.constant 54 : i32
    %add3A_251 = vector.broadcast %add3A_250 : i32 to vector<16xi32>
    %add3A_252 = arith.addi %shift_right_arithmetic3A_249, %add3A_251 : vector<16xi32>
    %and3A_253 = arith.constant 7 : i32
    %and3A_254 = vector.broadcast %and3A_253 : i32 to vector<16xi32>
    %and3A_255 = arith.andi %iota3A, %and3A_254 : vector<16xi32>
    tpu.vector_store_idx %arg19[%add3A_252, %and3A_255], %broadcast_in_dim3A_1 : memref<80x8xf32, #tpu.memory_space<vmem>>[vector<16xi32>, vector<16xi32>], vector<16xf32>,
    %shift_right_arithmetic3A_256 = arith.constant 3 : i32
    %shift_right_arithmetic3A_257 = vector.broadcast %shift_right_arithmetic3A_256 : i32 to vector<16xi32>
    %shift_right_arithmetic3A_258 = arith.shrsi %iota3A, %shift_right_arithmetic3A_257 : vector<16xi32>
    %add3A_259 = arith.constant 56 : i32
    %add3A_260 = vector.broadcast %add3A_259 : i32 to vector<16xi32>
    %add3A_261 = arith.addi %shift_right_arithmetic3A_258, %add3A_260 : vector<16xi32>
    %and3A_262 = arith.constant 7 : i32
    %and3A_263 = vector.broadcast %and3A_262 : i32 to vector<16xi32>
    %and3A_264 = arith.andi %iota3A, %and3A_263 : vector<16xi32>
    tpu.vector_store_idx %arg19[%add3A_261, %and3A_264], %broadcast_in_dim3A_1 : memref<80x8xf32, #tpu.memory_space<vmem>>[vector<16xi32>, vector<16xi32>], vector<16xf32>,
    %shift_right_arithmetic3A_265 = arith.constant 3 : i32
    %shift_right_arithmetic3A_266 = vector.broadcast %shift_right_arithmetic3A_265 : i32 to vector<16xi32>
    %shift_right_arithmetic3A_267 = arith.shrsi %iota3A, %shift_right_arithmetic3A_266 : vector<16xi32>
    %add3A_268 = arith.constant 58 : i32
    %add3A_269 = vector.broadcast %add3A_268 : i32 to vector<16xi32>
    %add3A_270 = arith.addi %shift_right_arithmetic3A_267, %add3A_269 : vector<16xi32>
    %and3A_271 = arith.constant 7 : i32
    %and3A_272 = vector.broadcast %and3A_271 : i32 to vector<16xi32>
    %and3A_273 = arith.andi %iota3A, %and3A_272 : vector<16xi32>
    tpu.vector_store_idx %arg19[%add3A_270, %and3A_273], %broadcast_in_dim3A_1 : memref<80x8xf32, #tpu.memory_space<vmem>>[vector<16xi32>, vector<16xi32>], vector<16xf32>,
    %shift_right_arithmetic3A_274 = arith.constant 3 : i32
    %shift_right_arithmetic3A_275 = vector.broadcast %shift_right_arithmetic3A_274 : i32 to vector<16xi32>
    %shift_right_arithmetic3A_276 = arith.shrsi %iota3A, %shift_right_arithmetic3A_275 : vector<16xi32>
    %add3A_277 = arith.constant 60 : i32
    %add3A_278 = vector.broadcast %add3A_277 : i32 to vector<16xi32>
    %add3A_279 = arith.addi %shift_right_arithmetic3A_276, %add3A_278 : vector<16xi32>
    %and3A_280 = arith.constant 7 : i32
    %and3A_281 = vector.broadcast %and3A_280 : i32 to vector<16xi32>
    %and3A_282 = arith.andi %iota3A, %and3A_281 : vector<16xi32>
    tpu.vector_store_idx %arg19[%add3A_279, %and3A_282], %broadcast_in_dim3A_1 : memref<80x8xf32, #tpu.memory_space<vmem>>[vector<16xi32>, vector<16xi32>], vector<16xf32>,
    %shift_right_arithmetic3A_283 = arith.constant 3 : i32
    %shift_right_arithmetic3A_284 = vector.broadcast %shift_right_arithmetic3A_283 : i32 to vector<16xi32>
    %shift_right_arithmetic3A_285 = arith.shrsi %iota3A, %shift_right_arithmetic3A_284 : vector<16xi32>
    %add3A_286 = arith.constant 62 : i32
    %add3A_287 = vector.broadcast %add3A_286 : i32 to vector<16xi32>
    %add3A_288 = arith.addi %shift_right_arithmetic3A_285, %add3A_287 : vector<16xi32>
    %and3A_289 = arith.constant 7 : i32
    %and3A_290 = vector.broadcast %and3A_289 : i32 to vector<16xi32>
    %and3A_291 = arith.andi %iota3A, %and3A_290 : vector<16xi32>
    tpu.vector_store_idx %arg19[%add3A_288, %and3A_291], %broadcast_in_dim3A_1 : memref<80x8xf32, #tpu.memory_space<vmem>>[vector<16xi32>, vector<16xi32>], vector<16xf32>,
    %shift_right_arithmetic3A_292 = arith.constant 3 : i32
    %shift_right_arithmetic3A_293 = vector.broadcast %shift_right_arithmetic3A_292 : i32 to vector<16xi32>
    %shift_right_arithmetic3A_294 = arith.shrsi %iota3A, %shift_right_arithmetic3A_293 : vector<16xi32>
    %add3A_295 = arith.constant 64 : i32
    %add3A_296 = vector.broadcast %add3A_295 : i32 to vector<16xi32>
    %add3A_297 = arith.addi %shift_right_arithmetic3A_294, %add3A_296 : vector<16xi32>
    %and3A_298 = arith.constant 7 : i32
    %and3A_299 = vector.broadcast %and3A_298 : i32 to vector<16xi32>
    %and3A_300 = arith.andi %iota3A, %and3A_299 : vector<16xi32>
    tpu.vector_store_idx %arg19[%add3A_297, %and3A_300], %broadcast_in_dim3A_1 : memref<80x8xf32, #tpu.memory_space<vmem>>[vector<16xi32>, vector<16xi32>], vector<16xf32>,
    %shift_right_arithmetic3A_301 = arith.constant 3 : i32
    %shift_right_arithmetic3A_302 = vector.broadcast %shift_right_arithmetic3A_301 : i32 to vector<16xi32>
    %shift_right_arithmetic3A_303 = arith.shrsi %iota3A, %shift_right_arithmetic3A_302 : vector<16xi32>
    %add3A_304 = arith.constant 66 : i32
    %add3A_305 = vector.broadcast %add3A_304 : i32 to vector<16xi32>
    %add3A_306 = arith.addi %shift_right_arithmetic3A_303, %add3A_305 : vector<16xi32>
    %and3A_307 = arith.constant 7 : i32
    %and3A_308 = vector.broadcast %and3A_307 : i32 to vector<16xi32>
    %and3A_309 = arith.andi %iota3A, %and3A_308 : vector<16xi32>
    tpu.vector_store_idx %arg19[%add3A_306, %and3A_309], %broadcast_in_dim3A_1 : memref<80x8xf32, #tpu.memory_space<vmem>>[vector<16xi32>, vector<16xi32>], vector<16xf32>,
    %shift_right_arithmetic3A_310 = arith.constant 3 : i32
    %shift_right_arithmetic3A_311 = vector.broadcast %shift_right_arithmetic3A_310 : i32 to vector<16xi32>
    %shift_right_arithmetic3A_312 = arith.shrsi %iota3A, %shift_right_arithmetic3A_311 : vector<16xi32>
    %add3A_313 = arith.constant 68 : i32
    %add3A_314 = vector.broadcast %add3A_313 : i32 to vector<16xi32>
    %add3A_315 = arith.addi %shift_right_arithmetic3A_312, %add3A_314 : vector<16xi32>
    %and3A_316 = arith.constant 7 : i32
    %and3A_317 = vector.broadcast %and3A_316 : i32 to vector<16xi32>
    %and3A_318 = arith.andi %iota3A, %and3A_317 : vector<16xi32>
    tpu.vector_store_idx %arg19[%add3A_315, %and3A_318], %broadcast_in_dim3A_1 : memref<80x8xf32, #tpu.memory_space<vmem>>[vector<16xi32>, vector<16xi32>], vector<16xf32>,
    %shift_right_arithmetic3A_319 = arith.constant 3 : i32
    %shift_right_arithmetic3A_320 = vector.broadcast %shift_right_arithmetic3A_319 : i32 to vector<16xi32>
    %shift_right_arithmetic3A_321 = arith.shrsi %iota3A, %shift_right_arithmetic3A_320 : vector<16xi32>
    %add3A_322 = arith.constant 70 : i32
    %add3A_323 = vector.broadcast %add3A_322 : i32 to vector<16xi32>
    %add3A_324 = arith.addi %shift_right_arithmetic3A_321, %add3A_323 : vector<16xi32>
    %and3A_325 = arith.constant 7 : i32
    %and3A_326 = vector.broadcast %and3A_325 : i32 to vector<16xi32>
    %and3A_327 = arith.andi %iota3A, %and3A_326 : vector<16xi32>
    tpu.vector_store_idx %arg19[%add3A_324, %and3A_327], %broadcast_in_dim3A_1 : memref<80x8xf32, #tpu.memory_space<vmem>>[vector<16xi32>, vector<16xi32>], vector<16xf32>,
    %shift_right_arithmetic3A_328 = arith.constant 3 : i32
    %shift_right_arithmetic3A_329 = vector.broadcast %shift_right_arithmetic3A_328 : i32 to vector<16xi32>
    %shift_right_arithmetic3A_330 = arith.shrsi %iota3A, %shift_right_arithmetic3A_329 : vector<16xi32>
    %add3A_331 = arith.constant 72 : i32
    %add3A_332 = vector.broadcast %add3A_331 : i32 to vector<16xi32>
    %add3A_333 = arith.addi %shift_right_arithmetic3A_330, %add3A_332 : vector<16xi32>
    %and3A_334 = arith.constant 7 : i32
    %and3A_335 = vector.broadcast %and3A_334 : i32 to vector<16xi32>
    %and3A_336 = arith.andi %iota3A, %and3A_335 : vector<16xi32>
    tpu.vector_store_idx %arg19[%add3A_333, %and3A_336], %broadcast_in_dim3A_1 : memref<80x8xf32, #tpu.memory_space<vmem>>[vector<16xi32>, vector<16xi32>], vector<16xf32>,
    %shift_right_arithmetic3A_337 = arith.constant 3 : i32
    %shift_right_arithmetic3A_338 = vector.broadcast %shift_right_arithmetic3A_337 : i32 to vector<16xi32>
    %shift_right_arithmetic3A_339 = arith.shrsi %iota3A, %shift_right_arithmetic3A_338 : vector<16xi32>
    %add3A_340 = arith.constant 74 : i32
    %add3A_341 = vector.broadcast %add3A_340 : i32 to vector<16xi32>
    %add3A_342 = arith.addi %shift_right_arithmetic3A_339, %add3A_341 : vector<16xi32>
    %and3A_343 = arith.constant 7 : i32
    %and3A_344 = vector.broadcast %and3A_343 : i32 to vector<16xi32>
    %and3A_345 = arith.andi %iota3A, %and3A_344 : vector<16xi32>
    tpu.vector_store_idx %arg19[%add3A_342, %and3A_345], %broadcast_in_dim3A_1 : memref<80x8xf32, #tpu.memory_space<vmem>>[vector<16xi32>, vector<16xi32>], vector<16xf32>,
    %shift_right_arithmetic3A_346 = arith.constant 3 : i32
    %shift_right_arithmetic3A_347 = vector.broadcast %shift_right_arithmetic3A_346 : i32 to vector<16xi32>
    %shift_right_arithmetic3A_348 = arith.shrsi %iota3A, %shift_right_arithmetic3A_347 : vector<16xi32>
    %add3A_349 = arith.constant 76 : i32
    %add3A_350 = vector.broadcast %add3A_349 : i32 to vector<16xi32>
    %add3A_351 = arith.addi %shift_right_arithmetic3A_348, %add3A_350 : vector<16xi32>
    %and3A_352 = arith.constant 7 : i32
    %and3A_353 = vector.broadcast %and3A_352 : i32 to vector<16xi32>
    %and3A_354 = arith.andi %iota3A, %and3A_353 : vector<16xi32>
    tpu.vector_store_idx %arg19[%add3A_351, %and3A_354], %broadcast_in_dim3A_1 : memref<80x8xf32, #tpu.memory_space<vmem>>[vector<16xi32>, vector<16xi32>], vector<16xf32>,
    %shift_right_arithmetic3A_355 = arith.constant 3 : i32
    %shift_right_arithmetic3A_356 = vector.broadcast %shift_right_arithmetic3A_355 : i32 to vector<16xi32>
    %shift_right_arithmetic3A_357 = arith.shrsi %iota3A, %shift_right_arithmetic3A_356 : vector<16xi32>
    %add3A_358 = arith.constant 78 : i32
    %add3A_359 = vector.broadcast %add3A_358 : i32 to vector<16xi32>
    %add3A_360 = arith.addi %shift_right_arithmetic3A_357, %add3A_359 : vector<16xi32>
    %and3A_361 = arith.constant 7 : i32
    %and3A_362 = vector.broadcast %and3A_361 : i32 to vector<16xi32>
    %and3A_363 = arith.andi %iota3A, %and3A_362 : vector<16xi32>
    tpu.vector_store_idx %arg19[%add3A_360, %and3A_363], %broadcast_in_dim3A_1 : memref<80x8xf32, #tpu.memory_space<vmem>>[vector<16xi32>, vector<16xi32>], vector<16xf32>,
    %mul3A_364 = arith.constant 640 : i32
    %mul3A_365 = arith.muli %arg1, %mul3A_364 : i32
    %add3A_366 = arith.constant 0 : i32
    %add3A_367 = arith.addi %mul3A_365, %add3A_366 : i32
    "tpu.region"() ({
      %run_scoped3A = tpu.sem_alloc : memref<!tpu.dma_semaphore, #tpu.memory_space<semaphore_mem>>
      %dma_start3A = arith.constant 0 : i32
      %dma_start3A_428 = tpu.memref_slice %arg29[%add3A_367, %dma_start3A] : memref<10240x128xf32, #tpu.memory_space<vmem_shared>> -> memref<80x128xf32, #tpu.memory_space<vmem_shared>>
      %dma_start3A_429 = arith.constant 0 : i32
      %dma_start3A_430 = tpu.memref_slice %arg29[%add3A_367, %dma_start3A_429] : memref<10240x128xf32, #tpu.memory_space<vmem_shared>> -> memref<80x128xf32, #tpu.memory_space<vmem_shared>>
      tpu.enqueue_dma source(%arg27 : memref<80x128xf32, #tpu.memory_space<vmem>>) target(%dma_start3A_430 : memref<80x128xf32, #tpu.memory_space<vmem_shared>>) target_semaphore(%run_scoped3A : memref<!tpu.dma_semaphore, #tpu.memory_space<semaphore_mem>>)
      %dma_wait3A = arith.constant 0 : i32
      %dma_wait3A_431 = tpu.memref_slice %arg29[%add3A_367, %dma_wait3A] : memref<10240x128xf32, #tpu.memory_space<vmem_shared>> -> memref<80x128xf32, #tpu.memory_space<vmem_shared>>
      %dma_wait3A_432 = arith.constant 0 : i32
      %dma_wait3A_433 = tpu.memref_slice %arg29[%add3A_367, %dma_wait3A_432] : memref<10240x128xf32, #tpu.memory_space<vmem_shared>> -> memref<80x128xf32, #tpu.memory_space<vmem_shared>>
      tpu.wait_dma2 semaphore(%run_scoped3A : memref<!tpu.dma_semaphore, #tpu.memory_space<semaphore_mem>>) src(%arg27 : memref<80x128xf32, #tpu.memory_space<vmem>>) dst(%dma_wait3A_433 : memref<80x128xf32, #tpu.memory_space<vmem_shared>>)
      tpu.yield
    }) : () -> ()
    %add3A_368 = arith.constant 80 : i32
    %add3A_369 = arith.addi %mul3A_365, %add3A_368 : i32
    "tpu.region"() ({
      %run_scoped3A = tpu.sem_alloc : memref<!tpu.dma_semaphore, #tpu.memory_space<semaphore_mem>>
      %dma_start3A = arith.constant 0 : i32
      %dma_start3A_428 = tpu.memref_slice %arg29[%add3A_369, %dma_start3A] : memref<10240x128xf32, #tpu.memory_space<vmem_shared>> -> memref<80x128xf32, #tpu.memory_space<vmem_shared>>
      %dma_start3A_429 = arith.constant 0 : i32
      %dma_start3A_430 = tpu.memref_slice %arg29[%add3A_369, %dma_start3A_429] : memref<10240x128xf32, #tpu.memory_space<vmem_shared>> -> memref<80x128xf32, #tpu.memory_space<vmem_shared>>
      tpu.enqueue_dma source(%arg27 : memref<80x128xf32, #tpu.memory_space<vmem>>) target(%dma_start3A_430 : memref<80x128xf32, #tpu.memory_space<vmem_shared>>) target_semaphore(%run_scoped3A : memref<!tpu.dma_semaphore, #tpu.memory_space<semaphore_mem>>)
      %dma_wait3A = arith.constant 0 : i32
      %dma_wait3A_431 = tpu.memref_slice %arg29[%add3A_369, %dma_wait3A] : memref<10240x128xf32, #tpu.memory_space<vmem_shared>> -> memref<80x128xf32, #tpu.memory_space<vmem_shared>>
      %dma_wait3A_432 = arith.constant 0 : i32
      %dma_wait3A_433 = tpu.memref_slice %arg29[%add3A_369, %dma_wait3A_432] : memref<10240x128xf32, #tpu.memory_space<vmem_shared>> -> memref<80x128xf32, #tpu.memory_space<vmem_shared>>
      tpu.wait_dma2 semaphore(%run_scoped3A : memref<!tpu.dma_semaphore, #tpu.memory_space<semaphore_mem>>) src(%arg27 : memref<80x128xf32, #tpu.memory_space<vmem>>) dst(%dma_wait3A_433 : memref<80x128xf32, #tpu.memory_space<vmem_shared>>)
      tpu.yield
    }) : () -> ()
    %add3A_370 = arith.constant 160 : i32
    %add3A_371 = arith.addi %mul3A_365, %add3A_370 : i32
    "tpu.region"() ({
      %run_scoped3A = tpu.sem_alloc : memref<!tpu.dma_semaphore, #tpu.memory_space<semaphore_mem>>
      %dma_start3A = arith.constant 0 : i32
      %dma_start3A_428 = tpu.memref_slice %arg29[%add3A_371, %dma_start3A] : memref<10240x128xf32, #tpu.memory_space<vmem_shared>> -> memref<80x128xf32, #tpu.memory_space<vmem_shared>>
      %dma_start3A_429 = arith.constant 0 : i32
      %dma_start3A_430 = tpu.memref_slice %arg29[%add3A_371, %dma_start3A_429] : memref<10240x128xf32, #tpu.memory_space<vmem_shared>> -> memref<80x128xf32, #tpu.memory_space<vmem_shared>>
      tpu.enqueue_dma source(%arg27 : memref<80x128xf32, #tpu.memory_space<vmem>>) target(%dma_start3A_430 : memref<80x128xf32, #tpu.memory_space<vmem_shared>>) target_semaphore(%run_scoped3A : memref<!tpu.dma_semaphore, #tpu.memory_space<semaphore_mem>>)
      %dma_wait3A = arith.constant 0 : i32
      %dma_wait3A_431 = tpu.memref_slice %arg29[%add3A_371, %dma_wait3A] : memref<10240x128xf32, #tpu.memory_space<vmem_shared>> -> memref<80x128xf32, #tpu.memory_space<vmem_shared>>
      %dma_wait3A_432 = arith.constant 0 : i32
      %dma_wait3A_433 = tpu.memref_slice %arg29[%add3A_371, %dma_wait3A_432] : memref<10240x128xf32, #tpu.memory_space<vmem_shared>> -> memref<80x128xf32, #tpu.memory_space<vmem_shared>>
      tpu.wait_dma2 semaphore(%run_scoped3A : memref<!tpu.dma_semaphore, #tpu.memory_space<semaphore_mem>>) src(%arg27 : memref<80x128xf32, #tpu.memory_space<vmem>>) dst(%dma_wait3A_433 : memref<80x128xf32, #tpu.memory_space<vmem_shared>>)
      tpu.yield
    }) : () -> ()
    %add3A_372 = arith.constant 240 : i32
    %add3A_373 = arith.addi %mul3A_365, %add3A_372 : i32
    "tpu.region"() ({
      %run_scoped3A = tpu.sem_alloc : memref<!tpu.dma_semaphore, #tpu.memory_space<semaphore_mem>>
      %dma_start3A = arith.constant 0 : i32
      %dma_start3A_428 = tpu.memref_slice %arg29[%add3A_373, %dma_start3A] : memref<10240x128xf32, #tpu.memory_space<vmem_shared>> -> memref<80x128xf32, #tpu.memory_space<vmem_shared>>
      %dma_start3A_429 = arith.constant 0 : i32
      %dma_start3A_430 = tpu.memref_slice %arg29[%add3A_373, %dma_start3A_429] : memref<10240x128xf32, #tpu.memory_space<vmem_shared>> -> memref<80x128xf32, #tpu.memory_space<vmem_shared>>
      tpu.enqueue_dma source(%arg27 : memref<80x128xf32, #tpu.memory_space<vmem>>) target(%dma_start3A_430 : memref<80x128xf32, #tpu.memory_space<vmem_shared>>) target_semaphore(%run_scoped3A : memref<!tpu.dma_semaphore, #tpu.memory_space<semaphore_mem>>)
      %dma_wait3A = arith.constant 0 : i32
      %dma_wait3A_431 = tpu.memref_slice %arg29[%add3A_373, %dma_wait3A] : memref<10240x128xf32, #tpu.memory_space<vmem_shared>> -> memref<80x128xf32, #tpu.memory_space<vmem_shared>>
      %dma_wait3A_432 = arith.constant 0 : i32
      %dma_wait3A_433 = tpu.memref_slice %arg29[%add3A_373, %dma_wait3A_432] : memref<10240x128xf32, #tpu.memory_space<vmem_shared>> -> memref<80x128xf32, #tpu.memory_space<vmem_shared>>
      tpu.wait_dma2 semaphore(%run_scoped3A : memref<!tpu.dma_semaphore, #tpu.memory_space<semaphore_mem>>) src(%arg27 : memref<80x128xf32, #tpu.memory_space<vmem>>) dst(%dma_wait3A_433 : memref<80x128xf32, #tpu.memory_space<vmem_shared>>)
      tpu.yield
    }) : () -> ()
    %add3A_374 = arith.constant 320 : i32
    %add3A_375 = arith.addi %mul3A_365, %add3A_374 : i32
    "tpu.region"() ({
      %run_scoped3A = tpu.sem_alloc : memref<!tpu.dma_semaphore, #tpu.memory_space<semaphore_mem>>
      %dma_start3A = arith.constant 0 : i32
      %dma_start3A_428 = tpu.memref_slice %arg29[%add3A_375, %dma_start3A] : memref<10240x128xf32, #tpu.memory_space<vmem_shared>> -> memref<80x128xf32, #tpu.memory_space<vmem_shared>>
      %dma_start3A_429 = arith.constant 0 : i32
      %dma_start3A_430 = tpu.memref_slice %arg29[%add3A_375, %dma_start3A_429] : memref<10240x128xf32, #tpu.memory_space<vmem_shared>> -> memref<80x128xf32, #tpu.memory_space<vmem_shared>>
      tpu.enqueue_dma source(%arg27 : memref<80x128xf32, #tpu.memory_space<vmem>>) target(%dma_start3A_430 : memref<80x128xf32, #tpu.memory_space<vmem_shared>>) target_semaphore(%run_scoped3A : memref<!tpu.dma_semaphore, #tpu.memory_space<semaphore_mem>>)
      %dma_wait3A = arith.constant 0 : i32
      %dma_wait3A_431 = tpu.memref_slice %arg29[%add3A_375, %dma_wait3A] : memref<10240x128xf32, #tpu.memory_space<vmem_shared>> -> memref<80x128xf32, #tpu.memory_space<vmem_shared>>
      %dma_wait3A_432 = arith.constant 0 : i32
      %dma_wait3A_433 = tpu.memref_slice %arg29[%add3A_375, %dma_wait3A_432] : memref<10240x128xf32, #tpu.memory_space<vmem_shared>> -> memref<80x128xf32, #tpu.memory_space<vmem_shared>>
      tpu.wait_dma2 semaphore(%run_scoped3A : memref<!tpu.dma_semaphore, #tpu.memory_space<semaphore_mem>>) src(%arg27 : memref<80x128xf32, #tpu.memory_space<vmem>>) dst(%dma_wait3A_433 : memref<80x128xf32, #tpu.memory_space<vmem_shared>>)
      tpu.yield
    }) : () -> ()
    %add3A_376 = arith.constant 400 : i32
    %add3A_377 = arith.addi %mul3A_365, %add3A_376 : i32
    "tpu.region"() ({
      %run_scoped3A = tpu.sem_alloc : memref<!tpu.dma_semaphore, #tpu.memory_space<semaphore_mem>>
      %dma_start3A = arith.constant 0 : i32
      %dma_start3A_428 = tpu.memref_slice %arg29[%add3A_377, %dma_start3A] : memref<10240x128xf32, #tpu.memory_space<vmem_shared>> -> memref<80x128xf32, #tpu.memory_space<vmem_shared>>
      %dma_start3A_429 = arith.constant 0 : i32
      %dma_start3A_430 = tpu.memref_slice %arg29[%add3A_377, %dma_start3A_429] : memref<10240x128xf32, #tpu.memory_space<vmem_shared>> -> memref<80x128xf32, #tpu.memory_space<vmem_shared>>
      tpu.enqueue_dma source(%arg27 : memref<80x128xf32, #tpu.memory_space<vmem>>) target(%dma_start3A_430 : memref<80x128xf32, #tpu.memory_space<vmem_shared>>) target_semaphore(%run_scoped3A : memref<!tpu.dma_semaphore, #tpu.memory_space<semaphore_mem>>)
      %dma_wait3A = arith.constant 0 : i32
      %dma_wait3A_431 = tpu.memref_slice %arg29[%add3A_377, %dma_wait3A] : memref<10240x128xf32, #tpu.memory_space<vmem_shared>> -> memref<80x128xf32, #tpu.memory_space<vmem_shared>>
      %dma_wait3A_432 = arith.constant 0 : i32
      %dma_wait3A_433 = tpu.memref_slice %arg29[%add3A_377, %dma_wait3A_432] : memref<10240x128xf32, #tpu.memory_space<vmem_shared>> -> memref<80x128xf32, #tpu.memory_space<vmem_shared>>
      tpu.wait_dma2 semaphore(%run_scoped3A : memref<!tpu.dma_semaphore, #tpu.memory_space<semaphore_mem>>) src(%arg27 : memref<80x128xf32, #tpu.memory_space<vmem>>) dst(%dma_wait3A_433 : memref<80x128xf32, #tpu.memory_space<vmem_shared>>)
      tpu.yield
    }) : () -> ()
    %add3A_378 = arith.constant 480 : i32
    %add3A_379 = arith.addi %mul3A_365, %add3A_378 : i32
    "tpu.region"() ({
      %run_scoped3A = tpu.sem_alloc : memref<!tpu.dma_semaphore, #tpu.memory_space<semaphore_mem>>
      %dma_start3A = arith.constant 0 : i32
      %dma_start3A_428 = tpu.memref_slice %arg29[%add3A_379, %dma_start3A] : memref<10240x128xf32, #tpu.memory_space<vmem_shared>> -> memref<80x128xf32, #tpu.memory_space<vmem_shared>>
      %dma_start3A_429 = arith.constant 0 : i32
      %dma_start3A_430 = tpu.memref_slice %arg29[%add3A_379, %dma_start3A_429] : memref<10240x128xf32, #tpu.memory_space<vmem_shared>> -> memref<80x128xf32, #tpu.memory_space<vmem_shared>>
      tpu.enqueue_dma source(%arg27 : memref<80x128xf32, #tpu.memory_space<vmem>>) target(%dma_start3A_430 : memref<80x128xf32, #tpu.memory_space<vmem_shared>>) target_semaphore(%run_scoped3A : memref<!tpu.dma_semaphore, #tpu.memory_space<semaphore_mem>>)
      %dma_wait3A = arith.constant 0 : i32
      %dma_wait3A_431 = tpu.memref_slice %arg29[%add3A_379, %dma_wait3A] : memref<10240x128xf32, #tpu.memory_space<vmem_shared>> -> memref<80x128xf32, #tpu.memory_space<vmem_shared>>
      %dma_wait3A_432 = arith.constant 0 : i32
      %dma_wait3A_433 = tpu.memref_slice %arg29[%add3A_379, %dma_wait3A_432] : memref<10240x128xf32, #tpu.memory_space<vmem_shared>> -> memref<80x128xf32, #tpu.memory_space<vmem_shared>>
      tpu.wait_dma2 semaphore(%run_scoped3A : memref<!tpu.dma_semaphore, #tpu.memory_space<semaphore_mem>>) src(%arg27 : memref<80x128xf32, #tpu.memory_space<vmem>>) dst(%dma_wait3A_433 : memref<80x128xf32, #tpu.memory_space<vmem_shared>>)
      tpu.yield
    }) : () -> ()
    %add3A_380 = arith.constant 560 : i32
    %add3A_381 = arith.addi %mul3A_365, %add3A_380 : i32
    "tpu.region"() ({
      %run_scoped3A = tpu.sem_alloc : memref<!tpu.dma_semaphore, #tpu.memory_space<semaphore_mem>>
      %dma_start3A = arith.constant 0 : i32
      %dma_start3A_428 = tpu.memref_slice %arg29[%add3A_381, %dma_start3A] : memref<10240x128xf32, #tpu.memory_space<vmem_shared>> -> memref<80x128xf32, #tpu.memory_space<vmem_shared>>
      %dma_start3A_429 = arith.constant 0 : i32
      %dma_start3A_430 = tpu.memref_slice %arg29[%add3A_381, %dma_start3A_429] : memref<10240x128xf32, #tpu.memory_space<vmem_shared>> -> memref<80x128xf32, #tpu.memory_space<vmem_shared>>
      tpu.enqueue_dma source(%arg27 : memref<80x128xf32, #tpu.memory_space<vmem>>) target(%dma_start3A_430 : memref<80x128xf32, #tpu.memory_space<vmem_shared>>) target_semaphore(%run_scoped3A : memref<!tpu.dma_semaphore, #tpu.memory_space<semaphore_mem>>)
      %dma_wait3A = arith.constant 0 : i32
      %dma_wait3A_431 = tpu.memref_slice %arg29[%add3A_381, %dma_wait3A] : memref<10240x128xf32, #tpu.memory_space<vmem_shared>> -> memref<80x128xf32, #tpu.memory_space<vmem_shared>>
      %dma_wait3A_432 = arith.constant 0 : i32
      %dma_wait3A_433 = tpu.memref_slice %arg29[%add3A_381, %dma_wait3A_432] : memref<10240x128xf32, #tpu.memory_space<vmem_shared>> -> memref<80x128xf32, #tpu.memory_space<vmem_shared>>
      tpu.wait_dma2 semaphore(%run_scoped3A : memref<!tpu.dma_semaphore, #tpu.memory_space<semaphore_mem>>) src(%arg27 : memref<80x128xf32, #tpu.memory_space<vmem>>) dst(%dma_wait3A_433 : memref<80x128xf32, #tpu.memory_space<vmem_shared>>)
      tpu.yield
    }) : () -> ()
    %add3A_382 = arith.constant 0 : i32
    %add3A_383 = arith.addi %mul3A_365, %add3A_382 : i32
    "tpu.region"() ({
      %run_scoped3A = tpu.sem_alloc : memref<!tpu.dma_semaphore, #tpu.memory_space<semaphore_mem>>
      %dma_start3A = arith.constant 0 : i32
      %dma_start3A_428 = tpu.memref_slice %arg28[%add3A_383, %dma_start3A] : memref<10240x8xf32, #tpu.memory_space<vmem_shared>> -> memref<80x8xf32, #tpu.memory_space<vmem_shared>>
      %dma_start3A_429 = arith.constant 0 : i32
      %dma_start3A_430 = tpu.memref_slice %arg28[%add3A_383, %dma_start3A_429] : memref<10240x8xf32, #tpu.memory_space<vmem_shared>> -> memref<80x8xf32, #tpu.memory_space<vmem_shared>>
      tpu.enqueue_dma source(%arg19 : memref<80x8xf32, #tpu.memory_space<vmem>>) target(%dma_start3A_430 : memref<80x8xf32, #tpu.memory_space<vmem_shared>>) target_semaphore(%run_scoped3A : memref<!tpu.dma_semaphore, #tpu.memory_space<semaphore_mem>>)
      %dma_wait3A = arith.constant 0 : i32
      %dma_wait3A_431 = tpu.memref_slice %arg28[%add3A_383, %dma_wait3A] : memref<10240x8xf32, #tpu.memory_space<vmem_shared>> -> memref<80x8xf32, #tpu.memory_space<vmem_shared>>
      %dma_wait3A_432 = arith.constant 0 : i32
      %dma_wait3A_433 = tpu.memref_slice %arg28[%add3A_383, %dma_wait3A_432] : memref<10240x8xf32, #tpu.memory_space<vmem_shared>> -> memref<80x8xf32, #tpu.memory_space<vmem_shared>>
      tpu.wait_dma2 semaphore(%run_scoped3A : memref<!tpu.dma_semaphore, #tpu.memory_space<semaphore_mem>>) src(%arg19 : memref<80x8xf32, #tpu.memory_space<vmem>>) dst(%dma_wait3A_433 : memref<80x8xf32, #tpu.memory_space<vmem_shared>>)
      tpu.yield
    }) : () -> ()
    %add3A_384 = arith.constant 80 : i32
    %add3A_385 = arith.addi %mul3A_365, %add3A_384 : i32
    "tpu.region"() ({
      %run_scoped3A = tpu.sem_alloc : memref<!tpu.dma_semaphore, #tpu.memory_space<semaphore_mem>>
      %dma_start3A = arith.constant 0 : i32
      %dma_start3A_428 = tpu.memref_slice %arg28[%add3A_385, %dma_start3A] : memref<10240x8xf32, #tpu.memory_space<vmem_shared>> -> memref<80x8xf32, #tpu.memory_space<vmem_shared>>
      %dma_start3A_429 = arith.constant 0 : i32
      %dma_start3A_430 = tpu.memref_slice %arg28[%add3A_385, %dma_start3A_429] : memref<10240x8xf32, #tpu.memory_space<vmem_shared>> -> memref<80x8xf32, #tpu.memory_space<vmem_shared>>
      tpu.enqueue_dma source(%arg19 : memref<80x8xf32, #tpu.memory_space<vmem>>) target(%dma_start3A_430 : memref<80x8xf32, #tpu.memory_space<vmem_shared>>) target_semaphore(%run_scoped3A : memref<!tpu.dma_semaphore, #tpu.memory_space<semaphore_mem>>)
      %dma_wait3A = arith.constant 0 : i32
      %dma_wait3A_431 = tpu.memref_slice %arg28[%add3A_385, %dma_wait3A] : memref<10240x8xf32, #tpu.memory_space<vmem_shared>> -> memref<80x8xf32, #tpu.memory_space<vmem_shared>>
      %dma_wait3A_432 = arith.constant 0 : i32
      %dma_wait3A_433 = tpu.memref_slice %arg28[%add3A_385, %dma_wait3A_432] : memref<10240x8xf32, #tpu.memory_space<vmem_shared>> -> memref<80x8xf32, #tpu.memory_space<vmem_shared>>
      tpu.wait_dma2 semaphore(%run_scoped3A : memref<!tpu.dma_semaphore, #tpu.memory_space<semaphore_mem>>) src(%arg19 : memref<80x8xf32, #tpu.memory_space<vmem>>) dst(%dma_wait3A_433 : memref<80x8xf32, #tpu.memory_space<vmem_shared>>)
      tpu.yield
    }) : () -> ()
    %add3A_386 = arith.constant 160 : i32
    %add3A_387 = arith.addi %mul3A_365, %add3A_386 : i32
    "tpu.region"() ({
      %run_scoped3A = tpu.sem_alloc : memref<!tpu.dma_semaphore, #tpu.memory_space<semaphore_mem>>
      %dma_start3A = arith.constant 0 : i32
      %dma_start3A_428 = tpu.memref_slice %arg28[%add3A_387, %dma_start3A] : memref<10240x8xf32, #tpu.memory_space<vmem_shared>> -> memref<80x8xf32, #tpu.memory_space<vmem_shared>>
      %dma_start3A_429 = arith.constant 0 : i32
      %dma_start3A_430 = tpu.memref_slice %arg28[%add3A_387, %dma_start3A_429] : memref<10240x8xf32, #tpu.memory_space<vmem_shared>> -> memref<80x8xf32, #tpu.memory_space<vmem_shared>>
      tpu.enqueue_dma source(%arg19 : memref<80x8xf32, #tpu.memory_space<vmem>>) target(%dma_start3A_430 : memref<80x8xf32, #tpu.memory_space<vmem_shared>>) target_semaphore(%run_scoped3A : memref<!tpu.dma_semaphore, #tpu.memory_space<semaphore_mem>>)
      %dma_wait3A = arith.constant 0 : i32
      %dma_wait3A_431 = tpu.memref_slice %arg28[%add3A_387, %dma_wait3A] : memref<10240x8xf32, #tpu.memory_space<vmem_shared>> -> memref<80x8xf32, #tpu.memory_space<vmem_shared>>
      %dma_wait3A_432 = arith.constant 0 : i32
      %dma_wait3A_433 = tpu.memref_slice %arg28[%add3A_387, %dma_wait3A_432] : memref<10240x8xf32, #tpu.memory_space<vmem_shared>> -> memref<80x8xf32, #tpu.memory_space<vmem_shared>>
      tpu.wait_dma2 semaphore(%run_scoped3A : memref<!tpu.dma_semaphore, #tpu.memory_space<semaphore_mem>>) src(%arg19 : memref<80x8xf32, #tpu.memory_space<vmem>>) dst(%dma_wait3A_433 : memref<80x8xf32, #tpu.memory_space<vmem_shared>>)
      tpu.yield
    }) : () -> ()
    %add3A_388 = arith.constant 240 : i32
    %add3A_389 = arith.addi %mul3A_365, %add3A_388 : i32
    "tpu.region"() ({
      %run_scoped3A = tpu.sem_alloc : memref<!tpu.dma_semaphore, #tpu.memory_space<semaphore_mem>>
      %dma_start3A = arith.constant 0 : i32
      %dma_start3A_428 = tpu.memref_slice %arg28[%add3A_389, %dma_start3A] : memref<10240x8xf32, #tpu.memory_space<vmem_shared>> -> memref<80x8xf32, #tpu.memory_space<vmem_shared>>
      %dma_start3A_429 = arith.constant 0 : i32
      %dma_start3A_430 = tpu.memref_slice %arg28[%add3A_389, %dma_start3A_429] : memref<10240x8xf32, #tpu.memory_space<vmem_shared>> -> memref<80x8xf32, #tpu.memory_space<vmem_shared>>
      tpu.enqueue_dma source(%arg19 : memref<80x8xf32, #tpu.memory_space<vmem>>) target(%dma_start3A_430 : memref<80x8xf32, #tpu.memory_space<vmem_shared>>) target_semaphore(%run_scoped3A : memref<!tpu.dma_semaphore, #tpu.memory_space<semaphore_mem>>)
      %dma_wait3A = arith.constant 0 : i32
      %dma_wait3A_431 = tpu.memref_slice %arg28[%add3A_389, %dma_wait3A] : memref<10240x8xf32, #tpu.memory_space<vmem_shared>> -> memref<80x8xf32, #tpu.memory_space<vmem_shared>>
      %dma_wait3A_432 = arith.constant 0 : i32
      %dma_wait3A_433 = tpu.memref_slice %arg28[%add3A_389, %dma_wait3A_432] : memref<10240x8xf32, #tpu.memory_space<vmem_shared>> -> memref<80x8xf32, #tpu.memory_space<vmem_shared>>
      tpu.wait_dma2 semaphore(%run_scoped3A : memref<!tpu.dma_semaphore, #tpu.memory_space<semaphore_mem>>) src(%arg19 : memref<80x8xf32, #tpu.memory_space<vmem>>) dst(%dma_wait3A_433 : memref<80x8xf32, #tpu.memory_space<vmem_shared>>)
      tpu.yield
    }) : () -> ()
    %add3A_390 = arith.constant 320 : i32
    %add3A_391 = arith.addi %mul3A_365, %add3A_390 : i32
    "tpu.region"() ({
      %run_scoped3A = tpu.sem_alloc : memref<!tpu.dma_semaphore, #tpu.memory_space<semaphore_mem>>
      %dma_start3A = arith.constant 0 : i32
      %dma_start3A_428 = tpu.memref_slice %arg28[%add3A_391, %dma_start3A] : memref<10240x8xf32, #tpu.memory_space<vmem_shared>> -> memref<80x8xf32, #tpu.memory_space<vmem_shared>>
      %dma_start3A_429 = arith.constant 0 : i32
      %dma_start3A_430 = tpu.memref_slice %arg28[%add3A_391, %dma_start3A_429] : memref<10240x8xf32, #tpu.memory_space<vmem_shared>> -> memref<80x8xf32, #tpu.memory_space<vmem_shared>>
      tpu.enqueue_dma source(%arg19 : memref<80x8xf32, #tpu.memory_space<vmem>>) target(%dma_start3A_430 : memref<80x8xf32, #tpu.memory_space<vmem_shared>>) target_semaphore(%run_scoped3A : memref<!tpu.dma_semaphore, #tpu.memory_space<semaphore_mem>>)
      %dma_wait3A = arith.constant 0 : i32
      %dma_wait3A_431 = tpu.memref_slice %arg28[%add3A_391, %dma_wait3A] : memref<10240x8xf32, #tpu.memory_space<vmem_shared>> -> memref<80x8xf32, #tpu.memory_space<vmem_shared>>
      %dma_wait3A_432 = arith.constant 0 : i32
      %dma_wait3A_433 = tpu.memref_slice %arg28[%add3A_391, %dma_wait3A_432] : memref<10240x8xf32, #tpu.memory_space<vmem_shared>> -> memref<80x8xf32, #tpu.memory_space<vmem_shared>>
      tpu.wait_dma2 semaphore(%run_scoped3A : memref<!tpu.dma_semaphore, #tpu.memory_space<semaphore_mem>>) src(%arg19 : memref<80x8xf32, #tpu.memory_space<vmem>>) dst(%dma_wait3A_433 : memref<80x8xf32, #tpu.memory_space<vmem_shared>>)
      tpu.yield
    }) : () -> ()
    %add3A_392 = arith.constant 400 : i32
    %add3A_393 = arith.addi %mul3A_365, %add3A_392 : i32
    "tpu.region"() ({
      %run_scoped3A = tpu.sem_alloc : memref<!tpu.dma_semaphore, #tpu.memory_space<semaphore_mem>>
      %dma_start3A = arith.constant 0 : i32
      %dma_start3A_428 = tpu.memref_slice %arg28[%add3A_393, %dma_start3A] : memref<10240x8xf32, #tpu.memory_space<vmem_shared>> -> memref<80x8xf32, #tpu.memory_space<vmem_shared>>
      %dma_start3A_429 = arith.constant 0 : i32
      %dma_start3A_430 = tpu.memref_slice %arg28[%add3A_393, %dma_start3A_429] : memref<10240x8xf32, #tpu.memory_space<vmem_shared>> -> memref<80x8xf32, #tpu.memory_space<vmem_shared>>
      tpu.enqueue_dma source(%arg19 : memref<80x8xf32, #tpu.memory_space<vmem>>) target(%dma_start3A_430 : memref<80x8xf32, #tpu.memory_space<vmem_shared>>) target_semaphore(%run_scoped3A : memref<!tpu.dma_semaphore, #tpu.memory_space<semaphore_mem>>)
      %dma_wait3A = arith.constant 0 : i32
      %dma_wait3A_431 = tpu.memref_slice %arg28[%add3A_393, %dma_wait3A] : memref<10240x8xf32, #tpu.memory_space<vmem_shared>> -> memref<80x8xf32, #tpu.memory_space<vmem_shared>>
      %dma_wait3A_432 = arith.constant 0 : i32
      %dma_wait3A_433 = tpu.memref_slice %arg28[%add3A_393, %dma_wait3A_432] : memref<10240x8xf32, #tpu.memory_space<vmem_shared>> -> memref<80x8xf32, #tpu.memory_space<vmem_shared>>
      tpu.wait_dma2 semaphore(%run_scoped3A : memref<!tpu.dma_semaphore, #tpu.memory_space<semaphore_mem>>) src(%arg19 : memref<80x8xf32, #tpu.memory_space<vmem>>) dst(%dma_wait3A_433 : memref<80x8xf32, #tpu.memory_space<vmem_shared>>)
      tpu.yield
    }) : () -> ()
    %add3A_394 = arith.constant 480 : i32
    %add3A_395 = arith.addi %mul3A_365, %add3A_394 : i32
    "tpu.region"() ({
      %run_scoped3A = tpu.sem_alloc : memref<!tpu.dma_semaphore, #tpu.memory_space<semaphore_mem>>
      %dma_start3A = arith.constant 0 : i32
      %dma_start3A_428 = tpu.memref_slice %arg28[%add3A_395, %dma_start3A] : memref<10240x8xf32, #tpu.memory_space<vmem_shared>> -> memref<80x8xf32, #tpu.memory_space<vmem_shared>>
      %dma_start3A_429 = arith.constant 0 : i32
      %dma_start3A_430 = tpu.memref_slice %arg28[%add3A_395, %dma_start3A_429] : memref<10240x8xf32, #tpu.memory_space<vmem_shared>> -> memref<80x8xf32, #tpu.memory_space<vmem_shared>>
      tpu.enqueue_dma source(%arg19 : memref<80x8xf32, #tpu.memory_space<vmem>>) target(%dma_start3A_430 : memref<80x8xf32, #tpu.memory_space<vmem_shared>>) target_semaphore(%run_scoped3A : memref<!tpu.dma_semaphore, #tpu.memory_space<semaphore_mem>>)
      %dma_wait3A = arith.constant 0 : i32
      %dma_wait3A_431 = tpu.memref_slice %arg28[%add3A_395, %dma_wait3A] : memref<10240x8xf32, #tpu.memory_space<vmem_shared>> -> memref<80x8xf32, #tpu.memory_space<vmem_shared>>
      %dma_wait3A_432 = arith.constant 0 : i32
      %dma_wait3A_433 = tpu.memref_slice %arg28[%add3A_395, %dma_wait3A_432] : memref<10240x8xf32, #tpu.memory_space<vmem_shared>> -> memref<80x8xf32, #tpu.memory_space<vmem_shared>>
      tpu.wait_dma2 semaphore(%run_scoped3A : memref<!tpu.dma_semaphore, #tpu.memory_space<semaphore_mem>>) src(%arg19 : memref<80x8xf32, #tpu.memory_space<vmem>>) dst(%dma_wait3A_433 : memref<80x8xf32, #tpu.memory_space<vmem_shared>>)
      tpu.yield
    }) : () -> ()
    %add3A_396 = arith.constant 560 : i32
    %add3A_397 = arith.addi %mul3A_365, %add3A_396 : i32
    "tpu.region"() ({
      %run_scoped3A = tpu.sem_alloc : memref<!tpu.dma_semaphore, #tpu.memory_space<semaphore_mem>>
      %dma_start3A = arith.constant 0 : i32
      %dma_start3A_428 = tpu.memref_slice %arg28[%add3A_397, %dma_start3A] : memref<10240x8xf32, #tpu.memory_space<vmem_shared>> -> memref<80x8xf32, #tpu.memory_space<vmem_shared>>
      %dma_start3A_429 = arith.constant 0 : i32
      %dma_start3A_430 = tpu.memref_slice %arg28[%add3A_397, %dma_start3A_429] : memref<10240x8xf32, #tpu.memory_space<vmem_shared>> -> memref<80x8xf32, #tpu.memory_space<vmem_shared>>
      tpu.enqueue_dma source(%arg19 : memref<80x8xf32, #tpu.memory_space<vmem>>) target(%dma_start3A_430 : memref<80x8xf32, #tpu.memory_space<vmem_shared>>) target_semaphore(%run_scoped3A : memref<!tpu.dma_semaphore, #tpu.memory_space<semaphore_mem>>)
      %dma_wait3A = arith.constant 0 : i32
      %dma_wait3A_431 = tpu.memref_slice %arg28[%add3A_397, %dma_wait3A] : memref<10240x8xf32, #tpu.memory_space<vmem_shared>> -> memref<80x8xf32, #tpu.memory_space<vmem_shared>>
      %dma_wait3A_432 = arith.constant 0 : i32
      %dma_wait3A_433 = tpu.memref_slice %arg28[%add3A_397, %dma_wait3A_432] : memref<10240x8xf32, #tpu.memory_space<vmem_shared>> -> memref<80x8xf32, #tpu.memory_space<vmem_shared>>
      tpu.wait_dma2 semaphore(%run_scoped3A : memref<!tpu.dma_semaphore, #tpu.memory_space<semaphore_mem>>) src(%arg19 : memref<80x8xf32, #tpu.memory_space<vmem>>) dst(%dma_wait3A_433 : memref<80x8xf32, #tpu.memory_space<vmem_shared>>)
      tpu.yield
    }) : () -> ()
    %barrier3A = arith.constant 0 : index
    tpu.barrier barrier_id(%barrier3A)
    %mul3A_398 = arith.constant 20000 : i32
    %mul3A_399 = arith.muli %arg1, %mul3A_398 : i32
    %scan3A_400 = arith.constant 0 : i32
    %scan3A_401 = arith.constant 125 : i32
    %scan3A_402 = arith.addi %scan3A_400, %scan3A_401 : i32
    %scan3A_403 = arith.constant 1 : i32
    scf.for %scan3A_428 = %scan3A_400 to %scan3A_402 step %scan3A_403  : i32 {
      %mul3A_429 = arith.constant 1 : i32
      %mul3A_430 = arith.muli %scan3A_428, %mul3A_429 : i32
      %add3A_431 = arith.constant 0 : i32
      %add3A_432 = arith.addi %add3A_431, %mul3A_430 : i32
      %mul3A_433 = arith.constant 2 : i32
      %mul3A_434 = arith.muli %mul3A_433, %add3A_432 : i32
      %mul3A_435 = arith.constant 80 : i32
      %mul3A_436 = arith.muli %mul3A_434, %mul3A_435 : i32
      %add3A_437 = arith.addi %mul3A_399, %mul3A_436 : i32
      %add3A_438 = arith.constant 80 : i32
      %add3A_439 = arith.addi %add3A_437, %add3A_438 : i32
      %dma_start3A = tpu.memref_slice %arg2[%add3A_437] : memref<320000xi32, #tpu.memory_space<hbm>> -> memref<80xi32, #tpu.memory_space<hbm>>
      %dma_start3A_440 = tpu.memref_slice %arg2[%add3A_437] : memref<320000xi32, #tpu.memory_space<hbm>> -> memref<80xi32, #tpu.memory_space<hbm>>
      tpu.enqueue_dma source(%dma_start3A_440 : memref<80xi32, #tpu.memory_space<hbm>>) target(%arg9 : memref<80xi32, #tpu.memory_space<vmem>>) target_semaphore(%arg30 : memref<!tpu.dma_semaphore, #tpu.memory_space<semaphore_mem>>)
      %dma_start3A_441 = tpu.memref_slice %arg3[%add3A_437] : memref<320000xi32, #tpu.memory_space<hbm>> -> memref<80xi32, #tpu.memory_space<hbm>>
      %dma_start3A_442 = tpu.memref_slice %arg3[%add3A_437] : memref<320000xi32, #tpu.memory_space<hbm>> -> memref<80xi32, #tpu.memory_space<hbm>>
      tpu.enqueue_dma source(%dma_start3A_442 : memref<80xi32, #tpu.memory_space<hbm>>) target(%arg11 : memref<80xi32, #tpu.memory_space<vmem>>) target_semaphore(%arg31 : memref<!tpu.dma_semaphore, #tpu.memory_space<semaphore_mem>>)
      %dma_start3A_443 = tpu.memref_slice %arg2[%add3A_439] : memref<320000xi32, #tpu.memory_space<hbm>> -> memref<80xi32, #tpu.memory_space<hbm>>
      %dma_start3A_444 = tpu.memref_slice %arg2[%add3A_439] : memref<320000xi32, #tpu.memory_space<hbm>> -> memref<80xi32, #tpu.memory_space<hbm>>
      tpu.enqueue_dma source(%dma_start3A_444 : memref<80xi32, #tpu.memory_space<hbm>>) target(%arg10 : memref<80xi32, #tpu.memory_space<vmem>>) target_semaphore(%arg32 : memref<!tpu.dma_semaphore, #tpu.memory_space<semaphore_mem>>)
      %dma_start3A_445 = tpu.memref_slice %arg3[%add3A_439] : memref<320000xi32, #tpu.memory_space<hbm>> -> memref<80xi32, #tpu.memory_space<hbm>>
      %dma_start3A_446 = tpu.memref_slice %arg3[%add3A_439] : memref<320000xi32, #tpu.memory_space<hbm>> -> memref<80xi32, #tpu.memory_space<hbm>>
      tpu.enqueue_dma source(%dma_start3A_446 : memref<80xi32, #tpu.memory_space<hbm>>) target(%arg12 : memref<80xi32, #tpu.memory_space<vmem>>) target_semaphore(%arg33 : memref<!tpu.dma_semaphore, #tpu.memory_space<semaphore_mem>>)
      %dma_wait3A = tpu.memref_slice %arg2[%add3A_437] : memref<320000xi32, #tpu.memory_space<hbm>> -> memref<80xi32, #tpu.memory_space<hbm>>
      %dma_wait3A_447 = tpu.memref_slice %arg2[%add3A_437] : memref<320000xi32, #tpu.memory_space<hbm>> -> memref<80xi32, #tpu.memory_space<hbm>>
      tpu.wait_dma2 semaphore(%arg30 : memref<!tpu.dma_semaphore, #tpu.memory_space<semaphore_mem>>) src(%dma_wait3A_447 : memref<80xi32, #tpu.memory_space<hbm>>) dst(%arg9 : memref<80xi32, #tpu.memory_space<vmem>>)
      %dma_wait3A_448 = tpu.memref_slice %arg3[%add3A_437] : memref<320000xi32, #tpu.memory_space<hbm>> -> memref<80xi32, #tpu.memory_space<hbm>>
      %dma_wait3A_449 = tpu.memref_slice %arg3[%add3A_437] : memref<320000xi32, #tpu.memory_space<hbm>> -> memref<80xi32, #tpu.memory_space<hbm>>
      tpu.wait_dma2 semaphore(%arg31 : memref<!tpu.dma_semaphore, #tpu.memory_space<semaphore_mem>>) src(%dma_wait3A_449 : memref<80xi32, #tpu.memory_space<hbm>>) dst(%arg11 : memref<80xi32, #tpu.memory_space<vmem>>)
      %dma_wait3A_450 = tpu.memref_slice %arg2[%add3A_439] : memref<320000xi32, #tpu.memory_space<hbm>> -> memref<80xi32, #tpu.memory_space<hbm>>
      %dma_wait3A_451 = tpu.memref_slice %arg2[%add3A_439] : memref<320000xi32, #tpu.memory_space<hbm>> -> memref<80xi32, #tpu.memory_space<hbm>>
      tpu.wait_dma2 semaphore(%arg32 : memref<!tpu.dma_semaphore, #tpu.memory_space<semaphore_mem>>) src(%dma_wait3A_451 : memref<80xi32, #tpu.memory_space<hbm>>) dst(%arg10 : memref<80xi32, #tpu.memory_space<vmem>>)
      %dma_wait3A_452 = tpu.memref_slice %arg3[%add3A_439] : memref<320000xi32, #tpu.memory_space<hbm>> -> memref<80xi32, #tpu.memory_space<hbm>>
      %dma_wait3A_453 = tpu.memref_slice %arg3[%add3A_439] : memref<320000xi32, #tpu.memory_space<hbm>> -> memref<80xi32, #tpu.memory_space<hbm>>
      tpu.wait_dma2 semaphore(%arg33 : memref<!tpu.dma_semaphore, #tpu.memory_space<semaphore_mem>>) src(%dma_wait3A_453 : memref<80xi32, #tpu.memory_space<hbm>>) dst(%arg12 : memref<80xi32, #tpu.memory_space<vmem>>)
      %dma_start3A_454 = arith.constant 0 : i32
      %dma_start3A_455 = arith.constant 0 : i32
      %dma_start3A_456 = tpu.memref_slice %arg4[%dma_start3A_454, %dma_start3A_455] : memref<10000x8xf32, #tpu.memory_space<hbm>> -> memref<10000x8xf32, #tpu.memory_space<hbm>>
      tpu.enqueue_indirect_dma source(%dma_start3A_456 : memref<10000x8xf32, #tpu.memory_space<hbm>>) target(%arg15 : memref<80x8xf32, #tpu.memory_space<vmem>>) offsets(%arg9 : memref<80xi32, #tpu.memory_space<vmem>>) semaphore(%arg30 : memref<!tpu.dma_semaphore, #tpu.memory_space<semaphore_mem>>)
      %dma_start3A_457 = arith.constant 0 : i32
      %dma_start3A_458 = arith.constant 0 : i32
      %dma_start3A_459 = tpu.memref_slice %arg4[%dma_start3A_457, %dma_start3A_458] : memref<10000x8xf32, #tpu.memory_space<hbm>> -> memref<10000x8xf32, #tpu.memory_space<hbm>>
      tpu.enqueue_indirect_dma source(%dma_start3A_459 : memref<10000x8xf32, #tpu.memory_space<hbm>>) target(%arg17 : memref<80x8xf32, #tpu.memory_space<vmem>>) offsets(%arg11 : memref<80xi32, #tpu.memory_space<vmem>>) semaphore(%arg31 : memref<!tpu.dma_semaphore, #tpu.memory_space<semaphore_mem>>)
      %dma_start3A_460 = arith.constant 0 : i32
      %dma_start3A_461 = arith.constant 0 : i32
      %dma_start3A_462 = tpu.memref_slice %arg4[%dma_start3A_460, %dma_start3A_461] : memref<10000x8xf32, #tpu.memory_space<hbm>> -> memref<10000x8xf32, #tpu.memory_space<hbm>>
      tpu.enqueue_indirect_dma source(%dma_start3A_462 : memref<10000x8xf32, #tpu.memory_space<hbm>>) target(%arg16 : memref<80x8xf32, #tpu.memory_space<vmem>>) offsets(%arg10 : memref<80xi32, #tpu.memory_space<vmem>>) semaphore(%arg32 : memref<!tpu.dma_semaphore, #tpu.memory_space<semaphore_mem>>)
      %dma_start3A_463 = arith.constant 0 : i32
      %dma_start3A_464 = arith.constant 0 : i32
      %dma_start3A_465 = tpu.memref_slice %arg4[%dma_start3A_463, %dma_start3A_464] : memref<10000x8xf32, #tpu.memory_space<hbm>> -> memref<10000x8xf32, #tpu.memory_space<hbm>>
      tpu.enqueue_indirect_dma source(%dma_start3A_465 : memref<10000x8xf32, #tpu.memory_space<hbm>>) target(%arg18 : memref<80x8xf32, #tpu.memory_space<vmem>>) offsets(%arg12 : memref<80xi32, #tpu.memory_space<vmem>>) semaphore(%arg33 : memref<!tpu.dma_semaphore, #tpu.memory_space<semaphore_mem>>)
      %dma_wait3A_466 = arith.constant 0 : i32
      %dma_wait3A_467 = arith.constant 0 : i32
      %dma_wait3A_468 = tpu.memref_slice %arg4[%dma_wait3A_466, %dma_wait3A_467] : memref<10000x8xf32, #tpu.memory_space<hbm>> -> memref<10000x8xf32, #tpu.memory_space<hbm>>
      tpu.wait_indirect_dma semaphore(%arg30 : memref<!tpu.dma_semaphore, #tpu.memory_space<semaphore_mem>>) src(%dma_wait3A_468 : memref<10000x8xf32, #tpu.memory_space<hbm>>) dst(%arg15 : memref<80x8xf32, #tpu.memory_space<vmem>>)
      %dma_wait3A_469 = arith.constant 0 : i32
      %dma_wait3A_470 = arith.constant 0 : i32
      %dma_wait3A_471 = tpu.memref_slice %arg4[%dma_wait3A_469, %dma_wait3A_470] : memref<10000x8xf32, #tpu.memory_space<hbm>> -> memref<10000x8xf32, #tpu.memory_space<hbm>>
      tpu.wait_indirect_dma semaphore(%arg31 : memref<!tpu.dma_semaphore, #tpu.memory_space<semaphore_mem>>) src(%dma_wait3A_471 : memref<10000x8xf32, #tpu.memory_space<hbm>>) dst(%arg17 : memref<80x8xf32, #tpu.memory_space<vmem>>)
      %add3A_472 = arith.constant 0 : i32
      %add3A_473 = vector.broadcast %add3A_472 : i32 to vector<16xi32>
      %add3A_474 = arith.addi %iota3A, %add3A_473 : vector<16xi32>
      %broadcast_in_dim3A_475 = arith.constant 0 : i32
      %broadcast_in_dim3A_476 = vector.broadcast %broadcast_in_dim3A_475 : i32 to vector<16xi32>
      %gather3A = tpu.vector_load_idx %arg15[%add3A_474, %broadcast_in_dim3A_476] : memref<80x8xf32, #tpu.memory_space<vmem>>[vector<16xi32>, vector<16xi32>], vector<16xf32>,
      %add3A_477 = arith.constant 4 : i32
      %add3A_478 = vector.broadcast %add3A_477 : i32 to vector<16xi32>
      %add3A_479 = arith.addi %broadcast_in_dim3A_476, %add3A_478 : vector<16xi32>
      %gather3A_480 = tpu.vector_load_idx %arg17[%add3A_474, %add3A_479] : memref<80x8xf32, #tpu.memory_space<vmem>>[vector<16xi32>, vector<16xi32>], vector<16xf32>,
      %add3A_481 = arith.addf %gather3A, %gather3A_480 : vector<16xf32>
      %gt3A = arith.constant 0.000000e+00 : f32
      %gt3A_482 = vector.broadcast %gt3A : f32 to vector<16xf32>
      %gt3A_483 = arith.cmpf ogt, %add3A_481, %gt3A_482 : vector<16xf32>
      %mul3A_484 = arith.constant 2.000000e-01 : f32
      %mul3A_485 = vector.broadcast %mul3A_484 : f32 to vector<16xf32>
      %mul3A_486 = arith.mulf %add3A_481, %mul3A_485 : vector<16xf32>
      %select_n3A = arith.select %gt3A_483, %add3A_481, %mul3A_486 : vector<16xi1>, vector<16xf32>
      %exp3A = math.exp %select_n3A : vector<16xf32>
      tpu.vector_store_idx %arg19[%add3A_474, %broadcast_in_dim3A_476], %exp3A : memref<80x8xf32, #tpu.memory_space<vmem>>[vector<16xi32>, vector<16xi32>], vector<16xf32>,
      %broadcast_in_dim3A_487 = arith.constant 1 : i32
      %broadcast_in_dim3A_488 = vector.broadcast %broadcast_in_dim3A_487 : i32 to vector<16xi32>
      %gather3A_489 = tpu.vector_load_idx %arg15[%add3A_474, %broadcast_in_dim3A_488] : memref<80x8xf32, #tpu.memory_space<vmem>>[vector<16xi32>, vector<16xi32>], vector<16xf32>,
      %add3A_490 = arith.constant 4 : i32
      %add3A_491 = vector.broadcast %add3A_490 : i32 to vector<16xi32>
      %add3A_492 = arith.addi %broadcast_in_dim3A_488, %add3A_491 : vector<16xi32>
      %gather3A_493 = tpu.vector_load_idx %arg17[%add3A_474, %add3A_492] : memref<80x8xf32, #tpu.memory_space<vmem>>[vector<16xi32>, vector<16xi32>], vector<16xf32>,
      %add3A_494 = arith.addf %gather3A_489, %gather3A_493 : vector<16xf32>
      %gt3A_495 = arith.constant 0.000000e+00 : f32
      %gt3A_496 = vector.broadcast %gt3A_495 : f32 to vector<16xf32>
      %gt3A_497 = arith.cmpf ogt, %add3A_494, %gt3A_496 : vector<16xf32>
      %mul3A_498 = arith.constant 2.000000e-01 : f32
      %mul3A_499 = vector.broadcast %mul3A_498 : f32 to vector<16xf32>
      %mul3A_500 = arith.mulf %add3A_494, %mul3A_499 : vector<16xf32>
      %select_n3A_501 = arith.select %gt3A_497, %add3A_494, %mul3A_500 : vector<16xi1>, vector<16xf32>
      %exp3A_502 = math.exp %select_n3A_501 : vector<16xf32>
      tpu.vector_store_idx %arg19[%add3A_474, %broadcast_in_dim3A_488], %exp3A_502 : memref<80x8xf32, #tpu.memory_space<vmem>>[vector<16xi32>, vector<16xi32>], vector<16xf32>,
      %broadcast_in_dim3A_503 = arith.constant 2 : i32
      %broadcast_in_dim3A_504 = vector.broadcast %broadcast_in_dim3A_503 : i32 to vector<16xi32>
      %gather3A_505 = tpu.vector_load_idx %arg15[%add3A_474, %broadcast_in_dim3A_504] : memref<80x8xf32, #tpu.memory_space<vmem>>[vector<16xi32>, vector<16xi32>], vector<16xf32>,
      %add3A_506 = arith.constant 4 : i32
      %add3A_507 = vector.broadcast %add3A_506 : i32 to vector<16xi32>
      %add3A_508 = arith.addi %broadcast_in_dim3A_504, %add3A_507 : vector<16xi32>
      %gather3A_509 = tpu.vector_load_idx %arg17[%add3A_474, %add3A_508] : memref<80x8xf32, #tpu.memory_space<vmem>>[vector<16xi32>, vector<16xi32>], vector<16xf32>,
      %add3A_510 = arith.addf %gather3A_505, %gather3A_509 : vector<16xf32>
      %gt3A_511 = arith.constant 0.000000e+00 : f32
      %gt3A_512 = vector.broadcast %gt3A_511 : f32 to vector<16xf32>
      %gt3A_513 = arith.cmpf ogt, %add3A_510, %gt3A_512 : vector<16xf32>
      %mul3A_514 = arith.constant 2.000000e-01 : f32
      %mul3A_515 = vector.broadcast %mul3A_514 : f32 to vector<16xf32>
      %mul3A_516 = arith.mulf %add3A_510, %mul3A_515 : vector<16xf32>
      %select_n3A_517 = arith.select %gt3A_513, %add3A_510, %mul3A_516 : vector<16xi1>, vector<16xf32>
      %exp3A_518 = math.exp %select_n3A_517 : vector<16xf32>
      tpu.vector_store_idx %arg19[%add3A_474, %broadcast_in_dim3A_504], %exp3A_518 : memref<80x8xf32, #tpu.memory_space<vmem>>[vector<16xi32>, vector<16xi32>], vector<16xf32>,
      %broadcast_in_dim3A_519 = arith.constant 3 : i32
      %broadcast_in_dim3A_520 = vector.broadcast %broadcast_in_dim3A_519 : i32 to vector<16xi32>
      %gather3A_521 = tpu.vector_load_idx %arg15[%add3A_474, %broadcast_in_dim3A_520] : memref<80x8xf32, #tpu.memory_space<vmem>>[vector<16xi32>, vector<16xi32>], vector<16xf32>,
      %add3A_522 = arith.constant 4 : i32
      %add3A_523 = vector.broadcast %add3A_522 : i32 to vector<16xi32>
      %add3A_524 = arith.addi %broadcast_in_dim3A_520, %add3A_523 : vector<16xi32>
      %gather3A_525 = tpu.vector_load_idx %arg17[%add3A_474, %add3A_524] : memref<80x8xf32, #tpu.memory_space<vmem>>[vector<16xi32>, vector<16xi32>], vector<16xf32>,
      %add3A_526 = arith.addf %gather3A_521, %gather3A_525 : vector<16xf32>
      %gt3A_527 = arith.constant 0.000000e+00 : f32
      %gt3A_528 = vector.broadcast %gt3A_527 : f32 to vector<16xf32>
      %gt3A_529 = arith.cmpf ogt, %add3A_526, %gt3A_528 : vector<16xf32>
      %mul3A_530 = arith.constant 2.000000e-01 : f32
      %mul3A_531 = vector.broadcast %mul3A_530 : f32 to vector<16xf32>
      %mul3A_532 = arith.mulf %add3A_526, %mul3A_531 : vector<16xf32>
      %select_n3A_533 = arith.select %gt3A_529, %add3A_526, %mul3A_532 : vector<16xi1>, vector<16xf32>
      %exp3A_534 = math.exp %select_n3A_533 : vector<16xf32>
      tpu.vector_store_idx %arg19[%add3A_474, %broadcast_in_dim3A_520], %exp3A_534 : memref<80x8xf32, #tpu.memory_space<vmem>>[vector<16xi32>, vector<16xi32>], vector<16xf32>,
      %add3A_535 = arith.constant 16 : i32
      %add3A_536 = vector.broadcast %add3A_535 : i32 to vector<16xi32>
      %add3A_537 = arith.addi %iota3A, %add3A_536 : vector<16xi32>
      %broadcast_in_dim3A_538 = arith.constant 0 : i32
      %broadcast_in_dim3A_539 = vector.broadcast %broadcast_in_dim3A_538 : i32 to vector<16xi32>
      %gather3A_540 = tpu.vector_load_idx %arg15[%add3A_537, %broadcast_in_dim3A_539] : memref<80x8xf32, #tpu.memory_space<vmem>>[vector<16xi32>, vector<16xi32>], vector<16xf32>,
      %add3A_541 = arith.constant 4 : i32
      %add3A_542 = vector.broadcast %add3A_541 : i32 to vector<16xi32>
      %add3A_543 = arith.addi %broadcast_in_dim3A_539, %add3A_542 : vector<16xi32>
      %gather3A_544 = tpu.vector_load_idx %arg17[%add3A_537, %add3A_543] : memref<80x8xf32, #tpu.memory_space<vmem>>[vector<16xi32>, vector<16xi32>], vector<16xf32>,
      %add3A_545 = arith.addf %gather3A_540, %gather3A_544 : vector<16xf32>
      %gt3A_546 = arith.constant 0.000000e+00 : f32
      %gt3A_547 = vector.broadcast %gt3A_546 : f32 to vector<16xf32>
      %gt3A_548 = arith.cmpf ogt, %add3A_545, %gt3A_547 : vector<16xf32>
      %mul3A_549 = arith.constant 2.000000e-01 : f32
      %mul3A_550 = vector.broadcast %mul3A_549 : f32 to vector<16xf32>
      %mul3A_551 = arith.mulf %add3A_545, %mul3A_550 : vector<16xf32>
      %select_n3A_552 = arith.select %gt3A_548, %add3A_545, %mul3A_551 : vector<16xi1>, vector<16xf32>
      %exp3A_553 = math.exp %select_n3A_552 : vector<16xf32>
      tpu.vector_store_idx %arg19[%add3A_537, %broadcast_in_dim3A_539], %exp3A_553 : memref<80x8xf32, #tpu.memory_space<vmem>>[vector<16xi32>, vector<16xi32>], vector<16xf32>,
      %broadcast_in_dim3A_554 = arith.constant 1 : i32
      %broadcast_in_dim3A_555 = vector.broadcast %broadcast_in_dim3A_554 : i32 to vector<16xi32>
      %gather3A_556 = tpu.vector_load_idx %arg15[%add3A_537, %broadcast_in_dim3A_555] : memref<80x8xf32, #tpu.memory_space<vmem>>[vector<16xi32>, vector<16xi32>], vector<16xf32>,
      %add3A_557 = arith.constant 4 : i32
      %add3A_558 = vector.broadcast %add3A_557 : i32 to vector<16xi32>
      %add3A_559 = arith.addi %broadcast_in_dim3A_555, %add3A_558 : vector<16xi32>
      %gather3A_560 = tpu.vector_load_idx %arg17[%add3A_537, %add3A_559] : memref<80x8xf32, #tpu.memory_space<vmem>>[vector<16xi32>, vector<16xi32>], vector<16xf32>,
      %add3A_561 = arith.addf %gather3A_556, %gather3A_560 : vector<16xf32>
      %gt3A_562 = arith.constant 0.000000e+00 : f32
      %gt3A_563 = vector.broadcast %gt3A_562 : f32 to vector<16xf32>
      %gt3A_564 = arith.cmpf ogt, %add3A_561, %gt3A_563 : vector<16xf32>
      %mul3A_565 = arith.constant 2.000000e-01 : f32
      %mul3A_566 = vector.broadcast %mul3A_565 : f32 to vector<16xf32>
      %mul3A_567 = arith.mulf %add3A_561, %mul3A_566 : vector<16xf32>
      %select_n3A_568 = arith.select %gt3A_564, %add3A_561, %mul3A_567 : vector<16xi1>, vector<16xf32>
      %exp3A_569 = math.exp %select_n3A_568 : vector<16xf32>
      tpu.vector_store_idx %arg19[%add3A_537, %broadcast_in_dim3A_555], %exp3A_569 : memref<80x8xf32, #tpu.memory_space<vmem>>[vector<16xi32>, vector<16xi32>], vector<16xf32>,
      %broadcast_in_dim3A_570 = arith.constant 2 : i32
      %broadcast_in_dim3A_571 = vector.broadcast %broadcast_in_dim3A_570 : i32 to vector<16xi32>
      %gather3A_572 = tpu.vector_load_idx %arg15[%add3A_537, %broadcast_in_dim3A_571] : memref<80x8xf32, #tpu.memory_space<vmem>>[vector<16xi32>, vector<16xi32>], vector<16xf32>,
      %add3A_573 = arith.constant 4 : i32
      %add3A_574 = vector.broadcast %add3A_573 : i32 to vector<16xi32>
      %add3A_575 = arith.addi %broadcast_in_dim3A_571, %add3A_574 : vector<16xi32>
      %gather3A_576 = tpu.vector_load_idx %arg17[%add3A_537, %add3A_575] : memref<80x8xf32, #tpu.memory_space<vmem>>[vector<16xi32>, vector<16xi32>], vector<16xf32>,
      %add3A_577 = arith.addf %gather3A_572, %gather3A_576 : vector<16xf32>
      %gt3A_578 = arith.constant 0.000000e+00 : f32
      %gt3A_579 = vector.broadcast %gt3A_578 : f32 to vector<16xf32>
      %gt3A_580 = arith.cmpf ogt, %add3A_577, %gt3A_579 : vector<16xf32>
      %mul3A_581 = arith.constant 2.000000e-01 : f32
      %mul3A_582 = vector.broadcast %mul3A_581 : f32 to vector<16xf32>
      %mul3A_583 = arith.mulf %add3A_577, %mul3A_582 : vector<16xf32>
      %select_n3A_584 = arith.select %gt3A_580, %add3A_577, %mul3A_583 : vector<16xi1>, vector<16xf32>
      %exp3A_585 = math.exp %select_n3A_584 : vector<16xf32>
      tpu.vector_store_idx %arg19[%add3A_537, %broadcast_in_dim3A_571], %exp3A_585 : memref<80x8xf32, #tpu.memory_space<vmem>>[vector<16xi32>, vector<16xi32>], vector<16xf32>,
      %broadcast_in_dim3A_586 = arith.constant 3 : i32
      %broadcast_in_dim3A_587 = vector.broadcast %broadcast_in_dim3A_586 : i32 to vector<16xi32>
      %gather3A_588 = tpu.vector_load_idx %arg15[%add3A_537, %broadcast_in_dim3A_587] : memref<80x8xf32, #tpu.memory_space<vmem>>[vector<16xi32>, vector<16xi32>], vector<16xf32>,
      %add3A_589 = arith.constant 4 : i32
      %add3A_590 = vector.broadcast %add3A_589 : i32 to vector<16xi32>
      %add3A_591 = arith.addi %broadcast_in_dim3A_587, %add3A_590 : vector<16xi32>
      %gather3A_592 = tpu.vector_load_idx %arg17[%add3A_537, %add3A_591] : memref<80x8xf32, #tpu.memory_space<vmem>>[vector<16xi32>, vector<16xi32>], vector<16xf32>,
      %add3A_593 = arith.addf %gather3A_588, %gather3A_592 : vector<16xf32>
      %gt3A_594 = arith.constant 0.000000e+00 : f32
      %gt3A_595 = vector.broadcast %gt3A_594 : f32 to vector<16xf32>
      %gt3A_596 = arith.cmpf ogt, %add3A_593, %gt3A_595 : vector<16xf32>
      %mul3A_597 = arith.constant 2.000000e-01 : f32
      %mul3A_598 = vector.broadcast %mul3A_597 : f32 to vector<16xf32>
      %mul3A_599 = arith.mulf %add3A_593, %mul3A_598 : vector<16xf32>
      %select_n3A_600 = arith.select %gt3A_596, %add3A_593, %mul3A_599 : vector<16xi1>, vector<16xf32>
      %exp3A_601 = math.exp %select_n3A_600 : vector<16xf32>
      tpu.vector_store_idx %arg19[%add3A_537, %broadcast_in_dim3A_587], %exp3A_601 : memref<80x8xf32, #tpu.memory_space<vmem>>[vector<16xi32>, vector<16xi32>], vector<16xf32>,
      %add3A_602 = arith.constant 32 : i32
      %add3A_603 = vector.broadcast %add3A_602 : i32 to vector<16xi32>
      %add3A_604 = arith.addi %iota3A, %add3A_603 : vector<16xi32>
      %broadcast_in_dim3A_605 = arith.constant 0 : i32
      %broadcast_in_dim3A_606 = vector.broadcast %broadcast_in_dim3A_605 : i32 to vector<16xi32>
      %gather3A_607 = tpu.vector_load_idx %arg15[%add3A_604, %broadcast_in_dim3A_606] : memref<80x8xf32, #tpu.memory_space<vmem>>[vector<16xi32>, vector<16xi32>], vector<16xf32>,
      %add3A_608 = arith.constant 4 : i32
      %add3A_609 = vector.broadcast %add3A_608 : i32 to vector<16xi32>
      %add3A_610 = arith.addi %broadcast_in_dim3A_606, %add3A_609 : vector<16xi32>
      %gather3A_611 = tpu.vector_load_idx %arg17[%add3A_604, %add3A_610] : memref<80x8xf32, #tpu.memory_space<vmem>>[vector<16xi32>, vector<16xi32>], vector<16xf32>,
      %add3A_612 = arith.addf %gather3A_607, %gather3A_611 : vector<16xf32>
      %gt3A_613 = arith.constant 0.000000e+00 : f32
      %gt3A_614 = vector.broadcast %gt3A_613 : f32 to vector<16xf32>
      %gt3A_615 = arith.cmpf ogt, %add3A_612, %gt3A_614 : vector<16xf32>
      %mul3A_616 = arith.constant 2.000000e-01 : f32
      %mul3A_617 = vector.broadcast %mul3A_616 : f32 to vector<16xf32>
      %mul3A_618 = arith.mulf %add3A_612, %mul3A_617 : vector<16xf32>
      %select_n3A_619 = arith.select %gt3A_615, %add3A_612, %mul3A_618 : vector<16xi1>, vector<16xf32>
      %exp3A_620 = math.exp %select_n3A_619 : vector<16xf32>
      tpu.vector_store_idx %arg19[%add3A_604, %broadcast_in_dim3A_606], %exp3A_620 : memref<80x8xf32, #tpu.memory_space<vmem>>[vector<16xi32>, vector<16xi32>], vector<16xf32>,
      %broadcast_in_dim3A_621 = arith.constant 1 : i32
      %broadcast_in_dim3A_622 = vector.broadcast %broadcast_in_dim3A_621 : i32 to vector<16xi32>
      %gather3A_623 = tpu.vector_load_idx %arg15[%add3A_604, %broadcast_in_dim3A_622] : memref<80x8xf32, #tpu.memory_space<vmem>>[vector<16xi32>, vector<16xi32>], vector<16xf32>,
      %add3A_624 = arith.constant 4 : i32
      %add3A_625 = vector.broadcast %add3A_624 : i32 to vector<16xi32>
      %add3A_626 = arith.addi %broadcast_in_dim3A_622, %add3A_625 : vector<16xi32>
      %gather3A_627 = tpu.vector_load_idx %arg17[%add3A_604, %add3A_626] : memref<80x8xf32, #tpu.memory_space<vmem>>[vector<16xi32>, vector<16xi32>], vector<16xf32>,
      %add3A_628 = arith.addf %gather3A_623, %gather3A_627 : vector<16xf32>
      %gt3A_629 = arith.constant 0.000000e+00 : f32
      %gt3A_630 = vector.broadcast %gt3A_629 : f32 to vector<16xf32>
      %gt3A_631 = arith.cmpf ogt, %add3A_628, %gt3A_630 : vector<16xf32>
      %mul3A_632 = arith.constant 2.000000e-01 : f32
      %mul3A_633 = vector.broadcast %mul3A_632 : f32 to vector<16xf32>
      %mul3A_634 = arith.mulf %add3A_628, %mul3A_633 : vector<16xf32>
      %select_n3A_635 = arith.select %gt3A_631, %add3A_628, %mul3A_634 : vector<16xi1>, vector<16xf32>
      %exp3A_636 = math.exp %select_n3A_635 : vector<16xf32>
      tpu.vector_store_idx %arg19[%add3A_604, %broadcast_in_dim3A_622], %exp3A_636 : memref<80x8xf32, #tpu.memory_space<vmem>>[vector<16xi32>, vector<16xi32>], vector<16xf32>,
      %broadcast_in_dim3A_637 = arith.constant 2 : i32
      %broadcast_in_dim3A_638 = vector.broadcast %broadcast_in_dim3A_637 : i32 to vector<16xi32>
      %gather3A_639 = tpu.vector_load_idx %arg15[%add3A_604, %broadcast_in_dim3A_638] : memref<80x8xf32, #tpu.memory_space<vmem>>[vector<16xi32>, vector<16xi32>], vector<16xf32>,
      %add3A_640 = arith.constant 4 : i32
      %add3A_641 = vector.broadcast %add3A_640 : i32 to vector<16xi32>
      %add3A_642 = arith.addi %broadcast_in_dim3A_638, %add3A_641 : vector<16xi32>
      %gather3A_643 = tpu.vector_load_idx %arg17[%add3A_604, %add3A_642] : memref<80x8xf32, #tpu.memory_space<vmem>>[vector<16xi32>, vector<16xi32>], vector<16xf32>,
      %add3A_644 = arith.addf %gather3A_639, %gather3A_643 : vector<16xf32>
      %gt3A_645 = arith.constant 0.000000e+00 : f32
      %gt3A_646 = vector.broadcast %gt3A_645 : f32 to vector<16xf32>
      %gt3A_647 = arith.cmpf ogt, %add3A_644, %gt3A_646 : vector<16xf32>
      %mul3A_648 = arith.constant 2.000000e-01 : f32
      %mul3A_649 = vector.broadcast %mul3A_648 : f32 to vector<16xf32>
      %mul3A_650 = arith.mulf %add3A_644, %mul3A_649 : vector<16xf32>
      %select_n3A_651 = arith.select %gt3A_647, %add3A_644, %mul3A_650 : vector<16xi1>, vector<16xf32>
      %exp3A_652 = math.exp %select_n3A_651 : vector<16xf32>
      tpu.vector_store_idx %arg19[%add3A_604, %broadcast_in_dim3A_638], %exp3A_652 : memref<80x8xf32, #tpu.memory_space<vmem>>[vector<16xi32>, vector<16xi32>], vector<16xf32>,
      %broadcast_in_dim3A_653 = arith.constant 3 : i32
      %broadcast_in_dim3A_654 = vector.broadcast %broadcast_in_dim3A_653 : i32 to vector<16xi32>
      %gather3A_655 = tpu.vector_load_idx %arg15[%add3A_604, %broadcast_in_dim3A_654] : memref<80x8xf32, #tpu.memory_space<vmem>>[vector<16xi32>, vector<16xi32>], vector<16xf32>,
      %add3A_656 = arith.constant 4 : i32
      %add3A_657 = vector.broadcast %add3A_656 : i32 to vector<16xi32>
      %add3A_658 = arith.addi %broadcast_in_dim3A_654, %add3A_657 : vector<16xi32>
      %gather3A_659 = tpu.vector_load_idx %arg17[%add3A_604, %add3A_658] : memref<80x8xf32, #tpu.memory_space<vmem>>[vector<16xi32>, vector<16xi32>], vector<16xf32>,
      %add3A_660 = arith.addf %gather3A_655, %gather3A_659 : vector<16xf32>
      %gt3A_661 = arith.constant 0.000000e+00 : f32
      %gt3A_662 = vector.broadcast %gt3A_661 : f32 to vector<16xf32>
      %gt3A_663 = arith.cmpf ogt, %add3A_660, %gt3A_662 : vector<16xf32>
      %mul3A_664 = arith.constant 2.000000e-01 : f32
      %mul3A_665 = vector.broadcast %mul3A_664 : f32 to vector<16xf32>
      %mul3A_666 = arith.mulf %add3A_660, %mul3A_665 : vector<16xf32>
      %select_n3A_667 = arith.select %gt3A_663, %add3A_660, %mul3A_666 : vector<16xi1>, vector<16xf32>
      %exp3A_668 = math.exp %select_n3A_667 : vector<16xf32>
      tpu.vector_store_idx %arg19[%add3A_604, %broadcast_in_dim3A_654], %exp3A_668 : memref<80x8xf32, #tpu.memory_space<vmem>>[vector<16xi32>, vector<16xi32>], vector<16xf32>,
      %add3A_669 = arith.constant 48 : i32
      %add3A_670 = vector.broadcast %add3A_669 : i32 to vector<16xi32>
      %add3A_671 = arith.addi %iota3A, %add3A_670 : vector<16xi32>
      %broadcast_in_dim3A_672 = arith.constant 0 : i32
      %broadcast_in_dim3A_673 = vector.broadcast %broadcast_in_dim3A_672 : i32 to vector<16xi32>
      %gather3A_674 = tpu.vector_load_idx %arg15[%add3A_671, %broadcast_in_dim3A_673] : memref<80x8xf32, #tpu.memory_space<vmem>>[vector<16xi32>, vector<16xi32>], vector<16xf32>,
      %add3A_675 = arith.constant 4 : i32
      %add3A_676 = vector.broadcast %add3A_675 : i32 to vector<16xi32>
      %add3A_677 = arith.addi %broadcast_in_dim3A_673, %add3A_676 : vector<16xi32>
      %gather3A_678 = tpu.vector_load_idx %arg17[%add3A_671, %add3A_677] : memref<80x8xf32, #tpu.memory_space<vmem>>[vector<16xi32>, vector<16xi32>], vector<16xf32>,
      %add3A_679 = arith.addf %gather3A_674, %gather3A_678 : vector<16xf32>
      %gt3A_680 = arith.constant 0.000000e+00 : f32
      %gt3A_681 = vector.broadcast %gt3A_680 : f32 to vector<16xf32>
      %gt3A_682 = arith.cmpf ogt, %add3A_679, %gt3A_681 : vector<16xf32>
      %mul3A_683 = arith.constant 2.000000e-01 : f32
      %mul3A_684 = vector.broadcast %mul3A_683 : f32 to vector<16xf32>
      %mul3A_685 = arith.mulf %add3A_679, %mul3A_684 : vector<16xf32>
      %select_n3A_686 = arith.select %gt3A_682, %add3A_679, %mul3A_685 : vector<16xi1>, vector<16xf32>
      %exp3A_687 = math.exp %select_n3A_686 : vector<16xf32>
      tpu.vector_store_idx %arg19[%add3A_671, %broadcast_in_dim3A_673], %exp3A_687 : memref<80x8xf32, #tpu.memory_space<vmem>>[vector<16xi32>, vector<16xi32>], vector<16xf32>,
      %broadcast_in_dim3A_688 = arith.constant 1 : i32
      %broadcast_in_dim3A_689 = vector.broadcast %broadcast_in_dim3A_688 : i32 to vector<16xi32>
      %gather3A_690 = tpu.vector_load_idx %arg15[%add3A_671, %broadcast_in_dim3A_689] : memref<80x8xf32, #tpu.memory_space<vmem>>[vector<16xi32>, vector<16xi32>], vector<16xf32>,
      %add3A_691 = arith.constant 4 : i32
      %add3A_692 = vector.broadcast %add3A_691 : i32 to vector<16xi32>
      %add3A_693 = arith.addi %broadcast_in_dim3A_689, %add3A_692 : vector<16xi32>
      %gather3A_694 = tpu.vector_load_idx %arg17[%add3A_671, %add3A_693] : memref<80x8xf32, #tpu.memory_space<vmem>>[vector<16xi32>, vector<16xi32>], vector<16xf32>,
      %add3A_695 = arith.addf %gather3A_690, %gather3A_694 : vector<16xf32>
      %gt3A_696 = arith.constant 0.000000e+00 : f32
      %gt3A_697 = vector.broadcast %gt3A_696 : f32 to vector<16xf32>
      %gt3A_698 = arith.cmpf ogt, %add3A_695, %gt3A_697 : vector<16xf32>
      %mul3A_699 = arith.constant 2.000000e-01 : f32
      %mul3A_700 = vector.broadcast %mul3A_699 : f32 to vector<16xf32>
      %mul3A_701 = arith.mulf %add3A_695, %mul3A_700 : vector<16xf32>
      %select_n3A_702 = arith.select %gt3A_698, %add3A_695, %mul3A_701 : vector<16xi1>, vector<16xf32>
      %exp3A_703 = math.exp %select_n3A_702 : vector<16xf32>
      tpu.vector_store_idx %arg19[%add3A_671, %broadcast_in_dim3A_689], %exp3A_703 : memref<80x8xf32, #tpu.memory_space<vmem>>[vector<16xi32>, vector<16xi32>], vector<16xf32>,
      %broadcast_in_dim3A_704 = arith.constant 2 : i32
      %broadcast_in_dim3A_705 = vector.broadcast %broadcast_in_dim3A_704 : i32 to vector<16xi32>
      %gather3A_706 = tpu.vector_load_idx %arg15[%add3A_671, %broadcast_in_dim3A_705] : memref<80x8xf32, #tpu.memory_space<vmem>>[vector<16xi32>, vector<16xi32>], vector<16xf32>,
      %add3A_707 = arith.constant 4 : i32
      %add3A_708 = vector.broadcast %add3A_707 : i32 to vector<16xi32>
      %add3A_709 = arith.addi %broadcast_in_dim3A_705, %add3A_708 : vector<16xi32>
      %gather3A_710 = tpu.vector_load_idx %arg17[%add3A_671, %add3A_709] : memref<80x8xf32, #tpu.memory_space<vmem>>[vector<16xi32>, vector<16xi32>], vector<16xf32>,
      %add3A_711 = arith.addf %gather3A_706, %gather3A_710 : vector<16xf32>
      %gt3A_712 = arith.constant 0.000000e+00 : f32
      %gt3A_713 = vector.broadcast %gt3A_712 : f32 to vector<16xf32>
      %gt3A_714 = arith.cmpf ogt, %add3A_711, %gt3A_713 : vector<16xf32>
      %mul3A_715 = arith.constant 2.000000e-01 : f32
      %mul3A_716 = vector.broadcast %mul3A_715 : f32 to vector<16xf32>
      %mul3A_717 = arith.mulf %add3A_711, %mul3A_716 : vector<16xf32>
      %select_n3A_718 = arith.select %gt3A_714, %add3A_711, %mul3A_717 : vector<16xi1>, vector<16xf32>
      %exp3A_719 = math.exp %select_n3A_718 : vector<16xf32>
      tpu.vector_store_idx %arg19[%add3A_671, %broadcast_in_dim3A_705], %exp3A_719 : memref<80x8xf32, #tpu.memory_space<vmem>>[vector<16xi32>, vector<16xi32>], vector<16xf32>,
      %broadcast_in_dim3A_720 = arith.constant 3 : i32
      %broadcast_in_dim3A_721 = vector.broadcast %broadcast_in_dim3A_720 : i32 to vector<16xi32>
      %gather3A_722 = tpu.vector_load_idx %arg15[%add3A_671, %broadcast_in_dim3A_721] : memref<80x8xf32, #tpu.memory_space<vmem>>[vector<16xi32>, vector<16xi32>], vector<16xf32>,
      %add3A_723 = arith.constant 4 : i32
      %add3A_724 = vector.broadcast %add3A_723 : i32 to vector<16xi32>
      %add3A_725 = arith.addi %broadcast_in_dim3A_721, %add3A_724 : vector<16xi32>
      %gather3A_726 = tpu.vector_load_idx %arg17[%add3A_671, %add3A_725] : memref<80x8xf32, #tpu.memory_space<vmem>>[vector<16xi32>, vector<16xi32>], vector<16xf32>,
      %add3A_727 = arith.addf %gather3A_722, %gather3A_726 : vector<16xf32>
      %gt3A_728 = arith.constant 0.000000e+00 : f32
      %gt3A_729 = vector.broadcast %gt3A_728 : f32 to vector<16xf32>
      %gt3A_730 = arith.cmpf ogt, %add3A_727, %gt3A_729 : vector<16xf32>
      %mul3A_731 = arith.constant 2.000000e-01 : f32
      %mul3A_732 = vector.broadcast %mul3A_731 : f32 to vector<16xf32>
      %mul3A_733 = arith.mulf %add3A_727, %mul3A_732 : vector<16xf32>
      %select_n3A_734 = arith.select %gt3A_730, %add3A_727, %mul3A_733 : vector<16xi1>, vector<16xf32>
      %exp3A_735 = math.exp %select_n3A_734 : vector<16xf32>
      tpu.vector_store_idx %arg19[%add3A_671, %broadcast_in_dim3A_721], %exp3A_735 : memref<80x8xf32, #tpu.memory_space<vmem>>[vector<16xi32>, vector<16xi32>], vector<16xf32>,
      %add3A_736 = arith.constant 64 : i32
      %add3A_737 = vector.broadcast %add3A_736 : i32 to vector<16xi32>
      %add3A_738 = arith.addi %iota3A, %add3A_737 : vector<16xi32>
      %broadcast_in_dim3A_739 = arith.constant 0 : i32
      %broadcast_in_dim3A_740 = vector.broadcast %broadcast_in_dim3A_739 : i32 to vector<16xi32>
      %gather3A_741 = tpu.vector_load_idx %arg15[%add3A_738, %broadcast_in_dim3A_740] : memref<80x8xf32, #tpu.memory_space<vmem>>[vector<16xi32>, vector<16xi32>], vector<16xf32>,
      %add3A_742 = arith.constant 4 : i32
      %add3A_743 = vector.broadcast %add3A_742 : i32 to vector<16xi32>
      %add3A_744 = arith.addi %broadcast_in_dim3A_740, %add3A_743 : vector<16xi32>
      %gather3A_745 = tpu.vector_load_idx %arg17[%add3A_738, %add3A_744] : memref<80x8xf32, #tpu.memory_space<vmem>>[vector<16xi32>, vector<16xi32>], vector<16xf32>,
      %add3A_746 = arith.addf %gather3A_741, %gather3A_745 : vector<16xf32>
      %gt3A_747 = arith.constant 0.000000e+00 : f32
      %gt3A_748 = vector.broadcast %gt3A_747 : f32 to vector<16xf32>
      %gt3A_749 = arith.cmpf ogt, %add3A_746, %gt3A_748 : vector<16xf32>
      %mul3A_750 = arith.constant 2.000000e-01 : f32
      %mul3A_751 = vector.broadcast %mul3A_750 : f32 to vector<16xf32>
      %mul3A_752 = arith.mulf %add3A_746, %mul3A_751 : vector<16xf32>
      %select_n3A_753 = arith.select %gt3A_749, %add3A_746, %mul3A_752 : vector<16xi1>, vector<16xf32>
      %exp3A_754 = math.exp %select_n3A_753 : vector<16xf32>
      tpu.vector_store_idx %arg19[%add3A_738, %broadcast_in_dim3A_740], %exp3A_754 : memref<80x8xf32, #tpu.memory_space<vmem>>[vector<16xi32>, vector<16xi32>], vector<16xf32>,
      %broadcast_in_dim3A_755 = arith.constant 1 : i32
      %broadcast_in_dim3A_756 = vector.broadcast %broadcast_in_dim3A_755 : i32 to vector<16xi32>
      %gather3A_757 = tpu.vector_load_idx %arg15[%add3A_738, %broadcast_in_dim3A_756] : memref<80x8xf32, #tpu.memory_space<vmem>>[vector<16xi32>, vector<16xi32>], vector<16xf32>,
      %add3A_758 = arith.constant 4 : i32
      %add3A_759 = vector.broadcast %add3A_758 : i32 to vector<16xi32>
      %add3A_760 = arith.addi %broadcast_in_dim3A_756, %add3A_759 : vector<16xi32>
      %gather3A_761 = tpu.vector_load_idx %arg17[%add3A_738, %add3A_760] : memref<80x8xf32, #tpu.memory_space<vmem>>[vector<16xi32>, vector<16xi32>], vector<16xf32>,
      %add3A_762 = arith.addf %gather3A_757, %gather3A_761 : vector<16xf32>
      %gt3A_763 = arith.constant 0.000000e+00 : f32
      %gt3A_764 = vector.broadcast %gt3A_763 : f32 to vector<16xf32>
      %gt3A_765 = arith.cmpf ogt, %add3A_762, %gt3A_764 : vector<16xf32>
      %mul3A_766 = arith.constant 2.000000e-01 : f32
      %mul3A_767 = vector.broadcast %mul3A_766 : f32 to vector<16xf32>
      %mul3A_768 = arith.mulf %add3A_762, %mul3A_767 : vector<16xf32>
      %select_n3A_769 = arith.select %gt3A_765, %add3A_762, %mul3A_768 : vector<16xi1>, vector<16xf32>
      %exp3A_770 = math.exp %select_n3A_769 : vector<16xf32>
      tpu.vector_store_idx %arg19[%add3A_738, %broadcast_in_dim3A_756], %exp3A_770 : memref<80x8xf32, #tpu.memory_space<vmem>>[vector<16xi32>, vector<16xi32>], vector<16xf32>,
      %broadcast_in_dim3A_771 = arith.constant 2 : i32
      %broadcast_in_dim3A_772 = vector.broadcast %broadcast_in_dim3A_771 : i32 to vector<16xi32>
      %gather3A_773 = tpu.vector_load_idx %arg15[%add3A_738, %broadcast_in_dim3A_772] : memref<80x8xf32, #tpu.memory_space<vmem>>[vector<16xi32>, vector<16xi32>], vector<16xf32>,
      %add3A_774 = arith.constant 4 : i32
      %add3A_775 = vector.broadcast %add3A_774 : i32 to vector<16xi32>
      %add3A_776 = arith.addi %broadcast_in_dim3A_772, %add3A_775 : vector<16xi32>
      %gather3A_777 = tpu.vector_load_idx %arg17[%add3A_738, %add3A_776] : memref<80x8xf32, #tpu.memory_space<vmem>>[vector<16xi32>, vector<16xi32>], vector<16xf32>,
      %add3A_778 = arith.addf %gather3A_773, %gather3A_777 : vector<16xf32>
      %gt3A_779 = arith.constant 0.000000e+00 : f32
      %gt3A_780 = vector.broadcast %gt3A_779 : f32 to vector<16xf32>
      %gt3A_781 = arith.cmpf ogt, %add3A_778, %gt3A_780 : vector<16xf32>
      %mul3A_782 = arith.constant 2.000000e-01 : f32
      %mul3A_783 = vector.broadcast %mul3A_782 : f32 to vector<16xf32>
      %mul3A_784 = arith.mulf %add3A_778, %mul3A_783 : vector<16xf32>
      %select_n3A_785 = arith.select %gt3A_781, %add3A_778, %mul3A_784 : vector<16xi1>, vector<16xf32>
      %exp3A_786 = math.exp %select_n3A_785 : vector<16xf32>
      tpu.vector_store_idx %arg19[%add3A_738, %broadcast_in_dim3A_772], %exp3A_786 : memref<80x8xf32, #tpu.memory_space<vmem>>[vector<16xi32>, vector<16xi32>], vector<16xf32>,
      %broadcast_in_dim3A_787 = arith.constant 3 : i32
      %broadcast_in_dim3A_788 = vector.broadcast %broadcast_in_dim3A_787 : i32 to vector<16xi32>
      %gather3A_789 = tpu.vector_load_idx %arg15[%add3A_738, %broadcast_in_dim3A_788] : memref<80x8xf32, #tpu.memory_space<vmem>>[vector<16xi32>, vector<16xi32>], vector<16xf32>,
      %add3A_790 = arith.constant 4 : i32
      %add3A_791 = vector.broadcast %add3A_790 : i32 to vector<16xi32>
      %add3A_792 = arith.addi %broadcast_in_dim3A_788, %add3A_791 : vector<16xi32>
      %gather3A_793 = tpu.vector_load_idx %arg17[%add3A_738, %add3A_792] : memref<80x8xf32, #tpu.memory_space<vmem>>[vector<16xi32>, vector<16xi32>], vector<16xf32>,
      %add3A_794 = arith.addf %gather3A_789, %gather3A_793 : vector<16xf32>
      %gt3A_795 = arith.constant 0.000000e+00 : f32
      %gt3A_796 = vector.broadcast %gt3A_795 : f32 to vector<16xf32>
      %gt3A_797 = arith.cmpf ogt, %add3A_794, %gt3A_796 : vector<16xf32>
      %mul3A_798 = arith.constant 2.000000e-01 : f32
      %mul3A_799 = vector.broadcast %mul3A_798 : f32 to vector<16xf32>
      %mul3A_800 = arith.mulf %add3A_794, %mul3A_799 : vector<16xf32>
      %select_n3A_801 = arith.select %gt3A_797, %add3A_794, %mul3A_800 : vector<16xi1>, vector<16xf32>
      %exp3A_802 = math.exp %select_n3A_801 : vector<16xf32>
      tpu.vector_store_idx %arg19[%add3A_738, %broadcast_in_dim3A_788], %exp3A_802 : memref<80x8xf32, #tpu.memory_space<vmem>>[vector<16xi32>, vector<16xi32>], vector<16xf32>,
      %dma_wait3A_803 = arith.constant 0 : i32
      %dma_wait3A_804 = arith.constant 0 : i32
      %dma_wait3A_805 = tpu.memref_slice %arg4[%dma_wait3A_803, %dma_wait3A_804] : memref<10000x8xf32, #tpu.memory_space<hbm>> -> memref<10000x8xf32, #tpu.memory_space<hbm>>
      tpu.wait_indirect_dma semaphore(%arg32 : memref<!tpu.dma_semaphore, #tpu.memory_space<semaphore_mem>>) src(%dma_wait3A_805 : memref<10000x8xf32, #tpu.memory_space<hbm>>) dst(%arg16 : memref<80x8xf32, #tpu.memory_space<vmem>>)
      %dma_wait3A_806 = arith.constant 0 : i32
      %dma_wait3A_807 = arith.constant 0 : i32
      %dma_wait3A_808 = tpu.memref_slice %arg4[%dma_wait3A_806, %dma_wait3A_807] : memref<10000x8xf32, #tpu.memory_space<hbm>> -> memref<10000x8xf32, #tpu.memory_space<hbm>>
      tpu.wait_indirect_dma semaphore(%arg33 : memref<!tpu.dma_semaphore, #tpu.memory_space<semaphore_mem>>) src(%dma_wait3A_808 : memref<10000x8xf32, #tpu.memory_space<hbm>>) dst(%arg18 : memref<80x8xf32, #tpu.memory_space<vmem>>)
      %add3A_809 = arith.constant 0 : i32
      %add3A_810 = vector.broadcast %add3A_809 : i32 to vector<16xi32>
      %add3A_811 = arith.addi %iota3A, %add3A_810 : vector<16xi32>
      %broadcast_in_dim3A_812 = arith.constant 0 : i32
      %broadcast_in_dim3A_813 = vector.broadcast %broadcast_in_dim3A_812 : i32 to vector<16xi32>
      %gather3A_814 = tpu.vector_load_idx %arg16[%add3A_811, %broadcast_in_dim3A_813] : memref<80x8xf32, #tpu.memory_space<vmem>>[vector<16xi32>, vector<16xi32>], vector<16xf32>,
      %add3A_815 = arith.constant 4 : i32
      %add3A_816 = vector.broadcast %add3A_815 : i32 to vector<16xi32>
      %add3A_817 = arith.addi %broadcast_in_dim3A_813, %add3A_816 : vector<16xi32>
      %gather3A_818 = tpu.vector_load_idx %arg18[%add3A_811, %add3A_817] : memref<80x8xf32, #tpu.memory_space<vmem>>[vector<16xi32>, vector<16xi32>], vector<16xf32>,
      %add3A_819 = arith.addf %gather3A_814, %gather3A_818 : vector<16xf32>
      %gt3A_820 = arith.constant 0.000000e+00 : f32
      %gt3A_821 = vector.broadcast %gt3A_820 : f32 to vector<16xf32>
      %gt3A_822 = arith.cmpf ogt, %add3A_819, %gt3A_821 : vector<16xf32>
      %mul3A_823 = arith.constant 2.000000e-01 : f32
      %mul3A_824 = vector.broadcast %mul3A_823 : f32 to vector<16xf32>
      %mul3A_825 = arith.mulf %add3A_819, %mul3A_824 : vector<16xf32>
      %select_n3A_826 = arith.select %gt3A_822, %add3A_819, %mul3A_825 : vector<16xi1>, vector<16xf32>
      %exp3A_827 = math.exp %select_n3A_826 : vector<16xf32>
      tpu.vector_store_idx %arg20[%add3A_811, %broadcast_in_dim3A_813], %exp3A_827 : memref<80x8xf32, #tpu.memory_space<vmem>>[vector<16xi32>, vector<16xi32>], vector<16xf32>,
      %broadcast_in_dim3A_828 = arith.constant 1 : i32
      %broadcast_in_dim3A_829 = vector.broadcast %broadcast_in_dim3A_828 : i32 to vector<16xi32>
      %gather3A_830 = tpu.vector_load_idx %arg16[%add3A_811, %broadcast_in_dim3A_829] : memref<80x8xf32, #tpu.memory_space<vmem>>[vector<16xi32>, vector<16xi32>], vector<16xf32>,
      %add3A_831 = arith.constant 4 : i32
      %add3A_832 = vector.broadcast %add3A_831 : i32 to vector<16xi32>
      %add3A_833 = arith.addi %broadcast_in_dim3A_829, %add3A_832 : vector<16xi32>
      %gather3A_834 = tpu.vector_load_idx %arg18[%add3A_811, %add3A_833] : memref<80x8xf32, #tpu.memory_space<vmem>>[vector<16xi32>, vector<16xi32>], vector<16xf32>,
      %add3A_835 = arith.addf %gather3A_830, %gather3A_834 : vector<16xf32>
      %gt3A_836 = arith.constant 0.000000e+00 : f32
      %gt3A_837 = vector.broadcast %gt3A_836 : f32 to vector<16xf32>
      %gt3A_838 = arith.cmpf ogt, %add3A_835, %gt3A_837 : vector<16xf32>
      %mul3A_839 = arith.constant 2.000000e-01 : f32
      %mul3A_840 = vector.broadcast %mul3A_839 : f32 to vector<16xf32>
      %mul3A_841 = arith.mulf %add3A_835, %mul3A_840 : vector<16xf32>
      %select_n3A_842 = arith.select %gt3A_838, %add3A_835, %mul3A_841 : vector<16xi1>, vector<16xf32>
      %exp3A_843 = math.exp %select_n3A_842 : vector<16xf32>
      tpu.vector_store_idx %arg20[%add3A_811, %broadcast_in_dim3A_829], %exp3A_843 : memref<80x8xf32, #tpu.memory_space<vmem>>[vector<16xi32>, vector<16xi32>], vector<16xf32>,
      %broadcast_in_dim3A_844 = arith.constant 2 : i32
      %broadcast_in_dim3A_845 = vector.broadcast %broadcast_in_dim3A_844 : i32 to vector<16xi32>
      %gather3A_846 = tpu.vector_load_idx %arg16[%add3A_811, %broadcast_in_dim3A_845] : memref<80x8xf32, #tpu.memory_space<vmem>>[vector<16xi32>, vector<16xi32>], vector<16xf32>,
      %add3A_847 = arith.constant 4 : i32
      %add3A_848 = vector.broadcast %add3A_847 : i32 to vector<16xi32>
      %add3A_849 = arith.addi %broadcast_in_dim3A_845, %add3A_848 : vector<16xi32>
      %gather3A_850 = tpu.vector_load_idx %arg18[%add3A_811, %add3A_849] : memref<80x8xf32, #tpu.memory_space<vmem>>[vector<16xi32>, vector<16xi32>], vector<16xf32>,
      %add3A_851 = arith.addf %gather3A_846, %gather3A_850 : vector<16xf32>
      %gt3A_852 = arith.constant 0.000000e+00 : f32
      %gt3A_853 = vector.broadcast %gt3A_852 : f32 to vector<16xf32>
      %gt3A_854 = arith.cmpf ogt, %add3A_851, %gt3A_853 : vector<16xf32>
      %mul3A_855 = arith.constant 2.000000e-01 : f32
      %mul3A_856 = vector.broadcast %mul3A_855 : f32 to vector<16xf32>
      %mul3A_857 = arith.mulf %add3A_851, %mul3A_856 : vector<16xf32>
      %select_n3A_858 = arith.select %gt3A_854, %add3A_851, %mul3A_857 : vector<16xi1>, vector<16xf32>
      %exp3A_859 = math.exp %select_n3A_858 : vector<16xf32>
      tpu.vector_store_idx %arg20[%add3A_811, %broadcast_in_dim3A_845], %exp3A_859 : memref<80x8xf32, #tpu.memory_space<vmem>>[vector<16xi32>, vector<16xi32>], vector<16xf32>,
      %broadcast_in_dim3A_860 = arith.constant 3 : i32
      %broadcast_in_dim3A_861 = vector.broadcast %broadcast_in_dim3A_860 : i32 to vector<16xi32>
      %gather3A_862 = tpu.vector_load_idx %arg16[%add3A_811, %broadcast_in_dim3A_861] : memref<80x8xf32, #tpu.memory_space<vmem>>[vector<16xi32>, vector<16xi32>], vector<16xf32>,
      %add3A_863 = arith.constant 4 : i32
      %add3A_864 = vector.broadcast %add3A_863 : i32 to vector<16xi32>
      %add3A_865 = arith.addi %broadcast_in_dim3A_861, %add3A_864 : vector<16xi32>
      %gather3A_866 = tpu.vector_load_idx %arg18[%add3A_811, %add3A_865] : memref<80x8xf32, #tpu.memory_space<vmem>>[vector<16xi32>, vector<16xi32>], vector<16xf32>,
      %add3A_867 = arith.addf %gather3A_862, %gather3A_866 : vector<16xf32>
      %gt3A_868 = arith.constant 0.000000e+00 : f32
      %gt3A_869 = vector.broadcast %gt3A_868 : f32 to vector<16xf32>
      %gt3A_870 = arith.cmpf ogt, %add3A_867, %gt3A_869 : vector<16xf32>
      %mul3A_871 = arith.constant 2.000000e-01 : f32
      %mul3A_872 = vector.broadcast %mul3A_871 : f32 to vector<16xf32>
      %mul3A_873 = arith.mulf %add3A_867, %mul3A_872 : vector<16xf32>
      %select_n3A_874 = arith.select %gt3A_870, %add3A_867, %mul3A_873 : vector<16xi1>, vector<16xf32>
      %exp3A_875 = math.exp %select_n3A_874 : vector<16xf32>
      tpu.vector_store_idx %arg20[%add3A_811, %broadcast_in_dim3A_861], %exp3A_875 : memref<80x8xf32, #tpu.memory_space<vmem>>[vector<16xi32>, vector<16xi32>], vector<16xf32>,
      %add3A_876 = arith.constant 16 : i32
      %add3A_877 = vector.broadcast %add3A_876 : i32 to vector<16xi32>
      %add3A_878 = arith.addi %iota3A, %add3A_877 : vector<16xi32>
      %broadcast_in_dim3A_879 = arith.constant 0 : i32
      %broadcast_in_dim3A_880 = vector.broadcast %broadcast_in_dim3A_879 : i32 to vector<16xi32>
      %gather3A_881 = tpu.vector_load_idx %arg16[%add3A_878, %broadcast_in_dim3A_880] : memref<80x8xf32, #tpu.memory_space<vmem>>[vector<16xi32>, vector<16xi32>], vector<16xf32>,
      %add3A_882 = arith.constant 4 : i32
      %add3A_883 = vector.broadcast %add3A_882 : i32 to vector<16xi32>
      %add3A_884 = arith.addi %broadcast_in_dim3A_880, %add3A_883 : vector<16xi32>
      %gather3A_885 = tpu.vector_load_idx %arg18[%add3A_878, %add3A_884] : memref<80x8xf32, #tpu.memory_space<vmem>>[vector<16xi32>, vector<16xi32>], vector<16xf32>,
      %add3A_886 = arith.addf %gather3A_881, %gather3A_885 : vector<16xf32>
      %gt3A_887 = arith.constant 0.000000e+00 : f32
      %gt3A_888 = vector.broadcast %gt3A_887 : f32 to vector<16xf32>
      %gt3A_889 = arith.cmpf ogt, %add3A_886, %gt3A_888 : vector<16xf32>
      %mul3A_890 = arith.constant 2.000000e-01 : f32
      %mul3A_891 = vector.broadcast %mul3A_890 : f32 to vector<16xf32>
      %mul3A_892 = arith.mulf %add3A_886, %mul3A_891 : vector<16xf32>
      %select_n3A_893 = arith.select %gt3A_889, %add3A_886, %mul3A_892 : vector<16xi1>, vector<16xf32>
      %exp3A_894 = math.exp %select_n3A_893 : vector<16xf32>
      tpu.vector_store_idx %arg20[%add3A_878, %broadcast_in_dim3A_880], %exp3A_894 : memref<80x8xf32, #tpu.memory_space<vmem>>[vector<16xi32>, vector<16xi32>], vector<16xf32>,
      %broadcast_in_dim3A_895 = arith.constant 1 : i32
      %broadcast_in_dim3A_896 = vector.broadcast %broadcast_in_dim3A_895 : i32 to vector<16xi32>
      %gather3A_897 = tpu.vector_load_idx %arg16[%add3A_878, %broadcast_in_dim3A_896] : memref<80x8xf32, #tpu.memory_space<vmem>>[vector<16xi32>, vector<16xi32>], vector<16xf32>,
      %add3A_898 = arith.constant 4 : i32
      %add3A_899 = vector.broadcast %add3A_898 : i32 to vector<16xi32>
      %add3A_900 = arith.addi %broadcast_in_dim3A_896, %add3A_899 : vector<16xi32>
      %gather3A_901 = tpu.vector_load_idx %arg18[%add3A_878, %add3A_900] : memref<80x8xf32, #tpu.memory_space<vmem>>[vector<16xi32>, vector<16xi32>], vector<16xf32>,
      %add3A_902 = arith.addf %gather3A_897, %gather3A_901 : vector<16xf32>
      %gt3A_903 = arith.constant 0.000000e+00 : f32
      %gt3A_904 = vector.broadcast %gt3A_903 : f32 to vector<16xf32>
      %gt3A_905 = arith.cmpf ogt, %add3A_902, %gt3A_904 : vector<16xf32>
      %mul3A_906 = arith.constant 2.000000e-01 : f32
      %mul3A_907 = vector.broadcast %mul3A_906 : f32 to vector<16xf32>
      %mul3A_908 = arith.mulf %add3A_902, %mul3A_907 : vector<16xf32>
      %select_n3A_909 = arith.select %gt3A_905, %add3A_902, %mul3A_908 : vector<16xi1>, vector<16xf32>
      %exp3A_910 = math.exp %select_n3A_909 : vector<16xf32>
      tpu.vector_store_idx %arg20[%add3A_878, %broadcast_in_dim3A_896], %exp3A_910 : memref<80x8xf32, #tpu.memory_space<vmem>>[vector<16xi32>, vector<16xi32>], vector<16xf32>,
      %broadcast_in_dim3A_911 = arith.constant 2 : i32
      %broadcast_in_dim3A_912 = vector.broadcast %broadcast_in_dim3A_911 : i32 to vector<16xi32>
      %gather3A_913 = tpu.vector_load_idx %arg16[%add3A_878, %broadcast_in_dim3A_912] : memref<80x8xf32, #tpu.memory_space<vmem>>[vector<16xi32>, vector<16xi32>], vector<16xf32>,
      %add3A_914 = arith.constant 4 : i32
      %add3A_915 = vector.broadcast %add3A_914 : i32 to vector<16xi32>
      %add3A_916 = arith.addi %broadcast_in_dim3A_912, %add3A_915 : vector<16xi32>
      %gather3A_917 = tpu.vector_load_idx %arg18[%add3A_878, %add3A_916] : memref<80x8xf32, #tpu.memory_space<vmem>>[vector<16xi32>, vector<16xi32>], vector<16xf32>,
      %add3A_918 = arith.addf %gather3A_913, %gather3A_917 : vector<16xf32>
      %gt3A_919 = arith.constant 0.000000e+00 : f32
      %gt3A_920 = vector.broadcast %gt3A_919 : f32 to vector<16xf32>
      %gt3A_921 = arith.cmpf ogt, %add3A_918, %gt3A_920 : vector<16xf32>
      %mul3A_922 = arith.constant 2.000000e-01 : f32
      %mul3A_923 = vector.broadcast %mul3A_922 : f32 to vector<16xf32>
      %mul3A_924 = arith.mulf %add3A_918, %mul3A_923 : vector<16xf32>
      %select_n3A_925 = arith.select %gt3A_921, %add3A_918, %mul3A_924 : vector<16xi1>, vector<16xf32>
      %exp3A_926 = math.exp %select_n3A_925 : vector<16xf32>
      tpu.vector_store_idx %arg20[%add3A_878, %broadcast_in_dim3A_912], %exp3A_926 : memref<80x8xf32, #tpu.memory_space<vmem>>[vector<16xi32>, vector<16xi32>], vector<16xf32>,
      %broadcast_in_dim3A_927 = arith.constant 3 : i32
      %broadcast_in_dim3A_928 = vector.broadcast %broadcast_in_dim3A_927 : i32 to vector<16xi32>
      %gather3A_929 = tpu.vector_load_idx %arg16[%add3A_878, %broadcast_in_dim3A_928] : memref<80x8xf32, #tpu.memory_space<vmem>>[vector<16xi32>, vector<16xi32>], vector<16xf32>,
      %add3A_930 = arith.constant 4 : i32
      %add3A_931 = vector.broadcast %add3A_930 : i32 to vector<16xi32>
      %add3A_932 = arith.addi %broadcast_in_dim3A_928, %add3A_931 : vector<16xi32>
      %gather3A_933 = tpu.vector_load_idx %arg18[%add3A_878, %add3A_932] : memref<80x8xf32, #tpu.memory_space<vmem>>[vector<16xi32>, vector<16xi32>], vector<16xf32>,
      %add3A_934 = arith.addf %gather3A_929, %gather3A_933 : vector<16xf32>
      %gt3A_935 = arith.constant 0.000000e+00 : f32
      %gt3A_936 = vector.broadcast %gt3A_935 : f32 to vector<16xf32>
      %gt3A_937 = arith.cmpf ogt, %add3A_934, %gt3A_936 : vector<16xf32>
      %mul3A_938 = arith.constant 2.000000e-01 : f32
      %mul3A_939 = vector.broadcast %mul3A_938 : f32 to vector<16xf32>
      %mul3A_940 = arith.mulf %add3A_934, %mul3A_939 : vector<16xf32>
      %select_n3A_941 = arith.select %gt3A_937, %add3A_934, %mul3A_940 : vector<16xi1>, vector<16xf32>
      %exp3A_942 = math.exp %select_n3A_941 : vector<16xf32>
      tpu.vector_store_idx %arg20[%add3A_878, %broadcast_in_dim3A_928], %exp3A_942 : memref<80x8xf32, #tpu.memory_space<vmem>>[vector<16xi32>, vector<16xi32>], vector<16xf32>,
      %add3A_943 = arith.constant 32 : i32
      %add3A_944 = vector.broadcast %add3A_943 : i32 to vector<16xi32>
      %add3A_945 = arith.addi %iota3A, %add3A_944 : vector<16xi32>
      %broadcast_in_dim3A_946 = arith.constant 0 : i32
      %broadcast_in_dim3A_947 = vector.broadcast %broadcast_in_dim3A_946 : i32 to vector<16xi32>
      %gather3A_948 = tpu.vector_load_idx %arg16[%add3A_945, %broadcast_in_dim3A_947] : memref<80x8xf32, #tpu.memory_space<vmem>>[vector<16xi32>, vector<16xi32>], vector<16xf32>,
      %add3A_949 = arith.constant 4 : i32
      %add3A_950 = vector.broadcast %add3A_949 : i32 to vector<16xi32>
      %add3A_951 = arith.addi %broadcast_in_dim3A_947, %add3A_950 : vector<16xi32>
      %gather3A_952 = tpu.vector_load_idx %arg18[%add3A_945, %add3A_951] : memref<80x8xf32, #tpu.memory_space<vmem>>[vector<16xi32>, vector<16xi32>], vector<16xf32>,
      %add3A_953 = arith.addf %gather3A_948, %gather3A_952 : vector<16xf32>
      %gt3A_954 = arith.constant 0.000000e+00 : f32
      %gt3A_955 = vector.broadcast %gt3A_954 : f32 to vector<16xf32>
      %gt3A_956 = arith.cmpf ogt, %add3A_953, %gt3A_955 : vector<16xf32>
      %mul3A_957 = arith.constant 2.000000e-01 : f32
      %mul3A_958 = vector.broadcast %mul3A_957 : f32 to vector<16xf32>
      %mul3A_959 = arith.mulf %add3A_953, %mul3A_958 : vector<16xf32>
      %select_n3A_960 = arith.select %gt3A_956, %add3A_953, %mul3A_959 : vector<16xi1>, vector<16xf32>
      %exp3A_961 = math.exp %select_n3A_960 : vector<16xf32>
      tpu.vector_store_idx %arg20[%add3A_945, %broadcast_in_dim3A_947], %exp3A_961 : memref<80x8xf32, #tpu.memory_space<vmem>>[vector<16xi32>, vector<16xi32>], vector<16xf32>,
      %broadcast_in_dim3A_962 = arith.constant 1 : i32
      %broadcast_in_dim3A_963 = vector.broadcast %broadcast_in_dim3A_962 : i32 to vector<16xi32>
      %gather3A_964 = tpu.vector_load_idx %arg16[%add3A_945, %broadcast_in_dim3A_963] : memref<80x8xf32, #tpu.memory_space<vmem>>[vector<16xi32>, vector<16xi32>], vector<16xf32>,
      %add3A_965 = arith.constant 4 : i32
      %add3A_966 = vector.broadcast %add3A_965 : i32 to vector<16xi32>
      %add3A_967 = arith.addi %broadcast_in_dim3A_963, %add3A_966 : vector<16xi32>
      %gather3A_968 = tpu.vector_load_idx %arg18[%add3A_945, %add3A_967] : memref<80x8xf32, #tpu.memory_space<vmem>>[vector<16xi32>, vector<16xi32>], vector<16xf32>,
      %add3A_969 = arith.addf %gather3A_964, %gather3A_968 : vector<16xf32>
      %gt3A_970 = arith.constant 0.000000e+00 : f32
      %gt3A_971 = vector.broadcast %gt3A_970 : f32 to vector<16xf32>
      %gt3A_972 = arith.cmpf ogt, %add3A_969, %gt3A_971 : vector<16xf32>
      %mul3A_973 = arith.constant 2.000000e-01 : f32
      %mul3A_974 = vector.broadcast %mul3A_973 : f32 to vector<16xf32>
      %mul3A_975 = arith.mulf %add3A_969, %mul3A_974 : vector<16xf32>
      %select_n3A_976 = arith.select %gt3A_972, %add3A_969, %mul3A_975 : vector<16xi1>, vector<16xf32>
      %exp3A_977 = math.exp %select_n3A_976 : vector<16xf32>
      tpu.vector_store_idx %arg20[%add3A_945, %broadcast_in_dim3A_963], %exp3A_977 : memref<80x8xf32, #tpu.memory_space<vmem>>[vector<16xi32>, vector<16xi32>], vector<16xf32>,
      %broadcast_in_dim3A_978 = arith.constant 2 : i32
      %broadcast_in_dim3A_979 = vector.broadcast %broadcast_in_dim3A_978 : i32 to vector<16xi32>
      %gather3A_980 = tpu.vector_load_idx %arg16[%add3A_945, %broadcast_in_dim3A_979] : memref<80x8xf32, #tpu.memory_space<vmem>>[vector<16xi32>, vector<16xi32>], vector<16xf32>,
      %add3A_981 = arith.constant 4 : i32
      %add3A_982 = vector.broadcast %add3A_981 : i32 to vector<16xi32>
      %add3A_983 = arith.addi %broadcast_in_dim3A_979, %add3A_982 : vector<16xi32>
      %gather3A_984 = tpu.vector_load_idx %arg18[%add3A_945, %add3A_983] : memref<80x8xf32, #tpu.memory_space<vmem>>[vector<16xi32>, vector<16xi32>], vector<16xf32>,
      %add3A_985 = arith.addf %gather3A_980, %gather3A_984 : vector<16xf32>
      %gt3A_986 = arith.constant 0.000000e+00 : f32
      %gt3A_987 = vector.broadcast %gt3A_986 : f32 to vector<16xf32>
      %gt3A_988 = arith.cmpf ogt, %add3A_985, %gt3A_987 : vector<16xf32>
      %mul3A_989 = arith.constant 2.000000e-01 : f32
      %mul3A_990 = vector.broadcast %mul3A_989 : f32 to vector<16xf32>
      %mul3A_991 = arith.mulf %add3A_985, %mul3A_990 : vector<16xf32>
      %select_n3A_992 = arith.select %gt3A_988, %add3A_985, %mul3A_991 : vector<16xi1>, vector<16xf32>
      %exp3A_993 = math.exp %select_n3A_992 : vector<16xf32>
      tpu.vector_store_idx %arg20[%add3A_945, %broadcast_in_dim3A_979], %exp3A_993 : memref<80x8xf32, #tpu.memory_space<vmem>>[vector<16xi32>, vector<16xi32>], vector<16xf32>,
      %broadcast_in_dim3A_994 = arith.constant 3 : i32
      %broadcast_in_dim3A_995 = vector.broadcast %broadcast_in_dim3A_994 : i32 to vector<16xi32>
      %gather3A_996 = tpu.vector_load_idx %arg16[%add3A_945, %broadcast_in_dim3A_995] : memref<80x8xf32, #tpu.memory_space<vmem>>[vector<16xi32>, vector<16xi32>], vector<16xf32>,
      %add3A_997 = arith.constant 4 : i32
      %add3A_998 = vector.broadcast %add3A_997 : i32 to vector<16xi32>
      %add3A_999 = arith.addi %broadcast_in_dim3A_995, %add3A_998 : vector<16xi32>
      %gather3A_1000 = tpu.vector_load_idx %arg18[%add3A_945, %add3A_999] : memref<80x8xf32, #tpu.memory_space<vmem>>[vector<16xi32>, vector<16xi32>], vector<16xf32>,
      %add3A_1001 = arith.addf %gather3A_996, %gather3A_1000 : vector<16xf32>
      %gt3A_1002 = arith.constant 0.000000e+00 : f32
      %gt3A_1003 = vector.broadcast %gt3A_1002 : f32 to vector<16xf32>
      %gt3A_1004 = arith.cmpf ogt, %add3A_1001, %gt3A_1003 : vector<16xf32>
      %mul3A_1005 = arith.constant 2.000000e-01 : f32
      %mul3A_1006 = vector.broadcast %mul3A_1005 : f32 to vector<16xf32>
      %mul3A_1007 = arith.mulf %add3A_1001, %mul3A_1006 : vector<16xf32>
      %select_n3A_1008 = arith.select %gt3A_1004, %add3A_1001, %mul3A_1007 : vector<16xi1>, vector<16xf32>
      %exp3A_1009 = math.exp %select_n3A_1008 : vector<16xf32>
      tpu.vector_store_idx %arg20[%add3A_945, %broadcast_in_dim3A_995], %exp3A_1009 : memref<80x8xf32, #tpu.memory_space<vmem>>[vector<16xi32>, vector<16xi32>], vector<16xf32>,
      %add3A_1010 = arith.constant 48 : i32
      %add3A_1011 = vector.broadcast %add3A_1010 : i32 to vector<16xi32>
      %add3A_1012 = arith.addi %iota3A, %add3A_1011 : vector<16xi32>
      %broadcast_in_dim3A_1013 = arith.constant 0 : i32
      %broadcast_in_dim3A_1014 = vector.broadcast %broadcast_in_dim3A_1013 : i32 to vector<16xi32>
      %gather3A_1015 = tpu.vector_load_idx %arg16[%add3A_1012, %broadcast_in_dim3A_1014] : memref<80x8xf32, #tpu.memory_space<vmem>>[vector<16xi32>, vector<16xi32>], vector<16xf32>,
      %add3A_1016 = arith.constant 4 : i32
      %add3A_1017 = vector.broadcast %add3A_1016 : i32 to vector<16xi32>
      %add3A_1018 = arith.addi %broadcast_in_dim3A_1014, %add3A_1017 : vector<16xi32>
      %gather3A_1019 = tpu.vector_load_idx %arg18[%add3A_1012, %add3A_1018] : memref<80x8xf32, #tpu.memory_space<vmem>>[vector<16xi32>, vector<16xi32>], vector<16xf32>,
      %add3A_1020 = arith.addf %gather3A_1015, %gather3A_1019 : vector<16xf32>
      %gt3A_1021 = arith.constant 0.000000e+00 : f32
      %gt3A_1022 = vector.broadcast %gt3A_1021 : f32 to vector<16xf32>
      %gt3A_1023 = arith.cmpf ogt, %add3A_1020, %gt3A_1022 : vector<16xf32>
      %mul3A_1024 = arith.constant 2.000000e-01 : f32
      %mul3A_1025 = vector.broadcast %mul3A_1024 : f32 to vector<16xf32>
      %mul3A_1026 = arith.mulf %add3A_1020, %mul3A_1025 : vector<16xf32>
      %select_n3A_1027 = arith.select %gt3A_1023, %add3A_1020, %mul3A_1026 : vector<16xi1>, vector<16xf32>
      %exp3A_1028 = math.exp %select_n3A_1027 : vector<16xf32>
      tpu.vector_store_idx %arg20[%add3A_1012, %broadcast_in_dim3A_1014], %exp3A_1028 : memref<80x8xf32, #tpu.memory_space<vmem>>[vector<16xi32>, vector<16xi32>], vector<16xf32>,
      %broadcast_in_dim3A_1029 = arith.constant 1 : i32
      %broadcast_in_dim3A_1030 = vector.broadcast %broadcast_in_dim3A_1029 : i32 to vector<16xi32>
      %gather3A_1031 = tpu.vector_load_idx %arg16[%add3A_1012, %broadcast_in_dim3A_1030] : memref<80x8xf32, #tpu.memory_space<vmem>>[vector<16xi32>, vector<16xi32>], vector<16xf32>,
      %add3A_1032 = arith.constant 4 : i32
      %add3A_1033 = vector.broadcast %add3A_1032 : i32 to vector<16xi32>
      %add3A_1034 = arith.addi %broadcast_in_dim3A_1030, %add3A_1033 : vector<16xi32>
      %gather3A_1035 = tpu.vector_load_idx %arg18[%add3A_1012, %add3A_1034] : memref<80x8xf32, #tpu.memory_space<vmem>>[vector<16xi32>, vector<16xi32>], vector<16xf32>,
      %add3A_1036 = arith.addf %gather3A_1031, %gather3A_1035 : vector<16xf32>
      %gt3A_1037 = arith.constant 0.000000e+00 : f32
      %gt3A_1038 = vector.broadcast %gt3A_1037 : f32 to vector<16xf32>
      %gt3A_1039 = arith.cmpf ogt, %add3A_1036, %gt3A_1038 : vector<16xf32>
      %mul3A_1040 = arith.constant 2.000000e-01 : f32
      %mul3A_1041 = vector.broadcast %mul3A_1040 : f32 to vector<16xf32>
      %mul3A_1042 = arith.mulf %add3A_1036, %mul3A_1041 : vector<16xf32>
      %select_n3A_1043 = arith.select %gt3A_1039, %add3A_1036, %mul3A_1042 : vector<16xi1>, vector<16xf32>
      %exp3A_1044 = math.exp %select_n3A_1043 : vector<16xf32>
      tpu.vector_store_idx %arg20[%add3A_1012, %broadcast_in_dim3A_1030], %exp3A_1044 : memref<80x8xf32, #tpu.memory_space<vmem>>[vector<16xi32>, vector<16xi32>], vector<16xf32>,
      %broadcast_in_dim3A_1045 = arith.constant 2 : i32
      %broadcast_in_dim3A_1046 = vector.broadcast %broadcast_in_dim3A_1045 : i32 to vector<16xi32>
      %gather3A_1047 = tpu.vector_load_idx %arg16[%add3A_1012, %broadcast_in_dim3A_1046] : memref<80x8xf32, #tpu.memory_space<vmem>>[vector<16xi32>, vector<16xi32>], vector<16xf32>,
      %add3A_1048 = arith.constant 4 : i32
      %add3A_1049 = vector.broadcast %add3A_1048 : i32 to vector<16xi32>
      %add3A_1050 = arith.addi %broadcast_in_dim3A_1046, %add3A_1049 : vector<16xi32>
      %gather3A_1051 = tpu.vector_load_idx %arg18[%add3A_1012, %add3A_1050] : memref<80x8xf32, #tpu.memory_space<vmem>>[vector<16xi32>, vector<16xi32>], vector<16xf32>,
      %add3A_1052 = arith.addf %gather3A_1047, %gather3A_1051 : vector<16xf32>
      %gt3A_1053 = arith.constant 0.000000e+00 : f32
      %gt3A_1054 = vector.broadcast %gt3A_1053 : f32 to vector<16xf32>
      %gt3A_1055 = arith.cmpf ogt, %add3A_1052, %gt3A_1054 : vector<16xf32>
      %mul3A_1056 = arith.constant 2.000000e-01 : f32
      %mul3A_1057 = vector.broadcast %mul3A_1056 : f32 to vector<16xf32>
      %mul3A_1058 = arith.mulf %add3A_1052, %mul3A_1057 : vector<16xf32>
      %select_n3A_1059 = arith.select %gt3A_1055, %add3A_1052, %mul3A_1058 : vector<16xi1>, vector<16xf32>
      %exp3A_1060 = math.exp %select_n3A_1059 : vector<16xf32>
      tpu.vector_store_idx %arg20[%add3A_1012, %broadcast_in_dim3A_1046], %exp3A_1060 : memref<80x8xf32, #tpu.memory_space<vmem>>[vector<16xi32>, vector<16xi32>], vector<16xf32>,
      %broadcast_in_dim3A_1061 = arith.constant 3 : i32
      %broadcast_in_dim3A_1062 = vector.broadcast %broadcast_in_dim3A_1061 : i32 to vector<16xi32>
      %gather3A_1063 = tpu.vector_load_idx %arg16[%add3A_1012, %broadcast_in_dim3A_1062] : memref<80x8xf32, #tpu.memory_space<vmem>>[vector<16xi32>, vector<16xi32>], vector<16xf32>,
      %add3A_1064 = arith.constant 4 : i32
      %add3A_1065 = vector.broadcast %add3A_1064 : i32 to vector<16xi32>
      %add3A_1066 = arith.addi %broadcast_in_dim3A_1062, %add3A_1065 : vector<16xi32>
      %gather3A_1067 = tpu.vector_load_idx %arg18[%add3A_1012, %add3A_1066] : memref<80x8xf32, #tpu.memory_space<vmem>>[vector<16xi32>, vector<16xi32>], vector<16xf32>,
      %add3A_1068 = arith.addf %gather3A_1063, %gather3A_1067 : vector<16xf32>
      %gt3A_1069 = arith.constant 0.000000e+00 : f32
      %gt3A_1070 = vector.broadcast %gt3A_1069 : f32 to vector<16xf32>
      %gt3A_1071 = arith.cmpf ogt, %add3A_1068, %gt3A_1070 : vector<16xf32>
      %mul3A_1072 = arith.constant 2.000000e-01 : f32
      %mul3A_1073 = vector.broadcast %mul3A_1072 : f32 to vector<16xf32>
      %mul3A_1074 = arith.mulf %add3A_1068, %mul3A_1073 : vector<16xf32>
      %select_n3A_1075 = arith.select %gt3A_1071, %add3A_1068, %mul3A_1074 : vector<16xi1>, vector<16xf32>
      %exp3A_1076 = math.exp %select_n3A_1075 : vector<16xf32>
      tpu.vector_store_idx %arg20[%add3A_1012, %broadcast_in_dim3A_1062], %exp3A_1076 : memref<80x8xf32, #tpu.memory_space<vmem>>[vector<16xi32>, vector<16xi32>], vector<16xf32>,
      %add3A_1077 = arith.constant 64 : i32
      %add3A_1078 = vector.broadcast %add3A_1077 : i32 to vector<16xi32>
      %add3A_1079 = arith.addi %iota3A, %add3A_1078 : vector<16xi32>
      %broadcast_in_dim3A_1080 = arith.constant 0 : i32
      %broadcast_in_dim3A_1081 = vector.broadcast %broadcast_in_dim3A_1080 : i32 to vector<16xi32>
      %gather3A_1082 = tpu.vector_load_idx %arg16[%add3A_1079, %broadcast_in_dim3A_1081] : memref<80x8xf32, #tpu.memory_space<vmem>>[vector<16xi32>, vector<16xi32>], vector<16xf32>,
      %add3A_1083 = arith.constant 4 : i32
      %add3A_1084 = vector.broadcast %add3A_1083 : i32 to vector<16xi32>
      %add3A_1085 = arith.addi %broadcast_in_dim3A_1081, %add3A_1084 : vector<16xi32>
      %gather3A_1086 = tpu.vector_load_idx %arg18[%add3A_1079, %add3A_1085] : memref<80x8xf32, #tpu.memory_space<vmem>>[vector<16xi32>, vector<16xi32>], vector<16xf32>,
      %add3A_1087 = arith.addf %gather3A_1082, %gather3A_1086 : vector<16xf32>
      %gt3A_1088 = arith.constant 0.000000e+00 : f32
      %gt3A_1089 = vector.broadcast %gt3A_1088 : f32 to vector<16xf32>
      %gt3A_1090 = arith.cmpf ogt, %add3A_1087, %gt3A_1089 : vector<16xf32>
      %mul3A_1091 = arith.constant 2.000000e-01 : f32
      %mul3A_1092 = vector.broadcast %mul3A_1091 : f32 to vector<16xf32>
      %mul3A_1093 = arith.mulf %add3A_1087, %mul3A_1092 : vector<16xf32>
      %select_n3A_1094 = arith.select %gt3A_1090, %add3A_1087, %mul3A_1093 : vector<16xi1>, vector<16xf32>
      %exp3A_1095 = math.exp %select_n3A_1094 : vector<16xf32>
      tpu.vector_store_idx %arg20[%add3A_1079, %broadcast_in_dim3A_1081], %exp3A_1095 : memref<80x8xf32, #tpu.memory_space<vmem>>[vector<16xi32>, vector<16xi32>], vector<16xf32>,
      %broadcast_in_dim3A_1096 = arith.constant 1 : i32
      %broadcast_in_dim3A_1097 = vector.broadcast %broadcast_in_dim3A_1096 : i32 to vector<16xi32>
      %gather3A_1098 = tpu.vector_load_idx %arg16[%add3A_1079, %broadcast_in_dim3A_1097] : memref<80x8xf32, #tpu.memory_space<vmem>>[vector<16xi32>, vector<16xi32>], vector<16xf32>,
      %add3A_1099 = arith.constant 4 : i32
      %add3A_1100 = vector.broadcast %add3A_1099 : i32 to vector<16xi32>
      %add3A_1101 = arith.addi %broadcast_in_dim3A_1097, %add3A_1100 : vector<16xi32>
      %gather3A_1102 = tpu.vector_load_idx %arg18[%add3A_1079, %add3A_1101] : memref<80x8xf32, #tpu.memory_space<vmem>>[vector<16xi32>, vector<16xi32>], vector<16xf32>,
      %add3A_1103 = arith.addf %gather3A_1098, %gather3A_1102 : vector<16xf32>
      %gt3A_1104 = arith.constant 0.000000e+00 : f32
      %gt3A_1105 = vector.broadcast %gt3A_1104 : f32 to vector<16xf32>
      %gt3A_1106 = arith.cmpf ogt, %add3A_1103, %gt3A_1105 : vector<16xf32>
      %mul3A_1107 = arith.constant 2.000000e-01 : f32
      %mul3A_1108 = vector.broadcast %mul3A_1107 : f32 to vector<16xf32>
      %mul3A_1109 = arith.mulf %add3A_1103, %mul3A_1108 : vector<16xf32>
      %select_n3A_1110 = arith.select %gt3A_1106, %add3A_1103, %mul3A_1109 : vector<16xi1>, vector<16xf32>
      %exp3A_1111 = math.exp %select_n3A_1110 : vector<16xf32>
      tpu.vector_store_idx %arg20[%add3A_1079, %broadcast_in_dim3A_1097], %exp3A_1111 : memref<80x8xf32, #tpu.memory_space<vmem>>[vector<16xi32>, vector<16xi32>], vector<16xf32>,
      %broadcast_in_dim3A_1112 = arith.constant 2 : i32
      %broadcast_in_dim3A_1113 = vector.broadcast %broadcast_in_dim3A_1112 : i32 to vector<16xi32>
      %gather3A_1114 = tpu.vector_load_idx %arg16[%add3A_1079, %broadcast_in_dim3A_1113] : memref<80x8xf32, #tpu.memory_space<vmem>>[vector<16xi32>, vector<16xi32>], vector<16xf32>,
      %add3A_1115 = arith.constant 4 : i32
      %add3A_1116 = vector.broadcast %add3A_1115 : i32 to vector<16xi32>
      %add3A_1117 = arith.addi %broadcast_in_dim3A_1113, %add3A_1116 : vector<16xi32>
      %gather3A_1118 = tpu.vector_load_idx %arg18[%add3A_1079, %add3A_1117] : memref<80x8xf32, #tpu.memory_space<vmem>>[vector<16xi32>, vector<16xi32>], vector<16xf32>,
      %add3A_1119 = arith.addf %gather3A_1114, %gather3A_1118 : vector<16xf32>
      %gt3A_1120 = arith.constant 0.000000e+00 : f32
      %gt3A_1121 = vector.broadcast %gt3A_1120 : f32 to vector<16xf32>
      %gt3A_1122 = arith.cmpf ogt, %add3A_1119, %gt3A_1121 : vector<16xf32>
      %mul3A_1123 = arith.constant 2.000000e-01 : f32
      %mul3A_1124 = vector.broadcast %mul3A_1123 : f32 to vector<16xf32>
      %mul3A_1125 = arith.mulf %add3A_1119, %mul3A_1124 : vector<16xf32>
      %select_n3A_1126 = arith.select %gt3A_1122, %add3A_1119, %mul3A_1125 : vector<16xi1>, vector<16xf32>
      %exp3A_1127 = math.exp %select_n3A_1126 : vector<16xf32>
      tpu.vector_store_idx %arg20[%add3A_1079, %broadcast_in_dim3A_1113], %exp3A_1127 : memref<80x8xf32, #tpu.memory_space<vmem>>[vector<16xi32>, vector<16xi32>], vector<16xf32>,
      %broadcast_in_dim3A_1128 = arith.constant 3 : i32
      %broadcast_in_dim3A_1129 = vector.broadcast %broadcast_in_dim3A_1128 : i32 to vector<16xi32>
      %gather3A_1130 = tpu.vector_load_idx %arg16[%add3A_1079, %broadcast_in_dim3A_1129] : memref<80x8xf32, #tpu.memory_space<vmem>>[vector<16xi32>, vector<16xi32>], vector<16xf32>,
      %add3A_1131 = arith.constant 4 : i32
      %add3A_1132 = vector.broadcast %add3A_1131 : i32 to vector<16xi32>
      %add3A_1133 = arith.addi %broadcast_in_dim3A_1129, %add3A_1132 : vector<16xi32>
      %gather3A_1134 = tpu.vector_load_idx %arg18[%add3A_1079, %add3A_1133] : memref<80x8xf32, #tpu.memory_space<vmem>>[vector<16xi32>, vector<16xi32>], vector<16xf32>,
      %add3A_1135 = arith.addf %gather3A_1130, %gather3A_1134 : vector<16xf32>
      %gt3A_1136 = arith.constant 0.000000e+00 : f32
      %gt3A_1137 = vector.broadcast %gt3A_1136 : f32 to vector<16xf32>
      %gt3A_1138 = arith.cmpf ogt, %add3A_1135, %gt3A_1137 : vector<16xf32>
      %mul3A_1139 = arith.constant 2.000000e-01 : f32
      %mul3A_1140 = vector.broadcast %mul3A_1139 : f32 to vector<16xf32>
      %mul3A_1141 = arith.mulf %add3A_1135, %mul3A_1140 : vector<16xf32>
      %select_n3A_1142 = arith.select %gt3A_1138, %add3A_1135, %mul3A_1141 : vector<16xi1>, vector<16xf32>
      %exp3A_1143 = math.exp %select_n3A_1142 : vector<16xf32>
      tpu.vector_store_idx %arg20[%add3A_1079, %broadcast_in_dim3A_1129], %exp3A_1143 : memref<80x8xf32, #tpu.memory_space<vmem>>[vector<16xi32>, vector<16xi32>], vector<16xf32>,
      %dma_start3A_1144 = arith.constant 0 : i32
      %dma_start3A_1145 = arith.constant 0 : i32
      %dma_start3A_1146 = tpu.memref_slice %arg28[%dma_start3A_1144, %dma_start3A_1145] : memref<10240x8xf32, #tpu.memory_space<vmem_shared>> -> memref<10240x8xf32, #tpu.memory_space<vmem_shared>>
      tpu.enqueue_indirect_dma source(%arg19 : memref<80x8xf32, #tpu.memory_space<vmem>>) target(%dma_start3A_1146 : memref<10240x8xf32, #tpu.memory_space<vmem_shared>>) offsets(%arg11 : memref<80xi32, #tpu.memory_space<vmem>>) semaphore(%arg30 : memref<!tpu.dma_semaphore, #tpu.memory_space<semaphore_mem>>) {add = true}
      %dma_start3A_1147 = arith.constant 0 : i32
      %dma_start3A_1148 = arith.constant 0 : i32
      %dma_start3A_1149 = tpu.memref_slice %arg28[%dma_start3A_1147, %dma_start3A_1148] : memref<10240x8xf32, #tpu.memory_space<vmem_shared>> -> memref<10240x8xf32, #tpu.memory_space<vmem_shared>>
      tpu.enqueue_indirect_dma source(%arg20 : memref<80x8xf32, #tpu.memory_space<vmem>>) target(%dma_start3A_1149 : memref<10240x8xf32, #tpu.memory_space<vmem_shared>>) offsets(%arg12 : memref<80xi32, #tpu.memory_space<vmem>>) semaphore(%arg31 : memref<!tpu.dma_semaphore, #tpu.memory_space<semaphore_mem>>) {add = true}
      %dma_start3A_1150 = arith.constant 0 : i32
      %dma_start3A_1151 = tpu.memref_slice %arg7[%add3A_437, %dma_start3A_1150] : memref<320000x8xf32, #tpu.memory_space<hbm>> -> memref<80x8xf32, #tpu.memory_space<hbm>>
      %dma_start3A_1152 = arith.constant 0 : i32
      %dma_start3A_1153 = tpu.memref_slice %arg7[%add3A_437, %dma_start3A_1152] : memref<320000x8xf32, #tpu.memory_space<hbm>> -> memref<80x8xf32, #tpu.memory_space<hbm>>
      tpu.enqueue_dma source(%arg19 : memref<80x8xf32, #tpu.memory_space<vmem>>) target(%dma_start3A_1153 : memref<80x8xf32, #tpu.memory_space<hbm>>) target_semaphore(%arg32 : memref<!tpu.dma_semaphore, #tpu.memory_space<semaphore_mem>>)
      %dma_start3A_1154 = arith.constant 0 : i32
      %dma_start3A_1155 = tpu.memref_slice %arg7[%add3A_439, %dma_start3A_1154] : memref<320000x8xf32, #tpu.memory_space<hbm>> -> memref<80x8xf32, #tpu.memory_space<hbm>>
      %dma_start3A_1156 = arith.constant 0 : i32
      %dma_start3A_1157 = tpu.memref_slice %arg7[%add3A_439, %dma_start3A_1156] : memref<320000x8xf32, #tpu.memory_space<hbm>> -> memref<80x8xf32, #tpu.memory_space<hbm>>
      tpu.enqueue_dma source(%arg20 : memref<80x8xf32, #tpu.memory_space<vmem>>) target(%dma_start3A_1157 : memref<80x8xf32, #tpu.memory_space<hbm>>) target_semaphore(%arg33 : memref<!tpu.dma_semaphore, #tpu.memory_space<semaphore_mem>>)
      %dma_wait3A_1158 = arith.constant 0 : i32
      %dma_wait3A_1159 = arith.constant 0 : i32
      %dma_wait3A_1160 = tpu.memref_slice %arg28[%dma_wait3A_1158, %dma_wait3A_1159] : memref<10240x8xf32, #tpu.memory_space<vmem_shared>> -> memref<10240x8xf32, #tpu.memory_space<vmem_shared>>
      tpu.wait_indirect_dma semaphore(%arg30 : memref<!tpu.dma_semaphore, #tpu.memory_space<semaphore_mem>>) src(%arg19 : memref<80x8xf32, #tpu.memory_space<vmem>>) dst(%dma_wait3A_1160 : memref<10240x8xf32, #tpu.memory_space<vmem_shared>>)
      %dma_wait3A_1161 = arith.constant 0 : i32
      %dma_wait3A_1162 = arith.constant 0 : i32
      %dma_wait3A_1163 = tpu.memref_slice %arg28[%dma_wait3A_1161, %dma_wait3A_1162] : memref<10240x8xf32, #tpu.memory_space<vmem_shared>> -> memref<10240x8xf32, #tpu.memory_space<vmem_shared>>
      tpu.wait_indirect_dma semaphore(%arg31 : memref<!tpu.dma_semaphore, #tpu.memory_space<semaphore_mem>>) src(%arg20 : memref<80x8xf32, #tpu.memory_space<vmem>>) dst(%dma_wait3A_1163 : memref<10240x8xf32, #tpu.memory_space<vmem_shared>>)
      %dma_wait3A_1164 = arith.constant 0 : i32
      %dma_wait3A_1165 = tpu.memref_slice %arg7[%add3A_437, %dma_wait3A_1164] : memref<320000x8xf32, #tpu.memory_space<hbm>> -> memref<80x8xf32, #tpu.memory_space<hbm>>
      %dma_wait3A_1166 = arith.constant 0 : i32
      %dma_wait3A_1167 = tpu.memref_slice %arg7[%add3A_437, %dma_wait3A_1166] : memref<320000x8xf32, #tpu.memory_space<hbm>> -> memref<80x8xf32, #tpu.memory_space<hbm>>
      tpu.wait_dma2 semaphore(%arg32 : memref<!tpu.dma_semaphore, #tpu.memory_space<semaphore_mem>>) src(%arg19 : memref<80x8xf32, #tpu.memory_space<vmem>>) dst(%dma_wait3A_1167 : memref<80x8xf32, #tpu.memory_space<hbm>>)
      %dma_wait3A_1168 = arith.constant 0 : i32
      %dma_wait3A_1169 = tpu.memref_slice %arg7[%add3A_439, %dma_wait3A_1168] : memref<320000x8xf32, #tpu.memory_space<hbm>> -> memref<80x8xf32, #tpu.memory_space<hbm>>
      %dma_wait3A_1170 = arith.constant 0 : i32
      %dma_wait3A_1171 = tpu.memref_slice %arg7[%add3A_439, %dma_wait3A_1170] : memref<320000x8xf32, #tpu.memory_space<hbm>> -> memref<80x8xf32, #tpu.memory_space<hbm>>
      tpu.wait_dma2 semaphore(%arg33 : memref<!tpu.dma_semaphore, #tpu.memory_space<semaphore_mem>>) src(%arg20 : memref<80x8xf32, #tpu.memory_space<vmem>>) dst(%dma_wait3A_1171 : memref<80x8xf32, #tpu.memory_space<hbm>>)
    }
    %scan3A_404 = arith.constant 125 : i32
    %barrier3A_405 = arith.constant 0 : index
    tpu.barrier barrier_id(%barrier3A_405)
    %mul3A_406 = arith.constant 640 : i32
    %mul3A_407 = arith.muli %arg1, %mul3A_406 : i32
    %mul3A_408 = arith.constant 10240 : i32
    %mul3A_409 = arith.muli %arg0, %mul3A_408 : i32
    %mul3A_410 = arith.constant 640 : i32
    %mul3A_411 = arith.muli %arg1, %mul3A_410 : i32
    %add3A_412 = arith.addi %mul3A_409, %mul3A_411 : i32
    "tpu.region"() ({
      %run_scoped3A = tpu.sem_alloc : memref<!tpu.dma_semaphore, #tpu.memory_space<semaphore_mem>>
      %dma_start3A = arith.constant 0 : i32
      %dma_start3A_428 = tpu.memref_slice %arg8[%add3A_412, %dma_start3A] : memref<20480x8xf32, #tpu.memory_space<hbm>> -> memref<640x8xf32, #tpu.memory_space<hbm>>
      %dma_start3A_429 = arith.constant 0 : i32
      %dma_start3A_430 = tpu.memref_slice %arg28[%mul3A_407, %dma_start3A_429] : memref<10240x8xf32, #tpu.memory_space<vmem_shared>> -> memref<640x8xf32, #tpu.memory_space<vmem_shared>>
      tpu.enqueue_dma source(%dma_start3A_430 : memref<640x8xf32, #tpu.memory_space<vmem_shared>>) target(%dma_start3A_428 : memref<640x8xf32, #tpu.memory_space<hbm>>) target_semaphore(%run_scoped3A : memref<!tpu.dma_semaphore, #tpu.memory_space<semaphore_mem>>)
      %dma_wait3A = arith.constant 0 : i32
      %dma_wait3A_431 = tpu.memref_slice %arg8[%add3A_412, %dma_wait3A] : memref<20480x8xf32, #tpu.memory_space<hbm>> -> memref<640x8xf32, #tpu.memory_space<hbm>>
      %dma_wait3A_432 = arith.constant 0 : i32
      %dma_wait3A_433 = tpu.memref_slice %arg28[%mul3A_407, %dma_wait3A_432] : memref<10240x8xf32, #tpu.memory_space<vmem_shared>> -> memref<640x8xf32, #tpu.memory_space<vmem_shared>>
      tpu.wait_dma2 semaphore(%run_scoped3A : memref<!tpu.dma_semaphore, #tpu.memory_space<semaphore_mem>>) src(%dma_wait3A_433 : memref<640x8xf32, #tpu.memory_space<vmem_shared>>) dst(%dma_wait3A_431 : memref<640x8xf32, #tpu.memory_space<hbm>>)
      tpu.yield
    }) : () -> ()
    %barrier3A_413 = arith.constant 0 : index
    tpu.barrier barrier_id(%barrier3A_413)
    %mul3A_414 = arith.constant 10000 : i32
    %mul3A_415 = arith.muli %add3A, %mul3A_414 : i32
    %mul3A_416 = arith.constant 10240 : i32
    %mul3A_417 = arith.muli %arg0, %mul3A_416 : i32
    %scan3A_418 = arith.constant 0 : i32
    %scan3A_419 = arith.constant 125 : i32
    %scan3A_420 = arith.addi %scan3A_418, %scan3A_419 : i32
    %scan3A_421 = arith.constant 1 : i32
    scf.for %scan3A_428 = %scan3A_418 to %scan3A_420 step %scan3A_421  : i32 {
      %mul3A_429 = arith.constant 1 : i32
      %mul3A_430 = arith.muli %scan3A_428, %mul3A_429 : i32
      %add3A_431 = arith.constant 0 : i32
      %add3A_432 = arith.addi %add3A_431, %mul3A_430 : i32
      %mul3A_433 = arith.constant 80 : i32
      %mul3A_434 = arith.muli %add3A_432, %mul3A_433 : i32
      %add3A_435 = arith.addi %mul3A_415, %mul3A_434 : i32
      %dma_start3A = tpu.memref_slice %arg2[%add3A_435] : memref<320000xi32, #tpu.memory_space<hbm>> -> memref<80xi32, #tpu.memory_space<hbm>>
      %dma_start3A_436 = tpu.memref_slice %arg2[%add3A_435] : memref<320000xi32, #tpu.memory_space<hbm>> -> memref<80xi32, #tpu.memory_space<hbm>>
      tpu.enqueue_dma source(%dma_start3A_436 : memref<80xi32, #tpu.memory_space<hbm>>) target(%arg9 : memref<80xi32, #tpu.memory_space<vmem>>) target_semaphore(%arg30 : memref<!tpu.dma_semaphore, #tpu.memory_space<semaphore_mem>>)
      %dma_start3A_437 = tpu.memref_slice %arg3[%add3A_435] : memref<320000xi32, #tpu.memory_space<hbm>> -> memref<80xi32, #tpu.memory_space<hbm>>
      %dma_start3A_438 = tpu.memref_slice %arg3[%add3A_435] : memref<320000xi32, #tpu.memory_space<hbm>> -> memref<80xi32, #tpu.memory_space<hbm>>
      tpu.enqueue_dma source(%dma_start3A_438 : memref<80xi32, #tpu.memory_space<hbm>>) target(%arg11 : memref<80xi32, #tpu.memory_space<vmem>>) target_semaphore(%arg31 : memref<!tpu.dma_semaphore, #tpu.memory_space<semaphore_mem>>)
      %dma_start3A_439 = arith.constant 0 : i32
      %dma_start3A_440 = tpu.memref_slice %arg7[%add3A_435, %dma_start3A_439] : memref<320000x8xf32, #tpu.memory_space<hbm>> -> memref<80x8xf32, #tpu.memory_space<hbm>>
      %dma_start3A_441 = arith.constant 0 : i32
      %dma_start3A_442 = tpu.memref_slice %arg7[%add3A_435, %dma_start3A_441] : memref<320000x8xf32, #tpu.memory_space<hbm>> -> memref<80x8xf32, #tpu.memory_space<hbm>>
      tpu.enqueue_dma source(%dma_start3A_442 : memref<80x8xf32, #tpu.memory_space<hbm>>) target(%arg19 : memref<80x8xf32, #tpu.memory_space<vmem>>) target_semaphore(%arg32 : memref<!tpu.dma_semaphore, #tpu.memory_space<semaphore_mem>>)
      %dma_wait3A = tpu.memref_slice %arg2[%add3A_435] : memref<320000xi32, #tpu.memory_space<hbm>> -> memref<80xi32, #tpu.memory_space<hbm>>
      %dma_wait3A_443 = tpu.memref_slice %arg2[%add3A_435] : memref<320000xi32, #tpu.memory_space<hbm>> -> memref<80xi32, #tpu.memory_space<hbm>>
      tpu.wait_dma2 semaphore(%arg30 : memref<!tpu.dma_semaphore, #tpu.memory_space<semaphore_mem>>) src(%dma_wait3A_443 : memref<80xi32, #tpu.memory_space<hbm>>) dst(%arg9 : memref<80xi32, #tpu.memory_space<vmem>>)
      %dma_start3A_444 = arith.constant 0 : i32
      %dma_start3A_445 = tpu.memref_slice %arg9[%dma_start3A_444] : memref<80xi32, #tpu.memory_space<vmem>> -> memref<16xi32, #tpu.memory_space<vmem>>
      %dma_start3A_446 = arith.constant 0 : i32
      %dma_start3A_447 = arith.constant 0 : i32
      %dma_start3A_448 = tpu.memref_slice %arg5[%dma_start3A_446, %dma_start3A_447] : memref<10000x512xf32, #tpu.memory_space<hbm>> -> memref<10000x512xf32, #tpu.memory_space<hbm>>
      tpu.enqueue_indirect_dma source(%dma_start3A_448 : memref<10000x512xf32, #tpu.memory_space<hbm>>) target(%arg25 : memref<16x512xf32, #tpu.memory_space<vmem>>) offsets(%dma_start3A_445 : memref<16xi32, #tpu.memory_space<vmem>>) semaphore(%arg36 : memref<!tpu.dma_semaphore, #tpu.memory_space<semaphore_mem>>)
      %dma_wait3A_449 = tpu.memref_slice %arg3[%add3A_435] : memref<320000xi32, #tpu.memory_space<hbm>> -> memref<80xi32, #tpu.memory_space<hbm>>
      %dma_wait3A_450 = tpu.memref_slice %arg3[%add3A_435] : memref<320000xi32, #tpu.memory_space<hbm>> -> memref<80xi32, #tpu.memory_space<hbm>>
      tpu.wait_dma2 semaphore(%arg31 : memref<!tpu.dma_semaphore, #tpu.memory_space<semaphore_mem>>) src(%dma_wait3A_450 : memref<80xi32, #tpu.memory_space<hbm>>) dst(%arg11 : memref<80xi32, #tpu.memory_space<vmem>>)
      %get3A = arith.constant 0 : index
      %get3A_451 = tpu.vector_load %arg11[%get3A] {strides = array<i32>} : memref<80xi32, #tpu.memory_space<vmem>>, vector<16xi32>,
      %add3A_452 = vector.broadcast %mul3A_417 : i32 to vector<16xi32>
      %add3A_453 = arith.addi %get3A_451, %add3A_452 : vector<16xi32>
      %swap3A = arith.constant 0 : index
      %swap3A_454 = tpu.vector_load %arg13[%swap3A] {strides = array<i32>} : memref<80xi32, #tpu.memory_space<vmem>>, vector<16xi32>,
      tpu.vector_store %arg13[%swap3A], %add3A_453 {strides = array<i32>} : memref<80xi32, #tpu.memory_space<vmem>>, vector<16xi32>,
      %get3A_455 = arith.constant 16 : index
      %get3A_456 = tpu.vector_load %arg11[%get3A_455] {strides = array<i32>} : memref<80xi32, #tpu.memory_space<vmem>>, vector<16xi32>,
      %add3A_457 = vector.broadcast %mul3A_417 : i32 to vector<16xi32>
      %add3A_458 = arith.addi %get3A_456, %add3A_457 : vector<16xi32>
      %swap3A_459 = arith.constant 16 : index
      %swap3A_460 = tpu.vector_load %arg13[%swap3A_459] {strides = array<i32>} : memref<80xi32, #tpu.memory_space<vmem>>, vector<16xi32>,
      tpu.vector_store %arg13[%swap3A_459], %add3A_458 {strides = array<i32>} : memref<80xi32, #tpu.memory_space<vmem>>, vector<16xi32>,
      %get3A_461 = arith.constant 32 : index
      %get3A_462 = tpu.vector_load %arg11[%get3A_461] {strides = array<i32>} : memref<80xi32, #tpu.memory_space<vmem>>, vector<16xi32>,
      %add3A_463 = vector.broadcast %mul3A_417 : i32 to vector<16xi32>
      %add3A_464 = arith.addi %get3A_462, %add3A_463 : vector<16xi32>
      %swap3A_465 = arith.constant 32 : index
      %swap3A_466 = tpu.vector_load %arg13[%swap3A_465] {strides = array<i32>} : memref<80xi32, #tpu.memory_space<vmem>>, vector<16xi32>,
      tpu.vector_store %arg13[%swap3A_465], %add3A_464 {strides = array<i32>} : memref<80xi32, #tpu.memory_space<vmem>>, vector<16xi32>,
      %get3A_467 = arith.constant 48 : index
      %get3A_468 = tpu.vector_load %arg11[%get3A_467] {strides = array<i32>} : memref<80xi32, #tpu.memory_space<vmem>>, vector<16xi32>,
      %add3A_469 = vector.broadcast %mul3A_417 : i32 to vector<16xi32>
      %add3A_470 = arith.addi %get3A_468, %add3A_469 : vector<16xi32>
      %swap3A_471 = arith.constant 48 : index
      %swap3A_472 = tpu.vector_load %arg13[%swap3A_471] {strides = array<i32>} : memref<80xi32, #tpu.memory_space<vmem>>, vector<16xi32>,
      tpu.vector_store %arg13[%swap3A_471], %add3A_470 {strides = array<i32>} : memref<80xi32, #tpu.memory_space<vmem>>, vector<16xi32>,
      %get3A_473 = arith.constant 64 : index
      %get3A_474 = tpu.vector_load %arg11[%get3A_473] {strides = array<i32>} : memref<80xi32, #tpu.memory_space<vmem>>, vector<16xi32>,
      %add3A_475 = vector.broadcast %mul3A_417 : i32 to vector<16xi32>
      %add3A_476 = arith.addi %get3A_474, %add3A_475 : vector<16xi32>
      %swap3A_477 = arith.constant 64 : index
      %swap3A_478 = tpu.vector_load %arg13[%swap3A_477] {strides = array<i32>} : memref<80xi32, #tpu.memory_space<vmem>>, vector<16xi32>,
      tpu.vector_store %arg13[%swap3A_477], %add3A_476 {strides = array<i32>} : memref<80xi32, #tpu.memory_space<vmem>>, vector<16xi32>,
      %dma_start3A_479 = arith.constant 0 : i32
      %dma_start3A_480 = arith.constant 0 : i32
      %dma_start3A_481 = tpu.memref_slice %arg8[%dma_start3A_479, %dma_start3A_480] : memref<20480x8xf32, #tpu.memory_space<hbm>> -> memref<20480x8xf32, #tpu.memory_space<hbm>>
      tpu.enqueue_indirect_dma source(%dma_start3A_481 : memref<20480x8xf32, #tpu.memory_space<hbm>>) target(%arg21 : memref<80x8xf32, #tpu.memory_space<vmem>>) offsets(%arg13 : memref<80xi32, #tpu.memory_space<vmem>>) semaphore(%arg31 : memref<!tpu.dma_semaphore, #tpu.memory_space<semaphore_mem>>)
      %dma_wait3A_482 = arith.constant 0 : i32
      %dma_wait3A_483 = tpu.memref_slice %arg7[%add3A_435, %dma_wait3A_482] : memref<320000x8xf32, #tpu.memory_space<hbm>> -> memref<80x8xf32, #tpu.memory_space<hbm>>
      %dma_wait3A_484 = arith.constant 0 : i32
      %dma_wait3A_485 = tpu.memref_slice %arg7[%add3A_435, %dma_wait3A_484] : memref<320000x8xf32, #tpu.memory_space<hbm>> -> memref<80x8xf32, #tpu.memory_space<hbm>>
      tpu.wait_dma2 semaphore(%arg32 : memref<!tpu.dma_semaphore, #tpu.memory_space<semaphore_mem>>) src(%dma_wait3A_485 : memref<80x8xf32, #tpu.memory_space<hbm>>) dst(%arg19 : memref<80x8xf32, #tpu.memory_space<vmem>>)
      %dma_wait3A_486 = arith.constant 0 : i32
      %dma_wait3A_487 = arith.constant 0 : i32
      %dma_wait3A_488 = tpu.memref_slice %arg8[%dma_wait3A_486, %dma_wait3A_487] : memref<20480x8xf32, #tpu.memory_space<hbm>> -> memref<20480x8xf32, #tpu.memory_space<hbm>>
      tpu.wait_indirect_dma semaphore(%arg31 : memref<!tpu.dma_semaphore, #tpu.memory_space<semaphore_mem>>) src(%dma_wait3A_488 : memref<20480x8xf32, #tpu.memory_space<hbm>>) dst(%arg21 : memref<80x8xf32, #tpu.memory_space<vmem>>)
      %add3A_489 = arith.constant 0 : i32
      %add3A_490 = vector.broadcast %add3A_489 : i32 to vector<16xi32>
      %add3A_491 = arith.addi %iota3A, %add3A_490 : vector<16xi32>
      %broadcast_in_dim3A_492 = arith.constant 0 : i32
      %broadcast_in_dim3A_493 = vector.broadcast %broadcast_in_dim3A_492 : i32 to vector<16xi32>
      %gather3A = tpu.vector_load_idx %arg21[%add3A_491, %broadcast_in_dim3A_493] : memref<80x8xf32, #tpu.memory_space<vmem>>[vector<16xi32>, vector<16xi32>], vector<16xf32>,
      %gather3A_494 = tpu.vector_load_idx %arg19[%add3A_491, %broadcast_in_dim3A_493] : memref<80x8xf32, #tpu.memory_space<vmem>>[vector<16xi32>, vector<16xi32>], vector<16xf32>,
      %mul3A_495 = arith.constant 2.500000e-01 : f32
      %mul3A_496 = vector.broadcast %mul3A_495 : f32 to vector<16xf32>
      %mul3A_497 = arith.mulf %gather3A_494, %mul3A_496 : vector<16xf32>
      %add3A_498 = arith.constant 9.99999971E-10 : f32
      %add3A_499 = vector.broadcast %add3A_498 : f32 to vector<16xf32>
      %add3A_500 = arith.addf %gather3A, %add3A_499 : vector<16xf32>
      %div3A = arith.divf %mul3A_497, %add3A_500 : vector<16xf32>
      tpu.vector_store_idx %arg23[%add3A_491, %broadcast_in_dim3A_493], %div3A : memref<80x8xf32, #tpu.memory_space<vmem>>[vector<16xi32>, vector<16xi32>], vector<16xf32>,
      %broadcast_in_dim3A_501 = arith.constant 1 : i32
      %broadcast_in_dim3A_502 = vector.broadcast %broadcast_in_dim3A_501 : i32 to vector<16xi32>
      %gather3A_503 = tpu.vector_load_idx %arg21[%add3A_491, %broadcast_in_dim3A_502] : memref<80x8xf32, #tpu.memory_space<vmem>>[vector<16xi32>, vector<16xi32>], vector<16xf32>,
      %gather3A_504 = tpu.vector_load_idx %arg19[%add3A_491, %broadcast_in_dim3A_502] : memref<80x8xf32, #tpu.memory_space<vmem>>[vector<16xi32>, vector<16xi32>], vector<16xf32>,
      %mul3A_505 = arith.constant 2.500000e-01 : f32
      %mul3A_506 = vector.broadcast %mul3A_505 : f32 to vector<16xf32>
      %mul3A_507 = arith.mulf %gather3A_504, %mul3A_506 : vector<16xf32>
      %add3A_508 = arith.constant 9.99999971E-10 : f32
      %add3A_509 = vector.broadcast %add3A_508 : f32 to vector<16xf32>
      %add3A_510 = arith.addf %gather3A_503, %add3A_509 : vector<16xf32>
      %div3A_511 = arith.divf %mul3A_507, %add3A_510 : vector<16xf32>
      tpu.vector_store_idx %arg23[%add3A_491, %broadcast_in_dim3A_502], %div3A_511 : memref<80x8xf32, #tpu.memory_space<vmem>>[vector<16xi32>, vector<16xi32>], vector<16xf32>,
      %broadcast_in_dim3A_512 = arith.constant 2 : i32
      %broadcast_in_dim3A_513 = vector.broadcast %broadcast_in_dim3A_512 : i32 to vector<16xi32>
      %gather3A_514 = tpu.vector_load_idx %arg21[%add3A_491, %broadcast_in_dim3A_513] : memref<80x8xf32, #tpu.memory_space<vmem>>[vector<16xi32>, vector<16xi32>], vector<16xf32>,
      %gather3A_515 = tpu.vector_load_idx %arg19[%add3A_491, %broadcast_in_dim3A_513] : memref<80x8xf32, #tpu.memory_space<vmem>>[vector<16xi32>, vector<16xi32>], vector<16xf32>,
      %mul3A_516 = arith.constant 2.500000e-01 : f32
      %mul3A_517 = vector.broadcast %mul3A_516 : f32 to vector<16xf32>
      %mul3A_518 = arith.mulf %gather3A_515, %mul3A_517 : vector<16xf32>
      %add3A_519 = arith.constant 9.99999971E-10 : f32
      %add3A_520 = vector.broadcast %add3A_519 : f32 to vector<16xf32>
      %add3A_521 = arith.addf %gather3A_514, %add3A_520 : vector<16xf32>
      %div3A_522 = arith.divf %mul3A_518, %add3A_521 : vector<16xf32>
      tpu.vector_store_idx %arg23[%add3A_491, %broadcast_in_dim3A_513], %div3A_522 : memref<80x8xf32, #tpu.memory_space<vmem>>[vector<16xi32>, vector<16xi32>], vector<16xf32>,
      %broadcast_in_dim3A_523 = arith.constant 3 : i32
      %broadcast_in_dim3A_524 = vector.broadcast %broadcast_in_dim3A_523 : i32 to vector<16xi32>
      %gather3A_525 = tpu.vector_load_idx %arg21[%add3A_491, %broadcast_in_dim3A_524] : memref<80x8xf32, #tpu.memory_space<vmem>>[vector<16xi32>, vector<16xi32>], vector<16xf32>,
      %gather3A_526 = tpu.vector_load_idx %arg19[%add3A_491, %broadcast_in_dim3A_524] : memref<80x8xf32, #tpu.memory_space<vmem>>[vector<16xi32>, vector<16xi32>], vector<16xf32>,
      %mul3A_527 = arith.constant 2.500000e-01 : f32
      %mul3A_528 = vector.broadcast %mul3A_527 : f32 to vector<16xf32>
      %mul3A_529 = arith.mulf %gather3A_526, %mul3A_528 : vector<16xf32>
      %add3A_530 = arith.constant 9.99999971E-10 : f32
      %add3A_531 = vector.broadcast %add3A_530 : f32 to vector<16xf32>
      %add3A_532 = arith.addf %gather3A_525, %add3A_531 : vector<16xf32>
      %div3A_533 = arith.divf %mul3A_529, %add3A_532 : vector<16xf32>
      tpu.vector_store_idx %arg23[%add3A_491, %broadcast_in_dim3A_524], %div3A_533 : memref<80x8xf32, #tpu.memory_space<vmem>>[vector<16xi32>, vector<16xi32>], vector<16xf32>,
      %add3A_534 = arith.constant 16 : i32
      %add3A_535 = vector.broadcast %add3A_534 : i32 to vector<16xi32>
      %add3A_536 = arith.addi %iota3A, %add3A_535 : vector<16xi32>
      %broadcast_in_dim3A_537 = arith.constant 0 : i32
      %broadcast_in_dim3A_538 = vector.broadcast %broadcast_in_dim3A_537 : i32 to vector<16xi32>
      %gather3A_539 = tpu.vector_load_idx %arg21[%add3A_536, %broadcast_in_dim3A_538] : memref<80x8xf32, #tpu.memory_space<vmem>>[vector<16xi32>, vector<16xi32>], vector<16xf32>,
      %gather3A_540 = tpu.vector_load_idx %arg19[%add3A_536, %broadcast_in_dim3A_538] : memref<80x8xf32, #tpu.memory_space<vmem>>[vector<16xi32>, vector<16xi32>], vector<16xf32>,
      %mul3A_541 = arith.constant 2.500000e-01 : f32
      %mul3A_542 = vector.broadcast %mul3A_541 : f32 to vector<16xf32>
      %mul3A_543 = arith.mulf %gather3A_540, %mul3A_542 : vector<16xf32>
      %add3A_544 = arith.constant 9.99999971E-10 : f32
      %add3A_545 = vector.broadcast %add3A_544 : f32 to vector<16xf32>
      %add3A_546 = arith.addf %gather3A_539, %add3A_545 : vector<16xf32>
      %div3A_547 = arith.divf %mul3A_543, %add3A_546 : vector<16xf32>
      tpu.vector_store_idx %arg23[%add3A_536, %broadcast_in_dim3A_538], %div3A_547 : memref<80x8xf32, #tpu.memory_space<vmem>>[vector<16xi32>, vector<16xi32>], vector<16xf32>,
      %broadcast_in_dim3A_548 = arith.constant 1 : i32
      %broadcast_in_dim3A_549 = vector.broadcast %broadcast_in_dim3A_548 : i32 to vector<16xi32>
      %gather3A_550 = tpu.vector_load_idx %arg21[%add3A_536, %broadcast_in_dim3A_549] : memref<80x8xf32, #tpu.memory_space<vmem>>[vector<16xi32>, vector<16xi32>], vector<16xf32>,
      %gather3A_551 = tpu.vector_load_idx %arg19[%add3A_536, %broadcast_in_dim3A_549] : memref<80x8xf32, #tpu.memory_space<vmem>>[vector<16xi32>, vector<16xi32>], vector<16xf32>,
      %mul3A_552 = arith.constant 2.500000e-01 : f32
      %mul3A_553 = vector.broadcast %mul3A_552 : f32 to vector<16xf32>
      %mul3A_554 = arith.mulf %gather3A_551, %mul3A_553 : vector<16xf32>
      %add3A_555 = arith.constant 9.99999971E-10 : f32
      %add3A_556 = vector.broadcast %add3A_555 : f32 to vector<16xf32>
      %add3A_557 = arith.addf %gather3A_550, %add3A_556 : vector<16xf32>
      %div3A_558 = arith.divf %mul3A_554, %add3A_557 : vector<16xf32>
      tpu.vector_store_idx %arg23[%add3A_536, %broadcast_in_dim3A_549], %div3A_558 : memref<80x8xf32, #tpu.memory_space<vmem>>[vector<16xi32>, vector<16xi32>], vector<16xf32>,
      %broadcast_in_dim3A_559 = arith.constant 2 : i32
      %broadcast_in_dim3A_560 = vector.broadcast %broadcast_in_dim3A_559 : i32 to vector<16xi32>
      %gather3A_561 = tpu.vector_load_idx %arg21[%add3A_536, %broadcast_in_dim3A_560] : memref<80x8xf32, #tpu.memory_space<vmem>>[vector<16xi32>, vector<16xi32>], vector<16xf32>,
      %gather3A_562 = tpu.vector_load_idx %arg19[%add3A_536, %broadcast_in_dim3A_560] : memref<80x8xf32, #tpu.memory_space<vmem>>[vector<16xi32>, vector<16xi32>], vector<16xf32>,
      %mul3A_563 = arith.constant 2.500000e-01 : f32
      %mul3A_564 = vector.broadcast %mul3A_563 : f32 to vector<16xf32>
      %mul3A_565 = arith.mulf %gather3A_562, %mul3A_564 : vector<16xf32>
      %add3A_566 = arith.constant 9.99999971E-10 : f32
      %add3A_567 = vector.broadcast %add3A_566 : f32 to vector<16xf32>
      %add3A_568 = arith.addf %gather3A_561, %add3A_567 : vector<16xf32>
      %div3A_569 = arith.divf %mul3A_565, %add3A_568 : vector<16xf32>
      tpu.vector_store_idx %arg23[%add3A_536, %broadcast_in_dim3A_560], %div3A_569 : memref<80x8xf32, #tpu.memory_space<vmem>>[vector<16xi32>, vector<16xi32>], vector<16xf32>,
      %broadcast_in_dim3A_570 = arith.constant 3 : i32
      %broadcast_in_dim3A_571 = vector.broadcast %broadcast_in_dim3A_570 : i32 to vector<16xi32>
      %gather3A_572 = tpu.vector_load_idx %arg21[%add3A_536, %broadcast_in_dim3A_571] : memref<80x8xf32, #tpu.memory_space<vmem>>[vector<16xi32>, vector<16xi32>], vector<16xf32>,
      %gather3A_573 = tpu.vector_load_idx %arg19[%add3A_536, %broadcast_in_dim3A_571] : memref<80x8xf32, #tpu.memory_space<vmem>>[vector<16xi32>, vector<16xi32>], vector<16xf32>,
      %mul3A_574 = arith.constant 2.500000e-01 : f32
      %mul3A_575 = vector.broadcast %mul3A_574 : f32 to vector<16xf32>
      %mul3A_576 = arith.mulf %gather3A_573, %mul3A_575 : vector<16xf32>
      %add3A_577 = arith.constant 9.99999971E-10 : f32
      %add3A_578 = vector.broadcast %add3A_577 : f32 to vector<16xf32>
      %add3A_579 = arith.addf %gather3A_572, %add3A_578 : vector<16xf32>
      %div3A_580 = arith.divf %mul3A_576, %add3A_579 : vector<16xf32>
      tpu.vector_store_idx %arg23[%add3A_536, %broadcast_in_dim3A_571], %div3A_580 : memref<80x8xf32, #tpu.memory_space<vmem>>[vector<16xi32>, vector<16xi32>], vector<16xf32>,
      %add3A_581 = arith.constant 32 : i32
      %add3A_582 = vector.broadcast %add3A_581 : i32 to vector<16xi32>
      %add3A_583 = arith.addi %iota3A, %add3A_582 : vector<16xi32>
      %broadcast_in_dim3A_584 = arith.constant 0 : i32
      %broadcast_in_dim3A_585 = vector.broadcast %broadcast_in_dim3A_584 : i32 to vector<16xi32>
      %gather3A_586 = tpu.vector_load_idx %arg21[%add3A_583, %broadcast_in_dim3A_585] : memref<80x8xf32, #tpu.memory_space<vmem>>[vector<16xi32>, vector<16xi32>], vector<16xf32>,
      %gather3A_587 = tpu.vector_load_idx %arg19[%add3A_583, %broadcast_in_dim3A_585] : memref<80x8xf32, #tpu.memory_space<vmem>>[vector<16xi32>, vector<16xi32>], vector<16xf32>,
      %mul3A_588 = arith.constant 2.500000e-01 : f32
      %mul3A_589 = vector.broadcast %mul3A_588 : f32 to vector<16xf32>
      %mul3A_590 = arith.mulf %gather3A_587, %mul3A_589 : vector<16xf32>
      %add3A_591 = arith.constant 9.99999971E-10 : f32
      %add3A_592 = vector.broadcast %add3A_591 : f32 to vector<16xf32>
      %add3A_593 = arith.addf %gather3A_586, %add3A_592 : vector<16xf32>
      %div3A_594 = arith.divf %mul3A_590, %add3A_593 : vector<16xf32>
      tpu.vector_store_idx %arg23[%add3A_583, %broadcast_in_dim3A_585], %div3A_594 : memref<80x8xf32, #tpu.memory_space<vmem>>[vector<16xi32>, vector<16xi32>], vector<16xf32>,
      %broadcast_in_dim3A_595 = arith.constant 1 : i32
      %broadcast_in_dim3A_596 = vector.broadcast %broadcast_in_dim3A_595 : i32 to vector<16xi32>
      %gather3A_597 = tpu.vector_load_idx %arg21[%add3A_583, %broadcast_in_dim3A_596] : memref<80x8xf32, #tpu.memory_space<vmem>>[vector<16xi32>, vector<16xi32>], vector<16xf32>,
      %gather3A_598 = tpu.vector_load_idx %arg19[%add3A_583, %broadcast_in_dim3A_596] : memref<80x8xf32, #tpu.memory_space<vmem>>[vector<16xi32>, vector<16xi32>], vector<16xf32>,
      %mul3A_599 = arith.constant 2.500000e-01 : f32
      %mul3A_600 = vector.broadcast %mul3A_599 : f32 to vector<16xf32>
      %mul3A_601 = arith.mulf %gather3A_598, %mul3A_600 : vector<16xf32>
      %add3A_602 = arith.constant 9.99999971E-10 : f32
      %add3A_603 = vector.broadcast %add3A_602 : f32 to vector<16xf32>
      %add3A_604 = arith.addf %gather3A_597, %add3A_603 : vector<16xf32>
      %div3A_605 = arith.divf %mul3A_601, %add3A_604 : vector<16xf32>
      tpu.vector_store_idx %arg23[%add3A_583, %broadcast_in_dim3A_596], %div3A_605 : memref<80x8xf32, #tpu.memory_space<vmem>>[vector<16xi32>, vector<16xi32>], vector<16xf32>,
      %broadcast_in_dim3A_606 = arith.constant 2 : i32
      %broadcast_in_dim3A_607 = vector.broadcast %broadcast_in_dim3A_606 : i32 to vector<16xi32>
      %gather3A_608 = tpu.vector_load_idx %arg21[%add3A_583, %broadcast_in_dim3A_607] : memref<80x8xf32, #tpu.memory_space<vmem>>[vector<16xi32>, vector<16xi32>], vector<16xf32>,
      %gather3A_609 = tpu.vector_load_idx %arg19[%add3A_583, %broadcast_in_dim3A_607] : memref<80x8xf32, #tpu.memory_space<vmem>>[vector<16xi32>, vector<16xi32>], vector<16xf32>,
      %mul3A_610 = arith.constant 2.500000e-01 : f32
      %mul3A_611 = vector.broadcast %mul3A_610 : f32 to vector<16xf32>
      %mul3A_612 = arith.mulf %gather3A_609, %mul3A_611 : vector<16xf32>
      %add3A_613 = arith.constant 9.99999971E-10 : f32
      %add3A_614 = vector.broadcast %add3A_613 : f32 to vector<16xf32>
      %add3A_615 = arith.addf %gather3A_608, %add3A_614 : vector<16xf32>
      %div3A_616 = arith.divf %mul3A_612, %add3A_615 : vector<16xf32>
      tpu.vector_store_idx %arg23[%add3A_583, %broadcast_in_dim3A_607], %div3A_616 : memref<80x8xf32, #tpu.memory_space<vmem>>[vector<16xi32>, vector<16xi32>], vector<16xf32>,
      %broadcast_in_dim3A_617 = arith.constant 3 : i32
      %broadcast_in_dim3A_618 = vector.broadcast %broadcast_in_dim3A_617 : i32 to vector<16xi32>
      %gather3A_619 = tpu.vector_load_idx %arg21[%add3A_583, %broadcast_in_dim3A_618] : memref<80x8xf32, #tpu.memory_space<vmem>>[vector<16xi32>, vector<16xi32>], vector<16xf32>,
      %gather3A_620 = tpu.vector_load_idx %arg19[%add3A_583, %broadcast_in_dim3A_618] : memref<80x8xf32, #tpu.memory_space<vmem>>[vector<16xi32>, vector<16xi32>], vector<16xf32>,
      %mul3A_621 = arith.constant 2.500000e-01 : f32
      %mul3A_622 = vector.broadcast %mul3A_621 : f32 to vector<16xf32>
      %mul3A_623 = arith.mulf %gather3A_620, %mul3A_622 : vector<16xf32>
      %add3A_624 = arith.constant 9.99999971E-10 : f32
      %add3A_625 = vector.broadcast %add3A_624 : f32 to vector<16xf32>
      %add3A_626 = arith.addf %gather3A_619, %add3A_625 : vector<16xf32>
      %div3A_627 = arith.divf %mul3A_623, %add3A_626 : vector<16xf32>
      tpu.vector_store_idx %arg23[%add3A_583, %broadcast_in_dim3A_618], %div3A_627 : memref<80x8xf32, #tpu.memory_space<vmem>>[vector<16xi32>, vector<16xi32>], vector<16xf32>,
      %add3A_628 = arith.constant 48 : i32
      %add3A_629 = vector.broadcast %add3A_628 : i32 to vector<16xi32>
      %add3A_630 = arith.addi %iota3A, %add3A_629 : vector<16xi32>
      %broadcast_in_dim3A_631 = arith.constant 0 : i32
      %broadcast_in_dim3A_632 = vector.broadcast %broadcast_in_dim3A_631 : i32 to vector<16xi32>
      %gather3A_633 = tpu.vector_load_idx %arg21[%add3A_630, %broadcast_in_dim3A_632] : memref<80x8xf32, #tpu.memory_space<vmem>>[vector<16xi32>, vector<16xi32>], vector<16xf32>,
      %gather3A_634 = tpu.vector_load_idx %arg19[%add3A_630, %broadcast_in_dim3A_632] : memref<80x8xf32, #tpu.memory_space<vmem>>[vector<16xi32>, vector<16xi32>], vector<16xf32>,
      %mul3A_635 = arith.constant 2.500000e-01 : f32
      %mul3A_636 = vector.broadcast %mul3A_635 : f32 to vector<16xf32>
      %mul3A_637 = arith.mulf %gather3A_634, %mul3A_636 : vector<16xf32>
      %add3A_638 = arith.constant 9.99999971E-10 : f32
      %add3A_639 = vector.broadcast %add3A_638 : f32 to vector<16xf32>
      %add3A_640 = arith.addf %gather3A_633, %add3A_639 : vector<16xf32>
      %div3A_641 = arith.divf %mul3A_637, %add3A_640 : vector<16xf32>
      tpu.vector_store_idx %arg23[%add3A_630, %broadcast_in_dim3A_632], %div3A_641 : memref<80x8xf32, #tpu.memory_space<vmem>>[vector<16xi32>, vector<16xi32>], vector<16xf32>,
      %broadcast_in_dim3A_642 = arith.constant 1 : i32
      %broadcast_in_dim3A_643 = vector.broadcast %broadcast_in_dim3A_642 : i32 to vector<16xi32>
      %gather3A_644 = tpu.vector_load_idx %arg21[%add3A_630, %broadcast_in_dim3A_643] : memref<80x8xf32, #tpu.memory_space<vmem>>[vector<16xi32>, vector<16xi32>], vector<16xf32>,
      %gather3A_645 = tpu.vector_load_idx %arg19[%add3A_630, %broadcast_in_dim3A_643] : memref<80x8xf32, #tpu.memory_space<vmem>>[vector<16xi32>, vector<16xi32>], vector<16xf32>,
      %mul3A_646 = arith.constant 2.500000e-01 : f32
      %mul3A_647 = vector.broadcast %mul3A_646 : f32 to vector<16xf32>
      %mul3A_648 = arith.mulf %gather3A_645, %mul3A_647 : vector<16xf32>
      %add3A_649 = arith.constant 9.99999971E-10 : f32
      %add3A_650 = vector.broadcast %add3A_649 : f32 to vector<16xf32>
      %add3A_651 = arith.addf %gather3A_644, %add3A_650 : vector<16xf32>
      %div3A_652 = arith.divf %mul3A_648, %add3A_651 : vector<16xf32>
      tpu.vector_store_idx %arg23[%add3A_630, %broadcast_in_dim3A_643], %div3A_652 : memref<80x8xf32, #tpu.memory_space<vmem>>[vector<16xi32>, vector<16xi32>], vector<16xf32>,
      %broadcast_in_dim3A_653 = arith.constant 2 : i32
      %broadcast_in_dim3A_654 = vector.broadcast %broadcast_in_dim3A_653 : i32 to vector<16xi32>
      %gather3A_655 = tpu.vector_load_idx %arg21[%add3A_630, %broadcast_in_dim3A_654] : memref<80x8xf32, #tpu.memory_space<vmem>>[vector<16xi32>, vector<16xi32>], vector<16xf32>,
      %gather3A_656 = tpu.vector_load_idx %arg19[%add3A_630, %broadcast_in_dim3A_654] : memref<80x8xf32, #tpu.memory_space<vmem>>[vector<16xi32>, vector<16xi32>], vector<16xf32>,
      %mul3A_657 = arith.constant 2.500000e-01 : f32
      %mul3A_658 = vector.broadcast %mul3A_657 : f32 to vector<16xf32>
      %mul3A_659 = arith.mulf %gather3A_656, %mul3A_658 : vector<16xf32>
      %add3A_660 = arith.constant 9.99999971E-10 : f32
      %add3A_661 = vector.broadcast %add3A_660 : f32 to vector<16xf32>
      %add3A_662 = arith.addf %gather3A_655, %add3A_661 : vector<16xf32>
      %div3A_663 = arith.divf %mul3A_659, %add3A_662 : vector<16xf32>
      tpu.vector_store_idx %arg23[%add3A_630, %broadcast_in_dim3A_654], %div3A_663 : memref<80x8xf32, #tpu.memory_space<vmem>>[vector<16xi32>, vector<16xi32>], vector<16xf32>,
      %broadcast_in_dim3A_664 = arith.constant 3 : i32
      %broadcast_in_dim3A_665 = vector.broadcast %broadcast_in_dim3A_664 : i32 to vector<16xi32>
      %gather3A_666 = tpu.vector_load_idx %arg21[%add3A_630, %broadcast_in_dim3A_665] : memref<80x8xf32, #tpu.memory_space<vmem>>[vector<16xi32>, vector<16xi32>], vector<16xf32>,
      %gather3A_667 = tpu.vector_load_idx %arg19[%add3A_630, %broadcast_in_dim3A_665] : memref<80x8xf32, #tpu.memory_space<vmem>>[vector<16xi32>, vector<16xi32>], vector<16xf32>,
      %mul3A_668 = arith.constant 2.500000e-01 : f32
      %mul3A_669 = vector.broadcast %mul3A_668 : f32 to vector<16xf32>
      %mul3A_670 = arith.mulf %gather3A_667, %mul3A_669 : vector<16xf32>
      %add3A_671 = arith.constant 9.99999971E-10 : f32
      %add3A_672 = vector.broadcast %add3A_671 : f32 to vector<16xf32>
      %add3A_673 = arith.addf %gather3A_666, %add3A_672 : vector<16xf32>
      %div3A_674 = arith.divf %mul3A_670, %add3A_673 : vector<16xf32>
      tpu.vector_store_idx %arg23[%add3A_630, %broadcast_in_dim3A_665], %div3A_674 : memref<80x8xf32, #tpu.memory_space<vmem>>[vector<16xi32>, vector<16xi32>], vector<16xf32>,
      %add3A_675 = arith.constant 64 : i32
      %add3A_676 = vector.broadcast %add3A_675 : i32 to vector<16xi32>
      %add3A_677 = arith.addi %iota3A, %add3A_676 : vector<16xi32>
      %broadcast_in_dim3A_678 = arith.constant 0 : i32
      %broadcast_in_dim3A_679 = vector.broadcast %broadcast_in_dim3A_678 : i32 to vector<16xi32>
      %gather3A_680 = tpu.vector_load_idx %arg21[%add3A_677, %broadcast_in_dim3A_679] : memref<80x8xf32, #tpu.memory_space<vmem>>[vector<16xi32>, vector<16xi32>], vector<16xf32>,
      %gather3A_681 = tpu.vector_load_idx %arg19[%add3A_677, %broadcast_in_dim3A_679] : memref<80x8xf32, #tpu.memory_space<vmem>>[vector<16xi32>, vector<16xi32>], vector<16xf32>,
      %mul3A_682 = arith.constant 2.500000e-01 : f32
      %mul3A_683 = vector.broadcast %mul3A_682 : f32 to vector<16xf32>
      %mul3A_684 = arith.mulf %gather3A_681, %mul3A_683 : vector<16xf32>
      %add3A_685 = arith.constant 9.99999971E-10 : f32
      %add3A_686 = vector.broadcast %add3A_685 : f32 to vector<16xf32>
      %add3A_687 = arith.addf %gather3A_680, %add3A_686 : vector<16xf32>
      %div3A_688 = arith.divf %mul3A_684, %add3A_687 : vector<16xf32>
      tpu.vector_store_idx %arg23[%add3A_677, %broadcast_in_dim3A_679], %div3A_688 : memref<80x8xf32, #tpu.memory_space<vmem>>[vector<16xi32>, vector<16xi32>], vector<16xf32>,
      %broadcast_in_dim3A_689 = arith.constant 1 : i32
      %broadcast_in_dim3A_690 = vector.broadcast %broadcast_in_dim3A_689 : i32 to vector<16xi32>
      %gather3A_691 = tpu.vector_load_idx %arg21[%add3A_677, %broadcast_in_dim3A_690] : memref<80x8xf32, #tpu.memory_space<vmem>>[vector<16xi32>, vector<16xi32>], vector<16xf32>,
      %gather3A_692 = tpu.vector_load_idx %arg19[%add3A_677, %broadcast_in_dim3A_690] : memref<80x8xf32, #tpu.memory_space<vmem>>[vector<16xi32>, vector<16xi32>], vector<16xf32>,
      %mul3A_693 = arith.constant 2.500000e-01 : f32
      %mul3A_694 = vector.broadcast %mul3A_693 : f32 to vector<16xf32>
      %mul3A_695 = arith.mulf %gather3A_692, %mul3A_694 : vector<16xf32>
      %add3A_696 = arith.constant 9.99999971E-10 : f32
      %add3A_697 = vector.broadcast %add3A_696 : f32 to vector<16xf32>
      %add3A_698 = arith.addf %gather3A_691, %add3A_697 : vector<16xf32>
      %div3A_699 = arith.divf %mul3A_695, %add3A_698 : vector<16xf32>
      tpu.vector_store_idx %arg23[%add3A_677, %broadcast_in_dim3A_690], %div3A_699 : memref<80x8xf32, #tpu.memory_space<vmem>>[vector<16xi32>, vector<16xi32>], vector<16xf32>,
      %broadcast_in_dim3A_700 = arith.constant 2 : i32
      %broadcast_in_dim3A_701 = vector.broadcast %broadcast_in_dim3A_700 : i32 to vector<16xi32>
      %gather3A_702 = tpu.vector_load_idx %arg21[%add3A_677, %broadcast_in_dim3A_701] : memref<80x8xf32, #tpu.memory_space<vmem>>[vector<16xi32>, vector<16xi32>], vector<16xf32>,
      %gather3A_703 = tpu.vector_load_idx %arg19[%add3A_677, %broadcast_in_dim3A_701] : memref<80x8xf32, #tpu.memory_space<vmem>>[vector<16xi32>, vector<16xi32>], vector<16xf32>,
      %mul3A_704 = arith.constant 2.500000e-01 : f32
      %mul3A_705 = vector.broadcast %mul3A_704 : f32 to vector<16xf32>
      %mul3A_706 = arith.mulf %gather3A_703, %mul3A_705 : vector<16xf32>
      %add3A_707 = arith.constant 9.99999971E-10 : f32
      %add3A_708 = vector.broadcast %add3A_707 : f32 to vector<16xf32>
      %add3A_709 = arith.addf %gather3A_702, %add3A_708 : vector<16xf32>
      %div3A_710 = arith.divf %mul3A_706, %add3A_709 : vector<16xf32>
      tpu.vector_store_idx %arg23[%add3A_677, %broadcast_in_dim3A_701], %div3A_710 : memref<80x8xf32, #tpu.memory_space<vmem>>[vector<16xi32>, vector<16xi32>], vector<16xf32>,
      %broadcast_in_dim3A_711 = arith.constant 3 : i32
      %broadcast_in_dim3A_712 = vector.broadcast %broadcast_in_dim3A_711 : i32 to vector<16xi32>
      %gather3A_713 = tpu.vector_load_idx %arg21[%add3A_677, %broadcast_in_dim3A_712] : memref<80x8xf32, #tpu.memory_space<vmem>>[vector<16xi32>, vector<16xi32>], vector<16xf32>,
      %gather3A_714 = tpu.vector_load_idx %arg19[%add3A_677, %broadcast_in_dim3A_712] : memref<80x8xf32, #tpu.memory_space<vmem>>[vector<16xi32>, vector<16xi32>], vector<16xf32>,
      %mul3A_715 = arith.constant 2.500000e-01 : f32
      %mul3A_716 = vector.broadcast %mul3A_715 : f32 to vector<16xf32>
      %mul3A_717 = arith.mulf %gather3A_714, %mul3A_716 : vector<16xf32>
      %add3A_718 = arith.constant 9.99999971E-10 : f32
      %add3A_719 = vector.broadcast %add3A_718 : f32 to vector<16xf32>
      %add3A_720 = arith.addf %gather3A_713, %add3A_719 : vector<16xf32>
      %div3A_721 = arith.divf %mul3A_717, %add3A_720 : vector<16xf32>
      tpu.vector_store_idx %arg23[%add3A_677, %broadcast_in_dim3A_712], %div3A_721 : memref<80x8xf32, #tpu.memory_space<vmem>>[vector<16xi32>, vector<16xi32>], vector<16xf32>,
      %dma_start3A_722 = arith.constant 16 : i32
      %dma_start3A_723 = tpu.memref_slice %arg9[%dma_start3A_722] : memref<80xi32, #tpu.memory_space<vmem>> -> memref<16xi32, #tpu.memory_space<vmem>>
      %dma_start3A_724 = arith.constant 0 : i32
      %dma_start3A_725 = arith.constant 0 : i32
      %dma_start3A_726 = tpu.memref_slice %arg5[%dma_start3A_724, %dma_start3A_725] : memref<10000x512xf32, #tpu.memory_space<hbm>> -> memref<10000x512xf32, #tpu.memory_space<hbm>>
      tpu.enqueue_indirect_dma source(%dma_start3A_726 : memref<10000x512xf32, #tpu.memory_space<hbm>>) target(%arg26 : memref<16x512xf32, #tpu.memory_space<vmem>>) offsets(%dma_start3A_723 : memref<16xi32, #tpu.memory_space<vmem>>) semaphore(%arg37 : memref<!tpu.dma_semaphore, #tpu.memory_space<semaphore_mem>>)
      %dma_wait3A_727 = arith.constant 0 : i32
      %dma_wait3A_728 = tpu.memref_slice %arg9[%dma_wait3A_727] : memref<80xi32, #tpu.memory_space<vmem>> -> memref<16xi32, #tpu.memory_space<vmem>>
      %dma_wait3A_729 = arith.constant 0 : i32
      %dma_wait3A_730 = arith.constant 0 : i32
      %dma_wait3A_731 = tpu.memref_slice %arg5[%dma_wait3A_729, %dma_wait3A_730] : memref<10000x512xf32, #tpu.memory_space<hbm>> -> memref<10000x512xf32, #tpu.memory_space<hbm>>
      tpu.wait_indirect_dma semaphore(%arg36 : memref<!tpu.dma_semaphore, #tpu.memory_space<semaphore_mem>>) src(%dma_wait3A_731 : memref<10000x512xf32, #tpu.memory_space<hbm>>) dst(%arg25 : memref<16x512xf32, #tpu.memory_space<vmem>>)
      %scan3A_732 = arith.constant 0 : i32
      %scan3A_733 = arith.constant 16 : i32
      %scan3A_734 = arith.addi %scan3A_732, %scan3A_733 : i32
      %scan3A_735 = arith.constant 1 : i32
      scf.for %scan3A_792 = %scan3A_732 to %scan3A_734 step %scan3A_735  : i32 {
        %mul3A_793 = arith.constant 1 : i32
        %mul3A_794 = arith.muli %scan3A_792, %mul3A_793 : i32
        %add3A_795 = arith.constant 0 : i32
        %add3A_796 = arith.addi %add3A_795, %mul3A_794 : i32
        %add3A_797 = arith.constant 0 : i32
        %add3A_798 = arith.addi %add3A_796, %add3A_797 : i32
        %broadcast_in_dim3A_799 = vector.broadcast %add3A_798 : i32 to vector<16xi32>
        %broadcast_in_dim3A_800 = arith.constant 0 : i32
        %broadcast_in_dim3A_801 = vector.broadcast %broadcast_in_dim3A_800 : i32 to vector<16xi32>
        %gather3A_802 = tpu.vector_load_idx %arg23[%broadcast_in_dim3A_799, %broadcast_in_dim3A_801] : memref<80x8xf32, #tpu.memory_space<vmem>>[vector<16xi32>, vector<16xi32>], vector<16xf32>,
        %broadcast_in_dim3A_803 = arith.constant 1 : i32
        %broadcast_in_dim3A_804 = vector.broadcast %broadcast_in_dim3A_803 : i32 to vector<16xi32>
        %gather3A_805 = tpu.vector_load_idx %arg23[%broadcast_in_dim3A_799, %broadcast_in_dim3A_804] : memref<80x8xf32, #tpu.memory_space<vmem>>[vector<16xi32>, vector<16xi32>], vector<16xf32>,
        %broadcast_in_dim3A_806 = arith.constant 2 : i32
        %broadcast_in_dim3A_807 = vector.broadcast %broadcast_in_dim3A_806 : i32 to vector<16xi32>
        %gather3A_808 = tpu.vector_load_idx %arg23[%broadcast_in_dim3A_799, %broadcast_in_dim3A_807] : memref<80x8xf32, #tpu.memory_space<vmem>>[vector<16xi32>, vector<16xi32>], vector<16xf32>,
        %broadcast_in_dim3A_809 = arith.constant 3 : i32
        %broadcast_in_dim3A_810 = vector.broadcast %broadcast_in_dim3A_809 : i32 to vector<16xi32>
        %gather3A_811 = tpu.vector_load_idx %arg23[%broadcast_in_dim3A_799, %broadcast_in_dim3A_810] : memref<80x8xf32, #tpu.memory_space<vmem>>[vector<16xi32>, vector<16xi32>], vector<16xf32>,
        %get3A_812 = arith.index_cast %add3A_796 : i32 to index
        %get3A_813 = arith.constant 0 : index
        %get3A_814 = tpu.vector_load %arg25[%get3A_812, %get3A_813] {strides = array<i32>} : memref<16x512xf32, #tpu.memory_space<vmem>>, vector<16xf32>,
        %mul3A_815 = arith.mulf %gather3A_802, %get3A_814 : vector<16xf32>
        %get3A_816 = arith.index_cast %add3A_796 : i32 to index
        %get3A_817 = arith.constant 128 : index
        %get3A_818 = tpu.vector_load %arg25[%get3A_816, %get3A_817] {strides = array<i32>} : memref<16x512xf32, #tpu.memory_space<vmem>>, vector<16xf32>,
        %mul3A_819 = arith.mulf %gather3A_805, %get3A_818 : vector<16xf32>
        %add3A_820 = arith.addf %mul3A_815, %mul3A_819 : vector<16xf32>
        %get3A_821 = arith.index_cast %add3A_796 : i32 to index
        %get3A_822 = arith.constant 256 : index
        %get3A_823 = tpu.vector_load %arg25[%get3A_821, %get3A_822] {strides = array<i32>} : memref<16x512xf32, #tpu.memory_space<vmem>>, vector<16xf32>,
        %mul3A_824 = arith.mulf %gather3A_808, %get3A_823 : vector<16xf32>
        %add3A_825 = arith.addf %add3A_820, %mul3A_824 : vector<16xf32>
        %get3A_826 = arith.index_cast %add3A_796 : i32 to index
        %get3A_827 = arith.constant 384 : index
        %get3A_828 = tpu.vector_load %arg25[%get3A_826, %get3A_827] {strides = array<i32>} : memref<16x512xf32, #tpu.memory_space<vmem>>, vector<16xf32>,
        %mul3A_829 = arith.mulf %gather3A_811, %get3A_828 : vector<16xf32>
        %add3A_830 = arith.addf %add3A_825, %mul3A_829 : vector<16xf32>
        %swap3A_831 = arith.index_cast %add3A_798 : i32 to index
        %swap3A_832 = arith.constant 0 : index
        %swap3A_833 = tpu.vector_load %arg27[%swap3A_831, %swap3A_832] {strides = array<i32>} : memref<80x128xf32, #tpu.memory_space<vmem>>, vector<16xf32>,
        tpu.vector_store %arg27[%swap3A_831, %swap3A_832], %add3A_830 {strides = array<i32>} : memref<80x128xf32, #tpu.memory_space<vmem>>, vector<16xf32>,
        %get3A_834 = arith.index_cast %add3A_796 : i32 to index
        %get3A_835 = arith.constant 16 : index
        %get3A_836 = tpu.vector_load %arg25[%get3A_834, %get3A_835] {strides = array<i32>} : memref<16x512xf32, #tpu.memory_space<vmem>>, vector<16xf32>,
        %mul3A_837 = arith.mulf %gather3A_802, %get3A_836 : vector<16xf32>
        %get3A_838 = arith.index_cast %add3A_796 : i32 to index
        %get3A_839 = arith.constant 144 : index
        %get3A_840 = tpu.vector_load %arg25[%get3A_838, %get3A_839] {strides = array<i32>} : memref<16x512xf32, #tpu.memory_space<vmem>>, vector<16xf32>,
        %mul3A_841 = arith.mulf %gather3A_805, %get3A_840 : vector<16xf32>
        %add3A_842 = arith.addf %mul3A_837, %mul3A_841 : vector<16xf32>
        %get3A_843 = arith.index_cast %add3A_796 : i32 to index
        %get3A_844 = arith.constant 272 : index
        %get3A_845 = tpu.vector_load %arg25[%get3A_843, %get3A_844] {strides = array<i32>} : memref<16x512xf32, #tpu.memory_space<vmem>>, vector<16xf32>,
        %mul3A_846 = arith.mulf %gather3A_808, %get3A_845 : vector<16xf32>
        %add3A_847 = arith.addf %add3A_842, %mul3A_846 : vector<16xf32>
        %get3A_848 = arith.index_cast %add3A_796 : i32 to index
        %get3A_849 = arith.constant 400 : index
        %get3A_850 = tpu.vector_load %arg25[%get3A_848, %get3A_849] {strides = array<i32>} : memref<16x512xf32, #tpu.memory_space<vmem>>, vector<16xf32>,
        %mul3A_851 = arith.mulf %gather3A_811, %get3A_850 : vector<16xf32>
        %add3A_852 = arith.addf %add3A_847, %mul3A_851 : vector<16xf32>
        %swap3A_853 = arith.index_cast %add3A_798 : i32 to index
        %swap3A_854 = arith.constant 16 : index
        %swap3A_855 = tpu.vector_load %arg27[%swap3A_853, %swap3A_854] {strides = array<i32>} : memref<80x128xf32, #tpu.memory_space<vmem>>, vector<16xf32>,
        tpu.vector_store %arg27[%swap3A_853, %swap3A_854], %add3A_852 {strides = array<i32>} : memref<80x128xf32, #tpu.memory_space<vmem>>, vector<16xf32>,
        %get3A_856 = arith.index_cast %add3A_796 : i32 to index
        %get3A_857 = arith.constant 32 : index
        %get3A_858 = tpu.vector_load %arg25[%get3A_856, %get3A_857] {strides = array<i32>} : memref<16x512xf32, #tpu.memory_space<vmem>>, vector<16xf32>,
        %mul3A_859 = arith.mulf %gather3A_802, %get3A_858 : vector<16xf32>
        %get3A_860 = arith.index_cast %add3A_796 : i32 to index
        %get3A_861 = arith.constant 160 : index
        %get3A_862 = tpu.vector_load %arg25[%get3A_860, %get3A_861] {strides = array<i32>} : memref<16x512xf32, #tpu.memory_space<vmem>>, vector<16xf32>,
        %mul3A_863 = arith.mulf %gather3A_805, %get3A_862 : vector<16xf32>
        %add3A_864 = arith.addf %mul3A_859, %mul3A_863 : vector<16xf32>
        %get3A_865 = arith.index_cast %add3A_796 : i32 to index
        %get3A_866 = arith.constant 288 : index
        %get3A_867 = tpu.vector_load %arg25[%get3A_865, %get3A_866] {strides = array<i32>} : memref<16x512xf32, #tpu.memory_space<vmem>>, vector<16xf32>,
        %mul3A_868 = arith.mulf %gather3A_808, %get3A_867 : vector<16xf32>
        %add3A_869 = arith.addf %add3A_864, %mul3A_868 : vector<16xf32>
        %get3A_870 = arith.index_cast %add3A_796 : i32 to index
        %get3A_871 = arith.constant 416 : index
        %get3A_872 = tpu.vector_load %arg25[%get3A_870, %get3A_871] {strides = array<i32>} : memref<16x512xf32, #tpu.memory_space<vmem>>, vector<16xf32>,
        %mul3A_873 = arith.mulf %gather3A_811, %get3A_872 : vector<16xf32>
        %add3A_874 = arith.addf %add3A_869, %mul3A_873 : vector<16xf32>
        %swap3A_875 = arith.index_cast %add3A_798 : i32 to index
        %swap3A_876 = arith.constant 32 : index
        %swap3A_877 = tpu.vector_load %arg27[%swap3A_875, %swap3A_876] {strides = array<i32>} : memref<80x128xf32, #tpu.memory_space<vmem>>, vector<16xf32>,
        tpu.vector_store %arg27[%swap3A_875, %swap3A_876], %add3A_874 {strides = array<i32>} : memref<80x128xf32, #tpu.memory_space<vmem>>, vector<16xf32>,
        %get3A_878 = arith.index_cast %add3A_796 : i32 to index
        %get3A_879 = arith.constant 48 : index
        %get3A_880 = tpu.vector_load %arg25[%get3A_878, %get3A_879] {strides = array<i32>} : memref<16x512xf32, #tpu.memory_space<vmem>>, vector<16xf32>,
        %mul3A_881 = arith.mulf %gather3A_802, %get3A_880 : vector<16xf32>
        %get3A_882 = arith.index_cast %add3A_796 : i32 to index
        %get3A_883 = arith.constant 176 : index
        %get3A_884 = tpu.vector_load %arg25[%get3A_882, %get3A_883] {strides = array<i32>} : memref<16x512xf32, #tpu.memory_space<vmem>>, vector<16xf32>,
        %mul3A_885 = arith.mulf %gather3A_805, %get3A_884 : vector<16xf32>
        %add3A_886 = arith.addf %mul3A_881, %mul3A_885 : vector<16xf32>
        %get3A_887 = arith.index_cast %add3A_796 : i32 to index
        %get3A_888 = arith.constant 304 : index
        %get3A_889 = tpu.vector_load %arg25[%get3A_887, %get3A_888] {strides = array<i32>} : memref<16x512xf32, #tpu.memory_space<vmem>>, vector<16xf32>,
        %mul3A_890 = arith.mulf %gather3A_808, %get3A_889 : vector<16xf32>
        %add3A_891 = arith.addf %add3A_886, %mul3A_890 : vector<16xf32>
        %get3A_892 = arith.index_cast %add3A_796 : i32 to index
        %get3A_893 = arith.constant 432 : index
        %get3A_894 = tpu.vector_load %arg25[%get3A_892, %get3A_893] {strides = array<i32>} : memref<16x512xf32, #tpu.memory_space<vmem>>, vector<16xf32>,
        %mul3A_895 = arith.mulf %gather3A_811, %get3A_894 : vector<16xf32>
        %add3A_896 = arith.addf %add3A_891, %mul3A_895 : vector<16xf32>
        %swap3A_897 = arith.index_cast %add3A_798 : i32 to index
        %swap3A_898 = arith.constant 48 : index
        %swap3A_899 = tpu.vector_load %arg27[%swap3A_897, %swap3A_898] {strides = array<i32>} : memref<80x128xf32, #tpu.memory_space<vmem>>, vector<16xf32>,
        tpu.vector_store %arg27[%swap3A_897, %swap3A_898], %add3A_896 {strides = array<i32>} : memref<80x128xf32, #tpu.memory_space<vmem>>, vector<16xf32>,
        %get3A_900 = arith.index_cast %add3A_796 : i32 to index
        %get3A_901 = arith.constant 64 : index
        %get3A_902 = tpu.vector_load %arg25[%get3A_900, %get3A_901] {strides = array<i32>} : memref<16x512xf32, #tpu.memory_space<vmem>>, vector<16xf32>,
        %mul3A_903 = arith.mulf %gather3A_802, %get3A_902 : vector<16xf32>
        %get3A_904 = arith.index_cast %add3A_796 : i32 to index
        %get3A_905 = arith.constant 192 : index
        %get3A_906 = tpu.vector_load %arg25[%get3A_904, %get3A_905] {strides = array<i32>} : memref<16x512xf32, #tpu.memory_space<vmem>>, vector<16xf32>,
        %mul3A_907 = arith.mulf %gather3A_805, %get3A_906 : vector<16xf32>
        %add3A_908 = arith.addf %mul3A_903, %mul3A_907 : vector<16xf32>
        %get3A_909 = arith.index_cast %add3A_796 : i32 to index
        %get3A_910 = arith.constant 320 : index
        %get3A_911 = tpu.vector_load %arg25[%get3A_909, %get3A_910] {strides = array<i32>} : memref<16x512xf32, #tpu.memory_space<vmem>>, vector<16xf32>,
        %mul3A_912 = arith.mulf %gather3A_808, %get3A_911 : vector<16xf32>
        %add3A_913 = arith.addf %add3A_908, %mul3A_912 : vector<16xf32>
        %get3A_914 = arith.index_cast %add3A_796 : i32 to index
        %get3A_915 = arith.constant 448 : index
        %get3A_916 = tpu.vector_load %arg25[%get3A_914, %get3A_915] {strides = array<i32>} : memref<16x512xf32, #tpu.memory_space<vmem>>, vector<16xf32>,
        %mul3A_917 = arith.mulf %gather3A_811, %get3A_916 : vector<16xf32>
        %add3A_918 = arith.addf %add3A_913, %mul3A_917 : vector<16xf32>
        %swap3A_919 = arith.index_cast %add3A_798 : i32 to index
        %swap3A_920 = arith.constant 64 : index
        %swap3A_921 = tpu.vector_load %arg27[%swap3A_919, %swap3A_920] {strides = array<i32>} : memref<80x128xf32, #tpu.memory_space<vmem>>, vector<16xf32>,
        tpu.vector_store %arg27[%swap3A_919, %swap3A_920], %add3A_918 {strides = array<i32>} : memref<80x128xf32, #tpu.memory_space<vmem>>, vector<16xf32>,
        %get3A_922 = arith.index_cast %add3A_796 : i32 to index
        %get3A_923 = arith.constant 80 : index
        %get3A_924 = tpu.vector_load %arg25[%get3A_922, %get3A_923] {strides = array<i32>} : memref<16x512xf32, #tpu.memory_space<vmem>>, vector<16xf32>,
        %mul3A_925 = arith.mulf %gather3A_802, %get3A_924 : vector<16xf32>
        %get3A_926 = arith.index_cast %add3A_796 : i32 to index
        %get3A_927 = arith.constant 208 : index
        %get3A_928 = tpu.vector_load %arg25[%get3A_926, %get3A_927] {strides = array<i32>} : memref<16x512xf32, #tpu.memory_space<vmem>>, vector<16xf32>,
        %mul3A_929 = arith.mulf %gather3A_805, %get3A_928 : vector<16xf32>
        %add3A_930 = arith.addf %mul3A_925, %mul3A_929 : vector<16xf32>
        %get3A_931 = arith.index_cast %add3A_796 : i32 to index
        %get3A_932 = arith.constant 336 : index
        %get3A_933 = tpu.vector_load %arg25[%get3A_931, %get3A_932] {strides = array<i32>} : memref<16x512xf32, #tpu.memory_space<vmem>>, vector<16xf32>,
        %mul3A_934 = arith.mulf %gather3A_808, %get3A_933 : vector<16xf32>
        %add3A_935 = arith.addf %add3A_930, %mul3A_934 : vector<16xf32>
        %get3A_936 = arith.index_cast %add3A_796 : i32 to index
        %get3A_937 = arith.constant 464 : index
        %get3A_938 = tpu.vector_load %arg25[%get3A_936, %get3A_937] {strides = array<i32>} : memref<16x512xf32, #tpu.memory_space<vmem>>, vector<16xf32>,
        %mul3A_939 = arith.mulf %gather3A_811, %get3A_938 : vector<16xf32>
        %add3A_940 = arith.addf %add3A_935, %mul3A_939 : vector<16xf32>
        %swap3A_941 = arith.index_cast %add3A_798 : i32 to index
        %swap3A_942 = arith.constant 80 : index
        %swap3A_943 = tpu.vector_load %arg27[%swap3A_941, %swap3A_942] {strides = array<i32>} : memref<80x128xf32, #tpu.memory_space<vmem>>, vector<16xf32>,
        tpu.vector_store %arg27[%swap3A_941, %swap3A_942], %add3A_940 {strides = array<i32>} : memref<80x128xf32, #tpu.memory_space<vmem>>, vector<16xf32>,
        %get3A_944 = arith.index_cast %add3A_796 : i32 to index
        %get3A_945 = arith.constant 96 : index
        %get3A_946 = tpu.vector_load %arg25[%get3A_944, %get3A_945] {strides = array<i32>} : memref<16x512xf32, #tpu.memory_space<vmem>>, vector<16xf32>,
        %mul3A_947 = arith.mulf %gather3A_802, %get3A_946 : vector<16xf32>
        %get3A_948 = arith.index_cast %add3A_796 : i32 to index
        %get3A_949 = arith.constant 224 : index
        %get3A_950 = tpu.vector_load %arg25[%get3A_948, %get3A_949] {strides = array<i32>} : memref<16x512xf32, #tpu.memory_space<vmem>>, vector<16xf32>,
        %mul3A_951 = arith.mulf %gather3A_805, %get3A_950 : vector<16xf32>
        %add3A_952 = arith.addf %mul3A_947, %mul3A_951 : vector<16xf32>
        %get3A_953 = arith.index_cast %add3A_796 : i32 to index
        %get3A_954 = arith.constant 352 : index
        %get3A_955 = tpu.vector_load %arg25[%get3A_953, %get3A_954] {strides = array<i32>} : memref<16x512xf32, #tpu.memory_space<vmem>>, vector<16xf32>,
        %mul3A_956 = arith.mulf %gather3A_808, %get3A_955 : vector<16xf32>
        %add3A_957 = arith.addf %add3A_952, %mul3A_956 : vector<16xf32>
        %get3A_958 = arith.index_cast %add3A_796 : i32 to index
        %get3A_959 = arith.constant 480 : index
        %get3A_960 = tpu.vector_load %arg25[%get3A_958, %get3A_959] {strides = array<i32>} : memref<16x512xf32, #tpu.memory_space<vmem>>, vector<16xf32>,
        %mul3A_961 = arith.mulf %gather3A_811, %get3A_960 : vector<16xf32>
        %add3A_962 = arith.addf %add3A_957, %mul3A_961 : vector<16xf32>
        %swap3A_963 = arith.index_cast %add3A_798 : i32 to index
        %swap3A_964 = arith.constant 96 : index
        %swap3A_965 = tpu.vector_load %arg27[%swap3A_963, %swap3A_964] {strides = array<i32>} : memref<80x128xf32, #tpu.memory_space<vmem>>, vector<16xf32>,
        tpu.vector_store %arg27[%swap3A_963, %swap3A_964], %add3A_962 {strides = array<i32>} : memref<80x128xf32, #tpu.memory_space<vmem>>, vector<16xf32>,
        %get3A_966 = arith.index_cast %add3A_796 : i32 to index
        %get3A_967 = arith.constant 112 : index
        %get3A_968 = tpu.vector_load %arg25[%get3A_966, %get3A_967] {strides = array<i32>} : memref<16x512xf32, #tpu.memory_space<vmem>>, vector<16xf32>,
        %mul3A_969 = arith.mulf %gather3A_802, %get3A_968 : vector<16xf32>
        %get3A_970 = arith.index_cast %add3A_796 : i32 to index
        %get3A_971 = arith.constant 240 : index
        %get3A_972 = tpu.vector_load %arg25[%get3A_970, %get3A_971] {strides = array<i32>} : memref<16x512xf32, #tpu.memory_space<vmem>>, vector<16xf32>,
        %mul3A_973 = arith.mulf %gather3A_805, %get3A_972 : vector<16xf32>
        %add3A_974 = arith.addf %mul3A_969, %mul3A_973 : vector<16xf32>
        %get3A_975 = arith.index_cast %add3A_796 : i32 to index
        %get3A_976 = arith.constant 368 : index
        %get3A_977 = tpu.vector_load %arg25[%get3A_975, %get3A_976] {strides = array<i32>} : memref<16x512xf32, #tpu.memory_space<vmem>>, vector<16xf32>,
        %mul3A_978 = arith.mulf %gather3A_808, %get3A_977 : vector<16xf32>
        %add3A_979 = arith.addf %add3A_974, %mul3A_978 : vector<16xf32>
        %get3A_980 = arith.index_cast %add3A_796 : i32 to index
        %get3A_981 = arith.constant 496 : index
        %get3A_982 = tpu.vector_load %arg25[%get3A_980, %get3A_981] {strides = array<i32>} : memref<16x512xf32, #tpu.memory_space<vmem>>, vector<16xf32>,
        %mul3A_983 = arith.mulf %gather3A_811, %get3A_982 : vector<16xf32>
        %add3A_984 = arith.addf %add3A_979, %mul3A_983 : vector<16xf32>
        %swap3A_985 = arith.index_cast %add3A_798 : i32 to index
        %swap3A_986 = arith.constant 112 : index
        %swap3A_987 = tpu.vector_load %arg27[%swap3A_985, %swap3A_986] {strides = array<i32>} : memref<80x128xf32, #tpu.memory_space<vmem>>, vector<16xf32>,
        tpu.vector_store %arg27[%swap3A_985, %swap3A_986], %add3A_984 {strides = array<i32>} : memref<80x128xf32, #tpu.memory_space<vmem>>, vector<16xf32>,
      }
      %scan3A_736 = arith.constant 16 : i32
      %dma_start3A_737 = arith.constant 32 : i32
      %dma_start3A_738 = tpu.memref_slice %arg9[%dma_start3A_737] : memref<80xi32, #tpu.memory_space<vmem>> -> memref<16xi32, #tpu.memory_space<vmem>>
      %dma_start3A_739 = arith.constant 0 : i32
      %dma_start3A_740 = arith.constant 0 : i32
      %dma_start3A_741 = tpu.memref_slice %arg5[%dma_start3A_739, %dma_start3A_740] : memref<10000x512xf32, #tpu.memory_space<hbm>> -> memref<10000x512xf32, #tpu.memory_space<hbm>>
      tpu.enqueue_indirect_dma source(%dma_start3A_741 : memref<10000x512xf32, #tpu.memory_space<hbm>>) target(%arg25 : memref<16x512xf32, #tpu.memory_space<vmem>>) offsets(%dma_start3A_738 : memref<16xi32, #tpu.memory_space<vmem>>) semaphore(%arg36 : memref<!tpu.dma_semaphore, #tpu.memory_space<semaphore_mem>>)
      %dma_wait3A_742 = arith.constant 16 : i32
      %dma_wait3A_743 = tpu.memref_slice %arg9[%dma_wait3A_742] : memref<80xi32, #tpu.memory_space<vmem>> -> memref<16xi32, #tpu.memory_space<vmem>>
      %dma_wait3A_744 = arith.constant 0 : i32
      %dma_wait3A_745 = arith.constant 0 : i32
      %dma_wait3A_746 = tpu.memref_slice %arg5[%dma_wait3A_744, %dma_wait3A_745] : memref<10000x512xf32, #tpu.memory_space<hbm>> -> memref<10000x512xf32, #tpu.memory_space<hbm>>
      tpu.wait_indirect_dma semaphore(%arg37 : memref<!tpu.dma_semaphore, #tpu.memory_space<semaphore_mem>>) src(%dma_wait3A_746 : memref<10000x512xf32, #tpu.memory_space<hbm>>) dst(%arg26 : memref<16x512xf32, #tpu.memory_space<vmem>>)
      %scan3A_747 = arith.constant 0 : i32
      %scan3A_748 = arith.constant 16 : i32
      %scan3A_749 = arith.addi %scan3A_747, %scan3A_748 : i32
      %scan3A_750 = arith.constant 1 : i32
      scf.for %scan3A_792 = %scan3A_747 to %scan3A_749 step %scan3A_750  : i32 {
        %mul3A_793 = arith.constant 1 : i32
        %mul3A_794 = arith.muli %scan3A_792, %mul3A_793 : i32
        %add3A_795 = arith.constant 0 : i32
        %add3A_796 = arith.addi %add3A_795, %mul3A_794 : i32
        %add3A_797 = arith.constant 16 : i32
        %add3A_798 = arith.addi %add3A_796, %add3A_797 : i32
        %broadcast_in_dim3A_799 = vector.broadcast %add3A_798 : i32 to vector<16xi32>
        %broadcast_in_dim3A_800 = arith.constant 0 : i32
        %broadcast_in_dim3A_801 = vector.broadcast %broadcast_in_dim3A_800 : i32 to vector<16xi32>
        %gather3A_802 = tpu.vector_load_idx %arg23[%broadcast_in_dim3A_799, %broadcast_in_dim3A_801] : memref<80x8xf32, #tpu.memory_space<vmem>>[vector<16xi32>, vector<16xi32>], vector<16xf32>,
        %broadcast_in_dim3A_803 = arith.constant 1 : i32
        %broadcast_in_dim3A_804 = vector.broadcast %broadcast_in_dim3A_803 : i32 to vector<16xi32>
        %gather3A_805 = tpu.vector_load_idx %arg23[%broadcast_in_dim3A_799, %broadcast_in_dim3A_804] : memref<80x8xf32, #tpu.memory_space<vmem>>[vector<16xi32>, vector<16xi32>], vector<16xf32>,
        %broadcast_in_dim3A_806 = arith.constant 2 : i32
        %broadcast_in_dim3A_807 = vector.broadcast %broadcast_in_dim3A_806 : i32 to vector<16xi32>
        %gather3A_808 = tpu.vector_load_idx %arg23[%broadcast_in_dim3A_799, %broadcast_in_dim3A_807] : memref<80x8xf32, #tpu.memory_space<vmem>>[vector<16xi32>, vector<16xi32>], vector<16xf32>,
        %broadcast_in_dim3A_809 = arith.constant 3 : i32
        %broadcast_in_dim3A_810 = vector.broadcast %broadcast_in_dim3A_809 : i32 to vector<16xi32>
        %gather3A_811 = tpu.vector_load_idx %arg23[%broadcast_in_dim3A_799, %broadcast_in_dim3A_810] : memref<80x8xf32, #tpu.memory_space<vmem>>[vector<16xi32>, vector<16xi32>], vector<16xf32>,
        %get3A_812 = arith.index_cast %add3A_796 : i32 to index
        %get3A_813 = arith.constant 0 : index
        %get3A_814 = tpu.vector_load %arg26[%get3A_812, %get3A_813] {strides = array<i32>} : memref<16x512xf32, #tpu.memory_space<vmem>>, vector<16xf32>,
        %mul3A_815 = arith.mulf %gather3A_802, %get3A_814 : vector<16xf32>
        %get3A_816 = arith.index_cast %add3A_796 : i32 to index
        %get3A_817 = arith.constant 128 : index
        %get3A_818 = tpu.vector_load %arg26[%get3A_816, %get3A_817] {strides = array<i32>} : memref<16x512xf32, #tpu.memory_space<vmem>>, vector<16xf32>,
        %mul3A_819 = arith.mulf %gather3A_805, %get3A_818 : vector<16xf32>
        %add3A_820 = arith.addf %mul3A_815, %mul3A_819 : vector<16xf32>
        %get3A_821 = arith.index_cast %add3A_796 : i32 to index
        %get3A_822 = arith.constant 256 : index
        %get3A_823 = tpu.vector_load %arg26[%get3A_821, %get3A_822] {strides = array<i32>} : memref<16x512xf32, #tpu.memory_space<vmem>>, vector<16xf32>,
        %mul3A_824 = arith.mulf %gather3A_808, %get3A_823 : vector<16xf32>
        %add3A_825 = arith.addf %add3A_820, %mul3A_824 : vector<16xf32>
        %get3A_826 = arith.index_cast %add3A_796 : i32 to index
        %get3A_827 = arith.constant 384 : index
        %get3A_828 = tpu.vector_load %arg26[%get3A_826, %get3A_827] {strides = array<i32>} : memref<16x512xf32, #tpu.memory_space<vmem>>, vector<16xf32>,
        %mul3A_829 = arith.mulf %gather3A_811, %get3A_828 : vector<16xf32>
        %add3A_830 = arith.addf %add3A_825, %mul3A_829 : vector<16xf32>
        %swap3A_831 = arith.index_cast %add3A_798 : i32 to index
        %swap3A_832 = arith.constant 0 : index
        %swap3A_833 = tpu.vector_load %arg27[%swap3A_831, %swap3A_832] {strides = array<i32>} : memref<80x128xf32, #tpu.memory_space<vmem>>, vector<16xf32>,
        tpu.vector_store %arg27[%swap3A_831, %swap3A_832], %add3A_830 {strides = array<i32>} : memref<80x128xf32, #tpu.memory_space<vmem>>, vector<16xf32>,
        %get3A_834 = arith.index_cast %add3A_796 : i32 to index
        %get3A_835 = arith.constant 16 : index
        %get3A_836 = tpu.vector_load %arg26[%get3A_834, %get3A_835] {strides = array<i32>} : memref<16x512xf32, #tpu.memory_space<vmem>>, vector<16xf32>,
        %mul3A_837 = arith.mulf %gather3A_802, %get3A_836 : vector<16xf32>
        %get3A_838 = arith.index_cast %add3A_796 : i32 to index
        %get3A_839 = arith.constant 144 : index
        %get3A_840 = tpu.vector_load %arg26[%get3A_838, %get3A_839] {strides = array<i32>} : memref<16x512xf32, #tpu.memory_space<vmem>>, vector<16xf32>,
        %mul3A_841 = arith.mulf %gather3A_805, %get3A_840 : vector<16xf32>
        %add3A_842 = arith.addf %mul3A_837, %mul3A_841 : vector<16xf32>
        %get3A_843 = arith.index_cast %add3A_796 : i32 to index
        %get3A_844 = arith.constant 272 : index
        %get3A_845 = tpu.vector_load %arg26[%get3A_843, %get3A_844] {strides = array<i32>} : memref<16x512xf32, #tpu.memory_space<vmem>>, vector<16xf32>,
        %mul3A_846 = arith.mulf %gather3A_808, %get3A_845 : vector<16xf32>
        %add3A_847 = arith.addf %add3A_842, %mul3A_846 : vector<16xf32>
        %get3A_848 = arith.index_cast %add3A_796 : i32 to index
        %get3A_849 = arith.constant 400 : index
        %get3A_850 = tpu.vector_load %arg26[%get3A_848, %get3A_849] {strides = array<i32>} : memref<16x512xf32, #tpu.memory_space<vmem>>, vector<16xf32>,
        %mul3A_851 = arith.mulf %gather3A_811, %get3A_850 : vector<16xf32>
        %add3A_852 = arith.addf %add3A_847, %mul3A_851 : vector<16xf32>
        %swap3A_853 = arith.index_cast %add3A_798 : i32 to index
        %swap3A_854 = arith.constant 16 : index
        %swap3A_855 = tpu.vector_load %arg27[%swap3A_853, %swap3A_854] {strides = array<i32>} : memref<80x128xf32, #tpu.memory_space<vmem>>, vector<16xf32>,
        tpu.vector_store %arg27[%swap3A_853, %swap3A_854], %add3A_852 {strides = array<i32>} : memref<80x128xf32, #tpu.memory_space<vmem>>, vector<16xf32>,
        %get3A_856 = arith.index_cast %add3A_796 : i32 to index
        %get3A_857 = arith.constant 32 : index
        %get3A_858 = tpu.vector_load %arg26[%get3A_856, %get3A_857] {strides = array<i32>} : memref<16x512xf32, #tpu.memory_space<vmem>>, vector<16xf32>,
        %mul3A_859 = arith.mulf %gather3A_802, %get3A_858 : vector<16xf32>
        %get3A_860 = arith.index_cast %add3A_796 : i32 to index
        %get3A_861 = arith.constant 160 : index
        %get3A_862 = tpu.vector_load %arg26[%get3A_860, %get3A_861] {strides = array<i32>} : memref<16x512xf32, #tpu.memory_space<vmem>>, vector<16xf32>,
        %mul3A_863 = arith.mulf %gather3A_805, %get3A_862 : vector<16xf32>
        %add3A_864 = arith.addf %mul3A_859, %mul3A_863 : vector<16xf32>
        %get3A_865 = arith.index_cast %add3A_796 : i32 to index
        %get3A_866 = arith.constant 288 : index
        %get3A_867 = tpu.vector_load %arg26[%get3A_865, %get3A_866] {strides = array<i32>} : memref<16x512xf32, #tpu.memory_space<vmem>>, vector<16xf32>,
        %mul3A_868 = arith.mulf %gather3A_808, %get3A_867 : vector<16xf32>
        %add3A_869 = arith.addf %add3A_864, %mul3A_868 : vector<16xf32>
        %get3A_870 = arith.index_cast %add3A_796 : i32 to index
        %get3A_871 = arith.constant 416 : index
        %get3A_872 = tpu.vector_load %arg26[%get3A_870, %get3A_871] {strides = array<i32>} : memref<16x512xf32, #tpu.memory_space<vmem>>, vector<16xf32>,
        %mul3A_873 = arith.mulf %gather3A_811, %get3A_872 : vector<16xf32>
        %add3A_874 = arith.addf %add3A_869, %mul3A_873 : vector<16xf32>
        %swap3A_875 = arith.index_cast %add3A_798 : i32 to index
        %swap3A_876 = arith.constant 32 : index
        %swap3A_877 = tpu.vector_load %arg27[%swap3A_875, %swap3A_876] {strides = array<i32>} : memref<80x128xf32, #tpu.memory_space<vmem>>, vector<16xf32>,
        tpu.vector_store %arg27[%swap3A_875, %swap3A_876], %add3A_874 {strides = array<i32>} : memref<80x128xf32, #tpu.memory_space<vmem>>, vector<16xf32>,
        %get3A_878 = arith.index_cast %add3A_796 : i32 to index
        %get3A_879 = arith.constant 48 : index
        %get3A_880 = tpu.vector_load %arg26[%get3A_878, %get3A_879] {strides = array<i32>} : memref<16x512xf32, #tpu.memory_space<vmem>>, vector<16xf32>,
        %mul3A_881 = arith.mulf %gather3A_802, %get3A_880 : vector<16xf32>
        %get3A_882 = arith.index_cast %add3A_796 : i32 to index
        %get3A_883 = arith.constant 176 : index
        %get3A_884 = tpu.vector_load %arg26[%get3A_882, %get3A_883] {strides = array<i32>} : memref<16x512xf32, #tpu.memory_space<vmem>>, vector<16xf32>,
        %mul3A_885 = arith.mulf %gather3A_805, %get3A_884 : vector<16xf32>
        %add3A_886 = arith.addf %mul3A_881, %mul3A_885 : vector<16xf32>
        %get3A_887 = arith.index_cast %add3A_796 : i32 to index
        %get3A_888 = arith.constant 304 : index
        %get3A_889 = tpu.vector_load %arg26[%get3A_887, %get3A_888] {strides = array<i32>} : memref<16x512xf32, #tpu.memory_space<vmem>>, vector<16xf32>,
        %mul3A_890 = arith.mulf %gather3A_808, %get3A_889 : vector<16xf32>
        %add3A_891 = arith.addf %add3A_886, %mul3A_890 : vector<16xf32>
        %get3A_892 = arith.index_cast %add3A_796 : i32 to index
        %get3A_893 = arith.constant 432 : index
        %get3A_894 = tpu.vector_load %arg26[%get3A_892, %get3A_893] {strides = array<i32>} : memref<16x512xf32, #tpu.memory_space<vmem>>, vector<16xf32>,
        %mul3A_895 = arith.mulf %gather3A_811, %get3A_894 : vector<16xf32>
        %add3A_896 = arith.addf %add3A_891, %mul3A_895 : vector<16xf32>
        %swap3A_897 = arith.index_cast %add3A_798 : i32 to index
        %swap3A_898 = arith.constant 48 : index
        %swap3A_899 = tpu.vector_load %arg27[%swap3A_897, %swap3A_898] {strides = array<i32>} : memref<80x128xf32, #tpu.memory_space<vmem>>, vector<16xf32>,
        tpu.vector_store %arg27[%swap3A_897, %swap3A_898], %add3A_896 {strides = array<i32>} : memref<80x128xf32, #tpu.memory_space<vmem>>, vector<16xf32>,
        %get3A_900 = arith.index_cast %add3A_796 : i32 to index
        %get3A_901 = arith.constant 64 : index
        %get3A_902 = tpu.vector_load %arg26[%get3A_900, %get3A_901] {strides = array<i32>} : memref<16x512xf32, #tpu.memory_space<vmem>>, vector<16xf32>,
        %mul3A_903 = arith.mulf %gather3A_802, %get3A_902 : vector<16xf32>
        %get3A_904 = arith.index_cast %add3A_796 : i32 to index
        %get3A_905 = arith.constant 192 : index
        %get3A_906 = tpu.vector_load %arg26[%get3A_904, %get3A_905] {strides = array<i32>} : memref<16x512xf32, #tpu.memory_space<vmem>>, vector<16xf32>,
        %mul3A_907 = arith.mulf %gather3A_805, %get3A_906 : vector<16xf32>
        %add3A_908 = arith.addf %mul3A_903, %mul3A_907 : vector<16xf32>
        %get3A_909 = arith.index_cast %add3A_796 : i32 to index
        %get3A_910 = arith.constant 320 : index
        %get3A_911 = tpu.vector_load %arg26[%get3A_909, %get3A_910] {strides = array<i32>} : memref<16x512xf32, #tpu.memory_space<vmem>>, vector<16xf32>,
        %mul3A_912 = arith.mulf %gather3A_808, %get3A_911 : vector<16xf32>
        %add3A_913 = arith.addf %add3A_908, %mul3A_912 : vector<16xf32>
        %get3A_914 = arith.index_cast %add3A_796 : i32 to index
        %get3A_915 = arith.constant 448 : index
        %get3A_916 = tpu.vector_load %arg26[%get3A_914, %get3A_915] {strides = array<i32>} : memref<16x512xf32, #tpu.memory_space<vmem>>, vector<16xf32>,
        %mul3A_917 = arith.mulf %gather3A_811, %get3A_916 : vector<16xf32>
        %add3A_918 = arith.addf %add3A_913, %mul3A_917 : vector<16xf32>
        %swap3A_919 = arith.index_cast %add3A_798 : i32 to index
        %swap3A_920 = arith.constant 64 : index
        %swap3A_921 = tpu.vector_load %arg27[%swap3A_919, %swap3A_920] {strides = array<i32>} : memref<80x128xf32, #tpu.memory_space<vmem>>, vector<16xf32>,
        tpu.vector_store %arg27[%swap3A_919, %swap3A_920], %add3A_918 {strides = array<i32>} : memref<80x128xf32, #tpu.memory_space<vmem>>, vector<16xf32>,
        %get3A_922 = arith.index_cast %add3A_796 : i32 to index
        %get3A_923 = arith.constant 80 : index
        %get3A_924 = tpu.vector_load %arg26[%get3A_922, %get3A_923] {strides = array<i32>} : memref<16x512xf32, #tpu.memory_space<vmem>>, vector<16xf32>,
        %mul3A_925 = arith.mulf %gather3A_802, %get3A_924 : vector<16xf32>
        %get3A_926 = arith.index_cast %add3A_796 : i32 to index
        %get3A_927 = arith.constant 208 : index
        %get3A_928 = tpu.vector_load %arg26[%get3A_926, %get3A_927] {strides = array<i32>} : memref<16x512xf32, #tpu.memory_space<vmem>>, vector<16xf32>,
        %mul3A_929 = arith.mulf %gather3A_805, %get3A_928 : vector<16xf32>
        %add3A_930 = arith.addf %mul3A_925, %mul3A_929 : vector<16xf32>
        %get3A_931 = arith.index_cast %add3A_796 : i32 to index
        %get3A_932 = arith.constant 336 : index
        %get3A_933 = tpu.vector_load %arg26[%get3A_931, %get3A_932] {strides = array<i32>} : memref<16x512xf32, #tpu.memory_space<vmem>>, vector<16xf32>,
        %mul3A_934 = arith.mulf %gather3A_808, %get3A_933 : vector<16xf32>
        %add3A_935 = arith.addf %add3A_930, %mul3A_934 : vector<16xf32>
        %get3A_936 = arith.index_cast %add3A_796 : i32 to index
        %get3A_937 = arith.constant 464 : index
        %get3A_938 = tpu.vector_load %arg26[%get3A_936, %get3A_937] {strides = array<i32>} : memref<16x512xf32, #tpu.memory_space<vmem>>, vector<16xf32>,
        %mul3A_939 = arith.mulf %gather3A_811, %get3A_938 : vector<16xf32>
        %add3A_940 = arith.addf %add3A_935, %mul3A_939 : vector<16xf32>
        %swap3A_941 = arith.index_cast %add3A_798 : i32 to index
        %swap3A_942 = arith.constant 80 : index
        %swap3A_943 = tpu.vector_load %arg27[%swap3A_941, %swap3A_942] {strides = array<i32>} : memref<80x128xf32, #tpu.memory_space<vmem>>, vector<16xf32>,
        tpu.vector_store %arg27[%swap3A_941, %swap3A_942], %add3A_940 {strides = array<i32>} : memref<80x128xf32, #tpu.memory_space<vmem>>, vector<16xf32>,
        %get3A_944 = arith.index_cast %add3A_796 : i32 to index
        %get3A_945 = arith.constant 96 : index
        %get3A_946 = tpu.vector_load %arg26[%get3A_944, %get3A_945] {strides = array<i32>} : memref<16x512xf32, #tpu.memory_space<vmem>>, vector<16xf32>,
        %mul3A_947 = arith.mulf %gather3A_802, %get3A_946 : vector<16xf32>
        %get3A_948 = arith.index_cast %add3A_796 : i32 to index
        %get3A_949 = arith.constant 224 : index
        %get3A_950 = tpu.vector_load %arg26[%get3A_948, %get3A_949] {strides = array<i32>} : memref<16x512xf32, #tpu.memory_space<vmem>>, vector<16xf32>,
        %mul3A_951 = arith.mulf %gather3A_805, %get3A_950 : vector<16xf32>
        %add3A_952 = arith.addf %mul3A_947, %mul3A_951 : vector<16xf32>
        %get3A_953 = arith.index_cast %add3A_796 : i32 to index
        %get3A_954 = arith.constant 352 : index
        %get3A_955 = tpu.vector_load %arg26[%get3A_953, %get3A_954] {strides = array<i32>} : memref<16x512xf32, #tpu.memory_space<vmem>>, vector<16xf32>,
        %mul3A_956 = arith.mulf %gather3A_808, %get3A_955 : vector<16xf32>
        %add3A_957 = arith.addf %add3A_952, %mul3A_956 : vector<16xf32>
        %get3A_958 = arith.index_cast %add3A_796 : i32 to index
        %get3A_959 = arith.constant 480 : index
        %get3A_960 = tpu.vector_load %arg26[%get3A_958, %get3A_959] {strides = array<i32>} : memref<16x512xf32, #tpu.memory_space<vmem>>, vector<16xf32>,
        %mul3A_961 = arith.mulf %gather3A_811, %get3A_960 : vector<16xf32>
        %add3A_962 = arith.addf %add3A_957, %mul3A_961 : vector<16xf32>
        %swap3A_963 = arith.index_cast %add3A_798 : i32 to index
        %swap3A_964 = arith.constant 96 : index
        %swap3A_965 = tpu.vector_load %arg27[%swap3A_963, %swap3A_964] {strides = array<i32>} : memref<80x128xf32, #tpu.memory_space<vmem>>, vector<16xf32>,
        tpu.vector_store %arg27[%swap3A_963, %swap3A_964], %add3A_962 {strides = array<i32>} : memref<80x128xf32, #tpu.memory_space<vmem>>, vector<16xf32>,
        %get3A_966 = arith.index_cast %add3A_796 : i32 to index
        %get3A_967 = arith.constant 112 : index
        %get3A_968 = tpu.vector_load %arg26[%get3A_966, %get3A_967] {strides = array<i32>} : memref<16x512xf32, #tpu.memory_space<vmem>>, vector<16xf32>,
        %mul3A_969 = arith.mulf %gather3A_802, %get3A_968 : vector<16xf32>
        %get3A_970 = arith.index_cast %add3A_796 : i32 to index
        %get3A_971 = arith.constant 240 : index
        %get3A_972 = tpu.vector_load %arg26[%get3A_970, %get3A_971] {strides = array<i32>} : memref<16x512xf32, #tpu.memory_space<vmem>>, vector<16xf32>,
        %mul3A_973 = arith.mulf %gather3A_805, %get3A_972 : vector<16xf32>
        %add3A_974 = arith.addf %mul3A_969, %mul3A_973 : vector<16xf32>
        %get3A_975 = arith.index_cast %add3A_796 : i32 to index
        %get3A_976 = arith.constant 368 : index
        %get3A_977 = tpu.vector_load %arg26[%get3A_975, %get3A_976] {strides = array<i32>} : memref<16x512xf32, #tpu.memory_space<vmem>>, vector<16xf32>,
        %mul3A_978 = arith.mulf %gather3A_808, %get3A_977 : vector<16xf32>
        %add3A_979 = arith.addf %add3A_974, %mul3A_978 : vector<16xf32>
        %get3A_980 = arith.index_cast %add3A_796 : i32 to index
        %get3A_981 = arith.constant 496 : index
        %get3A_982 = tpu.vector_load %arg26[%get3A_980, %get3A_981] {strides = array<i32>} : memref<16x512xf32, #tpu.memory_space<vmem>>, vector<16xf32>,
        %mul3A_983 = arith.mulf %gather3A_811, %get3A_982 : vector<16xf32>
        %add3A_984 = arith.addf %add3A_979, %mul3A_983 : vector<16xf32>
        %swap3A_985 = arith.index_cast %add3A_798 : i32 to index
        %swap3A_986 = arith.constant 112 : index
        %swap3A_987 = tpu.vector_load %arg27[%swap3A_985, %swap3A_986] {strides = array<i32>} : memref<80x128xf32, #tpu.memory_space<vmem>>, vector<16xf32>,
        tpu.vector_store %arg27[%swap3A_985, %swap3A_986], %add3A_984 {strides = array<i32>} : memref<80x128xf32, #tpu.memory_space<vmem>>, vector<16xf32>,
      }
      %scan3A_751 = arith.constant 16 : i32
      %dma_start3A_752 = arith.constant 48 : i32
      %dma_start3A_753 = tpu.memref_slice %arg9[%dma_start3A_752] : memref<80xi32, #tpu.memory_space<vmem>> -> memref<16xi32, #tpu.memory_space<vmem>>
      %dma_start3A_754 = arith.constant 0 : i32
      %dma_start3A_755 = arith.constant 0 : i32
      %dma_start3A_756 = tpu.memref_slice %arg5[%dma_start3A_754, %dma_start3A_755] : memref<10000x512xf32, #tpu.memory_space<hbm>> -> memref<10000x512xf32, #tpu.memory_space<hbm>>
      tpu.enqueue_indirect_dma source(%dma_start3A_756 : memref<10000x512xf32, #tpu.memory_space<hbm>>) target(%arg26 : memref<16x512xf32, #tpu.memory_space<vmem>>) offsets(%dma_start3A_753 : memref<16xi32, #tpu.memory_space<vmem>>) semaphore(%arg37 : memref<!tpu.dma_semaphore, #tpu.memory_space<semaphore_mem>>)
      %dma_wait3A_757 = arith.constant 32 : i32
      %dma_wait3A_758 = tpu.memref_slice %arg9[%dma_wait3A_757] : memref<80xi32, #tpu.memory_space<vmem>> -> memref<16xi32, #tpu.memory_space<vmem>>
      %dma_wait3A_759 = arith.constant 0 : i32
      %dma_wait3A_760 = arith.constant 0 : i32
      %dma_wait3A_761 = tpu.memref_slice %arg5[%dma_wait3A_759, %dma_wait3A_760] : memref<10000x512xf32, #tpu.memory_space<hbm>> -> memref<10000x512xf32, #tpu.memory_space<hbm>>
      tpu.wait_indirect_dma semaphore(%arg36 : memref<!tpu.dma_semaphore, #tpu.memory_space<semaphore_mem>>) src(%dma_wait3A_761 : memref<10000x512xf32, #tpu.memory_space<hbm>>) dst(%arg25 : memref<16x512xf32, #tpu.memory_space<vmem>>)
      %scan3A_762 = arith.constant 0 : i32
      %scan3A_763 = arith.constant 16 : i32
      %scan3A_764 = arith.addi %scan3A_762, %scan3A_763 : i32
      %scan3A_765 = arith.constant 1 : i32
      scf.for %scan3A_792 = %scan3A_762 to %scan3A_764 step %scan3A_765  : i32 {
        %mul3A_793 = arith.constant 1 : i32
        %mul3A_794 = arith.muli %scan3A_792, %mul3A_793 : i32
        %add3A_795 = arith.constant 0 : i32
        %add3A_796 = arith.addi %add3A_795, %mul3A_794 : i32
        %add3A_797 = arith.constant 32 : i32
        %add3A_798 = arith.addi %add3A_796, %add3A_797 : i32
        %broadcast_in_dim3A_799 = vector.broadcast %add3A_798 : i32 to vector<16xi32>
        %broadcast_in_dim3A_800 = arith.constant 0 : i32
        %broadcast_in_dim3A_801 = vector.broadcast %broadcast_in_dim3A_800 : i32 to vector<16xi32>
        %gather3A_802 = tpu.vector_load_idx %arg23[%broadcast_in_dim3A_799, %broadcast_in_dim3A_801] : memref<80x8xf32, #tpu.memory_space<vmem>>[vector<16xi32>, vector<16xi32>], vector<16xf32>,
        %broadcast_in_dim3A_803 = arith.constant 1 : i32
        %broadcast_in_dim3A_804 = vector.broadcast %broadcast_in_dim3A_803 : i32 to vector<16xi32>
        %gather3A_805 = tpu.vector_load_idx %arg23[%broadcast_in_dim3A_799, %broadcast_in_dim3A_804] : memref<80x8xf32, #tpu.memory_space<vmem>>[vector<16xi32>, vector<16xi32>], vector<16xf32>,
        %broadcast_in_dim3A_806 = arith.constant 2 : i32
        %broadcast_in_dim3A_807 = vector.broadcast %broadcast_in_dim3A_806 : i32 to vector<16xi32>
        %gather3A_808 = tpu.vector_load_idx %arg23[%broadcast_in_dim3A_799, %broadcast_in_dim3A_807] : memref<80x8xf32, #tpu.memory_space<vmem>>[vector<16xi32>, vector<16xi32>], vector<16xf32>,
        %broadcast_in_dim3A_809 = arith.constant 3 : i32
        %broadcast_in_dim3A_810 = vector.broadcast %broadcast_in_dim3A_809 : i32 to vector<16xi32>
        %gather3A_811 = tpu.vector_load_idx %arg23[%broadcast_in_dim3A_799, %broadcast_in_dim3A_810] : memref<80x8xf32, #tpu.memory_space<vmem>>[vector<16xi32>, vector<16xi32>], vector<16xf32>,
        %get3A_812 = arith.index_cast %add3A_796 : i32 to index
        %get3A_813 = arith.constant 0 : index
        %get3A_814 = tpu.vector_load %arg25[%get3A_812, %get3A_813] {strides = array<i32>} : memref<16x512xf32, #tpu.memory_space<vmem>>, vector<16xf32>,
        %mul3A_815 = arith.mulf %gather3A_802, %get3A_814 : vector<16xf32>
        %get3A_816 = arith.index_cast %add3A_796 : i32 to index
        %get3A_817 = arith.constant 128 : index
        %get3A_818 = tpu.vector_load %arg25[%get3A_816, %get3A_817] {strides = array<i32>} : memref<16x512xf32, #tpu.memory_space<vmem>>, vector<16xf32>,
        %mul3A_819 = arith.mulf %gather3A_805, %get3A_818 : vector<16xf32>
        %add3A_820 = arith.addf %mul3A_815, %mul3A_819 : vector<16xf32>
        %get3A_821 = arith.index_cast %add3A_796 : i32 to index
        %get3A_822 = arith.constant 256 : index
        %get3A_823 = tpu.vector_load %arg25[%get3A_821, %get3A_822] {strides = array<i32>} : memref<16x512xf32, #tpu.memory_space<vmem>>, vector<16xf32>,
        %mul3A_824 = arith.mulf %gather3A_808, %get3A_823 : vector<16xf32>
        %add3A_825 = arith.addf %add3A_820, %mul3A_824 : vector<16xf32>
        %get3A_826 = arith.index_cast %add3A_796 : i32 to index
        %get3A_827 = arith.constant 384 : index
        %get3A_828 = tpu.vector_load %arg25[%get3A_826, %get3A_827] {strides = array<i32>} : memref<16x512xf32, #tpu.memory_space<vmem>>, vector<16xf32>,
        %mul3A_829 = arith.mulf %gather3A_811, %get3A_828 : vector<16xf32>
        %add3A_830 = arith.addf %add3A_825, %mul3A_829 : vector<16xf32>
        %swap3A_831 = arith.index_cast %add3A_798 : i32 to index
        %swap3A_832 = arith.constant 0 : index
        %swap3A_833 = tpu.vector_load %arg27[%swap3A_831, %swap3A_832] {strides = array<i32>} : memref<80x128xf32, #tpu.memory_space<vmem>>, vector<16xf32>,
        tpu.vector_store %arg27[%swap3A_831, %swap3A_832], %add3A_830 {strides = array<i32>} : memref<80x128xf32, #tpu.memory_space<vmem>>, vector<16xf32>,
        %get3A_834 = arith.index_cast %add3A_796 : i32 to index
        %get3A_835 = arith.constant 16 : index
        %get3A_836 = tpu.vector_load %arg25[%get3A_834, %get3A_835] {strides = array<i32>} : memref<16x512xf32, #tpu.memory_space<vmem>>, vector<16xf32>,
        %mul3A_837 = arith.mulf %gather3A_802, %get3A_836 : vector<16xf32>
        %get3A_838 = arith.index_cast %add3A_796 : i32 to index
        %get3A_839 = arith.constant 144 : index
        %get3A_840 = tpu.vector_load %arg25[%get3A_838, %get3A_839] {strides = array<i32>} : memref<16x512xf32, #tpu.memory_space<vmem>>, vector<16xf32>,
        %mul3A_841 = arith.mulf %gather3A_805, %get3A_840 : vector<16xf32>
        %add3A_842 = arith.addf %mul3A_837, %mul3A_841 : vector<16xf32>
        %get3A_843 = arith.index_cast %add3A_796 : i32 to index
        %get3A_844 = arith.constant 272 : index
        %get3A_845 = tpu.vector_load %arg25[%get3A_843, %get3A_844] {strides = array<i32>} : memref<16x512xf32, #tpu.memory_space<vmem>>, vector<16xf32>,
        %mul3A_846 = arith.mulf %gather3A_808, %get3A_845 : vector<16xf32>
        %add3A_847 = arith.addf %add3A_842, %mul3A_846 : vector<16xf32>
        %get3A_848 = arith.index_cast %add3A_796 : i32 to index
        %get3A_849 = arith.constant 400 : index
        %get3A_850 = tpu.vector_load %arg25[%get3A_848, %get3A_849] {strides = array<i32>} : memref<16x512xf32, #tpu.memory_space<vmem>>, vector<16xf32>,
        %mul3A_851 = arith.mulf %gather3A_811, %get3A_850 : vector<16xf32>
        %add3A_852 = arith.addf %add3A_847, %mul3A_851 : vector<16xf32>
        %swap3A_853 = arith.index_cast %add3A_798 : i32 to index
        %swap3A_854 = arith.constant 16 : index
        %swap3A_855 = tpu.vector_load %arg27[%swap3A_853, %swap3A_854] {strides = array<i32>} : memref<80x128xf32, #tpu.memory_space<vmem>>, vector<16xf32>,
        tpu.vector_store %arg27[%swap3A_853, %swap3A_854], %add3A_852 {strides = array<i32>} : memref<80x128xf32, #tpu.memory_space<vmem>>, vector<16xf32>,
        %get3A_856 = arith.index_cast %add3A_796 : i32 to index
        %get3A_857 = arith.constant 32 : index
        %get3A_858 = tpu.vector_load %arg25[%get3A_856, %get3A_857] {strides = array<i32>} : memref<16x512xf32, #tpu.memory_space<vmem>>, vector<16xf32>,
        %mul3A_859 = arith.mulf %gather3A_802, %get3A_858 : vector<16xf32>
        %get3A_860 = arith.index_cast %add3A_796 : i32 to index
        %get3A_861 = arith.constant 160 : index
        %get3A_862 = tpu.vector_load %arg25[%get3A_860, %get3A_861] {strides = array<i32>} : memref<16x512xf32, #tpu.memory_space<vmem>>, vector<16xf32>,
        %mul3A_863 = arith.mulf %gather3A_805, %get3A_862 : vector<16xf32>
        %add3A_864 = arith.addf %mul3A_859, %mul3A_863 : vector<16xf32>
        %get3A_865 = arith.index_cast %add3A_796 : i32 to index
        %get3A_866 = arith.constant 288 : index
        %get3A_867 = tpu.vector_load %arg25[%get3A_865, %get3A_866] {strides = array<i32>} : memref<16x512xf32, #tpu.memory_space<vmem>>, vector<16xf32>,
        %mul3A_868 = arith.mulf %gather3A_808, %get3A_867 : vector<16xf32>
        %add3A_869 = arith.addf %add3A_864, %mul3A_868 : vector<16xf32>
        %get3A_870 = arith.index_cast %add3A_796 : i32 to index
        %get3A_871 = arith.constant 416 : index
        %get3A_872 = tpu.vector_load %arg25[%get3A_870, %get3A_871] {strides = array<i32>} : memref<16x512xf32, #tpu.memory_space<vmem>>, vector<16xf32>,
        %mul3A_873 = arith.mulf %gather3A_811, %get3A_872 : vector<16xf32>
        %add3A_874 = arith.addf %add3A_869, %mul3A_873 : vector<16xf32>
        %swap3A_875 = arith.index_cast %add3A_798 : i32 to index
        %swap3A_876 = arith.constant 32 : index
        %swap3A_877 = tpu.vector_load %arg27[%swap3A_875, %swap3A_876] {strides = array<i32>} : memref<80x128xf32, #tpu.memory_space<vmem>>, vector<16xf32>,
        tpu.vector_store %arg27[%swap3A_875, %swap3A_876], %add3A_874 {strides = array<i32>} : memref<80x128xf32, #tpu.memory_space<vmem>>, vector<16xf32>,
        %get3A_878 = arith.index_cast %add3A_796 : i32 to index
        %get3A_879 = arith.constant 48 : index
        %get3A_880 = tpu.vector_load %arg25[%get3A_878, %get3A_879] {strides = array<i32>} : memref<16x512xf32, #tpu.memory_space<vmem>>, vector<16xf32>,
        %mul3A_881 = arith.mulf %gather3A_802, %get3A_880 : vector<16xf32>
        %get3A_882 = arith.index_cast %add3A_796 : i32 to index
        %get3A_883 = arith.constant 176 : index
        %get3A_884 = tpu.vector_load %arg25[%get3A_882, %get3A_883] {strides = array<i32>} : memref<16x512xf32, #tpu.memory_space<vmem>>, vector<16xf32>,
        %mul3A_885 = arith.mulf %gather3A_805, %get3A_884 : vector<16xf32>
        %add3A_886 = arith.addf %mul3A_881, %mul3A_885 : vector<16xf32>
        %get3A_887 = arith.index_cast %add3A_796 : i32 to index
        %get3A_888 = arith.constant 304 : index
        %get3A_889 = tpu.vector_load %arg25[%get3A_887, %get3A_888] {strides = array<i32>} : memref<16x512xf32, #tpu.memory_space<vmem>>, vector<16xf32>,
        %mul3A_890 = arith.mulf %gather3A_808, %get3A_889 : vector<16xf32>
        %add3A_891 = arith.addf %add3A_886, %mul3A_890 : vector<16xf32>
        %get3A_892 = arith.index_cast %add3A_796 : i32 to index
        %get3A_893 = arith.constant 432 : index
        %get3A_894 = tpu.vector_load %arg25[%get3A_892, %get3A_893] {strides = array<i32>} : memref<16x512xf32, #tpu.memory_space<vmem>>, vector<16xf32>,
        %mul3A_895 = arith.mulf %gather3A_811, %get3A_894 : vector<16xf32>
        %add3A_896 = arith.addf %add3A_891, %mul3A_895 : vector<16xf32>
        %swap3A_897 = arith.index_cast %add3A_798 : i32 to index
        %swap3A_898 = arith.constant 48 : index
        %swap3A_899 = tpu.vector_load %arg27[%swap3A_897, %swap3A_898] {strides = array<i32>} : memref<80x128xf32, #tpu.memory_space<vmem>>, vector<16xf32>,
        tpu.vector_store %arg27[%swap3A_897, %swap3A_898], %add3A_896 {strides = array<i32>} : memref<80x128xf32, #tpu.memory_space<vmem>>, vector<16xf32>,
        %get3A_900 = arith.index_cast %add3A_796 : i32 to index
        %get3A_901 = arith.constant 64 : index
        %get3A_902 = tpu.vector_load %arg25[%get3A_900, %get3A_901] {strides = array<i32>} : memref<16x512xf32, #tpu.memory_space<vmem>>, vector<16xf32>,
        %mul3A_903 = arith.mulf %gather3A_802, %get3A_902 : vector<16xf32>
        %get3A_904 = arith.index_cast %add3A_796 : i32 to index
        %get3A_905 = arith.constant 192 : index
        %get3A_906 = tpu.vector_load %arg25[%get3A_904, %get3A_905] {strides = array<i32>} : memref<16x512xf32, #tpu.memory_space<vmem>>, vector<16xf32>,
        %mul3A_907 = arith.mulf %gather3A_805, %get3A_906 : vector<16xf32>
        %add3A_908 = arith.addf %mul3A_903, %mul3A_907 : vector<16xf32>
        %get3A_909 = arith.index_cast %add3A_796 : i32 to index
        %get3A_910 = arith.constant 320 : index
        %get3A_911 = tpu.vector_load %arg25[%get3A_909, %get3A_910] {strides = array<i32>} : memref<16x512xf32, #tpu.memory_space<vmem>>, vector<16xf32>,
        %mul3A_912 = arith.mulf %gather3A_808, %get3A_911 : vector<16xf32>
        %add3A_913 = arith.addf %add3A_908, %mul3A_912 : vector<16xf32>
        %get3A_914 = arith.index_cast %add3A_796 : i32 to index
        %get3A_915 = arith.constant 448 : index
        %get3A_916 = tpu.vector_load %arg25[%get3A_914, %get3A_915] {strides = array<i32>} : memref<16x512xf32, #tpu.memory_space<vmem>>, vector<16xf32>,
        %mul3A_917 = arith.mulf %gather3A_811, %get3A_916 : vector<16xf32>
        %add3A_918 = arith.addf %add3A_913, %mul3A_917 : vector<16xf32>
        %swap3A_919 = arith.index_cast %add3A_798 : i32 to index
        %swap3A_920 = arith.constant 64 : index
        %swap3A_921 = tpu.vector_load %arg27[%swap3A_919, %swap3A_920] {strides = array<i32>} : memref<80x128xf32, #tpu.memory_space<vmem>>, vector<16xf32>,
        tpu.vector_store %arg27[%swap3A_919, %swap3A_920], %add3A_918 {strides = array<i32>} : memref<80x128xf32, #tpu.memory_space<vmem>>, vector<16xf32>,
        %get3A_922 = arith.index_cast %add3A_796 : i32 to index
        %get3A_923 = arith.constant 80 : index
        %get3A_924 = tpu.vector_load %arg25[%get3A_922, %get3A_923] {strides = array<i32>} : memref<16x512xf32, #tpu.memory_space<vmem>>, vector<16xf32>,
        %mul3A_925 = arith.mulf %gather3A_802, %get3A_924 : vector<16xf32>
        %get3A_926 = arith.index_cast %add3A_796 : i32 to index
        %get3A_927 = arith.constant 208 : index
        %get3A_928 = tpu.vector_load %arg25[%get3A_926, %get3A_927] {strides = array<i32>} : memref<16x512xf32, #tpu.memory_space<vmem>>, vector<16xf32>,
        %mul3A_929 = arith.mulf %gather3A_805, %get3A_928 : vector<16xf32>
        %add3A_930 = arith.addf %mul3A_925, %mul3A_929 : vector<16xf32>
        %get3A_931 = arith.index_cast %add3A_796 : i32 to index
        %get3A_932 = arith.constant 336 : index
        %get3A_933 = tpu.vector_load %arg25[%get3A_931, %get3A_932] {strides = array<i32>} : memref<16x512xf32, #tpu.memory_space<vmem>>, vector<16xf32>,
        %mul3A_934 = arith.mulf %gather3A_808, %get3A_933 : vector<16xf32>
        %add3A_935 = arith.addf %add3A_930, %mul3A_934 : vector<16xf32>
        %get3A_936 = arith.index_cast %add3A_796 : i32 to index
        %get3A_937 = arith.constant 464 : index
        %get3A_938 = tpu.vector_load %arg25[%get3A_936, %get3A_937] {strides = array<i32>} : memref<16x512xf32, #tpu.memory_space<vmem>>, vector<16xf32>,
        %mul3A_939 = arith.mulf %gather3A_811, %get3A_938 : vector<16xf32>
        %add3A_940 = arith.addf %add3A_935, %mul3A_939 : vector<16xf32>
        %swap3A_941 = arith.index_cast %add3A_798 : i32 to index
        %swap3A_942 = arith.constant 80 : index
        %swap3A_943 = tpu.vector_load %arg27[%swap3A_941, %swap3A_942] {strides = array<i32>} : memref<80x128xf32, #tpu.memory_space<vmem>>, vector<16xf32>,
        tpu.vector_store %arg27[%swap3A_941, %swap3A_942], %add3A_940 {strides = array<i32>} : memref<80x128xf32, #tpu.memory_space<vmem>>, vector<16xf32>,
        %get3A_944 = arith.index_cast %add3A_796 : i32 to index
        %get3A_945 = arith.constant 96 : index
        %get3A_946 = tpu.vector_load %arg25[%get3A_944, %get3A_945] {strides = array<i32>} : memref<16x512xf32, #tpu.memory_space<vmem>>, vector<16xf32>,
        %mul3A_947 = arith.mulf %gather3A_802, %get3A_946 : vector<16xf32>
        %get3A_948 = arith.index_cast %add3A_796 : i32 to index
        %get3A_949 = arith.constant 224 : index
        %get3A_950 = tpu.vector_load %arg25[%get3A_948, %get3A_949] {strides = array<i32>} : memref<16x512xf32, #tpu.memory_space<vmem>>, vector<16xf32>,
        %mul3A_951 = arith.mulf %gather3A_805, %get3A_950 : vector<16xf32>
        %add3A_952 = arith.addf %mul3A_947, %mul3A_951 : vector<16xf32>
        %get3A_953 = arith.index_cast %add3A_796 : i32 to index
        %get3A_954 = arith.constant 352 : index
        %get3A_955 = tpu.vector_load %arg25[%get3A_953, %get3A_954] {strides = array<i32>} : memref<16x512xf32, #tpu.memory_space<vmem>>, vector<16xf32>,
        %mul3A_956 = arith.mulf %gather3A_808, %get3A_955 : vector<16xf32>
        %add3A_957 = arith.addf %add3A_952, %mul3A_956 : vector<16xf32>
        %get3A_958 = arith.index_cast %add3A_796 : i32 to index
        %get3A_959 = arith.constant 480 : index
        %get3A_960 = tpu.vector_load %arg25[%get3A_958, %get3A_959] {strides = array<i32>} : memref<16x512xf32, #tpu.memory_space<vmem>>, vector<16xf32>,
        %mul3A_961 = arith.mulf %gather3A_811, %get3A_960 : vector<16xf32>
        %add3A_962 = arith.addf %add3A_957, %mul3A_961 : vector<16xf32>
        %swap3A_963 = arith.index_cast %add3A_798 : i32 to index
        %swap3A_964 = arith.constant 96 : index
        %swap3A_965 = tpu.vector_load %arg27[%swap3A_963, %swap3A_964] {strides = array<i32>} : memref<80x128xf32, #tpu.memory_space<vmem>>, vector<16xf32>,
        tpu.vector_store %arg27[%swap3A_963, %swap3A_964], %add3A_962 {strides = array<i32>} : memref<80x128xf32, #tpu.memory_space<vmem>>, vector<16xf32>,
        %get3A_966 = arith.index_cast %add3A_796 : i32 to index
        %get3A_967 = arith.constant 112 : index
        %get3A_968 = tpu.vector_load %arg25[%get3A_966, %get3A_967] {strides = array<i32>} : memref<16x512xf32, #tpu.memory_space<vmem>>, vector<16xf32>,
        %mul3A_969 = arith.mulf %gather3A_802, %get3A_968 : vector<16xf32>
        %get3A_970 = arith.index_cast %add3A_796 : i32 to index
        %get3A_971 = arith.constant 240 : index
        %get3A_972 = tpu.vector_load %arg25[%get3A_970, %get3A_971] {strides = array<i32>} : memref<16x512xf32, #tpu.memory_space<vmem>>, vector<16xf32>,
        %mul3A_973 = arith.mulf %gather3A_805, %get3A_972 : vector<16xf32>
        %add3A_974 = arith.addf %mul3A_969, %mul3A_973 : vector<16xf32>
        %get3A_975 = arith.index_cast %add3A_796 : i32 to index
        %get3A_976 = arith.constant 368 : index
        %get3A_977 = tpu.vector_load %arg25[%get3A_975, %get3A_976] {strides = array<i32>} : memref<16x512xf32, #tpu.memory_space<vmem>>, vector<16xf32>,
        %mul3A_978 = arith.mulf %gather3A_808, %get3A_977 : vector<16xf32>
        %add3A_979 = arith.addf %add3A_974, %mul3A_978 : vector<16xf32>
        %get3A_980 = arith.index_cast %add3A_796 : i32 to index
        %get3A_981 = arith.constant 496 : index
        %get3A_982 = tpu.vector_load %arg25[%get3A_980, %get3A_981] {strides = array<i32>} : memref<16x512xf32, #tpu.memory_space<vmem>>, vector<16xf32>,
        %mul3A_983 = arith.mulf %gather3A_811, %get3A_982 : vector<16xf32>
        %add3A_984 = arith.addf %add3A_979, %mul3A_983 : vector<16xf32>
        %swap3A_985 = arith.index_cast %add3A_798 : i32 to index
        %swap3A_986 = arith.constant 112 : index
        %swap3A_987 = tpu.vector_load %arg27[%swap3A_985, %swap3A_986] {strides = array<i32>} : memref<80x128xf32, #tpu.memory_space<vmem>>, vector<16xf32>,
        tpu.vector_store %arg27[%swap3A_985, %swap3A_986], %add3A_984 {strides = array<i32>} : memref<80x128xf32, #tpu.memory_space<vmem>>, vector<16xf32>,
      }
      %scan3A_766 = arith.constant 16 : i32
      %dma_start3A_767 = arith.constant 64 : i32
      %dma_start3A_768 = tpu.memref_slice %arg9[%dma_start3A_767] : memref<80xi32, #tpu.memory_space<vmem>> -> memref<16xi32, #tpu.memory_space<vmem>>
      %dma_start3A_769 = arith.constant 0 : i32
      %dma_start3A_770 = arith.constant 0 : i32
      %dma_start3A_771 = tpu.memref_slice %arg5[%dma_start3A_769, %dma_start3A_770] : memref<10000x512xf32, #tpu.memory_space<hbm>> -> memref<10000x512xf32, #tpu.memory_space<hbm>>
      tpu.enqueue_indirect_dma source(%dma_start3A_771 : memref<10000x512xf32, #tpu.memory_space<hbm>>) target(%arg25 : memref<16x512xf32, #tpu.memory_space<vmem>>) offsets(%dma_start3A_768 : memref<16xi32, #tpu.memory_space<vmem>>) semaphore(%arg36 : memref<!tpu.dma_semaphore, #tpu.memory_space<semaphore_mem>>)
      %dma_wait3A_772 = arith.constant 48 : i32
      %dma_wait3A_773 = tpu.memref_slice %arg9[%dma_wait3A_772] : memref<80xi32, #tpu.memory_space<vmem>> -> memref<16xi32, #tpu.memory_space<vmem>>
      %dma_wait3A_774 = arith.constant 0 : i32
      %dma_wait3A_775 = arith.constant 0 : i32
      %dma_wait3A_776 = tpu.memref_slice %arg5[%dma_wait3A_774, %dma_wait3A_775] : memref<10000x512xf32, #tpu.memory_space<hbm>> -> memref<10000x512xf32, #tpu.memory_space<hbm>>
      tpu.wait_indirect_dma semaphore(%arg37 : memref<!tpu.dma_semaphore, #tpu.memory_space<semaphore_mem>>) src(%dma_wait3A_776 : memref<10000x512xf32, #tpu.memory_space<hbm>>) dst(%arg26 : memref<16x512xf32, #tpu.memory_space<vmem>>)
      %scan3A_777 = arith.constant 0 : i32
      %scan3A_778 = arith.constant 16 : i32
      %scan3A_779 = arith.addi %scan3A_777, %scan3A_778 : i32
      %scan3A_780 = arith.constant 1 : i32
      scf.for %scan3A_792 = %scan3A_777 to %scan3A_779 step %scan3A_780  : i32 {
        %mul3A_793 = arith.constant 1 : i32
        %mul3A_794 = arith.muli %scan3A_792, %mul3A_793 : i32
        %add3A_795 = arith.constant 0 : i32
        %add3A_796 = arith.addi %add3A_795, %mul3A_794 : i32
        %add3A_797 = arith.constant 48 : i32
        %add3A_798 = arith.addi %add3A_796, %add3A_797 : i32
        %broadcast_in_dim3A_799 = vector.broadcast %add3A_798 : i32 to vector<16xi32>
        %broadcast_in_dim3A_800 = arith.constant 0 : i32
        %broadcast_in_dim3A_801 = vector.broadcast %broadcast_in_dim3A_800 : i32 to vector<16xi32>
        %gather3A_802 = tpu.vector_load_idx %arg23[%broadcast_in_dim3A_799, %broadcast_in_dim3A_801] : memref<80x8xf32, #tpu.memory_space<vmem>>[vector<16xi32>, vector<16xi32>], vector<16xf32>,
        %broadcast_in_dim3A_803 = arith.constant 1 : i32
        %broadcast_in_dim3A_804 = vector.broadcast %broadcast_in_dim3A_803 : i32 to vector<16xi32>
        %gather3A_805 = tpu.vector_load_idx %arg23[%broadcast_in_dim3A_799, %broadcast_in_dim3A_804] : memref<80x8xf32, #tpu.memory_space<vmem>>[vector<16xi32>, vector<16xi32>], vector<16xf32>,
        %broadcast_in_dim3A_806 = arith.constant 2 : i32
        %broadcast_in_dim3A_807 = vector.broadcast %broadcast_in_dim3A_806 : i32 to vector<16xi32>
        %gather3A_808 = tpu.vector_load_idx %arg23[%broadcast_in_dim3A_799, %broadcast_in_dim3A_807] : memref<80x8xf32, #tpu.memory_space<vmem>>[vector<16xi32>, vector<16xi32>], vector<16xf32>,
        %broadcast_in_dim3A_809 = arith.constant 3 : i32
        %broadcast_in_dim3A_810 = vector.broadcast %broadcast_in_dim3A_809 : i32 to vector<16xi32>
        %gather3A_811 = tpu.vector_load_idx %arg23[%broadcast_in_dim3A_799, %broadcast_in_dim3A_810] : memref<80x8xf32, #tpu.memory_space<vmem>>[vector<16xi32>, vector<16xi32>], vector<16xf32>,
        %get3A_812 = arith.index_cast %add3A_796 : i32 to index
        %get3A_813 = arith.constant 0 : index
        %get3A_814 = tpu.vector_load %arg26[%get3A_812, %get3A_813] {strides = array<i32>} : memref<16x512xf32, #tpu.memory_space<vmem>>, vector<16xf32>,
        %mul3A_815 = arith.mulf %gather3A_802, %get3A_814 : vector<16xf32>
        %get3A_816 = arith.index_cast %add3A_796 : i32 to index
        %get3A_817 = arith.constant 128 : index
        %get3A_818 = tpu.vector_load %arg26[%get3A_816, %get3A_817] {strides = array<i32>} : memref<16x512xf32, #tpu.memory_space<vmem>>, vector<16xf32>,
        %mul3A_819 = arith.mulf %gather3A_805, %get3A_818 : vector<16xf32>
        %add3A_820 = arith.addf %mul3A_815, %mul3A_819 : vector<16xf32>
        %get3A_821 = arith.index_cast %add3A_796 : i32 to index
        %get3A_822 = arith.constant 256 : index
        %get3A_823 = tpu.vector_load %arg26[%get3A_821, %get3A_822] {strides = array<i32>} : memref<16x512xf32, #tpu.memory_space<vmem>>, vector<16xf32>,
        %mul3A_824 = arith.mulf %gather3A_808, %get3A_823 : vector<16xf32>
        %add3A_825 = arith.addf %add3A_820, %mul3A_824 : vector<16xf32>
        %get3A_826 = arith.index_cast %add3A_796 : i32 to index
        %get3A_827 = arith.constant 384 : index
        %get3A_828 = tpu.vector_load %arg26[%get3A_826, %get3A_827] {strides = array<i32>} : memref<16x512xf32, #tpu.memory_space<vmem>>, vector<16xf32>,
        %mul3A_829 = arith.mulf %gather3A_811, %get3A_828 : vector<16xf32>
        %add3A_830 = arith.addf %add3A_825, %mul3A_829 : vector<16xf32>
        %swap3A_831 = arith.index_cast %add3A_798 : i32 to index
        %swap3A_832 = arith.constant 0 : index
        %swap3A_833 = tpu.vector_load %arg27[%swap3A_831, %swap3A_832] {strides = array<i32>} : memref<80x128xf32, #tpu.memory_space<vmem>>, vector<16xf32>,
        tpu.vector_store %arg27[%swap3A_831, %swap3A_832], %add3A_830 {strides = array<i32>} : memref<80x128xf32, #tpu.memory_space<vmem>>, vector<16xf32>,
        %get3A_834 = arith.index_cast %add3A_796 : i32 to index
        %get3A_835 = arith.constant 16 : index
        %get3A_836 = tpu.vector_load %arg26[%get3A_834, %get3A_835] {strides = array<i32>} : memref<16x512xf32, #tpu.memory_space<vmem>>, vector<16xf32>,
        %mul3A_837 = arith.mulf %gather3A_802, %get3A_836 : vector<16xf32>
        %get3A_838 = arith.index_cast %add3A_796 : i32 to index
        %get3A_839 = arith.constant 144 : index
        %get3A_840 = tpu.vector_load %arg26[%get3A_838, %get3A_839] {strides = array<i32>} : memref<16x512xf32, #tpu.memory_space<vmem>>, vector<16xf32>,
        %mul3A_841 = arith.mulf %gather3A_805, %get3A_840 : vector<16xf32>
        %add3A_842 = arith.addf %mul3A_837, %mul3A_841 : vector<16xf32>
        %get3A_843 = arith.index_cast %add3A_796 : i32 to index
        %get3A_844 = arith.constant 272 : index
        %get3A_845 = tpu.vector_load %arg26[%get3A_843, %get3A_844] {strides = array<i32>} : memref<16x512xf32, #tpu.memory_space<vmem>>, vector<16xf32>,
        %mul3A_846 = arith.mulf %gather3A_808, %get3A_845 : vector<16xf32>
        %add3A_847 = arith.addf %add3A_842, %mul3A_846 : vector<16xf32>
        %get3A_848 = arith.index_cast %add3A_796 : i32 to index
        %get3A_849 = arith.constant 400 : index
        %get3A_850 = tpu.vector_load %arg26[%get3A_848, %get3A_849] {strides = array<i32>} : memref<16x512xf32, #tpu.memory_space<vmem>>, vector<16xf32>,
        %mul3A_851 = arith.mulf %gather3A_811, %get3A_850 : vector<16xf32>
        %add3A_852 = arith.addf %add3A_847, %mul3A_851 : vector<16xf32>
        %swap3A_853 = arith.index_cast %add3A_798 : i32 to index
        %swap3A_854 = arith.constant 16 : index
        %swap3A_855 = tpu.vector_load %arg27[%swap3A_853, %swap3A_854] {strides = array<i32>} : memref<80x128xf32, #tpu.memory_space<vmem>>, vector<16xf32>,
        tpu.vector_store %arg27[%swap3A_853, %swap3A_854], %add3A_852 {strides = array<i32>} : memref<80x128xf32, #tpu.memory_space<vmem>>, vector<16xf32>,
        %get3A_856 = arith.index_cast %add3A_796 : i32 to index
        %get3A_857 = arith.constant 32 : index
        %get3A_858 = tpu.vector_load %arg26[%get3A_856, %get3A_857] {strides = array<i32>} : memref<16x512xf32, #tpu.memory_space<vmem>>, vector<16xf32>,
        %mul3A_859 = arith.mulf %gather3A_802, %get3A_858 : vector<16xf32>
        %get3A_860 = arith.index_cast %add3A_796 : i32 to index
        %get3A_861 = arith.constant 160 : index
        %get3A_862 = tpu.vector_load %arg26[%get3A_860, %get3A_861] {strides = array<i32>} : memref<16x512xf32, #tpu.memory_space<vmem>>, vector<16xf32>,
        %mul3A_863 = arith.mulf %gather3A_805, %get3A_862 : vector<16xf32>
        %add3A_864 = arith.addf %mul3A_859, %mul3A_863 : vector<16xf32>
        %get3A_865 = arith.index_cast %add3A_796 : i32 to index
        %get3A_866 = arith.constant 288 : index
        %get3A_867 = tpu.vector_load %arg26[%get3A_865, %get3A_866] {strides = array<i32>} : memref<16x512xf32, #tpu.memory_space<vmem>>, vector<16xf32>,
        %mul3A_868 = arith.mulf %gather3A_808, %get3A_867 : vector<16xf32>
        %add3A_869 = arith.addf %add3A_864, %mul3A_868 : vector<16xf32>
        %get3A_870 = arith.index_cast %add3A_796 : i32 to index
        %get3A_871 = arith.constant 416 : index
        %get3A_872 = tpu.vector_load %arg26[%get3A_870, %get3A_871] {strides = array<i32>} : memref<16x512xf32, #tpu.memory_space<vmem>>, vector<16xf32>,
        %mul3A_873 = arith.mulf %gather3A_811, %get3A_872 : vector<16xf32>
        %add3A_874 = arith.addf %add3A_869, %mul3A_873 : vector<16xf32>
        %swap3A_875 = arith.index_cast %add3A_798 : i32 to index
        %swap3A_876 = arith.constant 32 : index
        %swap3A_877 = tpu.vector_load %arg27[%swap3A_875, %swap3A_876] {strides = array<i32>} : memref<80x128xf32, #tpu.memory_space<vmem>>, vector<16xf32>,
        tpu.vector_store %arg27[%swap3A_875, %swap3A_876], %add3A_874 {strides = array<i32>} : memref<80x128xf32, #tpu.memory_space<vmem>>, vector<16xf32>,
        %get3A_878 = arith.index_cast %add3A_796 : i32 to index
        %get3A_879 = arith.constant 48 : index
        %get3A_880 = tpu.vector_load %arg26[%get3A_878, %get3A_879] {strides = array<i32>} : memref<16x512xf32, #tpu.memory_space<vmem>>, vector<16xf32>,
        %mul3A_881 = arith.mulf %gather3A_802, %get3A_880 : vector<16xf32>
        %get3A_882 = arith.index_cast %add3A_796 : i32 to index
        %get3A_883 = arith.constant 176 : index
        %get3A_884 = tpu.vector_load %arg26[%get3A_882, %get3A_883] {strides = array<i32>} : memref<16x512xf32, #tpu.memory_space<vmem>>, vector<16xf32>,
        %mul3A_885 = arith.mulf %gather3A_805, %get3A_884 : vector<16xf32>
        %add3A_886 = arith.addf %mul3A_881, %mul3A_885 : vector<16xf32>
        %get3A_887 = arith.index_cast %add3A_796 : i32 to index
        %get3A_888 = arith.constant 304 : index
        %get3A_889 = tpu.vector_load %arg26[%get3A_887, %get3A_888] {strides = array<i32>} : memref<16x512xf32, #tpu.memory_space<vmem>>, vector<16xf32>,
        %mul3A_890 = arith.mulf %gather3A_808, %get3A_889 : vector<16xf32>
        %add3A_891 = arith.addf %add3A_886, %mul3A_890 : vector<16xf32>
        %get3A_892 = arith.index_cast %add3A_796 : i32 to index
        %get3A_893 = arith.constant 432 : index
        %get3A_894 = tpu.vector_load %arg26[%get3A_892, %get3A_893] {strides = array<i32>} : memref<16x512xf32, #tpu.memory_space<vmem>>, vector<16xf32>,
        %mul3A_895 = arith.mulf %gather3A_811, %get3A_894 : vector<16xf32>
        %add3A_896 = arith.addf %add3A_891, %mul3A_895 : vector<16xf32>
        %swap3A_897 = arith.index_cast %add3A_798 : i32 to index
        %swap3A_898 = arith.constant 48 : index
        %swap3A_899 = tpu.vector_load %arg27[%swap3A_897, %swap3A_898] {strides = array<i32>} : memref<80x128xf32, #tpu.memory_space<vmem>>, vector<16xf32>,
        tpu.vector_store %arg27[%swap3A_897, %swap3A_898], %add3A_896 {strides = array<i32>} : memref<80x128xf32, #tpu.memory_space<vmem>>, vector<16xf32>,
        %get3A_900 = arith.index_cast %add3A_796 : i32 to index
        %get3A_901 = arith.constant 64 : index
        %get3A_902 = tpu.vector_load %arg26[%get3A_900, %get3A_901] {strides = array<i32>} : memref<16x512xf32, #tpu.memory_space<vmem>>, vector<16xf32>,
        %mul3A_903 = arith.mulf %gather3A_802, %get3A_902 : vector<16xf32>
        %get3A_904 = arith.index_cast %add3A_796 : i32 to index
        %get3A_905 = arith.constant 192 : index
        %get3A_906 = tpu.vector_load %arg26[%get3A_904, %get3A_905] {strides = array<i32>} : memref<16x512xf32, #tpu.memory_space<vmem>>, vector<16xf32>,
        %mul3A_907 = arith.mulf %gather3A_805, %get3A_906 : vector<16xf32>
        %add3A_908 = arith.addf %mul3A_903, %mul3A_907 : vector<16xf32>
        %get3A_909 = arith.index_cast %add3A_796 : i32 to index
        %get3A_910 = arith.constant 320 : index
        %get3A_911 = tpu.vector_load %arg26[%get3A_909, %get3A_910] {strides = array<i32>} : memref<16x512xf32, #tpu.memory_space<vmem>>, vector<16xf32>,
        %mul3A_912 = arith.mulf %gather3A_808, %get3A_911 : vector<16xf32>
        %add3A_913 = arith.addf %add3A_908, %mul3A_912 : vector<16xf32>
        %get3A_914 = arith.index_cast %add3A_796 : i32 to index
        %get3A_915 = arith.constant 448 : index
        %get3A_916 = tpu.vector_load %arg26[%get3A_914, %get3A_915] {strides = array<i32>} : memref<16x512xf32, #tpu.memory_space<vmem>>, vector<16xf32>,
        %mul3A_917 = arith.mulf %gather3A_811, %get3A_916 : vector<16xf32>
        %add3A_918 = arith.addf %add3A_913, %mul3A_917 : vector<16xf32>
        %swap3A_919 = arith.index_cast %add3A_798 : i32 to index
        %swap3A_920 = arith.constant 64 : index
        %swap3A_921 = tpu.vector_load %arg27[%swap3A_919, %swap3A_920] {strides = array<i32>} : memref<80x128xf32, #tpu.memory_space<vmem>>, vector<16xf32>,
        tpu.vector_store %arg27[%swap3A_919, %swap3A_920], %add3A_918 {strides = array<i32>} : memref<80x128xf32, #tpu.memory_space<vmem>>, vector<16xf32>,
        %get3A_922 = arith.index_cast %add3A_796 : i32 to index
        %get3A_923 = arith.constant 80 : index
        %get3A_924 = tpu.vector_load %arg26[%get3A_922, %get3A_923] {strides = array<i32>} : memref<16x512xf32, #tpu.memory_space<vmem>>, vector<16xf32>,
        %mul3A_925 = arith.mulf %gather3A_802, %get3A_924 : vector<16xf32>
        %get3A_926 = arith.index_cast %add3A_796 : i32 to index
        %get3A_927 = arith.constant 208 : index
        %get3A_928 = tpu.vector_load %arg26[%get3A_926, %get3A_927] {strides = array<i32>} : memref<16x512xf32, #tpu.memory_space<vmem>>, vector<16xf32>,
        %mul3A_929 = arith.mulf %gather3A_805, %get3A_928 : vector<16xf32>
        %add3A_930 = arith.addf %mul3A_925, %mul3A_929 : vector<16xf32>
        %get3A_931 = arith.index_cast %add3A_796 : i32 to index
        %get3A_932 = arith.constant 336 : index
        %get3A_933 = tpu.vector_load %arg26[%get3A_931, %get3A_932] {strides = array<i32>} : memref<16x512xf32, #tpu.memory_space<vmem>>, vector<16xf32>,
        %mul3A_934 = arith.mulf %gather3A_808, %get3A_933 : vector<16xf32>
        %add3A_935 = arith.addf %add3A_930, %mul3A_934 : vector<16xf32>
        %get3A_936 = arith.index_cast %add3A_796 : i32 to index
        %get3A_937 = arith.constant 464 : index
        %get3A_938 = tpu.vector_load %arg26[%get3A_936, %get3A_937] {strides = array<i32>} : memref<16x512xf32, #tpu.memory_space<vmem>>, vector<16xf32>,
        %mul3A_939 = arith.mulf %gather3A_811, %get3A_938 : vector<16xf32>
        %add3A_940 = arith.addf %add3A_935, %mul3A_939 : vector<16xf32>
        %swap3A_941 = arith.index_cast %add3A_798 : i32 to index
        %swap3A_942 = arith.constant 80 : index
        %swap3A_943 = tpu.vector_load %arg27[%swap3A_941, %swap3A_942] {strides = array<i32>} : memref<80x128xf32, #tpu.memory_space<vmem>>, vector<16xf32>,
        tpu.vector_store %arg27[%swap3A_941, %swap3A_942], %add3A_940 {strides = array<i32>} : memref<80x128xf32, #tpu.memory_space<vmem>>, vector<16xf32>,
        %get3A_944 = arith.index_cast %add3A_796 : i32 to index
        %get3A_945 = arith.constant 96 : index
        %get3A_946 = tpu.vector_load %arg26[%get3A_944, %get3A_945] {strides = array<i32>} : memref<16x512xf32, #tpu.memory_space<vmem>>, vector<16xf32>,
        %mul3A_947 = arith.mulf %gather3A_802, %get3A_946 : vector<16xf32>
        %get3A_948 = arith.index_cast %add3A_796 : i32 to index
        %get3A_949 = arith.constant 224 : index
        %get3A_950 = tpu.vector_load %arg26[%get3A_948, %get3A_949] {strides = array<i32>} : memref<16x512xf32, #tpu.memory_space<vmem>>, vector<16xf32>,
        %mul3A_951 = arith.mulf %gather3A_805, %get3A_950 : vector<16xf32>
        %add3A_952 = arith.addf %mul3A_947, %mul3A_951 : vector<16xf32>
        %get3A_953 = arith.index_cast %add3A_796 : i32 to index
        %get3A_954 = arith.constant 352 : index
        %get3A_955 = tpu.vector_load %arg26[%get3A_953, %get3A_954] {strides = array<i32>} : memref<16x512xf32, #tpu.memory_space<vmem>>, vector<16xf32>,
        %mul3A_956 = arith.mulf %gather3A_808, %get3A_955 : vector<16xf32>
        %add3A_957 = arith.addf %add3A_952, %mul3A_956 : vector<16xf32>
        %get3A_958 = arith.index_cast %add3A_796 : i32 to index
        %get3A_959 = arith.constant 480 : index
        %get3A_960 = tpu.vector_load %arg26[%get3A_958, %get3A_959] {strides = array<i32>} : memref<16x512xf32, #tpu.memory_space<vmem>>, vector<16xf32>,
        %mul3A_961 = arith.mulf %gather3A_811, %get3A_960 : vector<16xf32>
        %add3A_962 = arith.addf %add3A_957, %mul3A_961 : vector<16xf32>
        %swap3A_963 = arith.index_cast %add3A_798 : i32 to index
        %swap3A_964 = arith.constant 96 : index
        %swap3A_965 = tpu.vector_load %arg27[%swap3A_963, %swap3A_964] {strides = array<i32>} : memref<80x128xf32, #tpu.memory_space<vmem>>, vector<16xf32>,
        tpu.vector_store %arg27[%swap3A_963, %swap3A_964], %add3A_962 {strides = array<i32>} : memref<80x128xf32, #tpu.memory_space<vmem>>, vector<16xf32>,
        %get3A_966 = arith.index_cast %add3A_796 : i32 to index
        %get3A_967 = arith.constant 112 : index
        %get3A_968 = tpu.vector_load %arg26[%get3A_966, %get3A_967] {strides = array<i32>} : memref<16x512xf32, #tpu.memory_space<vmem>>, vector<16xf32>,
        %mul3A_969 = arith.mulf %gather3A_802, %get3A_968 : vector<16xf32>
        %get3A_970 = arith.index_cast %add3A_796 : i32 to index
        %get3A_971 = arith.constant 240 : index
        %get3A_972 = tpu.vector_load %arg26[%get3A_970, %get3A_971] {strides = array<i32>} : memref<16x512xf32, #tpu.memory_space<vmem>>, vector<16xf32>,
        %mul3A_973 = arith.mulf %gather3A_805, %get3A_972 : vector<16xf32>
        %add3A_974 = arith.addf %mul3A_969, %mul3A_973 : vector<16xf32>
        %get3A_975 = arith.index_cast %add3A_796 : i32 to index
        %get3A_976 = arith.constant 368 : index
        %get3A_977 = tpu.vector_load %arg26[%get3A_975, %get3A_976] {strides = array<i32>} : memref<16x512xf32, #tpu.memory_space<vmem>>, vector<16xf32>,
        %mul3A_978 = arith.mulf %gather3A_808, %get3A_977 : vector<16xf32>
        %add3A_979 = arith.addf %add3A_974, %mul3A_978 : vector<16xf32>
        %get3A_980 = arith.index_cast %add3A_796 : i32 to index
        %get3A_981 = arith.constant 496 : index
        %get3A_982 = tpu.vector_load %arg26[%get3A_980, %get3A_981] {strides = array<i32>} : memref<16x512xf32, #tpu.memory_space<vmem>>, vector<16xf32>,
        %mul3A_983 = arith.mulf %gather3A_811, %get3A_982 : vector<16xf32>
        %add3A_984 = arith.addf %add3A_979, %mul3A_983 : vector<16xf32>
        %swap3A_985 = arith.index_cast %add3A_798 : i32 to index
        %swap3A_986 = arith.constant 112 : index
        %swap3A_987 = tpu.vector_load %arg27[%swap3A_985, %swap3A_986] {strides = array<i32>} : memref<80x128xf32, #tpu.memory_space<vmem>>, vector<16xf32>,
        tpu.vector_store %arg27[%swap3A_985, %swap3A_986], %add3A_984 {strides = array<i32>} : memref<80x128xf32, #tpu.memory_space<vmem>>, vector<16xf32>,
      }
      %scan3A_781 = arith.constant 16 : i32
      %dma_wait3A_782 = arith.constant 64 : i32
      %dma_wait3A_783 = tpu.memref_slice %arg9[%dma_wait3A_782] : memref<80xi32, #tpu.memory_space<vmem>> -> memref<16xi32, #tpu.memory_space<vmem>>
      %dma_wait3A_784 = arith.constant 0 : i32
      %dma_wait3A_785 = arith.constant 0 : i32
      %dma_wait3A_786 = tpu.memref_slice %arg5[%dma_wait3A_784, %dma_wait3A_785] : memref<10000x512xf32, #tpu.memory_space<hbm>> -> memref<10000x512xf32, #tpu.memory_space<hbm>>
      tpu.wait_indirect_dma semaphore(%arg36 : memref<!tpu.dma_semaphore, #tpu.memory_space<semaphore_mem>>) src(%dma_wait3A_786 : memref<10000x512xf32, #tpu.memory_space<hbm>>) dst(%arg25 : memref<16x512xf32, #tpu.memory_space<vmem>>)
      %scan3A_787 = arith.constant 0 : i32
      %scan3A_788 = arith.constant 16 : i32
      %scan3A_789 = arith.addi %scan3A_787, %scan3A_788 : i32
      %scan3A_790 = arith.constant 1 : i32
      scf.for %scan3A_792 = %scan3A_787 to %scan3A_789 step %scan3A_790  : i32 {
        %mul3A_793 = arith.constant 1 : i32
        %mul3A_794 = arith.muli %scan3A_792, %mul3A_793 : i32
        %add3A_795 = arith.constant 0 : i32
        %add3A_796 = arith.addi %add3A_795, %mul3A_794 : i32
        %add3A_797 = arith.constant 64 : i32
        %add3A_798 = arith.addi %add3A_796, %add3A_797 : i32
        %broadcast_in_dim3A_799 = vector.broadcast %add3A_798 : i32 to vector<16xi32>
        %broadcast_in_dim3A_800 = arith.constant 0 : i32
        %broadcast_in_dim3A_801 = vector.broadcast %broadcast_in_dim3A_800 : i32 to vector<16xi32>
        %gather3A_802 = tpu.vector_load_idx %arg23[%broadcast_in_dim3A_799, %broadcast_in_dim3A_801] : memref<80x8xf32, #tpu.memory_space<vmem>>[vector<16xi32>, vector<16xi32>], vector<16xf32>,
        %broadcast_in_dim3A_803 = arith.constant 1 : i32
        %broadcast_in_dim3A_804 = vector.broadcast %broadcast_in_dim3A_803 : i32 to vector<16xi32>
        %gather3A_805 = tpu.vector_load_idx %arg23[%broadcast_in_dim3A_799, %broadcast_in_dim3A_804] : memref<80x8xf32, #tpu.memory_space<vmem>>[vector<16xi32>, vector<16xi32>], vector<16xf32>,
        %broadcast_in_dim3A_806 = arith.constant 2 : i32
        %broadcast_in_dim3A_807 = vector.broadcast %broadcast_in_dim3A_806 : i32 to vector<16xi32>
        %gather3A_808 = tpu.vector_load_idx %arg23[%broadcast_in_dim3A_799, %broadcast_in_dim3A_807] : memref<80x8xf32, #tpu.memory_space<vmem>>[vector<16xi32>, vector<16xi32>], vector<16xf32>,
        %broadcast_in_dim3A_809 = arith.constant 3 : i32
        %broadcast_in_dim3A_810 = vector.broadcast %broadcast_in_dim3A_809 : i32 to vector<16xi32>
        %gather3A_811 = tpu.vector_load_idx %arg23[%broadcast_in_dim3A_799, %broadcast_in_dim3A_810] : memref<80x8xf32, #tpu.memory_space<vmem>>[vector<16xi32>, vector<16xi32>], vector<16xf32>,
        %get3A_812 = arith.index_cast %add3A_796 : i32 to index
        %get3A_813 = arith.constant 0 : index
        %get3A_814 = tpu.vector_load %arg25[%get3A_812, %get3A_813] {strides = array<i32>} : memref<16x512xf32, #tpu.memory_space<vmem>>, vector<16xf32>,
        %mul3A_815 = arith.mulf %gather3A_802, %get3A_814 : vector<16xf32>
        %get3A_816 = arith.index_cast %add3A_796 : i32 to index
        %get3A_817 = arith.constant 128 : index
        %get3A_818 = tpu.vector_load %arg25[%get3A_816, %get3A_817] {strides = array<i32>} : memref<16x512xf32, #tpu.memory_space<vmem>>, vector<16xf32>,
        %mul3A_819 = arith.mulf %gather3A_805, %get3A_818 : vector<16xf32>
        %add3A_820 = arith.addf %mul3A_815, %mul3A_819 : vector<16xf32>
        %get3A_821 = arith.index_cast %add3A_796 : i32 to index
        %get3A_822 = arith.constant 256 : index
        %get3A_823 = tpu.vector_load %arg25[%get3A_821, %get3A_822] {strides = array<i32>} : memref<16x512xf32, #tpu.memory_space<vmem>>, vector<16xf32>,
        %mul3A_824 = arith.mulf %gather3A_808, %get3A_823 : vector<16xf32>
        %add3A_825 = arith.addf %add3A_820, %mul3A_824 : vector<16xf32>
        %get3A_826 = arith.index_cast %add3A_796 : i32 to index
        %get3A_827 = arith.constant 384 : index
        %get3A_828 = tpu.vector_load %arg25[%get3A_826, %get3A_827] {strides = array<i32>} : memref<16x512xf32, #tpu.memory_space<vmem>>, vector<16xf32>,
        %mul3A_829 = arith.mulf %gather3A_811, %get3A_828 : vector<16xf32>
        %add3A_830 = arith.addf %add3A_825, %mul3A_829 : vector<16xf32>
        %swap3A_831 = arith.index_cast %add3A_798 : i32 to index
        %swap3A_832 = arith.constant 0 : index
        %swap3A_833 = tpu.vector_load %arg27[%swap3A_831, %swap3A_832] {strides = array<i32>} : memref<80x128xf32, #tpu.memory_space<vmem>>, vector<16xf32>,
        tpu.vector_store %arg27[%swap3A_831, %swap3A_832], %add3A_830 {strides = array<i32>} : memref<80x128xf32, #tpu.memory_space<vmem>>, vector<16xf32>,
        %get3A_834 = arith.index_cast %add3A_796 : i32 to index
        %get3A_835 = arith.constant 16 : index
        %get3A_836 = tpu.vector_load %arg25[%get3A_834, %get3A_835] {strides = array<i32>} : memref<16x512xf32, #tpu.memory_space<vmem>>, vector<16xf32>,
        %mul3A_837 = arith.mulf %gather3A_802, %get3A_836 : vector<16xf32>
        %get3A_838 = arith.index_cast %add3A_796 : i32 to index
        %get3A_839 = arith.constant 144 : index
        %get3A_840 = tpu.vector_load %arg25[%get3A_838, %get3A_839] {strides = array<i32>} : memref<16x512xf32, #tpu.memory_space<vmem>>, vector<16xf32>,
        %mul3A_841 = arith.mulf %gather3A_805, %get3A_840 : vector<16xf32>
        %add3A_842 = arith.addf %mul3A_837, %mul3A_841 : vector<16xf32>
        %get3A_843 = arith.index_cast %add3A_796 : i32 to index
        %get3A_844 = arith.constant 272 : index
        %get3A_845 = tpu.vector_load %arg25[%get3A_843, %get3A_844] {strides = array<i32>} : memref<16x512xf32, #tpu.memory_space<vmem>>, vector<16xf32>,
        %mul3A_846 = arith.mulf %gather3A_808, %get3A_845 : vector<16xf32>
        %add3A_847 = arith.addf %add3A_842, %mul3A_846 : vector<16xf32>
        %get3A_848 = arith.index_cast %add3A_796 : i32 to index
        %get3A_849 = arith.constant 400 : index
        %get3A_850 = tpu.vector_load %arg25[%get3A_848, %get3A_849] {strides = array<i32>} : memref<16x512xf32, #tpu.memory_space<vmem>>, vector<16xf32>,
        %mul3A_851 = arith.mulf %gather3A_811, %get3A_850 : vector<16xf32>
        %add3A_852 = arith.addf %add3A_847, %mul3A_851 : vector<16xf32>
        %swap3A_853 = arith.index_cast %add3A_798 : i32 to index
        %swap3A_854 = arith.constant 16 : index
        %swap3A_855 = tpu.vector_load %arg27[%swap3A_853, %swap3A_854] {strides = array<i32>} : memref<80x128xf32, #tpu.memory_space<vmem>>, vector<16xf32>,
        tpu.vector_store %arg27[%swap3A_853, %swap3A_854], %add3A_852 {strides = array<i32>} : memref<80x128xf32, #tpu.memory_space<vmem>>, vector<16xf32>,
        %get3A_856 = arith.index_cast %add3A_796 : i32 to index
        %get3A_857 = arith.constant 32 : index
        %get3A_858 = tpu.vector_load %arg25[%get3A_856, %get3A_857] {strides = array<i32>} : memref<16x512xf32, #tpu.memory_space<vmem>>, vector<16xf32>,
        %mul3A_859 = arith.mulf %gather3A_802, %get3A_858 : vector<16xf32>
        %get3A_860 = arith.index_cast %add3A_796 : i32 to index
        %get3A_861 = arith.constant 160 : index
        %get3A_862 = tpu.vector_load %arg25[%get3A_860, %get3A_861] {strides = array<i32>} : memref<16x512xf32, #tpu.memory_space<vmem>>, vector<16xf32>,
        %mul3A_863 = arith.mulf %gather3A_805, %get3A_862 : vector<16xf32>
        %add3A_864 = arith.addf %mul3A_859, %mul3A_863 : vector<16xf32>
        %get3A_865 = arith.index_cast %add3A_796 : i32 to index
        %get3A_866 = arith.constant 288 : index
        %get3A_867 = tpu.vector_load %arg25[%get3A_865, %get3A_866] {strides = array<i32>} : memref<16x512xf32, #tpu.memory_space<vmem>>, vector<16xf32>,
        %mul3A_868 = arith.mulf %gather3A_808, %get3A_867 : vector<16xf32>
        %add3A_869 = arith.addf %add3A_864, %mul3A_868 : vector<16xf32>
        %get3A_870 = arith.index_cast %add3A_796 : i32 to index
        %get3A_871 = arith.constant 416 : index
        %get3A_872 = tpu.vector_load %arg25[%get3A_870, %get3A_871] {strides = array<i32>} : memref<16x512xf32, #tpu.memory_space<vmem>>, vector<16xf32>,
        %mul3A_873 = arith.mulf %gather3A_811, %get3A_872 : vector<16xf32>
        %add3A_874 = arith.addf %add3A_869, %mul3A_873 : vector<16xf32>
        %swap3A_875 = arith.index_cast %add3A_798 : i32 to index
        %swap3A_876 = arith.constant 32 : index
        %swap3A_877 = tpu.vector_load %arg27[%swap3A_875, %swap3A_876] {strides = array<i32>} : memref<80x128xf32, #tpu.memory_space<vmem>>, vector<16xf32>,
        tpu.vector_store %arg27[%swap3A_875, %swap3A_876], %add3A_874 {strides = array<i32>} : memref<80x128xf32, #tpu.memory_space<vmem>>, vector<16xf32>,
        %get3A_878 = arith.index_cast %add3A_796 : i32 to index
        %get3A_879 = arith.constant 48 : index
        %get3A_880 = tpu.vector_load %arg25[%get3A_878, %get3A_879] {strides = array<i32>} : memref<16x512xf32, #tpu.memory_space<vmem>>, vector<16xf32>,
        %mul3A_881 = arith.mulf %gather3A_802, %get3A_880 : vector<16xf32>
        %get3A_882 = arith.index_cast %add3A_796 : i32 to index
        %get3A_883 = arith.constant 176 : index
        %get3A_884 = tpu.vector_load %arg25[%get3A_882, %get3A_883] {strides = array<i32>} : memref<16x512xf32, #tpu.memory_space<vmem>>, vector<16xf32>,
        %mul3A_885 = arith.mulf %gather3A_805, %get3A_884 : vector<16xf32>
        %add3A_886 = arith.addf %mul3A_881, %mul3A_885 : vector<16xf32>
        %get3A_887 = arith.index_cast %add3A_796 : i32 to index
        %get3A_888 = arith.constant 304 : index
        %get3A_889 = tpu.vector_load %arg25[%get3A_887, %get3A_888] {strides = array<i32>} : memref<16x512xf32, #tpu.memory_space<vmem>>, vector<16xf32>,
        %mul3A_890 = arith.mulf %gather3A_808, %get3A_889 : vector<16xf32>
        %add3A_891 = arith.addf %add3A_886, %mul3A_890 : vector<16xf32>
        %get3A_892 = arith.index_cast %add3A_796 : i32 to index
        %get3A_893 = arith.constant 432 : index
        %get3A_894 = tpu.vector_load %arg25[%get3A_892, %get3A_893] {strides = array<i32>} : memref<16x512xf32, #tpu.memory_space<vmem>>, vector<16xf32>,
        %mul3A_895 = arith.mulf %gather3A_811, %get3A_894 : vector<16xf32>
        %add3A_896 = arith.addf %add3A_891, %mul3A_895 : vector<16xf32>
        %swap3A_897 = arith.index_cast %add3A_798 : i32 to index
        %swap3A_898 = arith.constant 48 : index
        %swap3A_899 = tpu.vector_load %arg27[%swap3A_897, %swap3A_898] {strides = array<i32>} : memref<80x128xf32, #tpu.memory_space<vmem>>, vector<16xf32>,
        tpu.vector_store %arg27[%swap3A_897, %swap3A_898], %add3A_896 {strides = array<i32>} : memref<80x128xf32, #tpu.memory_space<vmem>>, vector<16xf32>,
        %get3A_900 = arith.index_cast %add3A_796 : i32 to index
        %get3A_901 = arith.constant 64 : index
        %get3A_902 = tpu.vector_load %arg25[%get3A_900, %get3A_901] {strides = array<i32>} : memref<16x512xf32, #tpu.memory_space<vmem>>, vector<16xf32>,
        %mul3A_903 = arith.mulf %gather3A_802, %get3A_902 : vector<16xf32>
        %get3A_904 = arith.index_cast %add3A_796 : i32 to index
        %get3A_905 = arith.constant 192 : index
        %get3A_906 = tpu.vector_load %arg25[%get3A_904, %get3A_905] {strides = array<i32>} : memref<16x512xf32, #tpu.memory_space<vmem>>, vector<16xf32>,
        %mul3A_907 = arith.mulf %gather3A_805, %get3A_906 : vector<16xf32>
        %add3A_908 = arith.addf %mul3A_903, %mul3A_907 : vector<16xf32>
        %get3A_909 = arith.index_cast %add3A_796 : i32 to index
        %get3A_910 = arith.constant 320 : index
        %get3A_911 = tpu.vector_load %arg25[%get3A_909, %get3A_910] {strides = array<i32>} : memref<16x512xf32, #tpu.memory_space<vmem>>, vector<16xf32>,
        %mul3A_912 = arith.mulf %gather3A_808, %get3A_911 : vector<16xf32>
        %add3A_913 = arith.addf %add3A_908, %mul3A_912 : vector<16xf32>
        %get3A_914 = arith.index_cast %add3A_796 : i32 to index
        %get3A_915 = arith.constant 448 : index
        %get3A_916 = tpu.vector_load %arg25[%get3A_914, %get3A_915] {strides = array<i32>} : memref<16x512xf32, #tpu.memory_space<vmem>>, vector<16xf32>,
        %mul3A_917 = arith.mulf %gather3A_811, %get3A_916 : vector<16xf32>
        %add3A_918 = arith.addf %add3A_913, %mul3A_917 : vector<16xf32>
        %swap3A_919 = arith.index_cast %add3A_798 : i32 to index
        %swap3A_920 = arith.constant 64 : index
        %swap3A_921 = tpu.vector_load %arg27[%swap3A_919, %swap3A_920] {strides = array<i32>} : memref<80x128xf32, #tpu.memory_space<vmem>>, vector<16xf32>,
        tpu.vector_store %arg27[%swap3A_919, %swap3A_920], %add3A_918 {strides = array<i32>} : memref<80x128xf32, #tpu.memory_space<vmem>>, vector<16xf32>,
        %get3A_922 = arith.index_cast %add3A_796 : i32 to index
        %get3A_923 = arith.constant 80 : index
        %get3A_924 = tpu.vector_load %arg25[%get3A_922, %get3A_923] {strides = array<i32>} : memref<16x512xf32, #tpu.memory_space<vmem>>, vector<16xf32>,
        %mul3A_925 = arith.mulf %gather3A_802, %get3A_924 : vector<16xf32>
        %get3A_926 = arith.index_cast %add3A_796 : i32 to index
        %get3A_927 = arith.constant 208 : index
        %get3A_928 = tpu.vector_load %arg25[%get3A_926, %get3A_927] {strides = array<i32>} : memref<16x512xf32, #tpu.memory_space<vmem>>, vector<16xf32>,
        %mul3A_929 = arith.mulf %gather3A_805, %get3A_928 : vector<16xf32>
        %add3A_930 = arith.addf %mul3A_925, %mul3A_929 : vector<16xf32>
        %get3A_931 = arith.index_cast %add3A_796 : i32 to index
        %get3A_932 = arith.constant 336 : index
        %get3A_933 = tpu.vector_load %arg25[%get3A_931, %get3A_932] {strides = array<i32>} : memref<16x512xf32, #tpu.memory_space<vmem>>, vector<16xf32>,
        %mul3A_934 = arith.mulf %gather3A_808, %get3A_933 : vector<16xf32>
        %add3A_935 = arith.addf %add3A_930, %mul3A_934 : vector<16xf32>
        %get3A_936 = arith.index_cast %add3A_796 : i32 to index
        %get3A_937 = arith.constant 464 : index
        %get3A_938 = tpu.vector_load %arg25[%get3A_936, %get3A_937] {strides = array<i32>} : memref<16x512xf32, #tpu.memory_space<vmem>>, vector<16xf32>,
        %mul3A_939 = arith.mulf %gather3A_811, %get3A_938 : vector<16xf32>
        %add3A_940 = arith.addf %add3A_935, %mul3A_939 : vector<16xf32>
        %swap3A_941 = arith.index_cast %add3A_798 : i32 to index
        %swap3A_942 = arith.constant 80 : index
        %swap3A_943 = tpu.vector_load %arg27[%swap3A_941, %swap3A_942] {strides = array<i32>} : memref<80x128xf32, #tpu.memory_space<vmem>>, vector<16xf32>,
        tpu.vector_store %arg27[%swap3A_941, %swap3A_942], %add3A_940 {strides = array<i32>} : memref<80x128xf32, #tpu.memory_space<vmem>>, vector<16xf32>,
        %get3A_944 = arith.index_cast %add3A_796 : i32 to index
        %get3A_945 = arith.constant 96 : index
        %get3A_946 = tpu.vector_load %arg25[%get3A_944, %get3A_945] {strides = array<i32>} : memref<16x512xf32, #tpu.memory_space<vmem>>, vector<16xf32>,
        %mul3A_947 = arith.mulf %gather3A_802, %get3A_946 : vector<16xf32>
        %get3A_948 = arith.index_cast %add3A_796 : i32 to index
        %get3A_949 = arith.constant 224 : index
        %get3A_950 = tpu.vector_load %arg25[%get3A_948, %get3A_949] {strides = array<i32>} : memref<16x512xf32, #tpu.memory_space<vmem>>, vector<16xf32>,
        %mul3A_951 = arith.mulf %gather3A_805, %get3A_950 : vector<16xf32>
        %add3A_952 = arith.addf %mul3A_947, %mul3A_951 : vector<16xf32>
        %get3A_953 = arith.index_cast %add3A_796 : i32 to index
        %get3A_954 = arith.constant 352 : index
        %get3A_955 = tpu.vector_load %arg25[%get3A_953, %get3A_954] {strides = array<i32>} : memref<16x512xf32, #tpu.memory_space<vmem>>, vector<16xf32>,
        %mul3A_956 = arith.mulf %gather3A_808, %get3A_955 : vector<16xf32>
        %add3A_957 = arith.addf %add3A_952, %mul3A_956 : vector<16xf32>
        %get3A_958 = arith.index_cast %add3A_796 : i32 to index
        %get3A_959 = arith.constant 480 : index
        %get3A_960 = tpu.vector_load %arg25[%get3A_958, %get3A_959] {strides = array<i32>} : memref<16x512xf32, #tpu.memory_space<vmem>>, vector<16xf32>,
        %mul3A_961 = arith.mulf %gather3A_811, %get3A_960 : vector<16xf32>
        %add3A_962 = arith.addf %add3A_957, %mul3A_961 : vector<16xf32>
        %swap3A_963 = arith.index_cast %add3A_798 : i32 to index
        %swap3A_964 = arith.constant 96 : index
        %swap3A_965 = tpu.vector_load %arg27[%swap3A_963, %swap3A_964] {strides = array<i32>} : memref<80x128xf32, #tpu.memory_space<vmem>>, vector<16xf32>,
        tpu.vector_store %arg27[%swap3A_963, %swap3A_964], %add3A_962 {strides = array<i32>} : memref<80x128xf32, #tpu.memory_space<vmem>>, vector<16xf32>,
        %get3A_966 = arith.index_cast %add3A_796 : i32 to index
        %get3A_967 = arith.constant 112 : index
        %get3A_968 = tpu.vector_load %arg25[%get3A_966, %get3A_967] {strides = array<i32>} : memref<16x512xf32, #tpu.memory_space<vmem>>, vector<16xf32>,
        %mul3A_969 = arith.mulf %gather3A_802, %get3A_968 : vector<16xf32>
        %get3A_970 = arith.index_cast %add3A_796 : i32 to index
        %get3A_971 = arith.constant 240 : index
        %get3A_972 = tpu.vector_load %arg25[%get3A_970, %get3A_971] {strides = array<i32>} : memref<16x512xf32, #tpu.memory_space<vmem>>, vector<16xf32>,
        %mul3A_973 = arith.mulf %gather3A_805, %get3A_972 : vector<16xf32>
        %add3A_974 = arith.addf %mul3A_969, %mul3A_973 : vector<16xf32>
        %get3A_975 = arith.index_cast %add3A_796 : i32 to index
        %get3A_976 = arith.constant 368 : index
        %get3A_977 = tpu.vector_load %arg25[%get3A_975, %get3A_976] {strides = array<i32>} : memref<16x512xf32, #tpu.memory_space<vmem>>, vector<16xf32>,
        %mul3A_978 = arith.mulf %gather3A_808, %get3A_977 : vector<16xf32>
        %add3A_979 = arith.addf %add3A_974, %mul3A_978 : vector<16xf32>
        %get3A_980 = arith.index_cast %add3A_796 : i32 to index
        %get3A_981 = arith.constant 496 : index
        %get3A_982 = tpu.vector_load %arg25[%get3A_980, %get3A_981] {strides = array<i32>} : memref<16x512xf32, #tpu.memory_space<vmem>>, vector<16xf32>,
        %mul3A_983 = arith.mulf %gather3A_811, %get3A_982 : vector<16xf32>
        %add3A_984 = arith.addf %add3A_979, %mul3A_983 : vector<16xf32>
        %swap3A_985 = arith.index_cast %add3A_798 : i32 to index
        %swap3A_986 = arith.constant 112 : index
        %swap3A_987 = tpu.vector_load %arg27[%swap3A_985, %swap3A_986] {strides = array<i32>} : memref<80x128xf32, #tpu.memory_space<vmem>>, vector<16xf32>,
        tpu.vector_store %arg27[%swap3A_985, %swap3A_986], %add3A_984 {strides = array<i32>} : memref<80x128xf32, #tpu.memory_space<vmem>>, vector<16xf32>,
      }
      %scan3A_791 = arith.constant 16 : i32
      "tpu.region"() ({
        %run_scoped3A = tpu.sem_alloc : memref<!tpu.dma_semaphore, #tpu.memory_space<semaphore_mem>>
        %dma_start3A_792 = arith.constant 0 : i32
        %dma_start3A_793 = arith.constant 0 : i32
        %dma_start3A_794 = tpu.memref_slice %arg29[%dma_start3A_792, %dma_start3A_793] : memref<10240x128xf32, #tpu.memory_space<vmem_shared>> -> memref<10240x128xf32, #tpu.memory_space<vmem_shared>>
        tpu.enqueue_indirect_dma source(%arg27 : memref<80x128xf32, #tpu.memory_space<vmem>>) target(%dma_start3A_794 : memref<10240x128xf32, #tpu.memory_space<vmem_shared>>) offsets(%arg11 : memref<80xi32, #tpu.memory_space<vmem>>) semaphore(%run_scoped3A : memref<!tpu.dma_semaphore, #tpu.memory_space<semaphore_mem>>) {add = true}
        %dma_wait3A_795 = arith.constant 0 : i32
        %dma_wait3A_796 = arith.constant 0 : i32
        %dma_wait3A_797 = tpu.memref_slice %arg29[%dma_wait3A_795, %dma_wait3A_796] : memref<10240x128xf32, #tpu.memory_space<vmem_shared>> -> memref<10240x128xf32, #tpu.memory_space<vmem_shared>>
        tpu.wait_indirect_dma semaphore(%run_scoped3A : memref<!tpu.dma_semaphore, #tpu.memory_space<semaphore_mem>>) src(%arg27 : memref<80x128xf32, #tpu.memory_space<vmem>>) dst(%dma_wait3A_797 : memref<10240x128xf32, #tpu.memory_space<vmem_shared>>)
        tpu.yield
      }) : () -> ()
    }
    %scan3A_422 = arith.constant 125 : i32
    %barrier3A_423 = arith.constant 0 : index
    tpu.barrier barrier_id(%barrier3A_423)
    %mul3A_424 = arith.constant 640 : i32
    %mul3A_425 = arith.muli %arg1, %mul3A_424 : i32
    %mul3A_426 = arith.constant 640 : i32
    %mul3A_427 = arith.muli %arg1, %mul3A_426 : i32
    "tpu.region"() ({
      %run_scoped3A = tpu.sem_alloc : memref<!tpu.dma_semaphore, #tpu.memory_space<semaphore_mem>>
      %dma_start3A = arith.constant 0 : i32
      %dma_start3A_428 = tpu.memref_slice %arg6[%arg0, %mul3A_427, %dma_start3A] : memref<2x10240x128xf32, #tpu.memory_space<hbm>> -> memref<1x640x128xf32, #tpu.memory_space<hbm>>
      %dma_start3A_429 = tpu.memref_squeeze %dma_start3A_428 : memref<1x640x128xf32, #tpu.memory_space<hbm>> -> memref<640x128xf32, #tpu.memory_space<hbm>>
      %dma_start3A_430 = arith.constant 0 : i32
      %dma_start3A_431 = tpu.memref_slice %arg29[%mul3A_425, %dma_start3A_430] : memref<10240x128xf32, #tpu.memory_space<vmem_shared>> -> memref<640x128xf32, #tpu.memory_space<vmem_shared>>
      tpu.enqueue_dma source(%dma_start3A_431 : memref<640x128xf32, #tpu.memory_space<vmem_shared>>) target(%dma_start3A_429 : memref<640x128xf32, #tpu.memory_space<hbm>>) target_semaphore(%run_scoped3A : memref<!tpu.dma_semaphore, #tpu.memory_space<semaphore_mem>>)
      %dma_wait3A = arith.constant 0 : i32
      %dma_wait3A_432 = tpu.memref_slice %arg6[%arg0, %mul3A_427, %dma_wait3A] : memref<2x10240x128xf32, #tpu.memory_space<hbm>> -> memref<1x640x128xf32, #tpu.memory_space<hbm>>
      %dma_wait3A_433 = tpu.memref_squeeze %dma_wait3A_432 : memref<1x640x128xf32, #tpu.memory_space<hbm>> -> memref<640x128xf32, #tpu.memory_space<hbm>>
      %dma_wait3A_434 = arith.constant 0 : i32
      %dma_wait3A_435 = tpu.memref_slice %arg29[%mul3A_425, %dma_wait3A_434] : memref<10240x128xf32, #tpu.memory_space<vmem_shared>> -> memref<640x128xf32, #tpu.memory_space<vmem_shared>>
      tpu.wait_dma2 semaphore(%run_scoped3A : memref<!tpu.dma_semaphore, #tpu.memory_space<semaphore_mem>>) src(%dma_wait3A_435 : memref<640x128xf32, #tpu.memory_space<vmem_shared>>) dst(%dma_wait3A_433 : memref<640x128xf32, #tpu.memory_space<hbm>>)
      tpu.yield
    }) : () -> ()
    return
  }
}

module attributes {stable_mosaic.version = 14 : i64} {
  func.func @_prep_body(%arg0: i32, %arg1: memref<400x128xf32, #tpu.memory_space<vmem>>, %arg2: memref<128x512xf32, #tpu.memory_space<vmem>>, %arg3: memref<512x128xf32, #tpu.memory_space<vmem>>, %arg4: memref<128x128xf32, #tpu.memory_space<vmem>>, %arg5: memref<8x128xf32, #tpu.memory_space<vmem>>, %arg6: memref<400x512xf32, #tpu.memory_space<vmem>>, %arg7: memref<400x128xf32, #tpu.memory_space<vmem>>, %arg8: memref<400x128xf32, #tpu.memory_space<vmem>>) attributes {dimension_semantics = [#tpu.dimension_semantics<arbitrary>], iteration_bounds = array<i64: 25>, scalar_prefetch = 0 : i64, scratch_operands = 0 : i64, tpu.core_type = #tpu.core_type<tc>, window_params = [{transform_indices = @transform_0, window_bounds = array<i64: 400, 128>}, {pipeline_mode = #tpu.pipeline_mode<synchronous>, transform_indices = @transform_1, window_bounds = array<i64: 128, 512>}, {pipeline_mode = #tpu.pipeline_mode<synchronous>, transform_indices = @transform_2, window_bounds = array<i64: 512, 128>}, {pipeline_mode = #tpu.pipeline_mode<synchronous>, transform_indices = @transform_3, window_bounds = array<i64: 128, 128>}, {pipeline_mode = #tpu.pipeline_mode<synchronous>, transform_indices = @transform_4, window_bounds = array<i64: 8, 128>}, {transform_indices = @transform_5, window_bounds = array<i64: 400, 512>}, {transform_indices = @transform_6, window_bounds = array<i64: 400, 128>}, {transform_indices = @transform_7, window_bounds = array<i64: 400, 128>}]} {
    %get3A = arith.constant 0 : index
    %get3A_0 = arith.constant 0 : index
    %get3A_1 = vector.load %arg1[%get3A, %get3A_0] : memref<400x128xf32, #tpu.memory_space<vmem>>, vector<400x128xf32>
    %get3A_2 = arith.constant 0 : index
    %get3A_3 = arith.constant 0 : index
    %get3A_4 = vector.load %arg2[%get3A_2, %get3A_3] : memref<128x512xf32, #tpu.memory_space<vmem>>, vector<128x512xf32>
    %dot_general3A = arith.constant dense<0.000000e+00> : vector<400x512xf32>
    %dot_general3A_5 = tpu.matmul %get3A_1, %get3A_4, %dot_general3A {dimension_numbers = #tpu.dot_dimension_numbers<[1], [0], [0], [1], [0, 0, 1, 1], [], []>, transpose_lhs_hint = false} : vector<400x128xf32>, vector<128x512xf32>, vector<400x512xf32> -> vector<400x512xf32>
    %swap3A = arith.constant 0 : index
    %swap3A_6 = arith.constant 0 : index
    %swap3A_7 = vector.load %arg6[%swap3A, %swap3A_6] : memref<400x512xf32, #tpu.memory_space<vmem>>, vector<400x512xf32>
    tpu.vector_store %arg6[%swap3A, %swap3A_6], %dot_general3A_5 {strides = array<i32>} : memref<400x512xf32, #tpu.memory_space<vmem>>, vector<400x512xf32>,
    %get3A_8 = arith.constant 0 : index
    %get3A_9 = arith.constant 0 : index
    %get3A_10 = vector.load %arg3[%get3A_8, %get3A_9] : memref<512x128xf32, #tpu.memory_space<vmem>>, vector<512x128xf32>
    %dot_general3A_11 = arith.constant dense<0.000000e+00> : vector<400x128xf32>
    %dot_general3A_12 = tpu.matmul %dot_general3A_5, %get3A_10, %dot_general3A_11 {dimension_numbers = #tpu.dot_dimension_numbers<[1], [0], [0], [1], [0, 0, 1, 1], [], []>, transpose_lhs_hint = false} : vector<400x512xf32>, vector<512x128xf32>, vector<400x128xf32> -> vector<400x128xf32>
    %swap3A_13 = arith.constant 0 : index
    %swap3A_14 = arith.constant 0 : index
    %swap3A_15 = vector.load %arg7[%swap3A_13, %swap3A_14] : memref<400x128xf32, #tpu.memory_space<vmem>>, vector<400x128xf32>
    tpu.vector_store %arg7[%swap3A_13, %swap3A_14], %dot_general3A_12 {strides = array<i32>} : memref<400x128xf32, #tpu.memory_space<vmem>>, vector<400x128xf32>,
    %get3A_16 = arith.constant 0 : index
    %get3A_17 = arith.constant 0 : index
    %get3A_18 = vector.load %arg4[%get3A_16, %get3A_17] : memref<128x128xf32, #tpu.memory_space<vmem>>, vector<128x128xf32>
    %dot_general3A_19 = arith.constant dense<0.000000e+00> : vector<400x128xf32>
    %dot_general3A_20 = tpu.matmul %get3A_1, %get3A_18, %dot_general3A_19 {dimension_numbers = #tpu.dot_dimension_numbers<[1], [0], [0], [1], [0, 0, 1, 1], [], []>, transpose_lhs_hint = false} : vector<400x128xf32>, vector<128x128xf32>, vector<400x128xf32> -> vector<400x128xf32>
    %get3A_21 = arith.constant 0 : index
    %get3A_22 = arith.constant 0 : index
    %get3A_23 = vector.load %arg5[%get3A_21, %get3A_22] : memref<8x128xf32, #tpu.memory_space<vmem>>, vector<1x128xf32>
    %add3A = vector.broadcast %get3A_23 : vector<1x128xf32> to vector<400x128xf32>
    %add3A_24 = arith.addf %dot_general3A_20, %add3A : vector<400x128xf32>
    %swap3A_25 = arith.constant 0 : index
    %swap3A_26 = arith.constant 0 : index
    %swap3A_27 = vector.load %arg8[%swap3A_25, %swap3A_26] : memref<400x128xf32, #tpu.memory_space<vmem>>, vector<400x128xf32>
    tpu.vector_store %arg8[%swap3A_25, %swap3A_26], %add3A_24 {strides = array<i32>} : memref<400x128xf32, #tpu.memory_space<vmem>>, vector<400x128xf32>,
    return
  }
  func.func @transform_0(%arg0: i32) -> (i32, i32) {
    %c0_i32 = arith.constant 0 : i32
    %c0_i32_0 = arith.constant 0 : i32
    return %arg0, %c0_i32 : i32, i32
  }
  func.func @transform_1(%arg0: i32) -> (i32, i32) {
    %c0_i32 = arith.constant 0 : i32
    %c0_i32_0 = arith.constant 0 : i32
    %c0_i32_1 = arith.constant 0 : i32
    return %c0_i32, %c0_i32_0 : i32, i32
  }
  func.func @transform_2(%arg0: i32) -> (i32, i32) {
    %c0_i32 = arith.constant 0 : i32
    %c0_i32_0 = arith.constant 0 : i32
    %c0_i32_1 = arith.constant 0 : i32
    return %c0_i32, %c0_i32_0 : i32, i32
  }
  func.func @transform_3(%arg0: i32) -> (i32, i32) {
    %c0_i32 = arith.constant 0 : i32
    %c0_i32_0 = arith.constant 0 : i32
    %c0_i32_1 = arith.constant 0 : i32
    return %c0_i32, %c0_i32_0 : i32, i32
  }
  func.func @transform_4(%arg0: i32) -> (i32, i32) {
    %c0_i32 = arith.constant 0 : i32
    %c0_i32_0 = arith.constant 0 : i32
    %c0_i32_1 = arith.constant 0 : i32
    return %c0_i32, %c0_i32_0 : i32, i32
  }
  func.func @transform_5(%arg0: i32) -> (i32, i32) {
    %c0_i32 = arith.constant 0 : i32
    %c0_i32_0 = arith.constant 0 : i32
    return %arg0, %c0_i32 : i32, i32
  }
  func.func @transform_6(%arg0: i32) -> (i32, i32) {
    %c0_i32 = arith.constant 0 : i32
    %c0_i32_0 = arith.constant 0 : i32
    return %arg0, %c0_i32 : i32, i32
  }
  func.func @transform_7(%arg0: i32) -> (i32, i32) {
    %c0_i32 = arith.constant 0 : i32
    %c0_i32_0 = arith.constant 0 : i32
    return %arg0, %c0_i32 : i32, i32
  }
}

module attributes {stable_mosaic.version = 14 : i64} {
  func.func @_comb_body(%arg0: i32, %arg1: memref<1x2000x128xf32, #tpu.memory_space<vmem>>, %arg2: memref<1x2000x128xf32, #tpu.memory_space<vmem>>, %arg3: memref<2000x128xf32, #tpu.memory_space<vmem>>, %arg4: memref<2000x128xf32, #tpu.memory_space<vmem>>) attributes {dimension_semantics = [#tpu.dimension_semantics<arbitrary>], iteration_bounds = array<i64: 5>, scalar_prefetch = 0 : i64, scratch_operands = 0 : i64, tpu.core_type = #tpu.core_type<tc>, window_params = [{transform_indices = @transform_0, window_bounds = array<i64: 1, 2000, 128>}, {transform_indices = @transform_1, window_bounds = array<i64: 1, 2000, 128>}, {transform_indices = @transform_2, window_bounds = array<i64: 2000, 128>}, {transform_indices = @transform_3, window_bounds = array<i64: 2000, 128>}]} {
    %get3A = arith.constant 0 : index
    %get3A_0 = arith.constant 0 : index
    %get3A_1 = arith.constant 0 : index
    %get3A_2 = vector.load %arg1[%get3A, %get3A_0, %get3A_1] : memref<1x2000x128xf32, #tpu.memory_space<vmem>>, vector<1x2000x128xf32>
    %get3A_3 = vector.shape_cast %get3A_2 : vector<1x2000x128xf32> to vector<2000x128xf32>
    %get3A_4 = arith.constant 0 : index
    %get3A_5 = arith.constant 0 : index
    %get3A_6 = arith.constant 0 : index
    %get3A_7 = vector.load %arg2[%get3A_4, %get3A_5, %get3A_6] : memref<1x2000x128xf32, #tpu.memory_space<vmem>>, vector<1x2000x128xf32>
    %get3A_8 = vector.shape_cast %get3A_7 : vector<1x2000x128xf32> to vector<2000x128xf32>
    %add3A = arith.addf %get3A_3, %get3A_8 : vector<2000x128xf32>
    %get3A_9 = arith.constant 0 : index
    %get3A_10 = arith.constant 0 : index
    %get3A_11 = vector.load %arg3[%get3A_9, %get3A_10] : memref<2000x128xf32, #tpu.memory_space<vmem>>, vector<2000x128xf32>
    %add3A_12 = arith.addf %add3A, %get3A_11 : vector<2000x128xf32>
    %swap3A = arith.constant 0 : index
    %swap3A_13 = arith.constant 0 : index
    %swap3A_14 = vector.load %arg4[%swap3A, %swap3A_13] : memref<2000x128xf32, #tpu.memory_space<vmem>>, vector<2000x128xf32>
    tpu.vector_store %arg4[%swap3A, %swap3A_13], %add3A_12 {strides = array<i32>} : memref<2000x128xf32, #tpu.memory_space<vmem>>, vector<2000x128xf32>,
    return
  }
  func.func @transform_0(%arg0: i32) -> (i32, i32, i32) {
    %c0_i32 = arith.constant 0 : i32
    %c0_i32_0 = arith.constant 0 : i32
    %c0_i32_1 = arith.constant 0 : i32
    return %c0_i32, %arg0, %c0_i32_0 : i32, i32, i32
  }
  func.func @transform_1(%arg0: i32) -> (i32, i32, i32) {
    %c1_i32 = arith.constant 1 : i32
    %c0_i32 = arith.constant 0 : i32
    %c0_i32_0 = arith.constant 0 : i32
    return %c1_i32, %arg0, %c0_i32 : i32, i32, i32
  }
  func.func @transform_2(%arg0: i32) -> (i32, i32) {
    %c0_i32 = arith.constant 0 : i32
    %c0_i32_0 = arith.constant 0 : i32
    return %arg0, %c0_i32 : i32, i32
  }
  func.func @transform_3(%arg0: i32) -> (i32, i32) {
    %c0_i32 = arith.constant 0 : i32
    %c0_i32_0 = arith.constant 0 : i32
    return %arg0, %c0_i32 : i32, i32
  }
}

</mosaic_0001>

<sc_bundles>
// kernel: kernel.5.cloned.1.call-start
scs
__scs_entry_jumppad:
0x0: {  	(pc) =	sbr.rel $0x88, $3  }
0x1: {  	(tag) =	ssettag $0x0;
	lr =	simm.s32 $0x1  }
0x2: {  	[smem:$0x3F9A] =	sst lr;
	_ =	strace $0xD0000000  }
0x3: {  	_ = 	snop  }
0x4: {  	_ = 	snop  }
0x5: {  	_ = 	snop  }
0x6: {  	_ = 	snop  }
0x7: {  	_ = 	snop  }
__scs_overlays_trampoline_lowered:
0x8: {  	[smem:$0x3FA9] =	sst s0  }
0x9: {  	[smem:$0x3FAA] =	sst s1  }
0xa: {  	[smem:$0x3FAB] =	sst s2  }
0xb: {  	[smem:$0x3FAC] =	sst s3  }
0xc: {  	[smem:$0x3FAD] =	sst s4  }
0xd: {  	[smem:$0x3FAE] =	sst s5  }
0xe: {  	[smem:$0x3FAF] =	sst s6  }
0xf: {  	[smem:$0x3FB0] =	sst s7  }
0x10: {  	[smem:$0x3FB1] =	sst s8  }
0x11: {  	[smem:$0x3FB2] =	sst s9;
	s0 =	simm.s32 @!p0 $0x0  }
0x12: {  	s1 =	sld [smem:$0x3F98];
	s0 =	simm.s32 @p0 $0x1  }
0x13: {  	[smem:$0x3FB3] =	sst s0;
	s0 =	simm.s32 @!p1 $0x0  }
0x14: {  	s2 =	sld [smem:$0x3F97];
	s0 =	simm.s32 @p1 $0x1  }
0x15: {  	[smem:$0x3FB4] =	sst s0;
	s0 =	simm.s32 @!p2 $0x0  }
0x16: {  	s3 =	sld [smem:$0x3FDB];
	s0 =	simm.s32 @p2 $0x1  }
0x17: {  	s4 =	simm.s32 $0x1BF5;
	[smem:$0x3FB6] =	sst s0  }
0x18: {  	s0 =	sld [smem:$0x3F99];
	_ =	swait.ge [sflag:s4], $0x0  }
0x19: {  	s7 =	sld [smem:$0x3F9A]  }
0x1a: {  	s8 =	sadd.s32 $0xFFFFE003, lr  }
0x1b: {  	s9 =	sadd.s32 $0xFFFFFEF7, lr;
	s5 =	simm.s32 $0xFFFFFFFF;
	p2 =	slt.u32 s8, $0xFFFFF086  }
0x1c: {  	p1 =	slt.u32 s9, $0xF7A;
	s5 =	simm.s32 @!p2 $0x0  }
0x1d: {  	s5 =	simm.s32 @p1 $0x1;
	p0 =	seq.s32 s7, s2  }
0x1e: {  	s7 =	smul.u32 @!p0 $0xF7A, s2;
	p2 =	seq.s32 @!p0 s5, $0x0  }
0x1f: {  	s9 =	smul.u32 $0xF7A, s1;
	s8 =	simm.s32 @!p0 $0x1BF5;
	p2 =	por !p2, p0  }
0x20: {  	[sflag:s8] =	ssyncset.s32 @!p0 $0xFFFFF086;
	s6 =	sadd.s32 @!p0 s3, s7;
	s7 =	simm.s32 @!p0 $0x108  }
0x21: {  	s3 =	sadd.s32 s3, s9;
	s6 =	sadd.s32 @!p0 $0x88, s6;
	s7 =	simm.s32 @p2 $0x1082  }
0x22: {  	[simem:s7], [sflag:s8] =	dma.local @!p0 [hbm:s6], $0xF7A  }
0x23: {  	s9 =	sor.u32 $0xD0000000, s2;
	s6 =	simm.s32 $0x108;
	_ =	swait.ge @!p0 [sflag:s8], $0x0  }
0x24: {  	s3 =	sadd.s32 $0x88, s3;
	s6 =	simm.s32 @!p1 $0x1082;
	[sflag:s4] =	ssyncset.s32 $0xFFFFF086  }
0x25: {  	[simem:s6], [sflag:s4] =	dma.local [hbm:s3], $0xF7A  }
0x26: {  	[smem:$0x3F9A] =	sst s1;
	(tag) =	ssettag s2;
	_ =	strace s9  }
0x27: {  	s1 =	sld [smem:$0x3FAA]  }
0x28: {  	s2 =	sld [smem:$0x3FAB]  }
0x29: {  	s4 =	sld [smem:$0x3FAD]  }
0x2a: {  	p0 =	seq.s32 s5, $0x0;
	s5 =	sld [smem:$0x3FAE]  }
0x2b: {  	s6 =	sld [smem:$0x3FAF]  }
0x2c: {  	s7 =	sld [smem:$0x3FB0]  }
0x2d: {  	s3 =	simm.s32 $0x108;
	s8 =	sld [smem:$0x3FB1]  }
0x2e: {  	s3 =	simm.s32 @!p0 $0x1082;
	s9 =	sld [smem:$0x3FB2]  }
0x2f: {  	lr =	sadd.s32 s0, s3;
	s0 =	sld [smem:$0x3FA9]  }
0x30: {  	s3 =	sld [smem:$0x3FAC]  }
0x31: {  	[smem:$0x3FB5] =	sst s10  }
0x32: {  	s10 =	sld [smem:$0x3FB3];
	_ =	sdelay $0x3  }
0x33: {  	p0 =	seq.s32 s10, $0x1;
	s10 =	sld [smem:$0x3FB5];
	_ =	sdelay $0x3  }
0x34: {  	[smem:$0x3FB5] =	sst s10  }
0x35: {  	s10 =	sld [smem:$0x3FB4];
	_ =	sdelay $0x3  }
0x36: {  	p1 =	seq.s32 s10, $0x1;
	s10 =	sld [smem:$0x3FB5];
	_ =	sdelay $0x3  }
0x37: {  	[smem:$0x3FB5] =	sst s10  }
0x38: {  	s10 =	sld [smem:$0x3FB6]  }
0x39: {  	_ = 	snop;
	(pc) =	sbr.ind lr, $3  }
0x3a: {  	_ = 	snop  }
0x3b: {  	_ = 	snop  }
0x3c: {  	p2 =	seq.s32 s10, $0x1;
	s10 =	sld [smem:$0x3FB5]  }
0x3d: {  	_ =	shalt  }
0x3e: {  	_ =	shalt  }
0x3f: {  	_ =	shalt  }
0x40: {  	_ =	shalt  }
0x41: {  	_ =	shalt  }
0x42: {  	_ =	shalt  }
0x43: {  	_ =	shalt  }
0x44: {  	_ =	shalt  }
0x45: {  	_ =	shalt  }
0x46: {  	_ =	shalt  }
0x47: {  	_ =	shalt  }
0x48: {  	_ =	shalt  }
0x49: {  	_ =	shalt  }
0x4a: {  	_ =	shalt  }
0x4b: {  	_ =	shalt  }
0x4c: {  	_ =	shalt  }
0x4d: {  	_ =	shalt  }
0x4e: {  	_ =	shalt  }
0x4f: {  	_ =	shalt  }
0x50: {  	_ =	shalt  }
0x51: {  	_ =	shalt  }
0x52: {  	_ =	shalt  }
0x53: {  	_ =	shalt  }
0x54: {  	_ =	shalt  }
0x55: {  	_ =	shalt  }
0x56: {  	_ =	shalt  }
0x57: {  	_ =	shalt  }
0x58: {  	_ =	shalt  }
0x59: {  	_ =	shalt  }
0x5a: {  	_ =	shalt  }
0x5b: {  	_ =	shalt  }
0x5c: {  	_ =	shalt  }
0x5d: {  	_ =	shalt  }
0x5e: {  	_ =	shalt  }
0x5f: {  	_ =	shalt  }
0x60: {  	_ =	shalt  }
0x61: {  	_ =	shalt  }
0x62: {  	_ =	shalt  }
0x63: {  	_ =	shalt  }
0x64: {  	_ =	shalt  }
0x65: {  	_ =	shalt  }
0x66: {  	_ =	shalt  }
0x67: {  	_ =	shalt  }
0x68: {  	_ =	shalt  }
0x69: {  	_ =	shalt  }
0x6a: {  	_ =	shalt  }
0x6b: {  	_ =	shalt  }
0x6c: {  	_ =	shalt  }
0x6d: {  	_ =	shalt  }
0x6e: {  	_ =	shalt  }
0x6f: {  	_ =	shalt  }
0x70: {  	_ =	shalt  }
0x71: {  	_ =	shalt  }
0x72: {  	_ =	shalt  }
0x73: {  	_ =	shalt  }
0x74: {  	_ =	shalt  }
0x75: {  	_ =	shalt  }
0x76: {  	_ =	shalt  }
0x77: {  	_ =	shalt  }
0x78: {  	_ =	shalt  }
0x79: {  	_ =	shalt  }
0x7a: {  	_ =	shalt  }
0x7b: {  	_ =	shalt  }
0x7c: {  	_ =	shalt  }
0x7d: {  	_ =	shalt  }
0x7e: {  	_ =	shalt  }
0x7f: {  	_ =	shalt  }
0x80: {  	_ =	shalt  }
0x81: {  	_ =	shalt  }
0x82: {  	_ =	shalt  }
0x83: {  	_ =	shalt  }
0x84: {  	_ =	shalt  }
0x85: {  	_ =	shalt  }
0x86: {  	_ =	shalt  }
0x87: {  	_ =	shalt  }
.Lfunc_end0:
.L_simem_size_0:
called_computation_lowered:
.L_overlay_start_0:
0x88: {  	s2 =	sld [smem:$0x3FD9]  }
0x89: {  	s3 =	sld [smem:$0x3FFE];
	_ =	sdelay $0x1  }
0x8a: {  	s1 =	srdreg.scid  }
0x8b: {  	s0 =	sand.u32 $0x1, s1  }
0x8c: {  	s17 =	sshll.u32 s0, $0xA;
	s2 =	sadd.s32 s3, s2  }
0x8d: {  	s2 =	sadd.s32 s2, s17  }
0x8e: {  	[smem:$0x3FC1] =	sst s2  }
0x8f: {  	_ = 	snop  }
0x90: {  	s2 =	sld [smem:$0x3FD0];
	(tm) =	ssettm $0x1  }
0x91: {  	s18 =	sld [smem:$0x3FFB];
	_ =	sdelay $0x3  }
0x92: {  	_ =	strace s18  }
0x93: {  	s3 =	sld [smem:$0x3FFC];
	_ =	sdelay $0x3  }
0x94: {  	_ =	strace s3  }
0x95: {  	s3 =	sld [smem:$0x3FFD];
	_ =	sdelay $0x3  }
0x96: {  	_ =	strace s3  }
0x97: {  	_ =	strace $0x8FFFFFFF  }
0x98: {  	s19 =	sld [smem:$0x3FDB];
	_ =	sdelay $0x1  }
0x99: {  	s4 =	simm.s32 $_scs_section_size  }
0x9a: {  	s5 =	simm.s32 $_size__tile_overlayer_lowered;
	s6 =	simm.s32 $_tile_overlayer_lowered  }
0x9b: {  	s22 =	simm.s32 $0x1BFF;
	s21 =	sshll.u32 s6, $0x1;
	s3 =	sadd.s32 s4, s19  }
0x9c: {  	s7 =	simm.s32 $0x0;
	s20 =	sshll.u32 s5, $0x1;
	s5 =	sadd.s32 s21, s3  }
0x9d: {  	[timem:s7], [sflag:s22] =	dma.local [hbm:s5], s20  }
0x9e: {  	_ =	swait.ge [sflag:s22], s20  }
0x9f: {  	s4 =	ssub.s32 $0x0, s20;
	[sflag:s22] =	ssyncset.done $0x0  }
0xa0: {  	[sflag:s22] =	ssyncadd.s32 s4;
	_ =	sdelay $0x1  }
0xa1: {  	s23 =	simm.s32 $0x1B8B  }
0xa2: {  	_ =	swait.ge [sflag:s23], $0x1  }
0xa3: {  	[sflag:s23] =	ssyncset.done $0x0  }
0xa4: {  	s25 =	simm.s32 $0x1B8E;
	s24 =	sld [smem:$0x3FFE];
	[sflag:s23] =	ssyncadd.s32 $0xFFFFFFFF  }
0xa5: {  	s26 =	simm.s32 $execute0_lowered;
	[smem:$0x3FD2] =	sst s25  }
0xa6: {  	s5 =	sshll.u32 s26, $0x1;
	_ =	strace $0x80000046;
	[dreg:$0x1] =	wrdreg $0xFFFFFFFF  }
0xa7: {  	s28 =	simm.s32 $_size_execute0_lowered;
	s3 =	sadd.s32 s3, s5;
	[dreg:$0x0] =	wrdreg $0x0  }
0xa8: {  	s5 =	sshll.u32 s28, $0x1;
	[dreg:$0x2] =	wrdreg s3  }
0xa9: {  	[dreg:$0x3] =	wrdreg s5  }
0xaa: {  	[dreg:$0x4] =	wrdreg $0xC0  }
0xab: {  	_ =	task [dreg:s7], $0x5FFFF  }
0xac: {  	[dreg:$0x1] =	wrdreg $0xFFFFFFFF  }
0xad: {  	[dreg:$0x0] =	wrdreg $0x60  }
0xae: {  	[dreg:$0x2] =	wrdreg s24  }
0xaf: {  	[dreg:$0x3] =	wrdreg s2  }
0xb0: {  	[dreg:$0x4] =	wrdreg $0x91900  }
0xb1: {  	[dreg:$0x5] =	wrdreg $0x7D900  }
0xb2: {  	[dreg:$0x6] =	wrdreg $0x9  }
0xb3: {  	_ =	task.clear_ibuf [dreg:s7], $0x7FFFF;
	_ =	strace $0x90000046  }
0xb4: {  	s29 =	simm.s32 $0x9;
	_ =	strace $0x80000048  }
0xb5: {  	_ =	swait.ge [sflag:s29], $0x1  }
0xb6: {  	[sflag:s29] =	ssyncadd.s32 $0xFFFFFFFF  }
0xb7: {  	_ =	strace $0x90000048  }
0xb8: {  	_ =	sfence  }
0xb9: {  	s30 =	sld [smem:$0x0];
	_ =	sdelay $0x2  }
0xba: {  	s31 =	sshll.u32 s1, $0xD;
	s1 =	sshrl.u32 s1, $0x2  }
0xbb: {  	s3 =	sand.u32 $0x4000, s31;
	s1 =	sadd.s32 s1, s30  }
0xbc: {  	s0 =	sor.u32 s3, s0;
	s1 =	sshll.u32 s1, $0x11  }
0xbd: {  	s0 =	sor.u32 s1, s0  }
0xbe: {  	s0 =	sadd.s32 $0x8F2B, s0  }
0xbf: {  	[sflag:s0] =	ssyncadd.remote.s32 $0x1  }
0xc0: {  	_ =	sfence.sel $0xFFFF  }
0xc1: {  	[dreg:$0x0] =	wrdreg $0xFFFFFFFF;
	(pc) =	sbr.abs _section_cstart, $3  }
0xc2: {  	[dreg:$0x1] =	wrdreg $0xFFFFFFFF  }
0xc3: {  	_ =	task.clear_ibuf [dreg:s7], $0x2FFFF;
	_ =	strace $0x9FFFFFFF  }
0xc4: {  	(tm) =	ssettm $0x7FFFFFFF  }
0xc5: {  	_ =	shalt  }
tec
execute0_lowered:
.L_overlay_start_1:
0x0: {  	(tag) =	ssettag $0x1  }
0x1: {  	s1 =	rddreg [dreg:$0x0]  }
0x2: {  	s18 =	rddreg [dreg:$0x1]  }
0x3: {  	s19 =	rddreg [dreg:$0x2];
	s0 =	srdreg.scid  }
0x4: {  	s17 =	stileid.u32;
	s29 =	rddreg [dreg:$0x3]  }
0x5: {  	s5 =	simm.s32 $0x0;
	s28 =	simm.s32 $0x910;
	s30 =	simm.s32 $0xE10  }
0x6: {  	s31 =	simm.s32 $0x10;
	s3 =	sand.u32 $0x1, s0;
	s4 =	smul.u32 $0x14000, s17  }
0x7: {  	[smem:$0x7FF] =	sst s5;
	s20 =	sadd.s32 $0x200, s1;
	s7 =	sadd.s32 $0xA6400, s1  }
0x8: {  	s8 =	sadd.s32 $0xA8C00, s1;
	s21 =	sadd.s32 $0xA000, s1;
	s13 =	sadd.s32 $0x58200, s1  }
0x9: {  	s9 =	smul.u32 $0x280, s17;
	_ =	strace $0x80000047;
	[dreg:$0x7] =	wrdreg s13  }
0xa: {  	s16 =	sshll.u32 s17, $0x1;
	s2 =	ssub.s32 $0x2, s3;
	[dreg:$0x6] =	wrdreg s21  }
0xb: {  	s0 =	smul.u32 $0x140000, s3;
	[dreg:$0x5] =	wrdreg s20;
	s6 =	sshrl.u32 s2, $0x1  }
0xc: {  	s10 =	sadd.s32 $0xA0, s9;
	s12 =	sadd.s32 $0x140, s9;
	s13 =	sadd.s32 s13, s9  }
0xd: {  	s0 =	sadd.s32 s4, s0;
	s4 =	sadd.s32 s4, s19;
	s11 =	sshll.u32 s10, $0x7  }
0xe: {  	s25 =	sshll.u32 s12, $0x7;
	s10 =	sshll.u32 s10, $0x3;
	s0 =	sshrl.u32 s0, $0x3  }
0xf: {  	[dreg:$0x8] =	wrdreg s4;
	s23 =	sadd.s32 s11, s19;
	s0 =	sadd.s32 s0, s1  }
0x10: {  	s1 =	ssub.s32 s2, s6;
	s2 =	sor.u32 s3, s16;
	s3 =	smul.u32 $0x2800, s3  }
0x11: {  	s6 =	sor.u32 $0x50, s9;
	[dreg:$0xa] =	wrdreg s23;
	s16 =	smul.u32 $0x5000, s17  }
0x12: {  	s22 =	sshll.u32 s6, $0x7;
	s6 =	sshll.u32 s6, $0x3;
	s0 =	sadd.s32 $0x145000, s0  }
0x13: {  	s2 =	smul.u32 $0x2710, s2;
	s4 =	sadd.s32 s22, s19;
	[dreg:$0x1a] =	wrdreg s0  }
0x14: {  	s26 =	sadd.s32 s3, s13;
	s22 =	sadd.s32 $0x1E0, s9;
	[dreg:$0x9] =	wrdreg s4  }
0x15: {  	v0 =	vlaneseq.u32;
	s6 =	sadd.s32 s6, s29;
	s4 =	sadd.s32 $0xF0, s9;
	[dreg:$0xd] =	wrdreg s26  }
0x16: {  	v3 =	vor.u32 $0x10, v0;
	s14 =	sshll.u32 s22, $0x7;
	s26 =	sshrl.u32 s16, $0x2;
	[dreg:$0x12] =	wrdreg s6  }
0x17: {  	v2 =	vimm.f32 $0.0e+00;
	[tilespmem:$0x1FEB0] =	vst v3;
	v3 =	vor.u32 $0x20, v0;
	s16 =	sshll.u32 s22, $0x3;
	s22 =	smul.u32 $0x4E20, s17;
	s24 =	sshll.u32 s4, $0x7  }
0x18: {  	v24 =	vor.u32 $0x160, v0;
	v25 =	vor.u32 $0x170, v0;
	[tilespmem:$0x1FEC0] =	vst v3;
	v3 =	vor.u32 $0x30, v0;
	[dreg:$0x19] =	wrdreg s2;
	s2 =	simm.s32 $0x1590;
	s11 =	sadd.s32 s24, s19  }
0x19: {  	v26 =	vor.u32 $0x180, v0;
	v27 =	vor.u32 $0x190, v0;
	[tilespmem:$0x1FED0] =	vst v3;
	v3 =	vor.u32 $0x40, v0;
	s4 =	sshll.u32 s4, $0x3;
	s24 =	sadd.s32 s14, s19;
	[dreg:$0xb] =	wrdreg s11  }
0x1a: {  	v28 =	vor.u32 $0x1A0, v0;
	v29 =	vor.u32 $0x1B0, v0;
	[tilespmem:$0x1FEE0] =	vst v3;
	v3 =	vor.u32 $0x50, v0;
	s14 =	sshll.u32 s12, $0x3;
	s4 =	sadd.s32 s4, s29;
	[dreg:$0xf] =	wrdreg s24  }
0x1b: {  	v30 =	vor.u32 $0x1C0, v0;
	v31 =	vor.u32 $0x1D0, v0;
	[tilespmem:$0x1FEF0] =	vst v3;
	v3 =	vor.u32 $0x60, v0;
	s11 =	sadd.s32 s25, s19;
	[dreg:$0x14] =	wrdreg s4;
	s24 =	smul.u32 $0x9C4, s17  }
0x1c: {  	v32 =	vor.u32 $0x1E0, v0;
	v33 =	vor.u32 $0x1F0, v0;
	[tilespmem:$0x1FF00] =	vst v3;
	v3 =	vor.u32 $0x70, v0;
	s17 =	simm.s32 $0x50;
	[dreg:$0xc] =	wrdreg s11;
	s11 =	sadd.s32 $0x190, s9  }
0x1d: {  	v34 =	vor.u32 $0x200, v0;
	v35 =	vor.u32 $0x210, v0;
	[tilespmem:$0x1FF10] =	vst v3;
	v3 =	vor.u32 $0x80, v0;
	s4 =	simm.s32 $0x0;
	s9 =	sadd.s32 $0x230, s9;
	s23 =	sshll.u32 s11, $0x7  }
0x1e: {  	v36 =	vor.u32 $0x220, v0;
	v1 =	vmov s3;
	[tilespmem:$0x1FF20] =	vst v3;
	v3 =	vor.u32 $0x90, v0;
	s15 =	sshll.u32 s9, $0x7;
	s3 =	sshll.u32 s11, $0x3;
	s13 =	sadd.s32 s23, s19  }
0x1f: {  	v37 =	vor.u32 $0x230, v0;
	v38 =	vor.u32 $0x240, v0;
	[tilespmem:$0x1FF30] =	vst v3;
	v3 =	vor.u32 $0xA0, v0;
	s11 =	simm.s32 $0x5;
	s25 =	sadd.s32 s15, s19;
	[dreg:$0xe] =	wrdreg s13  }
0x20: {  	v39 =	vmul.u32 $0x8, v0;
	v40 =	vor.u32 $0x250, v0;
	[tilespmem:$0x1FF40] =	vst v3;
	v3 =	vor.u32 $0xB0, v0;
	s15 =	sadd.s32 s14, s29;
	s3 =	sadd.s32 s3, s29;
	[dreg:$0x10] =	wrdreg s25  }
0x21: {  	v41 =	vor.u32 $0x260, v0;
	v42 =	vor.u32 $0x270, v0;
	[tilespmem:$0x1FF50] =	vst v3;
	v3 =	vor.u32 $0xC0, v0;
	s19 =	sshll.u32 s9, $0x3;
	s14 =	simm.s32 $0x6;
	[dreg:$0x15] =	wrdreg s15  }
0x22: {  	v43 =	vor.u32 $0x4, v39;
	v44 =	vor.u32 $0x1, v39;
	[tilespmem:$0x1FF60] =	vst v3;
	v3 =	vor.u32 $0xD0, v0;
	s13 =	sadd.s32 s26, s29;
	[dreg:$0x16] =	wrdreg s3;
	s3 =	sadd.s32 s16, s29  }
0x23: {  	v45 =	vor.u32 $0x5, v39;
	v46 =	vor.u32 $0x2, v39;
	[tilespmem:$0x1FF70] =	vst v3;
	v3 =	vor.u32 $0xE0, v0;
	s23 =	sadd.s32 s19, s29;
	s25 =	smax.u32 s1, $0x1;
	[dreg:$0x11] =	wrdreg s13  }
0x24: {  	v47 =	vor.u32 $0x6, v39;
	v48 =	vor.u32 $0x3, v39;
	[tilespmem:$0x1FF80] =	vst v3;
	v3 =	vor.u32 $0xF0, v0;
	s26 =	sadd.s32 s22, s21;
	s15 =	simm.s32 $0x7;
	[dreg:$0x17] =	wrdreg s3  }
0x25: {  	v49 =	vor.u32 $0x7, v39;
	v50 =	vor.u32 $0x80, v39;
	[tilespmem:$0x1FF90] =	vst v3;
	v3 =	vor.u32 $0x100, v0;
	s16 =	simm.s32 $0xA0;
	s19 =	simm.s32 $0x1;
	[dreg:$0x18] =	wrdreg s23  }
0x26: {  	v51 =	vor.u32 $0x84, v39;
	v52 =	vor.u32 $0x81, v39;
	s21 =	simm.s32 $0x2;
	s22 =	simm.s32 $0x3;
	[tilespmem:$0x1FFA0] =	vst v3;
	v3 =	vor.u32 $0x110, v0;
	[dreg:$0x1b] =	wrdreg s25  }
0x27: {  	v53 =	vor.u32 $0x85, v39;
	v54 =	vor.u32 $0x82, v39;
	s1 =	simm.s32 $0x1310;
	s13 =	sadd.s32 s10, s29;
	[dreg:$0x1c] =	wrdreg s26;
	[tilespmem:$0x1FFB0] =	vst v3;
	v3 =	vor.u32 $0x120, v0  }
0x28: {  	v55 =	vor.u32 $0x86, v39;
	v56 =	vor.u32 $0x83, v39;
	s10 =	sadd.s32 s24, s18;
	s3 =	sadd.s32 s24, s20;
	s18 =	simm.s32 $0xF0;
	[tilespmem:$0x1FFC0] =	vst v3;
	v3 =	vor.u32 $0x130, v0  }
0x29: {  	v57 =	vor.u32 $0x87, v39;
	v58 =	vor.u32 $0x100, v39;
	s23 =	simm.s32 $0x4;
	s24 =	simm.s32 $0x190;
	[dreg:$0x13] =	wrdreg s13;
	[tilespmem:$0x1FFD0] =	vst v3;
	v3 =	vor.u32 $0x140, v0  }
0x2a: {  	v59 =	vor.u32 $0x104, v39;
	v60 =	vor.u32 $0x101, v39;
	s25 =	simm.s32 $0x690;
	s26 =	simm.s32 $0x410;
	[dreg:$0x1d] =	wrdreg s10;
	[tilespmem:$0x1FFE0] =	vst v3;
	v3 =	vor.u32 $0x150, v0  }
0x2b: {  	v61 =	vor.u32 $0x105, v39;
	v62 =	vor.u32 $0x102, v39;
	v63 =	vor.u32 $0x106, v39;
	s20 =	simm.s32 $0x1090;
	s13 =	simm.s32 $0xB90;
	[dreg:$0x1e] =	wrdreg s3;
	[tilespmem:$0x1FFF0] =	vst v3  }
.LBB2_1:
0x2c: {  	[dreg:$0x1f] =	wrdreg s4;
	s0 =	simm.s32 $0x0;
	s4 =	simm.s32 $0x200  }
.LBB2_2:
0x2d: {  	p0 =	sne.s32 s4, $0x9E00;
	[tilespmem:s0+$0x5600] =	vst v2  }
0x2e: {  	[tilespmem:s0+$0x5590] =	vst v2  }
0x2f: {  	[tilespmem:s0+$0x55A0] =	vst v2  }
.Ltmp0:
0x30: {  	[tilespmem:s0+$0x55B0] =	vst v2;
	(pc) =	sbr.rel @p0 .LBB2_2-.Ltmp0, $4  }
0x31: {  	[tilespmem:s0+$0x55C0] =	vst v2  }
0x32: {  	[tilespmem:s0+$0x55D0] =	vst v2  }
0x33: {  	[tilespmem:s0+$0x55E0] =	vst v2  }
0x34: {  	[tilespmem:s0+$0x55F0] =	vst v2;
	s0 =	sshra.s32 s4, $0x2;
	s4 =	sadd.s32 $0x200, s4  }
0x35: {  	[tilespmem:s0+$0x5600] =	vst v2  }
0x36: {  	[tilespmem:s0+$0x5590] =	vst v2;
	v3 =	vld [tilespmem:$0x1FEB0]  }
0x37: {  	[tilespmem:s0+$0x55A0] =	vst v2  }
0x38: {  	[tilespmem:s0+$0x55B0] =	vst v2  }
0x39: {  	[tilespmem:s0+$0x55C0] =	vst v2  }
0x3a: {  	[tilespmem:s0+$0x55D0] =	vst v2  }
0x3b: {  	[tilespmem:s0+$0x55E0] =	vst v2  }
0x3c: {  	[tilespmem:s0+$0x55F0] =	vst v2  }
0x3d: {  	[tilespmem:v0+s13+$0x0] =	vst.idx.msk $0xffff, v2  }
0x3e: {  	[tilespmem:v3+s13+$0x0] =	vst.idx.msk $0xffff, v2;
	v3 =	vld [tilespmem:$0x1FEC0];
	_ =	sdelay $0x7  }
0x3f: {  	[tilespmem:v3+s13+$0x0] =	vst.idx.msk $0xffff, v2;
	v3 =	vld [tilespmem:$0x1FED0];
	_ =	sdelay $0x7  }
0x40: {  	[tilespmem:v3+s13+$0x0] =	vst.idx.msk $0xffff, v2;
	v3 =	vld [tilespmem:$0x1FEE0];
	_ =	sdelay $0x7  }
0x41: {  	[tilespmem:v3+s13+$0x0] =	vst.idx.msk $0xffff, v2;
	v3 =	vld [tilespmem:$0x1FEF0];
	_ =	sdelay $0x7  }
0x42: {  	[tilespmem:v3+s13+$0x0] =	vst.idx.msk $0xffff, v2;
	v3 =	vld [tilespmem:$0x1FF00];
	_ =	sdelay $0x7  }
0x43: {  	[tilespmem:v3+s13+$0x0] =	vst.idx.msk $0xffff, v2;
	v3 =	vld [tilespmem:$0x1FF10];
	_ =	sdelay $0x7  }
0x44: {  	[tilespmem:v3+s13+$0x0] =	vst.idx.msk $0xffff, v2;
	v3 =	vld [tilespmem:$0x1FF20];
	_ =	sdelay $0x7  }
0x45: {  	[tilespmem:v3+s13+$0x0] =	vst.idx.msk $0xffff, v2;
	v3 =	vld [tilespmem:$0x1FF30];
	_ =	sdelay $0x7  }
0x46: {  	[tilespmem:v3+s13+$0x0] =	vst.idx.msk $0xffff, v2;
	v3 =	vld [tilespmem:$0x1FF40];
	_ =	sdelay $0x7  }
0x47: {  	[tilespmem:v3+s13+$0x0] =	vst.idx.msk $0xffff, v2;
	v3 =	vld [tilespmem:$0x1FF50];
	_ =	sdelay $0x7  }
0x48: {  	[tilespmem:v3+s13+$0x0] =	vst.idx.msk $0xffff, v2;
	v3 =	vld [tilespmem:$0x1FF60];
	_ =	sdelay $0x7  }
0x49: {  	[tilespmem:v3+s13+$0x0] =	vst.idx.msk $0xffff, v2;
	v3 =	vld [tilespmem:$0x1FF70];
	_ =	sdelay $0x7  }
0x4a: {  	[tilespmem:v3+s13+$0x0] =	vst.idx.msk $0xffff, v2;
	v3 =	vld [tilespmem:$0x1FF80];
	_ =	sdelay $0x7  }
0x4b: {  	[tilespmem:v3+s13+$0x0] =	vst.idx.msk $0xffff, v2;
	v3 =	vld [tilespmem:$0x1FF90];
	_ =	sdelay $0x7  }
0x4c: {  	[tilespmem:v3+s13+$0x0] =	vst.idx.msk $0xffff, v2;
	v3 =	vld [tilespmem:$0x1FFA0];
	_ =	sdelay $0x7  }
0x4d: {  	[tilespmem:v3+s13+$0x0] =	vst.idx.msk $0xffff, v2;
	v3 =	vld [tilespmem:$0x1FFB0];
	_ =	sdelay $0x7  }
0x4e: {  	[tilespmem:v3+s13+$0x0] =	vst.idx.msk $0xffff, v2;
	v3 =	vld [tilespmem:$0x1FFC0];
	_ =	sdelay $0x7  }
0x4f: {  	[tilespmem:v3+s13+$0x0] =	vst.idx.msk $0xffff, v2;
	v3 =	vld [tilespmem:$0x1FFD0];
	_ =	sdelay $0x7  }
0x50: {  	[tilespmem:v3+s13+$0x0] =	vst.idx.msk $0xffff, v2;
	v3 =	vld [tilespmem:$0x1FFE0];
	_ =	sdelay $0x7  }
0x51: {  	[tilespmem:v3+s13+$0x0] =	vst.idx.msk $0xffff, v2;
	v3 =	vld [tilespmem:$0x1FFF0];
	_ =	sdelay $0x7  }
0x52: {  	[tilespmem:v3+s13+$0x0] =	vst.idx.msk $0xffff, v2  }
0x53: {  	[tilespmem:v24+s13+$0x0] =	vst.idx.msk $0xffff, v2  }
0x54: {  	[tilespmem:v25+s13+$0x0] =	vst.idx.msk $0xffff, v2  }
0x55: {  	[tilespmem:v26+s13+$0x0] =	vst.idx.msk $0xffff, v2  }
0x56: {  	[tilespmem:v27+s13+$0x0] =	vst.idx.msk $0xffff, v2  }
0x57: {  	[tilespmem:v28+s13+$0x0] =	vst.idx.msk $0xffff, v2  }
0x58: {  	[tilespmem:v29+s13+$0x0] =	vst.idx.msk $0xffff, v2  }
0x59: {  	[tilespmem:v30+s13+$0x0] =	vst.idx.msk $0xffff, v2  }
0x5a: {  	[tilespmem:v31+s13+$0x0] =	vst.idx.msk $0xffff, v2  }
0x5b: {  	[tilespmem:v32+s13+$0x0] =	vst.idx.msk $0xffff, v2  }
0x5c: {  	[tilespmem:v33+s13+$0x0] =	vst.idx.msk $0xffff, v2  }
0x5d: {  	[tilespmem:v34+s13+$0x0] =	vst.idx.msk $0xffff, v2  }
0x5e: {  	[tilespmem:v35+s13+$0x0] =	vst.idx.msk $0xffff, v2  }
0x5f: {  	[tilespmem:v36+s13+$0x0] =	vst.idx.msk $0xffff, v2  }
0x60: {  	[tilespmem:v37+s13+$0x0] =	vst.idx.msk $0xffff, v2  }
0x61: {  	[tilespmem:v38+s13+$0x0] =	vst.idx.msk $0xffff, v2  }
0x62: {  	[tilespmem:v40+s13+$0x0] =	vst.idx.msk $0xffff, v2  }
0x63: {  	[tilespmem:v41+s13+$0x0] =	vst.idx.msk $0xffff, v2  }
0x64: {  	s9 =	rddreg [dreg:$0x8];
	s4 =	simm.s32 $0x5590;
	[tilespmem:v42+s13+$0x0] =	vst.idx.msk $0xffff, v2  }
0x65: {  	[spmem:s9] =	stream.linear.scatter [tilespmem:s4], [sflag:$0x7], $0x2800, $0x38;
	[tilespmem:$0x1D190] =	vst v63  }
0x66: {  	_ =	swait.ge [sflag:s15], $0x2800  }
0x67: {  	[sflag:s15] =	ssyncset.done $0x0  }
0x68: {  	s12 =	rddreg [dreg:$0x9];
	[sflag:s15] =	ssyncadd.s32 $0xFFFFD800  }
0x69: {  	[spmem:s12] =	stream.linear.scatter [tilespmem:s4], [sflag:$0x7], $0x2800, $0x38;
	[tilespmem:$0x1D190] =	vst v63  }
0x6a: {  	_ =	swait.ge [sflag:s15], $0x2800  }
0x6b: {  	[sflag:s15] =	ssyncset.done $0x0  }
0x6c: {  	s6 =	rddreg [dreg:$0xa];
	[sflag:s15] =	ssyncadd.s32 $0xFFFFD800  }
0x6d: {  	[spmem:s6] =	stream.linear.scatter [tilespmem:s4], [sflag:$0x7], $0x2800, $0x38;
	[tilespmem:$0x1D190] =	vst v63  }
0x6e: {  	_ =	swait.ge [sflag:s15], $0x2800  }
0x6f: {  	[sflag:s15] =	ssyncset.done $0x0  }
0x70: {  	s9 =	rddreg [dreg:$0xb];
	[sflag:s15] =	ssyncadd.s32 $0xFFFFD800  }
0x71: {  	[spmem:s9] =	stream.linear.scatter [tilespmem:s4], [sflag:$0x7], $0x2800, $0x38;
	[tilespmem:$0x1D190] =	vst v63  }
0x72: {  	_ =	swait.ge [sflag:s15], $0x2800  }
0x73: {  	[sflag:s15] =	ssyncset.done $0x0  }
0x74: {  	s12 =	rddreg [dreg:$0xc];
	[sflag:s15] =	ssyncadd.s32 $0xFFFFD800  }
0x75: {  	[spmem:s12] =	stream.linear.scatter [tilespmem:s4], [sflag:$0x7], $0x2800, $0x38;
	[tilespmem:$0x1D190] =	vst v63  }
0x76: {  	_ =	swait.ge [sflag:s15], $0x2800  }
0x77: {  	[sflag:s15] =	ssyncset.done $0x0  }
0x78: {  	s6 =	rddreg [dreg:$0xe];
	[sflag:s15] =	ssyncadd.s32 $0xFFFFD800  }
0x79: {  	[spmem:s6] =	stream.linear.scatter [tilespmem:s4], [sflag:$0x7], $0x2800, $0x38;
	[tilespmem:$0x1D190] =	vst v63  }
0x7a: {  	_ =	swait.ge [sflag:s15], $0x2800  }
0x7b: {  	[sflag:s15] =	ssyncset.done $0x0  }
0x7c: {  	s9 =	rddreg [dreg:$0xf];
	[sflag:s15] =	ssyncadd.s32 $0xFFFFD800  }
0x7d: {  	[spmem:s9] =	stream.linear.scatter [tilespmem:s4], [sflag:$0x7], $0x2800, $0x38;
	[tilespmem:$0x1D190] =	vst v63  }
0x7e: {  	_ =	swait.ge [sflag:s15], $0x2800  }
0x7f: {  	[sflag:s15] =	ssyncset.done $0x0  }
0x80: {  	s12 =	rddreg [dreg:$0x10];
	[sflag:s15] =	ssyncadd.s32 $0xFFFFD800  }
0x81: {  	[spmem:s12] =	stream.linear.scatter [tilespmem:s4], [sflag:$0x7], $0x2800, $0x38;
	[tilespmem:$0x1D190] =	vst v63  }
0x82: {  	_ =	swait.ge [sflag:s15], $0x2800  }
0x83: {  	[sflag:s15] =	ssyncset.done $0x0  }
0x84: {  	s4 =	rddreg [dreg:$0x11];
	[sflag:s15] =	ssyncadd.s32 $0xFFFFD800  }
0x85: {  	[spmem:s4] =	stream.linear.scatter [tilespmem:s13], [sflag:$0x7], $0x280, $0x38;
	[tilespmem:$0x1D190] =	vst v63  }
0x86: {  	_ =	swait.ge [sflag:s15], $0x280  }
0x87: {  	[sflag:s15] =	ssyncset.done $0x0  }
0x88: {  	s6 =	rddreg [dreg:$0x12];
	[sflag:s15] =	ssyncadd.s32 $0xFFFFFD80  }
0x89: {  	[spmem:s6] =	stream.linear.scatter [tilespmem:s13], [sflag:$0x7], $0x280, $0x38;
	[tilespmem:$0x1D190] =	vst v63  }
0x8a: {  	_ =	swait.ge [sflag:s15], $0x280  }
0x8b: {  	[sflag:s15] =	ssyncset.done $0x0  }
0x8c: {  	s9 =	rddreg [dreg:$0x13];
	[sflag:s15] =	ssyncadd.s32 $0xFFFFFD80  }
0x8d: {  	[spmem:s9] =	stream.linear.scatter [tilespmem:s13], [sflag:$0x7], $0x280, $0x38;
	[tilespmem:$0x1D190] =	vst v63  }
0x8e: {  	_ =	swait.ge [sflag:s15], $0x280  }
0x8f: {  	[sflag:s15] =	ssyncset.done $0x0  }
0x90: {  	s12 =	rddreg [dreg:$0x14];
	[sflag:s15] =	ssyncadd.s32 $0xFFFFFD80  }
0x91: {  	[spmem:s12] =	stream.linear.scatter [tilespmem:s13], [sflag:$0x7], $0x280, $0x38;
	[tilespmem:$0x1D190] =	vst v63  }
0x92: {  	_ =	swait.ge [sflag:s15], $0x280  }
0x93: {  	[sflag:s15] =	ssyncset.done $0x0  }
0x94: {  	s4 =	rddreg [dreg:$0x15];
	[sflag:s15] =	ssyncadd.s32 $0xFFFFFD80  }
0x95: {  	[spmem:s4] =	stream.linear.scatter [tilespmem:s13], [sflag:$0x7], $0x280, $0x38;
	[tilespmem:$0x1D190] =	vst v63  }
0x96: {  	_ =	swait.ge [sflag:s15], $0x280  }
0x97: {  	[sflag:s15] =	ssyncset.done $0x0  }
0x98: {  	s6 =	rddreg [dreg:$0x16];
	[sflag:s15] =	ssyncadd.s32 $0xFFFFFD80  }
0x99: {  	[spmem:s6] =	stream.linear.scatter [tilespmem:s13], [sflag:$0x7], $0x280, $0x38;
	[tilespmem:$0x1D190] =	vst v63  }
0x9a: {  	_ =	swait.ge [sflag:s15], $0x280  }
0x9b: {  	[sflag:s15] =	ssyncset.done $0x0  }
0x9c: {  	s9 =	rddreg [dreg:$0x17];
	[sflag:s15] =	ssyncadd.s32 $0xFFFFFD80  }
0x9d: {  	[spmem:s9] =	stream.linear.scatter [tilespmem:s13], [sflag:$0x7], $0x280, $0x38;
	[tilespmem:$0x1D190] =	vst v63  }
0x9e: {  	_ =	swait.ge [sflag:s15], $0x280  }
0x9f: {  	[sflag:s15] =	ssyncset.done $0x0  }
0xa0: {  	s12 =	rddreg [dreg:$0x18];
	[sflag:s15] =	ssyncadd.s32 $0xFFFFFD80  }
0xa1: {  	[spmem:s12] =	stream.linear.scatter [tilespmem:s13], [sflag:$0x7], $0x280, $0x38;
	[tilespmem:$0x1D190] =	vst v63  }
0xa2: {  	_ =	swait.ge [sflag:s15], $0x280  }
0xa3: {  	[sflag:s15] =	ssyncset.done $0x0  }
0xa4: {  	[sflag:s15] =	ssyncadd.s32 $0xFFFFFD80  }
0xa5: {  	[bflag:$0x0] =	sbarrier.arrive $0xFFFF  }
0xa6: {  	s4 =	simm.s32 $0x0;
	s6 =	rddreg [dreg:$0x1c]  }
.LBB2_4:
0xa7: {  	s0 =	sadd.s32 s4, s3  }
0xa8: {  	[tilespmem:s5], [sflag:$0x1] =	stream.linear.gather [hbm4b:s0+s5], $0x50, $0x38;
	[tilespmem:$0x1D190] =	vst v63  }
0xa9: {  	s9 =	sadd.s32 s4, s10  }
0xaa: {  	[tilespmem:s16], [sflag:$0x2] =	stream.linear.gather [hbm4b:s9+s5], $0x50, $0x38;
	[tilespmem:$0x1D190] =	vst v63  }
0xab: {  	s0 =	sadd.s32 $0xA, s0  }
0xac: {  	[tilespmem:s17], [sflag:$0x3] =	stream.linear.gather [hbm4b:s0+s5], $0x50, $0x38;
	[tilespmem:$0x1D190] =	vst v63  }
0xad: {  	s9 =	sadd.s32 $0xA, s9  }
0xae: {  	[tilespmem:s18], [sflag:$0x4] =	stream.linear.gather [hbm4b:s9+s5], $0x50, $0x38;
	[tilespmem:$0x1D190] =	vst v63  }
0xaf: {  	_ =	swait.ge [sflag:s19], $0x50  }
0xb0: {  	[sflag:s19] =	ssyncset.done $0x0  }
0xb1: {  	[sflag:s19] =	ssyncadd.s32 $0xFFFFFFB0  }
0xb2: {  	_ =	swait.ge [sflag:s21], $0x50  }
0xb3: {  	[sflag:s21] =	ssyncset.done $0x0  }
0xb4: {  	[sflag:s21] =	ssyncadd.s32 $0xFFFFFFB0  }
0xb5: {  	_ =	swait.ge [sflag:s22], $0x50  }
0xb6: {  	[sflag:s22] =	ssyncset.done $0x0  }
0xb7: {  	[sflag:s22] =	ssyncadd.s32 $0xFFFFFFB0  }
0xb8: {  	_ =	swait.ge [sflag:s23], $0x50  }
0xb9: {  	[sflag:s23] =	ssyncset.done $0x0  }
0xba: {  	[sflag:s23] =	ssyncadd.s32 $0xFFFFFFB0  }
0xbb: {  	[tilespmem:s24], [sflag:$0x1] =	stream.indirect.gather [hbm4b:s7+s17], $0x8, s5, s17, $0xb8;
	[tilespmem:$0x1D190] =	vst v63  }
0xbc: {  	_ = 	snop  }
0xbd: {  	[tilespmem:s25], [sflag:$0x2] =	stream.indirect.gather [hbm4b:s7+s17], $0x8, s16, s17, $0xb8;
	[tilespmem:$0x1D190] =	vst v63  }
0xbe: {  	_ = 	snop  }
0xbf: {  	[tilespmem:s26], [sflag:$0x3] =	stream.indirect.gather [hbm4b:s7+s17], $0x8, s17, s17, $0xb8;
	[tilespmem:$0x1D190] =	vst v63  }
0xc0: {  	_ = 	snop  }
0xc1: {  	[tilespmem:s28], [sflag:$0x4] =	stream.indirect.gather [hbm4b:s7+s17], $0x8, s18, s17, $0xb8;
	[tilespmem:$0x1D190] =	vst v63  }
0xc2: {  	_ =	swait.ge [sflag:s19], $0x280  }
0xc3: {  	[sflag:s19] =	ssyncset.done $0x0  }
0xc4: {  	[sflag:s19] =	ssyncadd.s32 $0xFFFFFD80  }
0xc5: {  	_ =	swait.ge [sflag:s21], $0x280  }
0xc6: {  	[sflag:s21] =	ssyncset.done $0x0  }
0xc7: {  	[sflag:s21] =	ssyncadd.s32 $0xFFFFFD80  }
0xc8: {  	v3 =	vld.idx.msk [tilespmem:v39+s24+$0x0], $0xffff  }
0xc9: {  	v4 =	vld.idx.msk [tilespmem:v43+s25+$0x0], $0xffff;
	_ =	sdelay $0x4  }
0xca: {  	v3 =	vadd.f32 v4, v3;
	_ =	sdelay $0x1  }
0xcb: {  	v4 =	vmul.f32 $2.000000030e-01, v3  }
0xcc: {  	vm0 =	vgt.f32 v3, $0.0e+00  }
0xcd: {  	v3 =	vsel vm0, v3, v4  }
0xce: {  	v3 =	vmul.f32 $1.442695020e+00, v3;
	_ =	sdelay $0x1  }
0xcf: {  	(erf) = vpow2.f32 v3;
	_ =	sdelay $0x8  }
0xd0: {  	v3 =	vpop (erf)  }
0xd1: {  	[tilespmem:v39+s13+$0x0] =	vst.idx.msk $0xffff, v3  }
0xd2: {  	v3 =	vld.idx.msk [tilespmem:v44+s24+$0x0], $0xffff  }
0xd3: {  	v4 =	vld.idx.msk [tilespmem:v45+s25+$0x0], $0xffff;
	_ =	sdelay $0x4  }
0xd4: {  	v3 =	vadd.f32 v4, v3;
	_ =	sdelay $0x1  }
0xd5: {  	v4 =	vmul.f32 $2.000000030e-01, v3  }
0xd6: {  	vm13 =	vgt.f32 v3, $0.0e+00  }
0xd7: {  	v3 =	vsel vm13, v3, v4  }
0xd8: {  	v3 =	vmul.f32 $1.442695020e+00, v3;
	_ =	sdelay $0x1  }
0xd9: {  	(erf) = vpow2.f32 v3;
	_ =	sdelay $0x8  }
0xda: {  	v3 =	vpop (erf)  }
0xdb: {  	[tilespmem:v44+s13+$0x0] =	vst.idx.msk $0xffff, v3  }
0xdc: {  	v3 =	vld.idx.msk [tilespmem:v46+s24+$0x0], $0xffff  }
0xdd: {  	v4 =	vld.idx.msk [tilespmem:v47+s25+$0x0], $0xffff;
	_ =	sdelay $0x4  }
0xde: {  	v3 =	vadd.f32 v4, v3;
	_ =	sdelay $0x1  }
0xdf: {  	v4 =	vmul.f32 $2.000000030e-01, v3  }
0xe0: {  	vm14 =	vgt.f32 v3, $0.0e+00  }
0xe1: {  	v3 =	vsel vm14, v3, v4  }
0xe2: {  	v3 =	vmul.f32 $1.442695020e+00, v3;
	_ =	sdelay $0x1  }
0xe3: {  	(erf) = vpow2.f32 v3;
	_ =	sdelay $0x8  }
0xe4: {  	v3 =	vpop (erf)  }
0xe5: {  	[tilespmem:v46+s13+$0x0] =	vst.idx.msk $0xffff, v3  }
0xe6: {  	v3 =	vld.idx.msk [tilespmem:v48+s24+$0x0], $0xffff  }
0xe7: {  	v4 =	vld.idx.msk [tilespmem:v49+s25+$0x0], $0xffff;
	_ =	sdelay $0x4  }
0xe8: {  	v3 =	vadd.f32 v4, v3;
	_ =	sdelay $0x1  }
0xe9: {  	v4 =	vmul.f32 $2.000000030e-01, v3  }
0xea: {  	vm15 =	vgt.f32 v3, $0.0e+00  }
0xeb: {  	v3 =	vsel vm15, v3, v4  }
0xec: {  	v3 =	vmul.f32 $1.442695020e+00, v3;
	_ =	sdelay $0x1  }
0xed: {  	(erf) = vpow2.f32 v3;
	_ =	sdelay $0x8  }
0xee: {  	v3 =	vpop (erf)  }
0xef: {  	[tilespmem:v48+s13+$0x0] =	vst.idx.msk $0xffff, v3  }
0xf0: {  	v3 =	vld.idx.msk [tilespmem:v50+s24+$0x0], $0xffff  }
0xf1: {  	v4 =	vld.idx.msk [tilespmem:v51+s25+$0x0], $0xffff;
	_ =	sdelay $0x4  }
0xf2: {  	v3 =	vadd.f32 v4, v3;
	_ =	sdelay $0x1  }
0xf3: {  	v4 =	vmul.f32 $2.000000030e-01, v3  }
0xf4: {  	vm4 =	vgt.f32 v3, $0.0e+00  }
0xf5: {  	v3 =	vsel vm4, v3, v4  }
0xf6: {  	v3 =	vmul.f32 $1.442695020e+00, v3;
	_ =	sdelay $0x1  }
0xf7: {  	(erf) = vpow2.f32 v3;
	_ =	sdelay $0x8  }
0xf8: {  	v3 =	vpop (erf)  }
0xf9: {  	[tilespmem:v50+s13+$0x0] =	vst.idx.msk $0xffff, v3  }
0xfa: {  	v3 =	vld.idx.msk [tilespmem:v52+s24+$0x0], $0xffff  }
0xfb: {  	v4 =	vld.idx.msk [tilespmem:v53+s25+$0x0], $0xffff;
	_ =	sdelay $0x4  }
0xfc: {  	v3 =	vadd.f32 v4, v3;
	_ =	sdelay $0x1  }
0xfd: {  	v4 =	vmul.f32 $2.000000030e-01, v3  }
0xfe: {  	vm5 =	vgt.f32 v3, $0.0e+00  }
0xff: {  	v3 =	vsel vm5, v3, v4  }
0x100: {  	v3 =	vmul.f32 $1.442695020e+00, v3;
	_ =	sdelay $0x1  }
0x101: {  	(erf) = vpow2.f32 v3;
	_ =	sdelay $0x8  }
0x102: {  	v3 =	vpop (erf)  }
0x103: {  	[tilespmem:v52+s13+$0x0] =	vst.idx.msk $0xffff, v3  }
0x104: {  	v3 =	vld.idx.msk [tilespmem:v54+s24+$0x0], $0xffff  }
0x105: {  	v4 =	vld.idx.msk [tilespmem:v55+s25+$0x0], $0xffff;
	_ =	sdelay $0x4  }
0x106: {  	v3 =	vadd.f32 v4, v3;
	_ =	sdelay $0x1  }
0x107: {  	v4 =	vmul.f32 $2.000000030e-01, v3  }
0x108: {  	vm6 =	vgt.f32 v3, $0.0e+00  }
0x109: {  	v3 =	vsel vm6, v3, v4  }
0x10a: {  	v3 =	vmul.f32 $1.442695020e+00, v3;
	_ =	sdelay $0x1  }
0x10b: {  	(erf) = vpow2.f32 v3;
	_ =	sdelay $0x8  }
0x10c: {  	v3 =	vpop (erf)  }
0x10d: {  	[tilespmem:v54+s13+$0x0] =	vst.idx.msk $0xffff, v3  }
0x10e: {  	v3 =	vld.idx.msk [tilespmem:v56+s24+$0x0], $0xffff  }
0x10f: {  	v4 =	vld.idx.msk [tilespmem:v57+s25+$0x0], $0xffff;
	_ =	sdelay $0x4  }
0x110: {  	v3 =	vadd.f32 v4, v3;
	_ =	sdelay $0x1  }
0x111: {  	v4 =	vmul.f32 $2.000000030e-01, v3  }
0x112: {  	vm7 =	vgt.f32 v3, $0.0e+00  }
0x113: {  	v3 =	vsel vm7, v3, v4  }
0x114: {  	v3 =	vmul.f32 $1.442695020e+00, v3;
	_ =	sdelay $0x1  }
0x115: {  	(erf) = vpow2.f32 v3;
	_ =	sdelay $0x8  }
0x116: {  	v3 =	vpop (erf)  }
0x117: {  	[tilespmem:v56+s13+$0x0] =	vst.idx.msk $0xffff, v3  }
0x118: {  	v3 =	vld.idx.msk [tilespmem:v58+s24+$0x0], $0xffff  }
0x119: {  	v4 =	vld.idx.msk [tilespmem:v59+s25+$0x0], $0xffff;
	_ =	sdelay $0x4  }
0x11a: {  	v3 =	vadd.f32 v4, v3;
	_ =	sdelay $0x1  }
0x11b: {  	v4 =	vmul.f32 $2.000000030e-01, v3  }
0x11c: {  	vm8 =	vgt.f32 v3, $0.0e+00  }
0x11d: {  	v3 =	vsel vm8, v3, v4  }
0x11e: {  	v3 =	vmul.f32 $1.442695020e+00, v3;
	_ =	sdelay $0x1  }
0x11f: {  	(erf) = vpow2.f32 v3;
	_ =	sdelay $0x8  }
0x120: {  	v3 =	vpop (erf)  }
0x121: {  	[tilespmem:v58+s13+$0x0] =	vst.idx.msk $0xffff, v3  }
0x122: {  	v3 =	vld.idx.msk [tilespmem:v60+s24+$0x0], $0xffff  }
0x123: {  	v4 =	vld.idx.msk [tilespmem:v61+s25+$0x0], $0xffff;
	_ =	sdelay $0x4  }
0x124: {  	v3 =	vadd.f32 v4, v3;
	_ =	sdelay $0x1  }
0x125: {  	v4 =	vmul.f32 $2.000000030e-01, v3  }
0x126: {  	vm9 =	vgt.f32 v3, $0.0e+00  }
0x127: {  	v3 =	vsel vm9, v3, v4  }
0x128: {  	v3 =	vmul.f32 $1.442695020e+00, v3;
	_ =	sdelay $0x1  }
0x129: {  	(erf) = vpow2.f32 v3;
	_ =	sdelay $0x8  }
0x12a: {  	v3 =	vpop (erf)  }
0x12b: {  	[tilespmem:v60+s13+$0x0] =	vst.idx.msk $0xffff, v3  }
0x12c: {  	v3 =	vld.idx.msk [tilespmem:v62+s24+$0x0], $0xffff  }
0x12d: {  	v4 =	vld.idx.msk [tilespmem:v63+s25+$0x0], $0xffff;
	_ =	sdelay $0x4  }
0x12e: {  	v3 =	vadd.f32 v4, v3;
	_ =	sdelay $0x1  }
0x12f: {  	v4 =	vmul.f32 $2.000000030e-01, v3  }
0x130: {  	vm10 =	vgt.f32 v3, $0.0e+00  }
0x131: {  	v3 =	vsel vm10, v3, v4  }
0x132: {  	v3 =	vmul.f32 $1.442695020e+00, v3;
	_ =	sdelay $0x1  }
0x133: {  	(erf) = vpow2.f32 v3;
	_ =	sdelay $0x5  }
0x134: {  	v3 =	vor.u32 $0x103, v39  }
0x135: {  	v12 =	vor.u32 $0x107, v39;
	_ =	sdelay $0x1  }
0x136: {  	v4 =	vpop (erf)  }
0x137: {  	[tilespmem:v62+s13+$0x0] =	vst.idx.msk $0xffff, v4  }
0x138: {  	v4 =	vld.idx.msk [tilespmem:v3+s24+$0x0], $0xffff  }
0x139: {  	v5 =	vld.idx.msk [tilespmem:v12+s25+$0x0], $0xffff;
	_ =	sdelay $0x4  }
0x13a: {  	v4 =	vadd.f32 v5, v4;
	_ =	sdelay $0x1  }
0x13b: {  	v5 =	vmul.f32 $2.000000030e-01, v4  }
0x13c: {  	vm11 =	vgt.f32 v4, $0.0e+00  }
0x13d: {  	v4 =	vsel vm11, v4, v5  }
0x13e: {  	v4 =	vmul.f32 $1.442695020e+00, v4;
	_ =	sdelay $0x1  }
0x13f: {  	(erf) = vpow2.f32 v4;
	_ =	sdelay $0x5  }
0x140: {  	v4 =	vor.u32 $0x180, v39  }
0x141: {  	v13 =	vor.u32 $0x184, v39;
	_ =	sdelay $0x1  }
0x142: {  	v5 =	vpop (erf)  }
0x143: {  	[tilespmem:v3+s13+$0x0] =	vst.idx.msk $0xffff, v5  }
0x144: {  	v5 =	vld.idx.msk [tilespmem:v4+s24+$0x0], $0xffff  }
0x145: {  	v6 =	vld.idx.msk [tilespmem:v13+s25+$0x0], $0xffff;
	_ =	sdelay $0x4  }
0x146: {  	v5 =	vadd.f32 v6, v5;
	_ =	sdelay $0x1  }
0x147: {  	v6 =	vmul.f32 $2.000000030e-01, v5  }
0x148: {  	vm12 =	vgt.f32 v5, $0.0e+00  }
0x149: {  	v5 =	vsel vm12, v5, v6  }
0x14a: {  	v5 =	vmul.f32 $1.442695020e+00, v5;
	_ =	sdelay $0x1  }
0x14b: {  	(erf) = vpow2.f32 v5;
	_ =	sdelay $0x5  }
0x14c: {  	v5 =	vor.u32 $0x181, v39  }
0x14d: {  	v14 =	vor.u32 $0x185, v39;
	_ =	sdelay $0x1  }
0x14e: {  	v6 =	vpop (erf)  }
0x14f: {  	[tilespmem:v4+s13+$0x0] =	vst.idx.msk $0xffff, v6  }
0x150: {  	v6 =	vld.idx.msk [tilespmem:v5+s24+$0x0], $0xffff  }
0x151: {  	v7 =	vld.idx.msk [tilespmem:v14+s25+$0x0], $0xffff;
	_ =	sdelay $0x4  }
0x152: {  	v6 =	vadd.f32 v7, v6;
	_ =	sdelay $0x1  }
0x153: {  	v7 =	vmul.f32 $2.000000030e-01, v6  }
0x154: {  	vm13 =	vgt.f32 v6, $0.0e+00  }
0x155: {  	v6 =	vsel vm13, v6, v7  }
0x156: {  	v6 =	vmul.f32 $1.442695020e+00, v6;
	_ =	sdelay $0x1  }
0x157: {  	(erf) = vpow2.f32 v6;
	_ =	sdelay $0x5  }
0x158: {  	v6 =	vor.u32 $0x182, v39  }
0x159: {  	v15 =	vor.u32 $0x186, v39;
	_ =	sdelay $0x1  }
0x15a: {  	v7 =	vpop (erf)  }
0x15b: {  	[tilespmem:v5+s13+$0x0] =	vst.idx.msk $0xffff, v7  }
0x15c: {  	v7 =	vld.idx.msk [tilespmem:v6+s24+$0x0], $0xffff  }
0x15d: {  	v8 =	vld.idx.msk [tilespmem:v15+s25+$0x0], $0xffff;
	_ =	sdelay $0x4  }
0x15e: {  	v7 =	vadd.f32 v8, v7;
	_ =	sdelay $0x1  }
0x15f: {  	v8 =	vmul.f32 $2.000000030e-01, v7  }
0x160: {  	vm14 =	vgt.f32 v7, $0.0e+00  }
0x161: {  	v7 =	vsel vm14, v7, v8  }
0x162: {  	v7 =	vmul.f32 $1.442695020e+00, v7;
	_ =	sdelay $0x1  }
0x163: {  	(erf) = vpow2.f32 v7;
	_ =	sdelay $0x5  }
0x164: {  	v7 =	vor.u32 $0x183, v39  }
0x165: {  	v16 =	vor.u32 $0x187, v39;
	_ =	sdelay $0x1  }
0x166: {  	v8 =	vpop (erf)  }
0x167: {  	[tilespmem:v6+s13+$0x0] =	vst.idx.msk $0xffff, v8  }
0x168: {  	v8 =	vld.idx.msk [tilespmem:v7+s24+$0x0], $0xffff  }
0x169: {  	v9 =	vld.idx.msk [tilespmem:v16+s25+$0x0], $0xffff;
	_ =	sdelay $0x4  }
0x16a: {  	v8 =	vadd.f32 v9, v8;
	_ =	sdelay $0x1  }
0x16b: {  	v9 =	vmul.f32 $2.000000030e-01, v8  }
0x16c: {  	vm15 =	vgt.f32 v8, $0.0e+00  }
0x16d: {  	v8 =	vsel vm15, v8, v9  }
0x16e: {  	v8 =	vmul.f32 $1.442695020e+00, v8;
	_ =	sdelay $0x1  }
0x16f: {  	(erf) = vpow2.f32 v8;
	_ =	sdelay $0x5  }
0x170: {  	v8 =	vor.u32 $0x200, v39  }
0x171: {  	v17 =	vor.u32 $0x204, v39;
	_ =	sdelay $0x1  }
0x172: {  	v9 =	vpop (erf)  }
0x173: {  	[tilespmem:v7+s13+$0x0] =	vst.idx.msk $0xffff, v9  }
0x174: {  	v9 =	vld.idx.msk [tilespmem:v8+s24+$0x0], $0xffff  }
0x175: {  	v10 =	vld.idx.msk [tilespmem:v17+s25+$0x0], $0xffff;
	_ =	sdelay $0x4  }
0x176: {  	v9 =	vadd.f32 v10, v9;
	_ =	sdelay $0x1  }
0x177: {  	v10 =	vmul.f32 $2.000000030e-01, v9  }
0x178: {  	vm4 =	vgt.f32 v9, $0.0e+00  }
0x179: {  	v9 =	vsel vm4, v9, v10  }
0x17a: {  	v9 =	vmul.f32 $1.442695020e+00, v9;
	_ =	sdelay $0x1  }
0x17b: {  	(erf) = vpow2.f32 v9;
	_ =	sdelay $0x5  }
0x17c: {  	v9 =	vor.u32 $0x201, v39  }
0x17d: {  	v18 =	vor.u32 $0x205, v39;
	_ =	sdelay $0x1  }
0x17e: {  	v10 =	vpop (erf)  }
0x17f: {  	[tilespmem:v8+s13+$0x0] =	vst.idx.msk $0xffff, v10  }
0x180: {  	v10 =	vld.idx.msk [tilespmem:v9+s24+$0x0], $0xffff  }
0x181: {  	v11 =	vld.idx.msk [tilespmem:v18+s25+$0x0], $0xffff;
	_ =	sdelay $0x4  }
0x182: {  	v10 =	vadd.f32 v11, v10;
	_ =	sdelay $0x1  }
0x183: {  	v11 =	vmul.f32 $2.000000030e-01, v10  }
0x184: {  	vm5 =	vgt.f32 v10, $0.0e+00  }
0x185: {  	v10 =	vsel vm5, v10, v11  }
0x186: {  	v10 =	vmul.f32 $1.442695020e+00, v10;
	_ =	sdelay $0x1  }
0x187: {  	(erf) = vpow2.f32 v10;
	_ =	sdelay $0x5  }
0x188: {  	v10 =	vor.u32 $0x202, v39  }
0x189: {  	v19 =	vor.u32 $0x206, v39;
	_ =	sdelay $0x1  }
0x18a: {  	v11 =	vpop (erf)  }
0x18b: {  	[tilespmem:v9+s13+$0x0] =	vst.idx.msk $0xffff, v11  }
0x18c: {  	v11 =	vld.idx.msk [tilespmem:v10+s24+$0x0], $0xffff  }
0x18d: {  	v20 =	vld.idx.msk [tilespmem:v19+s25+$0x0], $0xffff;
	_ =	sdelay $0x4  }
0x18e: {  	v11 =	vadd.f32 v20, v11;
	_ =	sdelay $0x1  }
0x18f: {  	v20 =	vmul.f32 $2.000000030e-01, v11  }
0x190: {  	vm6 =	vgt.f32 v11, $0.0e+00  }
0x191: {  	v11 =	vsel vm6, v11, v20  }
0x192: {  	v11 =	vmul.f32 $1.442695020e+00, v11;
	_ =	sdelay $0x1  }
0x193: {  	(erf) = vpow2.f32 v11;
	_ =	sdelay $0x5  }
0x194: {  	v11 =	vor.u32 $0x203, v39  }
0x195: {  	v20 =	vor.u32 $0x207, v39;
	_ =	sdelay $0x1  }
0x196: {  	v21 =	vpop (erf)  }
0x197: {  	[tilespmem:v10+s13+$0x0] =	vst.idx.msk $0xffff, v21  }
0x198: {  	v21 =	vld.idx.msk [tilespmem:v11+s24+$0x0], $0xffff  }
0x199: {  	v22 =	vld.idx.msk [tilespmem:v20+s25+$0x0], $0xffff;
	_ =	sdelay $0x4  }
0x19a: {  	v21 =	vadd.f32 v22, v21;
	_ =	sdelay $0x1  }
0x19b: {  	v22 =	vmul.f32 $2.000000030e-01, v21  }
0x19c: {  	vm7 =	vgt.f32 v21, $0.0e+00  }
0x19d: {  	v21 =	vsel vm7, v21, v22  }
0x19e: {  	v21 =	vmul.f32 $1.442695020e+00, v21;
	_ =	sdelay $0x1  }
0x19f: {  	(erf) = vpow2.f32 v21;
	_ =	sdelay $0x8  }
0x1a0: {  	v21 =	vpop (erf)  }
0x1a1: {  	[tilespmem:v11+s13+$0x0] =	vst.idx.msk $0xffff, v21  }
0x1a2: {  	_ =	swait.ge [sflag:s22], $0x280  }
0x1a3: {  	[sflag:s22] =	ssyncset.done $0x0  }
0x1a4: {  	[sflag:s22] =	ssyncadd.s32 $0xFFFFFD80  }
0x1a5: {  	_ =	swait.ge [sflag:s23], $0x280  }
0x1a6: {  	[sflag:s23] =	ssyncset.done $0x0  }
0x1a7: {  	[sflag:s23] =	ssyncadd.s32 $0xFFFFFD80  }
0x1a8: {  	v21 =	vld.idx.msk [tilespmem:v39+s26+$0x0], $0xffff  }
0x1a9: {  	v22 =	vld.idx.msk [tilespmem:v43+s28+$0x0], $0xffff;
	_ =	sdelay $0x4  }
0x1aa: {  	v21 =	vadd.f32 v22, v21;
	_ =	sdelay $0x1  }
0x1ab: {  	v22 =	vmul.f32 $2.000000030e-01, v21  }
0x1ac: {  	vm8 =	vgt.f32 v21, $0.0e+00  }
0x1ad: {  	v21 =	vsel vm8, v21, v22  }
0x1ae: {  	v21 =	vmul.f32 $1.442695020e+00, v21;
	_ =	sdelay $0x1  }
0x1af: {  	(erf) = vpow2.f32 v21;
	_ =	sdelay $0x8  }
0x1b0: {  	v21 =	vpop (erf)  }
0x1b1: {  	[tilespmem:v39+s30+$0x0] =	vst.idx.msk $0xffff, v21  }
0x1b2: {  	v21 =	vld.idx.msk [tilespmem:v44+s26+$0x0], $0xffff  }
0x1b3: {  	v22 =	vld.idx.msk [tilespmem:v45+s28+$0x0], $0xffff;
	_ =	sdelay $0x4  }
0x1b4: {  	v21 =	vadd.f32 v22, v21;
	_ =	sdelay $0x1  }
0x1b5: {  	v22 =	vmul.f32 $2.000000030e-01, v21  }
0x1b6: {  	vm9 =	vgt.f32 v21, $0.0e+00  }
0x1b7: {  	v21 =	vsel vm9, v21, v22  }
0x1b8: {  	v21 =	vmul.f32 $1.442695020e+00, v21;
	_ =	sdelay $0x1  }
0x1b9: {  	(erf) = vpow2.f32 v21;
	_ =	sdelay $0x8  }
0x1ba: {  	v21 =	vpop (erf)  }
0x1bb: {  	[tilespmem:v44+s30+$0x0] =	vst.idx.msk $0xffff, v21  }
0x1bc: {  	v21 =	vld.idx.msk [tilespmem:v46+s26+$0x0], $0xffff  }
0x1bd: {  	v22 =	vld.idx.msk [tilespmem:v47+s28+$0x0], $0xffff;
	_ =	sdelay $0x4  }
0x1be: {  	v21 =	vadd.f32 v22, v21;
	_ =	sdelay $0x1  }
0x1bf: {  	v22 =	vmul.f32 $2.000000030e-01, v21  }
0x1c0: {  	vm10 =	vgt.f32 v21, $0.0e+00  }
0x1c1: {  	v21 =	vsel vm10, v21, v22  }
0x1c2: {  	v21 =	vmul.f32 $1.442695020e+00, v21;
	_ =	sdelay $0x1  }
0x1c3: {  	(erf) = vpow2.f32 v21;
	_ =	sdelay $0x8  }
0x1c4: {  	v21 =	vpop (erf)  }
0x1c5: {  	[tilespmem:v46+s30+$0x0] =	vst.idx.msk $0xffff, v21  }
0x1c6: {  	v21 =	vld.idx.msk [tilespmem:v48+s26+$0x0], $0xffff  }
0x1c7: {  	v22 =	vld.idx.msk [tilespmem:v49+s28+$0x0], $0xffff;
	_ =	sdelay $0x4  }
0x1c8: {  	v21 =	vadd.f32 v22, v21;
	_ =	sdelay $0x1  }
0x1c9: {  	v22 =	vmul.f32 $2.000000030e-01, v21  }
0x1ca: {  	vm11 =	vgt.f32 v21, $0.0e+00  }
0x1cb: {  	v21 =	vsel vm11, v21, v22  }
0x1cc: {  	v21 =	vmul.f32 $1.442695020e+00, v21;
	_ =	sdelay $0x1  }
0x1cd: {  	(erf) = vpow2.f32 v21;
	_ =	sdelay $0x8  }
0x1ce: {  	v21 =	vpop (erf)  }
0x1cf: {  	[tilespmem:v48+s30+$0x0] =	vst.idx.msk $0xffff, v21  }
0x1d0: {  	v21 =	vld.idx.msk [tilespmem:v50+s26+$0x0], $0xffff  }
0x1d1: {  	v22 =	vld.idx.msk [tilespmem:v51+s28+$0x0], $0xffff;
	_ =	sdelay $0x4  }
0x1d2: {  	v21 =	vadd.f32 v22, v21;
	_ =	sdelay $0x1  }
0x1d3: {  	v22 =	vmul.f32 $2.000000030e-01, v21  }
0x1d4: {  	vm12 =	vgt.f32 v21, $0.0e+00  }
0x1d5: {  	v21 =	vsel vm12, v21, v22  }
0x1d6: {  	v21 =	vmul.f32 $1.442695020e+00, v21;
	_ =	sdelay $0x1  }
0x1d7: {  	(erf) = vpow2.f32 v21;
	_ =	sdelay $0x8  }
0x1d8: {  	v21 =	vpop (erf)  }
0x1d9: {  	[tilespmem:v50+s30+$0x0] =	vst.idx.msk $0xffff, v21  }
0x1da: {  	v21 =	vld.idx.msk [tilespmem:v52+s26+$0x0], $0xffff  }
0x1db: {  	v22 =	vld.idx.msk [tilespmem:v53+s28+$0x0], $0xffff;
	_ =	sdelay $0x4  }
0x1dc: {  	v21 =	vadd.f32 v22, v21;
	_ =	sdelay $0x1  }
0x1dd: {  	v22 =	vmul.f32 $2.000000030e-01, v21  }
0x1de: {  	vm13 =	vgt.f32 v21, $0.0e+00  }
0x1df: {  	v21 =	vsel vm13, v21, v22  }
0x1e0: {  	v21 =	vmul.f32 $1.442695020e+00, v21;
	_ =	sdelay $0x1  }
0x1e1: {  	(erf) = vpow2.f32 v21;
	_ =	sdelay $0x8  }
0x1e2: {  	v21 =	vpop (erf)  }
0x1e3: {  	[tilespmem:v52+s30+$0x0] =	vst.idx.msk $0xffff, v21  }
0x1e4: {  	v21 =	vld.idx.msk [tilespmem:v54+s26+$0x0], $0xffff  }
0x1e5: {  	v22 =	vld.idx.msk [tilespmem:v55+s28+$0x0], $0xffff;
	_ =	sdelay $0x4  }
0x1e6: {  	v21 =	vadd.f32 v22, v21;
	_ =	sdelay $0x1  }
0x1e7: {  	v22 =	vmul.f32 $2.000000030e-01, v21  }
0x1e8: {  	vm14 =	vgt.f32 v21, $0.0e+00  }
0x1e9: {  	v21 =	vsel vm14, v21, v22  }
0x1ea: {  	v21 =	vmul.f32 $1.442695020e+00, v21;
	_ =	sdelay $0x1  }
0x1eb: {  	(erf) = vpow2.f32 v21;
	_ =	sdelay $0x8  }
0x1ec: {  	v21 =	vpop (erf)  }
0x1ed: {  	[tilespmem:v54+s30+$0x0] =	vst.idx.msk $0xffff, v21  }
0x1ee: {  	v21 =	vld.idx.msk [tilespmem:v56+s26+$0x0], $0xffff  }
0x1ef: {  	v22 =	vld.idx.msk [tilespmem:v57+s28+$0x0], $0xffff;
	_ =	sdelay $0x4  }
0x1f0: {  	v21 =	vadd.f32 v22, v21;
	_ =	sdelay $0x1  }
0x1f1: {  	v22 =	vmul.f32 $2.000000030e-01, v21  }
0x1f2: {  	vm15 =	vgt.f32 v21, $0.0e+00  }
0x1f3: {  	v21 =	vsel vm15, v21, v22  }
0x1f4: {  	v21 =	vmul.f32 $1.442695020e+00, v21;
	_ =	sdelay $0x1  }
0x1f5: {  	(erf) = vpow2.f32 v21;
	_ =	sdelay $0x8  }
0x1f6: {  	v21 =	vpop (erf)  }
0x1f7: {  	[tilespmem:v56+s30+$0x0] =	vst.idx.msk $0xffff, v21  }
0x1f8: {  	v21 =	vld.idx.msk [tilespmem:v58+s26+$0x0], $0xffff  }
0x1f9: {  	v22 =	vld.idx.msk [tilespmem:v59+s28+$0x0], $0xffff;
	_ =	sdelay $0x4  }
0x1fa: {  	v21 =	vadd.f32 v22, v21;
	_ =	sdelay $0x1  }
0x1fb: {  	v22 =	vmul.f32 $2.000000030e-01, v21  }
0x1fc: {  	vm4 =	vgt.f32 v21, $0.0e+00  }
0x1fd: {  	v21 =	vsel vm4, v21, v22  }
0x1fe: {  	v21 =	vmul.f32 $1.442695020e+00, v21;
	_ =	sdelay $0x1  }
0x1ff: {  	(erf) = vpow2.f32 v21;
	_ =	sdelay $0x8  }
0x200: {  	v21 =	vpop (erf)  }
0x201: {  	[tilespmem:v58+s30+$0x0] =	vst.idx.msk $0xffff, v21  }
0x202: {  	v21 =	vld.idx.msk [tilespmem:v60+s26+$0x0], $0xffff  }
0x203: {  	v22 =	vld.idx.msk [tilespmem:v61+s28+$0x0], $0xffff;
	_ =	sdelay $0x4  }
0x204: {  	v21 =	vadd.f32 v22, v21;
	_ =	sdelay $0x1  }
0x205: {  	v22 =	vmul.f32 $2.000000030e-01, v21  }
0x206: {  	vm5 =	vgt.f32 v21, $0.0e+00  }
0x207: {  	v21 =	vsel vm5, v21, v22  }
0x208: {  	v21 =	vmul.f32 $1.442695020e+00, v21;
	_ =	sdelay $0x1  }
0x209: {  	(erf) = vpow2.f32 v21;
	_ =	sdelay $0x8  }
0x20a: {  	v21 =	vpop (erf)  }
0x20b: {  	[tilespmem:v60+s30+$0x0] =	vst.idx.msk $0xffff, v21  }
0x20c: {  	v21 =	vld.idx.msk [tilespmem:v62+s26+$0x0], $0xffff  }
0x20d: {  	v22 =	vld.idx.msk [tilespmem:v63+s28+$0x0], $0xffff;
	_ =	sdelay $0x4  }
0x20e: {  	v21 =	vadd.f32 v22, v21;
	_ =	sdelay $0x1  }
0x20f: {  	v22 =	vmul.f32 $2.000000030e-01, v21  }
0x210: {  	vm6 =	vgt.f32 v21, $0.0e+00  }
0x211: {  	v21 =	vsel vm6, v21, v22  }
0x212: {  	v21 =	vmul.f32 $1.442695020e+00, v21;
	_ =	sdelay $0x1  }
0x213: {  	(erf) = vpow2.f32 v21;
	_ =	sdelay $0x8  }
0x214: {  	v21 =	vpop (erf)  }
0x215: {  	[tilespmem:v62+s30+$0x0] =	vst.idx.msk $0xffff, v21  }
0x216: {  	v21 =	vld.idx.msk [tilespmem:v3+s26+$0x0], $0xffff  }
0x217: {  	v12 =	vld.idx.msk [tilespmem:v12+s28+$0x0], $0xffff;
	_ =	sdelay $0x4  }
0x218: {  	v12 =	vadd.f32 v12, v21;
	_ =	sdelay $0x1  }
0x219: {  	v21 =	vmul.f32 $2.000000030e-01, v12  }
0x21a: {  	vm7 =	vgt.f32 v12, $0.0e+00  }
0x21b: {  	v12 =	vsel vm7, v12, v21  }
0x21c: {  	v12 =	vmul.f32 $1.442695020e+00, v12;
	_ =	sdelay $0x1  }
0x21d: {  	(erf) = vpow2.f32 v12;
	_ =	sdelay $0x8  }
0x21e: {  	v12 =	vpop (erf)  }
0x21f: {  	[tilespmem:v3+s30+$0x0] =	vst.idx.msk $0xffff, v12  }
0x220: {  	v12 =	vld.idx.msk [tilespmem:v4+s26+$0x0], $0xffff  }
0x221: {  	v13 =	vld.idx.msk [tilespmem:v13+s28+$0x0], $0xffff;
	_ =	sdelay $0x4  }
0x222: {  	v12 =	vadd.f32 v13, v12;
	_ =	sdelay $0x1  }
0x223: {  	v13 =	vmul.f32 $2.000000030e-01, v12  }
0x224: {  	vm8 =	vgt.f32 v12, $0.0e+00  }
0x225: {  	v12 =	vsel vm8, v12, v13  }
0x226: {  	v12 =	vmul.f32 $1.442695020e+00, v12;
	_ =	sdelay $0x1  }
0x227: {  	(erf) = vpow2.f32 v12;
	_ =	sdelay $0x8  }
0x228: {  	v12 =	vpop (erf)  }
0x229: {  	[tilespmem:v4+s30+$0x0] =	vst.idx.msk $0xffff, v12  }
0x22a: {  	v12 =	vld.idx.msk [tilespmem:v5+s26+$0x0], $0xffff  }
0x22b: {  	v22 =	vld.idx.msk [tilespmem:v14+s28+$0x0], $0xffff;
	_ =	sdelay $0x4  }
0x22c: {  	v12 =	vadd.f32 v22, v12;
	_ =	sdelay $0x1  }
0x22d: {  	v13 =	vmul.f32 $2.000000030e-01, v12  }
0x22e: {  	vm9 =	vgt.f32 v12, $0.0e+00  }
0x22f: {  	v12 =	vsel vm9, v12, v13  }
0x230: {  	v12 =	vmul.f32 $1.442695020e+00, v12;
	_ =	sdelay $0x1  }
0x231: {  	(erf) = vpow2.f32 v12;
	_ =	sdelay $0x8  }
0x232: {  	v12 =	vpop (erf)  }
0x233: {  	[tilespmem:v5+s30+$0x0] =	vst.idx.msk $0xffff, v12  }
0x234: {  	v12 =	vld.idx.msk [tilespmem:v6+s26+$0x0], $0xffff  }
0x235: {  	v23 =	vld.idx.msk [tilespmem:v15+s28+$0x0], $0xffff;
	_ =	sdelay $0x4  }
0x236: {  	v12 =	vadd.f32 v23, v12;
	_ =	sdelay $0x1  }
0x237: {  	v13 =	vmul.f32 $2.000000030e-01, v12  }
0x238: {  	vm10 =	vgt.f32 v12, $0.0e+00  }
0x239: {  	v12 =	vsel vm10, v12, v13  }
0x23a: {  	v12 =	vmul.f32 $1.442695020e+00, v12;
	_ =	sdelay $0x1  }
0x23b: {  	(erf) = vpow2.f32 v12;
	_ =	sdelay $0x8  }
0x23c: {  	v12 =	vpop (erf)  }
0x23d: {  	[tilespmem:v6+s30+$0x0] =	vst.idx.msk $0xffff, v12  }
0x23e: {  	v12 =	vld.idx.msk [tilespmem:v7+s26+$0x0], $0xffff  }
0x23f: {  	v16 =	vld.idx.msk [tilespmem:v16+s28+$0x0], $0xffff;
	_ =	sdelay $0x4  }
0x240: {  	v12 =	vadd.f32 v16, v12;
	_ =	sdelay $0x1  }
0x241: {  	v13 =	vmul.f32 $2.000000030e-01, v12  }
0x242: {  	vm11 =	vgt.f32 v12, $0.0e+00  }
0x243: {  	v12 =	vsel vm11, v12, v13  }
0x244: {  	v12 =	vmul.f32 $1.442695020e+00, v12;
	_ =	sdelay $0x1  }
0x245: {  	(erf) = vpow2.f32 v12;
	_ =	sdelay $0x8  }
0x246: {  	v12 =	vpop (erf)  }
0x247: {  	[tilespmem:v7+s30+$0x0] =	vst.idx.msk $0xffff, v12  }
0x248: {  	v12 =	vld.idx.msk [tilespmem:v8+s26+$0x0], $0xffff  }
0x249: {  	v17 =	vld.idx.msk [tilespmem:v17+s28+$0x0], $0xffff;
	_ =	sdelay $0x4  }
0x24a: {  	v12 =	vadd.f32 v17, v12;
	_ =	sdelay $0x1  }
0x24b: {  	v13 =	vmul.f32 $2.000000030e-01, v12  }
0x24c: {  	vm12 =	vgt.f32 v12, $0.0e+00  }
0x24d: {  	v12 =	vsel vm12, v12, v13  }
0x24e: {  	v12 =	vmul.f32 $1.442695020e+00, v12;
	_ =	sdelay $0x1  }
0x24f: {  	(erf) = vpow2.f32 v12;
	_ =	sdelay $0x8  }
0x250: {  	v12 =	vpop (erf)  }
0x251: {  	[tilespmem:v8+s30+$0x0] =	vst.idx.msk $0xffff, v12  }
0x252: {  	v12 =	vld.idx.msk [tilespmem:v9+s26+$0x0], $0xffff  }
0x253: {  	v21 =	vld.idx.msk [tilespmem:v18+s28+$0x0], $0xffff;
	_ =	sdelay $0x4  }
0x254: {  	v12 =	vadd.f32 v21, v12;
	_ =	sdelay $0x1  }
0x255: {  	v13 =	vmul.f32 $2.000000030e-01, v12  }
0x256: {  	vm13 =	vgt.f32 v12, $0.0e+00  }
0x257: {  	v12 =	vsel vm13, v12, v13  }
0x258: {  	v12 =	vmul.f32 $1.442695020e+00, v12;
	_ =	sdelay $0x1  }
0x259: {  	(erf) = vpow2.f32 v12;
	_ =	sdelay $0x8  }
0x25a: {  	v12 =	vpop (erf)  }
0x25b: {  	[tilespmem:v9+s30+$0x0] =	vst.idx.msk $0xffff, v12  }
0x25c: {  	v12 =	vld.idx.msk [tilespmem:v10+s26+$0x0], $0xffff  }
0x25d: {  	v22 =	vld.idx.msk [tilespmem:v19+s28+$0x0], $0xffff;
	_ =	sdelay $0x4  }
0x25e: {  	v12 =	vadd.f32 v22, v12;
	_ =	sdelay $0x1  }
0x25f: {  	v13 =	vmul.f32 $2.000000030e-01, v12  }
0x260: {  	vm14 =	vgt.f32 v12, $0.0e+00  }
0x261: {  	v12 =	vsel vm14, v12, v13  }
0x262: {  	v12 =	vmul.f32 $1.442695020e+00, v12;
	_ =	sdelay $0x1  }
0x263: {  	(erf) = vpow2.f32 v12;
	_ =	sdelay $0x8  }
0x264: {  	v12 =	vpop (erf)  }
0x265: {  	[tilespmem:v10+s30+$0x0] =	vst.idx.msk $0xffff, v12  }
0x266: {  	v12 =	vld.idx.msk [tilespmem:v11+s26+$0x0], $0xffff  }
0x267: {  	v23 =	vld.idx.msk [tilespmem:v20+s28+$0x0], $0xffff;
	_ =	sdelay $0x4  }
0x268: {  	v12 =	vadd.f32 v23, v12;
	_ =	sdelay $0x1  }
0x269: {  	v13 =	vmul.f32 $2.000000030e-01, v12  }
0x26a: {  	vm15 =	vgt.f32 v12, $0.0e+00  }
0x26b: {  	v12 =	vsel vm15, v12, v13  }
0x26c: {  	v12 =	vmul.f32 $1.442695020e+00, v12;
	_ =	sdelay $0x1  }
0x26d: {  	(erf) = vpow2.f32 v12;
	_ =	sdelay $0x8  }
0x26e: {  	v12 =	vpop (erf)  }
0x26f: {  	[tilespmem:v11+s30+$0x0] =	vst.idx.msk $0xffff, v12  }
0x270: {  	[spmem:s29] =	stream.indirect.scatter.add.f32 [tilespmem:s13], [sflag:$0x1], $0x8, s16, s17, $0xb8;
	[tilespmem:$0x1D190] =	vst v63  }
0x271: {  	_ = 	snop  }
0x272: {  	[spmem:s29] =	stream.indirect.scatter.add.f32 [tilespmem:s30], [sflag:$0x2], $0x8, s18, s17, $0xb8;
	[tilespmem:$0x1D190] =	vst v63  }
0x273: {  	_ = 	snop  }
0x274: {  	[hbm4b:s6+s5] =	stream.linear.scatter [tilespmem:s13], [sflag:$0x3], $0x280, $0x38;
	[tilespmem:$0x1D190] =	vst v63  }
0x275: {  	s12 =	sadd.s32 $0x50, s6  }
0x276: {  	[hbm4b:s12+s5] =	stream.linear.scatter [tilespmem:s30], [sflag:$0x4], $0x280, $0x38;
	[tilespmem:$0x1D190] =	vst v63  }
0x277: {  	_ =	swait.ge [sflag:s19], $0x280  }
0x278: {  	[sflag:s19] =	ssyncset.done $0x0  }
0x279: {  	[sflag:s19] =	ssyncadd.s32 $0xFFFFFD80  }
0x27a: {  	_ =	swait.ge [sflag:s21], $0x280  }
0x27b: {  	[sflag:s21] =	ssyncset.done $0x0  }
0x27c: {  	[sflag:s21] =	ssyncadd.s32 $0xFFFFFD80  }
0x27d: {  	p0 =	sne.s32 s4, $0x9B0;
	_ =	swait.ge [sflag:s22], $0x280  }
.Ltmp1:
0x27e: {  	[sflag:s22] =	ssyncset.done $0x0;
	(pc) =	sbr.rel @p0 .LBB2_4-.Ltmp1, $4  }
0x27f: {  	[sflag:s22] =	ssyncadd.s32 $0xFFFFFD80  }
0x280: {  	_ =	swait.ge [sflag:s23], $0x280  }
0x281: {  	[sflag:s23] =	ssyncset.done $0x0  }
0x282: {  	s4 =	sadd.s32 $0x14, s4;
	s6 =	sadd.s32 $0xA0, s6;
	[sflag:s23] =	ssyncadd.s32 $0xFFFFFD80  }
0x283: {  	s0 =	stileid.u32;
	[bflag:$0x0] =	sbarrier.arrive $0xFFFF  }
0x284: {  	s0 =	sshll.u32 s0, $0x6;
	s29 =	rddreg [dreg:$0x11]  }
0x285: {  	s3 =	rddreg [dreg:$0xd];
	s4 =	sor.u32 $0x1C07, s0  }
0x286: {  	s0 =	sshrl.u32 s29, $0x3;
	[smem:$0x7FD] =	sst s4  }
0x287: {  	[hbm:s3], [sflag:s4] =	dma.local [spmem:s0], $0x280  }
0x288: {  	_ =	swait.ge [sflag:s15], $0x280  }
0x289: {  	[sflag:s15] =	ssyncset.done $0x0  }
0x28a: {  	[sflag:s15] =	ssyncadd.s32 $0xFFFFFD80  }
0x28b: {  	s6 =	simm.s32 $0x0;
	s4 =	simm.s32 $0x0;
	[bflag:$0x0] =	sbarrier.arrive $0xFFFF  }
.LBB2_6:
0x28c: {  	s0 =	smul.u32 $0x50, s6  }
0x28d: {  	s3 =	rddreg [dreg:$0x19]  }
0x28e: {  	s0 =	sadd.s32 s3, s0  }
0x28f: {  	s12 =	rddreg [dreg:$0x5];
	s9 =	sshrl.u32 s0, $0x3  }
0x290: {  	s10 =	sadd.s32 s12, s9  }
0x291: {  	[tilespmem:s4], [sflag:$0x1] =	stream.linear.gather [hbm4b:s10+s4], $0x50, $0x38;
	[tilespmem:$0x1D190] =	vst v63  }
0x292: {  	s10 =	rddreg [dreg:$0x1]  }
0x293: {  	s12 =	rddreg [dreg:$0x6];
	s9 =	sadd.s32 s10, s9  }
0x294: {  	[tilespmem:s16], [sflag:$0x2] =	stream.linear.gather [hbm4b:s9+s4], $0x50, $0x38;
	[tilespmem:$0x1D190] =	vst v63  }
0x295: {  	s0 =	sadd.s32 s12, s0  }
0x296: {  	[tilespmem:s13], [sflag:$0x3] =	stream.linear.gather [hbm4b:s0+s4], $0x280, $0x38;
	[tilespmem:$0x1D190] =	vst v63  }
0x297: {  	_ =	swait.ge [sflag:s19], $0x50  }
0x298: {  	[sflag:s19] =	ssyncset.done $0x0  }
0x299: {  	[sflag:s19] =	ssyncadd.s32 $0xFFFFFFB0  }
0x29a: {  	[tilespmem:s2], [sflag:$0x5] =	stream.indirect.gather [hbm4b:s8+s31], $0x200, s4, s31, $0xb8;
	[tilespmem:$0x1D190] =	vst v63  }
0x29b: {  	_ =	swait.ge [sflag:s21], $0x50  }
0x29c: {  	[sflag:s21] =	ssyncset.done $0x0  }
0x29d: {  	[sflag:s21] =	ssyncadd.s32 $0xFFFFFFB0  }
0x29e: {  	v12 =	vld [tilespmem:$0xA0]  }
0x29f: {  	v13 =	vld [tilespmem:$0xB0]  }
0x2a0: {  	v14 =	vld [tilespmem:$0xC0]  }
0x2a1: {  	v15 =	vld [tilespmem:$0xD0]  }
0x2a2: {  	v16 =	vld [tilespmem:$0xE0]  }
0x2a3: {  	v12 =	vadd.s32 v1, v12  }
0x2a4: {  	[tilespmem:$0x140] =	vst v12;
	v12 =	vadd.s32 v1, v13  }
0x2a5: {  	[tilespmem:$0x150] =	vst v12;
	v12 =	vadd.s32 v1, v14  }
0x2a6: {  	[tilespmem:$0x160] =	vst v12;
	v12 =	vadd.s32 v1, v15  }
0x2a7: {  	[tilespmem:$0x170] =	vst v12;
	v12 =	vadd.s32 v1, v16  }
0x2a8: {  	s9 =	simm.s32 $0x140;
	s3 =	rddreg [dreg:$0x7];
	[tilespmem:$0x180] =	vst v12  }
0x2a9: {  	[tilespmem:s20], [sflag:$0x2] =	stream.indirect.gather [hbm4b:s3+s17], $0x8, s9, s17, $0xb8;
	[tilespmem:$0x1D190] =	vst v63  }
0x2aa: {  	_ =	swait.ge [sflag:s22], $0x280  }
0x2ab: {  	[sflag:s22] =	ssyncset.done $0x0  }
0x2ac: {  	[sflag:s22] =	ssyncadd.s32 $0xFFFFFD80  }
0x2ad: {  	_ =	swait.ge [sflag:s21], $0x280  }
0x2ae: {  	[sflag:s21] =	ssyncset.done $0x0  }
0x2af: {  	[sflag:s21] =	ssyncadd.s32 $0xFFFFFD80  }
0x2b0: {  	v12 =	vld.idx.msk [tilespmem:v39+s20+$0x0], $0xffff;
	_ =	sdelay $0x4  }
0x2b1: {  	v12 =	vadd.f32 $9.999999710e-10, v12;
	_ =	sdelay $0x1  }
0x2b2: {  	(erf) = vrcp.f32 v12;
	_ =	sdelay $0x2  }
0x2b3: {  	v12 =	vld.idx.msk [tilespmem:v39+s13+$0x0], $0xffff;
	_ =	sdelay $0x4  }
0x2b4: {  	v12 =	vmul.f32 $2.500000000e-01, v12  }
0x2b5: {  	v13 =	vpop (erf)  }
0x2b6: {  	v12 =	vmul.f32 v13, v12;
	_ =	sdelay $0x1  }
0x2b7: {  	[tilespmem:v39+s1+$0x0] =	vst.idx.msk $0xffff, v12  }
0x2b8: {  	v12 =	vld.idx.msk [tilespmem:v44+s20+$0x0], $0xffff;
	_ =	sdelay $0x4  }
0x2b9: {  	v12 =	vadd.f32 $9.999999710e-10, v12;
	_ =	sdelay $0x1  }
0x2ba: {  	(erf) = vrcp.f32 v12;
	_ =	sdelay $0x2  }
0x2bb: {  	v12 =	vld.idx.msk [tilespmem:v44+s13+$0x0], $0xffff;
	_ =	sdelay $0x4  }
0x2bc: {  	v12 =	vmul.f32 $2.500000000e-01, v12  }
0x2bd: {  	v13 =	vpop (erf)  }
0x2be: {  	v12 =	vmul.f32 v13, v12;
	_ =	sdelay $0x1  }
0x2bf: {  	[tilespmem:v44+s1+$0x0] =	vst.idx.msk $0xffff, v12  }
0x2c0: {  	v12 =	vld.idx.msk [tilespmem:v46+s20+$0x0], $0xffff;
	_ =	sdelay $0x4  }
0x2c1: {  	v12 =	vadd.f32 $9.999999710e-10, v12;
	_ =	sdelay $0x1  }
0x2c2: {  	(erf) = vrcp.f32 v12;
	_ =	sdelay $0x2  }
0x2c3: {  	v12 =	vld.idx.msk [tilespmem:v46+s13+$0x0], $0xffff;
	_ =	sdelay $0x4  }
0x2c4: {  	v12 =	vmul.f32 $2.500000000e-01, v12  }
0x2c5: {  	v13 =	vpop (erf)  }
0x2c6: {  	v12 =	vmul.f32 v13, v12;
	_ =	sdelay $0x1  }
0x2c7: {  	[tilespmem:v46+s1+$0x0] =	vst.idx.msk $0xffff, v12  }
0x2c8: {  	v12 =	vld.idx.msk [tilespmem:v48+s20+$0x0], $0xffff;
	_ =	sdelay $0x4  }
0x2c9: {  	v12 =	vadd.f32 $9.999999710e-10, v12;
	_ =	sdelay $0x1  }
0x2ca: {  	(erf) = vrcp.f32 v12;
	_ =	sdelay $0x2  }
0x2cb: {  	v12 =	vld.idx.msk [tilespmem:v48+s13+$0x0], $0xffff;
	_ =	sdelay $0x4  }
0x2cc: {  	v12 =	vmul.f32 $2.500000000e-01, v12  }
0x2cd: {  	v13 =	vpop (erf)  }
0x2ce: {  	v12 =	vmul.f32 v13, v12;
	_ =	sdelay $0x1  }
0x2cf: {  	[tilespmem:v48+s1+$0x0] =	vst.idx.msk $0xffff, v12  }
0x2d0: {  	v12 =	vld.idx.msk [tilespmem:v50+s20+$0x0], $0xffff;
	_ =	sdelay $0x4  }
0x2d1: {  	v12 =	vadd.f32 $9.999999710e-10, v12;
	_ =	sdelay $0x1  }
0x2d2: {  	(erf) = vrcp.f32 v12;
	_ =	sdelay $0x2  }
0x2d3: {  	v12 =	vld.idx.msk [tilespmem:v50+s13+$0x0], $0xffff;
	_ =	sdelay $0x4  }
0x2d4: {  	v12 =	vmul.f32 $2.500000000e-01, v12  }
0x2d5: {  	v13 =	vpop (erf)  }
0x2d6: {  	v12 =	vmul.f32 v13, v12;
	_ =	sdelay $0x1  }
0x2d7: {  	[tilespmem:v50+s1+$0x0] =	vst.idx.msk $0xffff, v12  }
0x2d8: {  	v12 =	vld.idx.msk [tilespmem:v52+s20+$0x0], $0xffff;
	_ =	sdelay $0x4  }
0x2d9: {  	v12 =	vadd.f32 $9.999999710e-10, v12;
	_ =	sdelay $0x1  }
0x2da: {  	(erf) = vrcp.f32 v12;
	_ =	sdelay $0x2  }
0x2db: {  	v12 =	vld.idx.msk [tilespmem:v52+s13+$0x0], $0xffff;
	_ =	sdelay $0x4  }
0x2dc: {  	v12 =	vmul.f32 $2.500000000e-01, v12  }
0x2dd: {  	v13 =	vpop (erf)  }
0x2de: {  	v12 =	vmul.f32 v13, v12;
	_ =	sdelay $0x1  }
0x2df: {  	[tilespmem:v52+s1+$0x0] =	vst.idx.msk $0xffff, v12  }
0x2e0: {  	v12 =	vld.idx.msk [tilespmem:v54+s20+$0x0], $0xffff;
	_ =	sdelay $0x4  }
0x2e1: {  	v12 =	vadd.f32 $9.999999710e-10, v12;
	_ =	sdelay $0x1  }
0x2e2: {  	(erf) = vrcp.f32 v12;
	_ =	sdelay $0x2  }
0x2e3: {  	v12 =	vld.idx.msk [tilespmem:v54+s13+$0x0], $0xffff;
	_ =	sdelay $0x4  }
0x2e4: {  	v12 =	vmul.f32 $2.500000000e-01, v12  }
0x2e5: {  	v13 =	vpop (erf)  }
0x2e6: {  	v12 =	vmul.f32 v13, v12;
	_ =	sdelay $0x1  }
0x2e7: {  	[tilespmem:v54+s1+$0x0] =	vst.idx.msk $0xffff, v12  }
0x2e8: {  	v12 =	vld.idx.msk [tilespmem:v56+s20+$0x0], $0xffff;
	_ =	sdelay $0x4  }
0x2e9: {  	v12 =	vadd.f32 $9.999999710e-10, v12;
	_ =	sdelay $0x1  }
0x2ea: {  	(erf) = vrcp.f32 v12;
	_ =	sdelay $0x2  }
0x2eb: {  	v12 =	vld.idx.msk [tilespmem:v56+s13+$0x0], $0xffff;
	_ =	sdelay $0x4  }
0x2ec: {  	v12 =	vmul.f32 $2.500000000e-01, v12  }
0x2ed: {  	v13 =	vpop (erf)  }
0x2ee: {  	v12 =	vmul.f32 v13, v12;
	_ =	sdelay $0x1  }
0x2ef: {  	[tilespmem:v56+s1+$0x0] =	vst.idx.msk $0xffff, v12  }
0x2f0: {  	v12 =	vld.idx.msk [tilespmem:v58+s20+$0x0], $0xffff;
	_ =	sdelay $0x4  }
0x2f1: {  	v12 =	vadd.f32 $9.999999710e-10, v12;
	_ =	sdelay $0x1  }
0x2f2: {  	(erf) = vrcp.f32 v12;
	_ =	sdelay $0x2  }
0x2f3: {  	v12 =	vld.idx.msk [tilespmem:v58+s13+$0x0], $0xffff;
	_ =	sdelay $0x4  }
0x2f4: {  	v12 =	vmul.f32 $2.500000000e-01, v12  }
0x2f5: {  	v13 =	vpop (erf)  }
0x2f6: {  	v12 =	vmul.f32 v13, v12;
	_ =	sdelay $0x1  }
0x2f7: {  	[tilespmem:v58+s1+$0x0] =	vst.idx.msk $0xffff, v12  }
0x2f8: {  	v12 =	vld.idx.msk [tilespmem:v60+s20+$0x0], $0xffff;
	_ =	sdelay $0x4  }
0x2f9: {  	v12 =	vadd.f32 $9.999999710e-10, v12;
	_ =	sdelay $0x1  }
0x2fa: {  	(erf) = vrcp.f32 v12;
	_ =	sdelay $0x2  }
0x2fb: {  	v12 =	vld.idx.msk [tilespmem:v60+s13+$0x0], $0xffff;
	_ =	sdelay $0x4  }
0x2fc: {  	v12 =	vmul.f32 $2.500000000e-01, v12  }
0x2fd: {  	v13 =	vpop (erf)  }
0x2fe: {  	v12 =	vmul.f32 v13, v12;
	_ =	sdelay $0x1  }
0x2ff: {  	[tilespmem:v60+s1+$0x0] =	vst.idx.msk $0xffff, v12  }
0x300: {  	v12 =	vld.idx.msk [tilespmem:v62+s20+$0x0], $0xffff;
	_ =	sdelay $0x4  }
0x301: {  	v12 =	vadd.f32 $9.999999710e-10, v12;
	_ =	sdelay $0x1  }
0x302: {  	(erf) = vrcp.f32 v12;
	_ =	sdelay $0x2  }
0x303: {  	v12 =	vld.idx.msk [tilespmem:v62+s13+$0x0], $0xffff;
	_ =	sdelay $0x4  }
0x304: {  	v12 =	vmul.f32 $2.500000000e-01, v12  }
0x305: {  	v13 =	vpop (erf)  }
0x306: {  	v12 =	vmul.f32 v13, v12;
	_ =	sdelay $0x1  }
0x307: {  	[tilespmem:v62+s1+$0x0] =	vst.idx.msk $0xffff, v12  }
0x308: {  	v12 =	vld.idx.msk [tilespmem:v3+s20+$0x0], $0xffff;
	_ =	sdelay $0x4  }
0x309: {  	v12 =	vadd.f32 $9.999999710e-10, v12;
	_ =	sdelay $0x1  }
0x30a: {  	(erf) = vrcp.f32 v12;
	_ =	sdelay $0x2  }
0x30b: {  	v12 =	vld.idx.msk [tilespmem:v3+s13+$0x0], $0xffff;
	_ =	sdelay $0x4  }
0x30c: {  	v12 =	vmul.f32 $2.500000000e-01, v12  }
0x30d: {  	v13 =	vpop (erf)  }
0x30e: {  	v12 =	vmul.f32 v13, v12;
	_ =	sdelay $0x1  }
0x30f: {  	[tilespmem:v3+s1+$0x0] =	vst.idx.msk $0xffff, v12  }
0x310: {  	v12 =	vld.idx.msk [tilespmem:v4+s20+$0x0], $0xffff;
	_ =	sdelay $0x4  }
0x311: {  	v12 =	vadd.f32 $9.999999710e-10, v12;
	_ =	sdelay $0x1  }
0x312: {  	(erf) = vrcp.f32 v12;
	_ =	sdelay $0x2  }
0x313: {  	v12 =	vld.idx.msk [tilespmem:v4+s13+$0x0], $0xffff;
	_ =	sdelay $0x4  }
0x314: {  	v12 =	vmul.f32 $2.500000000e-01, v12  }
0x315: {  	v13 =	vpop (erf)  }
0x316: {  	v12 =	vmul.f32 v13, v12;
	_ =	sdelay $0x1  }
0x317: {  	[tilespmem:v4+s1+$0x0] =	vst.idx.msk $0xffff, v12  }
0x318: {  	v12 =	vld.idx.msk [tilespmem:v5+s20+$0x0], $0xffff;
	_ =	sdelay $0x4  }
0x319: {  	v12 =	vadd.f32 $9.999999710e-10, v12;
	_ =	sdelay $0x1  }
0x31a: {  	(erf) = vrcp.f32 v12;
	_ =	sdelay $0x2  }
0x31b: {  	v12 =	vld.idx.msk [tilespmem:v5+s13+$0x0], $0xffff;
	_ =	sdelay $0x4  }
0x31c: {  	v12 =	vmul.f32 $2.500000000e-01, v12  }
0x31d: {  	v13 =	vpop (erf)  }
0x31e: {  	v12 =	vmul.f32 v13, v12;
	_ =	sdelay $0x1  }
0x31f: {  	[tilespmem:v5+s1+$0x0] =	vst.idx.msk $0xffff, v12  }
0x320: {  	v12 =	vld.idx.msk [tilespmem:v6+s20+$0x0], $0xffff;
	_ =	sdelay $0x4  }
0x321: {  	v12 =	vadd.f32 $9.999999710e-10, v12;
	_ =	sdelay $0x1  }
0x322: {  	(erf) = vrcp.f32 v12;
	_ =	sdelay $0x2  }
0x323: {  	v12 =	vld.idx.msk [tilespmem:v6+s13+$0x0], $0xffff;
	_ =	sdelay $0x4  }
0x324: {  	v12 =	vmul.f32 $2.500000000e-01, v12  }
0x325: {  	v13 =	vpop (erf)  }
0x326: {  	v12 =	vmul.f32 v13, v12;
	_ =	sdelay $0x1  }
0x327: {  	[tilespmem:v6+s1+$0x0] =	vst.idx.msk $0xffff, v12  }
0x328: {  	v12 =	vld.idx.msk [tilespmem:v7+s20+$0x0], $0xffff;
	_ =	sdelay $0x4  }
0x329: {  	v12 =	vadd.f32 $9.999999710e-10, v12;
	_ =	sdelay $0x1  }
0x32a: {  	(erf) = vrcp.f32 v12;
	_ =	sdelay $0x2  }
0x32b: {  	v12 =	vld.idx.msk [tilespmem:v7+s13+$0x0], $0xffff;
	_ =	sdelay $0x4  }
0x32c: {  	v12 =	vmul.f32 $2.500000000e-01, v12  }
0x32d: {  	v13 =	vpop (erf)  }
0x32e: {  	v12 =	vmul.f32 v13, v12;
	_ =	sdelay $0x1  }
0x32f: {  	[tilespmem:v7+s1+$0x0] =	vst.idx.msk $0xffff, v12  }
0x330: {  	v12 =	vld.idx.msk [tilespmem:v8+s20+$0x0], $0xffff;
	_ =	sdelay $0x4  }
0x331: {  	v12 =	vadd.f32 $9.999999710e-10, v12;
	_ =	sdelay $0x1  }
0x332: {  	(erf) = vrcp.f32 v12;
	_ =	sdelay $0x2  }
0x333: {  	v12 =	vld.idx.msk [tilespmem:v8+s13+$0x0], $0xffff;
	_ =	sdelay $0x4  }
0x334: {  	v12 =	vmul.f32 $2.500000000e-01, v12  }
0x335: {  	v13 =	vpop (erf)  }
0x336: {  	v12 =	vmul.f32 v13, v12;
	_ =	sdelay $0x1  }
0x337: {  	[tilespmem:v8+s1+$0x0] =	vst.idx.msk $0xffff, v12  }
0x338: {  	v12 =	vld.idx.msk [tilespmem:v9+s20+$0x0], $0xffff;
	_ =	sdelay $0x4  }
0x339: {  	v12 =	vadd.f32 $9.999999710e-10, v12;
	_ =	sdelay $0x1  }
0x33a: {  	(erf) = vrcp.f32 v12;
	_ =	sdelay $0x2  }
0x33b: {  	v12 =	vld.idx.msk [tilespmem:v9+s13+$0x0], $0xffff;
	_ =	sdelay $0x4  }
0x33c: {  	v12 =	vmul.f32 $2.500000000e-01, v12  }
0x33d: {  	v13 =	vpop (erf)  }
0x33e: {  	v12 =	vmul.f32 v13, v12;
	_ =	sdelay $0x1  }
0x33f: {  	[tilespmem:v9+s1+$0x0] =	vst.idx.msk $0xffff, v12  }
0x340: {  	v12 =	vld.idx.msk [tilespmem:v10+s20+$0x0], $0xffff;
	_ =	sdelay $0x4  }
0x341: {  	v12 =	vadd.f32 $9.999999710e-10, v12;
	_ =	sdelay $0x1  }
0x342: {  	(erf) = vrcp.f32 v12;
	_ =	sdelay $0x2  }
0x343: {  	v12 =	vld.idx.msk [tilespmem:v10+s13+$0x0], $0xffff;
	_ =	sdelay $0x4  }
0x344: {  	v12 =	vmul.f32 $2.500000000e-01, v12  }
0x345: {  	v13 =	vpop (erf)  }
0x346: {  	v12 =	vmul.f32 v13, v12;
	_ =	sdelay $0x1  }
0x347: {  	[tilespmem:v10+s1+$0x0] =	vst.idx.msk $0xffff, v12  }
0x348: {  	v12 =	vld.idx.msk [tilespmem:v11+s20+$0x0], $0xffff;
	_ =	sdelay $0x4  }
0x349: {  	v12 =	vadd.f32 $9.999999710e-10, v12;
	_ =	sdelay $0x1  }
0x34a: {  	(erf) = vrcp.f32 v12;
	_ =	sdelay $0x2  }
0x34b: {  	v12 =	vld.idx.msk [tilespmem:v11+s13+$0x0], $0xffff;
	_ =	sdelay $0x4  }
0x34c: {  	v12 =	vmul.f32 $2.500000000e-01, v12  }
0x34d: {  	v13 =	vpop (erf)  }
0x34e: {  	v12 =	vmul.f32 v13, v12;
	_ =	sdelay $0x1  }
0x34f: {  	s12 =	simm.s32 $0x3590;
	s10 =	simm.s32 $0x0;
	[tilespmem:v11+s1+$0x0] =	vst.idx.msk $0xffff, v12  }
0x350: {  	v12 =	vmov s10;
	[tilespmem:s12], [sflag:$0x6] =	stream.indirect.gather [hbm4b:s8+s31], $0x200, s31, s31, $0xb8;
	[tilespmem:$0x1D190] =	vst v63  }
0x351: {  	_ =	swait.ge [sflag:s11], $0x2000  }
0x352: {  	v13 =	vor.u32 $0x1, v12;
	[sflag:s11] =	ssyncset.done $0x0  }
0x353: {  	s9 =	simm.s32 $0x1690;
	[sflag:s11] =	ssyncadd.s32 $0xFFFFE000  }
0x354: {  	v14 =	vor.u32 $0x2, v12;
	v16 =	vld [tilespmem:s9+$0xFFFFFF80]  }
0x355: {  	v15 =	vor.u32 $0x3, v12;
	v12 =	vld.idx.msk [tilespmem:v12+s1+$0x0], $0xffff  }
0x356: {  	v17 =	vld [tilespmem:s9+$0xFFFFFF00]  }
0x357: {  	v13 =	vld.idx.msk [tilespmem:v13+s1+$0x0], $0xffff  }
0x358: {  	v18 =	vld [tilespmem:s9+$0x0]  }
0x359: {  	v14 =	vld.idx.msk [tilespmem:v14+s1+$0x0], $0xffff  }
0x35a: {  	v19 =	vld [tilespmem:s9+$0x80]  }
0x35b: {  	v15 =	vld.idx.msk [tilespmem:v15+s1+$0x0], $0xffff  }
0x35c: {  	v17 =	vmul.f32 v17, v12;
	v16 =	vmul.f32 v16, v13;
	_ =	sdelay $0x1  }
0x35d: {  	v18 =	vmul.f32 v18, v14;
	v16 =	vadd.f32 v16, v17;
	_ =	sdelay $0x1  }
0x35e: {  	v17 =	vmul.f32 v19, v15;
	v16 =	vadd.f32 v18, v16;
	_ =	sdelay $0x1  }
0x35f: {  	v16 =	vadd.f32 v17, v16  }
0x360: {  	s10 =	simm.s32 $0x55D0  }
0x361: {  	[tilespmem:s10+$0xFFFFFFC0] =	vst v16  }
0x362: {  	v16 =	vld [tilespmem:s9+$0xFFFFFF10]  }
0x363: {  	v17 =	vld [tilespmem:s9+$0xFFFFFF90];
	_ =	sdelay $0x1  }
0x364: {  	v18 =	vld [tilespmem:s9+$0x10];
	_ =	sdelay $0x1  }
0x365: {  	v19 =	vld [tilespmem:s9+$0x90]  }
0x366: {  	v16 =	vmul.f32 v16, v12;
	v17 =	vmul.f32 v17, v13;
	_ =	sdelay $0x1  }
0x367: {  	v16 =	vadd.f32 v17, v16;
	v17 =	vmul.f32 v18, v14;
	_ =	sdelay $0x1  }
0x368: {  	v16 =	vadd.f32 v17, v16;
	v17 =	vmul.f32 v19, v15;
	_ =	sdelay $0x1  }
0x369: {  	v16 =	vadd.f32 v17, v16;
	_ =	sdelay $0x1  }
0x36a: {  	[tilespmem:s10+$0xFFFFFFD0] =	vst v16  }
0x36b: {  	v16 =	vld [tilespmem:s9+$0xFFFFFF20]  }
0x36c: {  	v17 =	vld [tilespmem:s9+$0xFFFFFFA0];
	_ =	sdelay $0x1  }
0x36d: {  	v18 =	vld [tilespmem:s9+$0x20];
	_ =	sdelay $0x1  }
0x36e: {  	v19 =	vld [tilespmem:s9+$0xA0]  }
0x36f: {  	v16 =	vmul.f32 v16, v12;
	v17 =	vmul.f32 v17, v13;
	_ =	sdelay $0x1  }
0x370: {  	v16 =	vadd.f32 v17, v16;
	v17 =	vmul.f32 v18, v14;
	_ =	sdelay $0x1  }
0x371: {  	v16 =	vadd.f32 v17, v16;
	v17 =	vmul.f32 v19, v15;
	_ =	sdelay $0x1  }
0x372: {  	v16 =	vadd.f32 v17, v16;
	_ =	sdelay $0x1  }
0x373: {  	[tilespmem:s10+$0xFFFFFFE0] =	vst v16  }
0x374: {  	v16 =	vld [tilespmem:s9+$0xFFFFFF30]  }
0x375: {  	v17 =	vld [tilespmem:s9+$0xFFFFFFB0];
	_ =	sdelay $0x1  }
0x376: {  	v18 =	vld [tilespmem:s9+$0x30];
	_ =	sdelay $0x1  }
0x377: {  	v19 =	vld [tilespmem:s9+$0xB0]  }
0x378: {  	v16 =	vmul.f32 v16, v12;
	v17 =	vmul.f32 v17, v13;
	_ =	sdelay $0x1  }
0x379: {  	v18 =	vmul.f32 v18, v14;
	v16 =	vadd.f32 v17, v16;
	_ =	sdelay $0x1  }
0x37a: {  	v17 =	vmul.f32 v19, v15;
	v16 =	vadd.f32 v18, v16;
	_ =	sdelay $0x1  }
0x37b: {  	v16 =	vadd.f32 v17, v16;
	_ =	sdelay $0x1  }
0x37c: {  	[tilespmem:s10+$0xFFFFFFF0] =	vst v16  }
0x37d: {  	v16 =	vld [tilespmem:s9+$0xFFFFFF40]  }
0x37e: {  	v17 =	vld [tilespmem:s9+$0xFFFFFFC0];
	_ =	sdelay $0x1  }
0x37f: {  	v18 =	vld [tilespmem:s9+$0x40];
	_ =	sdelay $0x1  }
0x380: {  	v19 =	vld [tilespmem:s9+$0xC0]  }
0x381: {  	v16 =	vmul.f32 v16, v12;
	v17 =	vmul.f32 v17, v13;
	_ =	sdelay $0x1  }
0x382: {  	v16 =	vadd.f32 v17, v16;
	v17 =	vmul.f32 v18, v14;
	_ =	sdelay $0x1  }
0x383: {  	v16 =	vadd.f32 v17, v16;
	v17 =	vmul.f32 v19, v15;
	_ =	sdelay $0x1  }
0x384: {  	v16 =	vadd.f32 v17, v16;
	_ =	sdelay $0x1  }
0x385: {  	[tilespmem:s10+$0x0] =	vst v16  }
0x386: {  	v16 =	vld [tilespmem:s9+$0xFFFFFF50]  }
0x387: {  	v17 =	vld [tilespmem:s9+$0xFFFFFFD0];
	_ =	sdelay $0x1  }
0x388: {  	v18 =	vld [tilespmem:s9+$0x50];
	_ =	sdelay $0x1  }
0x389: {  	v19 =	vld [tilespmem:s9+$0xD0]  }
0x38a: {  	v16 =	vmul.f32 v16, v12;
	v17 =	vmul.f32 v17, v13;
	_ =	sdelay $0x1  }
0x38b: {  	v18 =	vmul.f32 v18, v14;
	v16 =	vadd.f32 v17, v16;
	_ =	sdelay $0x1  }
0x38c: {  	v17 =	vmul.f32 v19, v15;
	v16 =	vadd.f32 v18, v16;
	_ =	sdelay $0x1  }
0x38d: {  	v16 =	vadd.f32 v17, v16;
	_ =	sdelay $0x1  }
0x38e: {  	[tilespmem:s10+$0x10] =	vst v16  }
0x38f: {  	v18 =	vld [tilespmem:s9+$0xFFFFFF60]  }
0x390: {  	v19 =	vld [tilespmem:s9+$0xFFFFFFE0]  }
0x391: {  	v17 =	vld [tilespmem:s9+$0x60]  }
0x392: {  	s29 =	simm.s32 $0x55D0;
	s0 =	simm.s32 $0x1690;
	s12 =	simm.s32 $0x1;
	v16 =	vld [tilespmem:s9+$0xE0]  }
.LBB2_7:
0x393: {  	_ = 	snop  }
0x394: {  	p0 =	sne.s32 s12, $0xF;
	s10 =	sadd.s32 $0x80, s10;
	s9 =	sadd.s32 $0x200, s9  }
0x395: {  	s3 =	smov.u32 s12;
	s12 =	sadd.s32 $0x1, s12;
	v18 =	vmul.f32 v18, v12;
	v19 =	vmul.f32 v19, v13  }
0x396: {  	v17 =	vmul.f32 v17, v14  }
0x397: {  	v18 =	vadd.f32 v19, v18;
	v16 =	vmul.f32 v16, v15  }
0x398: {  	s3 =	sshll.u32 s3, $0x3  }
0x399: {  	v19 =	vmov s3;
	v17 =	vadd.f32 v17, v18  }
0x39a: {  	v20 =	vor.u32 $0x2, v19;
	v18 =	vor.u32 $0x1, v19  }
0x39b: {  	v16 =	vadd.f32 v16, v17;
	_ =	sdelay $0x1  }
0x39c: {  	[tilespmem:s29+$0x20] =	vst v16  }
0x39d: {  	v16 =	vld [tilespmem:s0+$0xFFFFFF70]  }
0x39e: {  	v17 =	vor.u32 $0x3, v19;
	v21 =	vld [tilespmem:s0+$0xFFFFFFF0]  }
0x39f: {  	v22 =	vld [tilespmem:s0+$0x70]  }
0x3a0: {  	v23 =	vld [tilespmem:s0+$0xF0];
	s0 =	smov.u32 s9;
	_ =	sdelay $0x1  }
0x3a1: {  	v12 =	vmul.f32 v16, v12  }
0x3a2: {  	v13 =	vmul.f32 v21, v13  }
0x3a3: {  	v14 =	vmul.f32 v22, v14  }
0x3a4: {  	v12 =	vadd.f32 v13, v12;
	v13 =	vmul.f32 v23, v15;
	_ =	sdelay $0x1  }
0x3a5: {  	v12 =	vadd.f32 v14, v12;
	_ =	sdelay $0x1  }
0x3a6: {  	v12 =	vadd.f32 v13, v12;
	_ =	sdelay $0x1  }
0x3a7: {  	[tilespmem:s29+$0x30] =	vst v12;
	s29 =	smov.u32 s10  }
0x3a8: {  	v16 =	vld [tilespmem:s9+$0xFFFFFF80]  }
0x3a9: {  	v12 =	vld.idx.msk [tilespmem:v19+s1+$0x0], $0xffff  }
0x3aa: {  	v19 =	vld [tilespmem:s9+$0xFFFFFF00]  }
0x3ab: {  	v13 =	vld.idx.msk [tilespmem:v18+s1+$0x0], $0xffff  }
0x3ac: {  	v14 =	vld.idx.msk [tilespmem:v20+s1+$0x0], $0xffff  }
0x3ad: {  	v18 =	vld [tilespmem:s9+$0x0]  }
0x3ae: {  	v15 =	vld.idx.msk [tilespmem:v17+s1+$0x0], $0xffff  }
0x3af: {  	v17 =	vld [tilespmem:s9+$0x80]  }
0x3b0: {  	v19 =	vmul.f32 v19, v12  }
0x3b1: {  	v16 =	vmul.f32 v16, v13  }
0x3b2: {  	v18 =	vmul.f32 v18, v14  }
0x3b3: {  	v16 =	vadd.f32 v16, v19  }
0x3b4: {  	v17 =	vmul.f32 v17, v15  }
0x3b5: {  	v16 =	vadd.f32 v18, v16;
	_ =	sdelay $0x1  }
0x3b6: {  	v16 =	vadd.f32 v17, v16;
	_ =	sdelay $0x1  }
0x3b7: {  	[tilespmem:s10+$0xFFFFFFC0] =	vst v16  }
0x3b8: {  	v16 =	vld [tilespmem:s9+$0xFFFFFF10]  }
0x3b9: {  	v17 =	vld [tilespmem:s9+$0xFFFFFF90];
	_ =	sdelay $0x1  }
0x3ba: {  	v18 =	vld [tilespmem:s9+$0x10];
	_ =	sdelay $0x1  }
0x3bb: {  	v16 =	vmul.f32 v16, v12;
	v19 =	vld [tilespmem:s9+$0x90]  }
0x3bc: {  	v17 =	vmul.f32 v17, v13;
	_ =	sdelay $0x1  }
0x3bd: {  	v16 =	vadd.f32 v17, v16;
	v17 =	vmul.f32 v18, v14;
	_ =	sdelay $0x1  }
0x3be: {  	v16 =	vadd.f32 v17, v16;
	v17 =	vmul.f32 v19, v15;
	_ =	sdelay $0x1  }
0x3bf: {  	v16 =	vadd.f32 v17, v16;
	_ =	sdelay $0x1  }
0x3c0: {  	[tilespmem:s10+$0xFFFFFFD0] =	vst v16  }
0x3c1: {  	v16 =	vld [tilespmem:s9+$0xFFFFFF20]  }
0x3c2: {  	v17 =	vld [tilespmem:s9+$0xFFFFFFA0]  }
0x3c3: {  	v18 =	vld [tilespmem:s9+$0x20];
	_ =	sdelay $0x2  }
0x3c4: {  	v16 =	vmul.f32 v16, v12;
	v19 =	vld [tilespmem:s9+$0xA0]  }
0x3c5: {  	v17 =	vmul.f32 v17, v13;
	_ =	sdelay $0x1  }
0x3c6: {  	v16 =	vadd.f32 v17, v16;
	v17 =	vmul.f32 v18, v14;
	_ =	sdelay $0x1  }
0x3c7: {  	v16 =	vadd.f32 v17, v16;
	v17 =	vmul.f32 v19, v15;
	_ =	sdelay $0x1  }
0x3c8: {  	v16 =	vadd.f32 v17, v16;
	_ =	sdelay $0x1  }
0x3c9: {  	[tilespmem:s10+$0xFFFFFFE0] =	vst v16  }
0x3ca: {  	v16 =	vld [tilespmem:s9+$0xFFFFFF30]  }
0x3cb: {  	v17 =	vld [tilespmem:s9+$0xFFFFFFB0]  }
0x3cc: {  	v18 =	vld [tilespmem:s9+$0x30];
	_ =	sdelay $0x2  }
0x3cd: {  	v16 =	vmul.f32 v16, v12;
	v19 =	vld [tilespmem:s9+$0xB0]  }
0x3ce: {  	v17 =	vmul.f32 v17, v13  }
0x3cf: {  	v18 =	vmul.f32 v18, v14  }
0x3d0: {  	v16 =	vadd.f32 v17, v16;
	_ =	sdelay $0x1  }
0x3d1: {  	v16 =	vadd.f32 v18, v16;
	v17 =	vmul.f32 v19, v15;
	_ =	sdelay $0x1  }
0x3d2: {  	v16 =	vadd.f32 v17, v16;
	_ =	sdelay $0x1  }
0x3d3: {  	[tilespmem:s10+$0xFFFFFFF0] =	vst v16  }
0x3d4: {  	v16 =	vld [tilespmem:s9+$0xFFFFFF40]  }
0x3d5: {  	v17 =	vld [tilespmem:s9+$0xFFFFFFC0];
	_ =	sdelay $0x1  }
0x3d6: {  	v18 =	vld [tilespmem:s9+$0x40];
	_ =	sdelay $0x1  }
0x3d7: {  	v16 =	vmul.f32 v16, v12;
	v19 =	vld [tilespmem:s9+$0xC0]  }
0x3d8: {  	v17 =	vmul.f32 v17, v13;
	_ =	sdelay $0x1  }
0x3d9: {  	v16 =	vadd.f32 v17, v16;
	v17 =	vmul.f32 v18, v14;
	_ =	sdelay $0x1  }
0x3da: {  	v16 =	vadd.f32 v17, v16;
	v17 =	vmul.f32 v19, v15;
	_ =	sdelay $0x1  }
0x3db: {  	v16 =	vadd.f32 v17, v16;
	_ =	sdelay $0x1  }
0x3dc: {  	[tilespmem:s10+$0x0] =	vst v16  }
0x3dd: {  	v16 =	vld [tilespmem:s9+$0xFFFFFF50]  }
0x3de: {  	v17 =	vld [tilespmem:s9+$0xFFFFFFD0]  }
0x3df: {  	v18 =	vld [tilespmem:s9+$0x50]  }
0x3e0: {  	v19 =	vld [tilespmem:s9+$0xD0];
	_ =	sdelay $0x1  }
0x3e1: {  	v16 =	vmul.f32 v16, v12  }
0x3e2: {  	v17 =	vmul.f32 v17, v13  }
0x3e3: {  	v18 =	vmul.f32 v18, v14  }
0x3e4: {  	v16 =	vadd.f32 v17, v16;
	v17 =	vmul.f32 v19, v15;
	_ =	sdelay $0x1  }
0x3e5: {  	v16 =	vadd.f32 v18, v16;
	_ =	sdelay $0x1  }
0x3e6: {  	v16 =	vadd.f32 v17, v16;
	_ =	sdelay $0x1  }
.Ltmp2:
0x3e7: {  	[tilespmem:s10+$0x10] =	vst v16;
	(pc) =	sbr.rel @p0 .LBB2_7-.Ltmp2, $4  }
0x3e8: {  	v18 =	vld [tilespmem:s9+$0xFFFFFF60]  }
0x3e9: {  	v19 =	vld [tilespmem:s9+$0xFFFFFFE0]  }
0x3ea: {  	v17 =	vld [tilespmem:s9+$0x60]  }
0x3eb: {  	v16 =	vld [tilespmem:s9+$0xE0]  }
0x3ec: {  	_ =	sdelay $0x1  }
0x3ed: {  	v18 =	vmul.f32 v18, v12;
	v19 =	vmul.f32 v19, v13;
	_ =	sdelay $0x1  }
0x3ee: {  	v17 =	vmul.f32 v17, v14;
	v18 =	vadd.f32 v19, v18;
	_ =	sdelay $0x1  }
0x3ef: {  	v16 =	vmul.f32 v16, v15;
	v17 =	vadd.f32 v17, v18;
	_ =	sdelay $0x1  }
0x3f0: {  	v16 =	vadd.f32 v16, v17;
	_ =	sdelay $0x1  }
0x3f1: {  	[tilespmem:s29+$0x20] =	vst v16  }
0x3f2: {  	v16 =	vld [tilespmem:s0+$0xFFFFFF70]  }
0x3f3: {  	v17 =	vld [tilespmem:s0+$0xFFFFFFF0];
	_ =	sdelay $0x1  }
0x3f4: {  	v18 =	vld [tilespmem:s0+$0x70];
	_ =	sdelay $0x1  }
0x3f5: {  	v19 =	vld [tilespmem:s0+$0xF0]  }
0x3f6: {  	v12 =	vmul.f32 v16, v12;
	v13 =	vmul.f32 v17, v13;
	_ =	sdelay $0x1  }
0x3f7: {  	v14 =	vmul.f32 v18, v14;
	v12 =	vadd.f32 v13, v12;
	_ =	sdelay $0x1  }
0x3f8: {  	v13 =	vmul.f32 v19, v15;
	v12 =	vadd.f32 v14, v12;
	_ =	sdelay $0x1  }
0x3f9: {  	v12 =	vadd.f32 v13, v12;
	_ =	sdelay $0x1  }
0x3fa: {  	s12 =	simm.s32 $0x10;
	s3 =	simm.s32 $0x80;
	s9 =	simm.s32 $0x20;
	[tilespmem:s29+$0x30] =	vst v12  }
0x3fb: {  	v12 =	vmov s3;
	[tilespmem:s2], [sflag:$0x5] =	stream.indirect.gather [hbm4b:s8+s12], $0x200, s9, s12, $0xb8;
	[tilespmem:$0x1D190] =	vst v63  }
0x3fc: {  	_ =	swait.ge [sflag:s14], $0x2000  }
0x3fd: {  	v13 =	vor.u32 $0x1, v12;
	[sflag:s14] =	ssyncset.done $0x0  }
0x3fe: {  	s9 =	simm.s32 $0x3690;
	[sflag:s14] =	ssyncadd.s32 $0xFFFFE000  }
0x3ff: {  	v14 =	vor.u32 $0x2, v12;
	v16 =	vld [tilespmem:s9+$0xFFFFFF80]  }
0x400: {  	v15 =	vor.u32 $0x3, v12;
	v12 =	vld.idx.msk [tilespmem:v12+s1+$0x0], $0xffff  }
0x401: {  	v17 =	vld [tilespmem:s9+$0xFFFFFF00]  }
0x402: {  	v13 =	vld.idx.msk [tilespmem:v13+s1+$0x0], $0xffff  }
0x403: {  	v18 =	vld [tilespmem:s9+$0x0]  }
0x404: {  	v14 =	vld.idx.msk [tilespmem:v14+s1+$0x0], $0xffff  }
0x405: {  	v19 =	vld [tilespmem:s9+$0x80]  }
0x406: {  	v15 =	vld.idx.msk [tilespmem:v15+s1+$0x0], $0xffff  }
0x407: {  	v17 =	vmul.f32 v17, v12;
	v16 =	vmul.f32 v16, v13;
	_ =	sdelay $0x1  }
0x408: {  	v18 =	vmul.f32 v18, v14;
	v16 =	vadd.f32 v16, v17;
	_ =	sdelay $0x1  }
0x409: {  	v17 =	vmul.f32 v19, v15;
	v16 =	vadd.f32 v18, v16;
	_ =	sdelay $0x1  }
0x40a: {  	v16 =	vadd.f32 v17, v16  }
0x40b: {  	s10 =	simm.s32 $0x5E00  }
0x40c: {  	[tilespmem:s10+$0xFFFFFF90] =	vst v16  }
0x40d: {  	v16 =	vld [tilespmem:s9+$0xFFFFFF10]  }
0x40e: {  	v17 =	vld [tilespmem:s9+$0xFFFFFF90];
	_ =	sdelay $0x1  }
0x40f: {  	v18 =	vld [tilespmem:s9+$0x10];
	_ =	sdelay $0x1  }
0x410: {  	v19 =	vld [tilespmem:s9+$0x90]  }
0x411: {  	v16 =	vmul.f32 v16, v12;
	v17 =	vmul.f32 v17, v13;
	_ =	sdelay $0x1  }
0x412: {  	v16 =	vadd.f32 v17, v16;
	v17 =	vmul.f32 v18, v14;
	_ =	sdelay $0x1  }
0x413: {  	v16 =	vadd.f32 v17, v16;
	v17 =	vmul.f32 v19, v15;
	_ =	sdelay $0x1  }
0x414: {  	v16 =	vadd.f32 v17, v16;
	_ =	sdelay $0x1  }
0x415: {  	[tilespmem:s10+$0xFFFFFFA0] =	vst v16  }
0x416: {  	v16 =	vld [tilespmem:s9+$0xFFFFFF20]  }
0x417: {  	v17 =	vld [tilespmem:s9+$0xFFFFFFA0];
	_ =	sdelay $0x1  }
0x418: {  	v18 =	vld [tilespmem:s9+$0x20];
	_ =	sdelay $0x1  }
0x419: {  	v19 =	vld [tilespmem:s9+$0xA0]  }
0x41a: {  	v16 =	vmul.f32 v16, v12;
	v17 =	vmul.f32 v17, v13;
	_ =	sdelay $0x1  }
0x41b: {  	v16 =	vadd.f32 v17, v16;
	v17 =	vmul.f32 v18, v14;
	_ =	sdelay $0x1  }
0x41c: {  	v16 =	vadd.f32 v17, v16;
	v17 =	vmul.f32 v19, v15;
	_ =	sdelay $0x1  }
0x41d: {  	v16 =	vadd.f32 v17, v16;
	_ =	sdelay $0x1  }
0x41e: {  	[tilespmem:s10+$0xFFFFFFB0] =	vst v16  }
0x41f: {  	v16 =	vld [tilespmem:s9+$0xFFFFFF30]  }
0x420: {  	v17 =	vld [tilespmem:s9+$0xFFFFFFB0];
	_ =	sdelay $0x1  }
0x421: {  	v18 =	vld [tilespmem:s9+$0x30];
	_ =	sdelay $0x1  }
0x422: {  	v19 =	vld [tilespmem:s9+$0xB0]  }
0x423: {  	v16 =	vmul.f32 v16, v12;
	v17 =	vmul.f32 v17, v13;
	_ =	sdelay $0x1  }
0x424: {  	v18 =	vmul.f32 v18, v14;
	v16 =	vadd.f32 v17, v16;
	_ =	sdelay $0x1  }
0x425: {  	v17 =	vmul.f32 v19, v15;
	v16 =	vadd.f32 v18, v16;
	_ =	sdelay $0x1  }
0x426: {  	v16 =	vadd.f32 v17, v16;
	_ =	sdelay $0x1  }
0x427: {  	[tilespmem:s10+$0xFFFFFFC0] =	vst v16  }
0x428: {  	v16 =	vld [tilespmem:s9+$0xFFFFFF40]  }
0x429: {  	v17 =	vld [tilespmem:s9+$0xFFFFFFC0];
	_ =	sdelay $0x1  }
0x42a: {  	v18 =	vld [tilespmem:s9+$0x40];
	_ =	sdelay $0x1  }
0x42b: {  	v19 =	vld [tilespmem:s9+$0xC0]  }
0x42c: {  	v16 =	vmul.f32 v16, v12;
	v17 =	vmul.f32 v17, v13;
	_ =	sdelay $0x1  }
0x42d: {  	v16 =	vadd.f32 v17, v16;
	v17 =	vmul.f32 v18, v14;
	_ =	sdelay $0x1  }
0x42e: {  	v16 =	vadd.f32 v17, v16;
	v17 =	vmul.f32 v19, v15;
	_ =	sdelay $0x1  }
0x42f: {  	v16 =	vadd.f32 v17, v16;
	_ =	sdelay $0x1  }
0x430: {  	[tilespmem:s10+$0xFFFFFFD0] =	vst v16  }
0x431: {  	v16 =	vld [tilespmem:s9+$0xFFFFFF50]  }
0x432: {  	v17 =	vld [tilespmem:s9+$0xFFFFFFD0];
	_ =	sdelay $0x1  }
0x433: {  	v18 =	vld [tilespmem:s9+$0x50];
	_ =	sdelay $0x1  }
0x434: {  	v19 =	vld [tilespmem:s9+$0xD0]  }
0x435: {  	v16 =	vmul.f32 v16, v12;
	v17 =	vmul.f32 v17, v13;
	_ =	sdelay $0x1  }
0x436: {  	v18 =	vmul.f32 v18, v14;
	v16 =	vadd.f32 v17, v16;
	_ =	sdelay $0x1  }
0x437: {  	v17 =	vmul.f32 v19, v15;
	v16 =	vadd.f32 v18, v16;
	_ =	sdelay $0x1  }
0x438: {  	v16 =	vadd.f32 v17, v16;
	_ =	sdelay $0x1  }
0x439: {  	[tilespmem:s10+$0xFFFFFFE0] =	vst v16  }
0x43a: {  	v18 =	vld [tilespmem:s9+$0xFFFFFF60]  }
0x43b: {  	v19 =	vld [tilespmem:s9+$0xFFFFFFE0]  }
0x43c: {  	v17 =	vld [tilespmem:s9+$0x60]  }
0x43d: {  	s0 =	simm.s32 $0x3690;
	s29 =	simm.s32 $0x5E00;
	s12 =	simm.s32 $0x11;
	v16 =	vld [tilespmem:s9+$0xE0]  }
.LBB2_9:
0x43e: {  	_ = 	snop  }
0x43f: {  	p0 =	sne.s32 s12, $0x1F;
	s9 =	sadd.s32 $0x200, s9;
	s10 =	sadd.s32 $0x80, s10  }
0x440: {  	s3 =	smov.u32 s12;
	s12 =	sadd.s32 $0x1, s12;
	v18 =	vmul.f32 v18, v12;
	v19 =	vmul.f32 v19, v13  }
0x441: {  	v17 =	vmul.f32 v17, v14  }
0x442: {  	v18 =	vadd.f32 v19, v18;
	v16 =	vmul.f32 v16, v15  }
0x443: {  	s3 =	sshll.u32 s3, $0x3  }
0x444: {  	v19 =	vmov s3;
	v17 =	vadd.f32 v17, v18  }
0x445: {  	v20 =	vor.u32 $0x2, v19;
	v18 =	vor.u32 $0x1, v19  }
0x446: {  	v16 =	vadd.f32 v16, v17;
	_ =	sdelay $0x1  }
0x447: {  	[tilespmem:s29+$0xFFFFFFF0] =	vst v16  }
0x448: {  	v16 =	vld [tilespmem:s0+$0xFFFFFF70]  }
0x449: {  	v17 =	vor.u32 $0x3, v19;
	v21 =	vld [tilespmem:s0+$0xFFFFFFF0]  }
0x44a: {  	v22 =	vld [tilespmem:s0+$0x70]  }
0x44b: {  	v23 =	vld [tilespmem:s0+$0xF0];
	s0 =	smov.u32 s9;
	_ =	sdelay $0x1  }
0x44c: {  	v12 =	vmul.f32 v16, v12  }
0x44d: {  	v13 =	vmul.f32 v21, v13  }
0x44e: {  	v14 =	vmul.f32 v22, v14  }
0x44f: {  	v12 =	vadd.f32 v13, v12;
	v13 =	vmul.f32 v23, v15;
	_ =	sdelay $0x1  }
0x450: {  	v12 =	vadd.f32 v14, v12;
	_ =	sdelay $0x1  }
0x451: {  	v12 =	vadd.f32 v13, v12;
	_ =	sdelay $0x1  }
0x452: {  	[tilespmem:s29+$0x0] =	vst v12;
	s29 =	smov.u32 s10  }
0x453: {  	v16 =	vld [tilespmem:s9+$0xFFFFFF80]  }
0x454: {  	v12 =	vld.idx.msk [tilespmem:v19+s1+$0x0], $0xffff  }
0x455: {  	v19 =	vld [tilespmem:s9+$0xFFFFFF00]  }
0x456: {  	v13 =	vld.idx.msk [tilespmem:v18+s1+$0x0], $0xffff  }
0x457: {  	v14 =	vld.idx.msk [tilespmem:v20+s1+$0x0], $0xffff  }
0x458: {  	v18 =	vld [tilespmem:s9+$0x0]  }
0x459: {  	v15 =	vld.idx.msk [tilespmem:v17+s1+$0x0], $0xffff  }
0x45a: {  	v17 =	vld [tilespmem:s9+$0x80]  }
0x45b: {  	v19 =	vmul.f32 v19, v12  }
0x45c: {  	v16 =	vmul.f32 v16, v13  }
0x45d: {  	v18 =	vmul.f32 v18, v14  }
0x45e: {  	v16 =	vadd.f32 v16, v19  }
0x45f: {  	v17 =	vmul.f32 v17, v15  }
0x460: {  	v16 =	vadd.f32 v18, v16;
	_ =	sdelay $0x1  }
0x461: {  	v16 =	vadd.f32 v17, v16;
	_ =	sdelay $0x1  }
0x462: {  	[tilespmem:s10+$0xFFFFFF90] =	vst v16  }
0x463: {  	v16 =	vld [tilespmem:s9+$0xFFFFFF10]  }
0x464: {  	v17 =	vld [tilespmem:s9+$0xFFFFFF90];
	_ =	sdelay $0x1  }
0x465: {  	v18 =	vld [tilespmem:s9+$0x10];
	_ =	sdelay $0x1  }
0x466: {  	v16 =	vmul.f32 v16, v12;
	v19 =	vld [tilespmem:s9+$0x90]  }
0x467: {  	v17 =	vmul.f32 v17, v13;
	_ =	sdelay $0x1  }
0x468: {  	v16 =	vadd.f32 v17, v16;
	v17 =	vmul.f32 v18, v14;
	_ =	sdelay $0x1  }
0x469: {  	v16 =	vadd.f32 v17, v16;
	v17 =	vmul.f32 v19, v15;
	_ =	sdelay $0x1  }
0x46a: {  	v16 =	vadd.f32 v17, v16;
	_ =	sdelay $0x1  }
0x46b: {  	[tilespmem:s10+$0xFFFFFFA0] =	vst v16  }
0x46c: {  	v16 =	vld [tilespmem:s9+$0xFFFFFF20]  }
0x46d: {  	v17 =	vld [tilespmem:s9+$0xFFFFFFA0]  }
0x46e: {  	v18 =	vld [tilespmem:s9+$0x20];
	_ =	sdelay $0x2  }
0x46f: {  	v16 =	vmul.f32 v16, v12;
	v19 =	vld [tilespmem:s9+$0xA0]  }
0x470: {  	v17 =	vmul.f32 v17, v13;
	_ =	sdelay $0x1  }
0x471: {  	v16 =	vadd.f32 v17, v16;
	v17 =	vmul.f32 v18, v14;
	_ =	sdelay $0x1  }
0x472: {  	v16 =	vadd.f32 v17, v16;
	v17 =	vmul.f32 v19, v15;
	_ =	sdelay $0x1  }
0x473: {  	v16 =	vadd.f32 v17, v16;
	_ =	sdelay $0x1  }
0x474: {  	[tilespmem:s10+$0xFFFFFFB0] =	vst v16  }
0x475: {  	v16 =	vld [tilespmem:s9+$0xFFFFFF30]  }
0x476: {  	v17 =	vld [tilespmem:s9+$0xFFFFFFB0]  }
0x477: {  	v18 =	vld [tilespmem:s9+$0x30];
	_ =	sdelay $0x2  }
0x478: {  	v16 =	vmul.f32 v16, v12;
	v19 =	vld [tilespmem:s9+$0xB0]  }
0x479: {  	v17 =	vmul.f32 v17, v13  }
0x47a: {  	v18 =	vmul.f32 v18, v14  }
0x47b: {  	v16 =	vadd.f32 v17, v16;
	_ =	sdelay $0x1  }
0x47c: {  	v16 =	vadd.f32 v18, v16;
	v17 =	vmul.f32 v19, v15;
	_ =	sdelay $0x1  }
0x47d: {  	v16 =	vadd.f32 v17, v16;
	_ =	sdelay $0x1  }
0x47e: {  	[tilespmem:s10+$0xFFFFFFC0] =	vst v16  }
0x47f: {  	v16 =	vld [tilespmem:s9+$0xFFFFFF40]  }
0x480: {  	v17 =	vld [tilespmem:s9+$0xFFFFFFC0];
	_ =	sdelay $0x1  }
0x481: {  	v18 =	vld [tilespmem:s9+$0x40];
	_ =	sdelay $0x1  }
0x482: {  	v16 =	vmul.f32 v16, v12;
	v19 =	vld [tilespmem:s9+$0xC0]  }
0x483: {  	v17 =	vmul.f32 v17, v13;
	_ =	sdelay $0x1  }
0x484: {  	v16 =	vadd.f32 v17, v16;
	v17 =	vmul.f32 v18, v14;
	_ =	sdelay $0x1  }
0x485: {  	v16 =	vadd.f32 v17, v16;
	v17 =	vmul.f32 v19, v15;
	_ =	sdelay $0x1  }
0x486: {  	v16 =	vadd.f32 v17, v16;
	_ =	sdelay $0x1  }
0x487: {  	[tilespmem:s10+$0xFFFFFFD0] =	vst v16  }
0x488: {  	v16 =	vld [tilespmem:s9+$0xFFFFFF50]  }
0x489: {  	v17 =	vld [tilespmem:s9+$0xFFFFFFD0]  }
0x48a: {  	v18 =	vld [tilespmem:s9+$0x50]  }
0x48b: {  	v19 =	vld [tilespmem:s9+$0xD0];
	_ =	sdelay $0x1  }
0x48c: {  	v16 =	vmul.f32 v16, v12  }
0x48d: {  	v17 =	vmul.f32 v17, v13  }
0x48e: {  	v18 =	vmul.f32 v18, v14  }
0x48f: {  	v16 =	vadd.f32 v17, v16;
	v17 =	vmul.f32 v19, v15;
	_ =	sdelay $0x1  }
0x490: {  	v16 =	vadd.f32 v18, v16;
	_ =	sdelay $0x1  }
0x491: {  	v16 =	vadd.f32 v17, v16;
	_ =	sdelay $0x1  }
.Ltmp3:
0x492: {  	[tilespmem:s10+$0xFFFFFFE0] =	vst v16;
	(pc) =	sbr.rel @p0 .LBB2_9-.Ltmp3, $4  }
0x493: {  	v18 =	vld [tilespmem:s9+$0xFFFFFF60]  }
0x494: {  	v19 =	vld [tilespmem:s9+$0xFFFFFFE0]  }
0x495: {  	v17 =	vld [tilespmem:s9+$0x60]  }
0x496: {  	v16 =	vld [tilespmem:s9+$0xE0]  }
0x497: {  	_ =	sdelay $0x1  }
0x498: {  	v18 =	vmul.f32 v18, v12;
	v19 =	vmul.f32 v19, v13;
	_ =	sdelay $0x1  }
0x499: {  	v17 =	vmul.f32 v17, v14;
	v18 =	vadd.f32 v19, v18;
	_ =	sdelay $0x1  }
0x49a: {  	v16 =	vmul.f32 v16, v15;
	v17 =	vadd.f32 v17, v18;
	_ =	sdelay $0x1  }
0x49b: {  	v16 =	vadd.f32 v16, v17;
	_ =	sdelay $0x1  }
0x49c: {  	[tilespmem:s29+$0xFFFFFFF0] =	vst v16  }
0x49d: {  	v16 =	vld [tilespmem:s0+$0xFFFFFF70]  }
0x49e: {  	v17 =	vld [tilespmem:s0+$0xFFFFFFF0];
	_ =	sdelay $0x1  }
0x49f: {  	v18 =	vld [tilespmem:s0+$0x70];
	_ =	sdelay $0x1  }
0x4a0: {  	v19 =	vld [tilespmem:s0+$0xF0]  }
0x4a1: {  	v12 =	vmul.f32 v16, v12;
	v13 =	vmul.f32 v17, v13;
	_ =	sdelay $0x1  }
0x4a2: {  	v14 =	vmul.f32 v18, v14;
	v12 =	vadd.f32 v13, v12;
	_ =	sdelay $0x1  }
0x4a3: {  	v13 =	vmul.f32 v19, v15;
	v12 =	vadd.f32 v14, v12;
	_ =	sdelay $0x1  }
0x4a4: {  	v12 =	vadd.f32 v13, v12;
	_ =	sdelay $0x1  }
0x4a5: {  	s12 =	simm.s32 $0x100;
	s3 =	simm.s32 $0x3590;
	s9 =	simm.s32 $0x30;
	[tilespmem:s29+$0x0] =	vst v12  }
0x4a6: {  	v12 =	vmov s12;
	[tilespmem:s3], [sflag:$0x6] =	stream.indirect.gather [hbm4b:s8+s31], $0x200, s9, s31, $0xb8;
	[tilespmem:$0x1D190] =	vst v63  }
0x4a7: {  	_ =	swait.ge [sflag:s11], $0x2000  }
0x4a8: {  	v13 =	vor.u32 $0x1, v12;
	[sflag:s11] =	ssyncset.done $0x0  }
0x4a9: {  	s9 =	simm.s32 $0x1690;
	[sflag:s11] =	ssyncadd.s32 $0xFFFFE000  }
0x4aa: {  	v14 =	vor.u32 $0x2, v12;
	v16 =	vld [tilespmem:s9+$0xFFFFFF80]  }
0x4ab: {  	v15 =	vor.u32 $0x3, v12;
	v12 =	vld.idx.msk [tilespmem:v12+s1+$0x0], $0xffff  }
0x4ac: {  	v17 =	vld [tilespmem:s9+$0xFFFFFF00]  }
0x4ad: {  	v13 =	vld.idx.msk [tilespmem:v13+s1+$0x0], $0xffff  }
0x4ae: {  	v18 =	vld [tilespmem:s9+$0x0]  }
0x4af: {  	v14 =	vld.idx.msk [tilespmem:v14+s1+$0x0], $0xffff  }
0x4b0: {  	v19 =	vld [tilespmem:s9+$0x80]  }
0x4b1: {  	v15 =	vld.idx.msk [tilespmem:v15+s1+$0x0], $0xffff  }
0x4b2: {  	v17 =	vmul.f32 v17, v12;
	v16 =	vmul.f32 v16, v13;
	_ =	sdelay $0x1  }
0x4b3: {  	v18 =	vmul.f32 v18, v14;
	v16 =	vadd.f32 v16, v17;
	_ =	sdelay $0x1  }
0x4b4: {  	v17 =	vmul.f32 v19, v15;
	v16 =	vadd.f32 v18, v16;
	_ =	sdelay $0x1  }
0x4b5: {  	v16 =	vadd.f32 v17, v16  }
0x4b6: {  	s10 =	simm.s32 $0x6600  }
0x4b7: {  	[tilespmem:s10+$0xFFFFFF90] =	vst v16  }
0x4b8: {  	v16 =	vld [tilespmem:s9+$0xFFFFFF10]  }
0x4b9: {  	v17 =	vld [tilespmem:s9+$0xFFFFFF90];
	_ =	sdelay $0x1  }
0x4ba: {  	v18 =	vld [tilespmem:s9+$0x10];
	_ =	sdelay $0x1  }
0x4bb: {  	v19 =	vld [tilespmem:s9+$0x90]  }
0x4bc: {  	v16 =	vmul.f32 v16, v12;
	v17 =	vmul.f32 v17, v13;
	_ =	sdelay $0x1  }
0x4bd: {  	v16 =	vadd.f32 v17, v16;
	v17 =	vmul.f32 v18, v14;
	_ =	sdelay $0x1  }
0x4be: {  	v16 =	vadd.f32 v17, v16;
	v17 =	vmul.f32 v19, v15;
	_ =	sdelay $0x1  }
0x4bf: {  	v16 =	vadd.f32 v17, v16;
	_ =	sdelay $0x1  }
0x4c0: {  	[tilespmem:s10+$0xFFFFFFA0] =	vst v16  }
0x4c1: {  	v16 =	vld [tilespmem:s9+$0xFFFFFF20]  }
0x4c2: {  	v17 =	vld [tilespmem:s9+$0xFFFFFFA0];
	_ =	sdelay $0x1  }
0x4c3: {  	v18 =	vld [tilespmem:s9+$0x20];
	_ =	sdelay $0x1  }
0x4c4: {  	v19 =	vld [tilespmem:s9+$0xA0]  }
0x4c5: {  	v16 =	vmul.f32 v16, v12;
	v17 =	vmul.f32 v17, v13;
	_ =	sdelay $0x1  }
0x4c6: {  	v16 =	vadd.f32 v17, v16;
	v17 =	vmul.f32 v18, v14;
	_ =	sdelay $0x1  }
0x4c7: {  	v16 =	vadd.f32 v17, v16;
	v17 =	vmul.f32 v19, v15;
	_ =	sdelay $0x1  }
0x4c8: {  	v16 =	vadd.f32 v17, v16;
	_ =	sdelay $0x1  }
0x4c9: {  	[tilespmem:s10+$0xFFFFFFB0] =	vst v16  }
0x4ca: {  	v16 =	vld [tilespmem:s9+$0xFFFFFF30]  }
0x4cb: {  	v17 =	vld [tilespmem:s9+$0xFFFFFFB0];
	_ =	sdelay $0x1  }
0x4cc: {  	v18 =	vld [tilespmem:s9+$0x30];
	_ =	sdelay $0x1  }
0x4cd: {  	v19 =	vld [tilespmem:s9+$0xB0]  }
0x4ce: {  	v16 =	vmul.f32 v16, v12;
	v17 =	vmul.f32 v17, v13;
	_ =	sdelay $0x1  }
0x4cf: {  	v18 =	vmul.f32 v18, v14;
	v16 =	vadd.f32 v17, v16;
	_ =	sdelay $0x1  }
0x4d0: {  	v17 =	vmul.f32 v19, v15;
	v16 =	vadd.f32 v18, v16;
	_ =	sdelay $0x1  }
0x4d1: {  	v16 =	vadd.f32 v17, v16;
	_ =	sdelay $0x1  }
0x4d2: {  	[tilespmem:s10+$0xFFFFFFC0] =	vst v16  }
0x4d3: {  	v16 =	vld [tilespmem:s9+$0xFFFFFF40]  }
0x4d4: {  	v17 =	vld [tilespmem:s9+$0xFFFFFFC0];
	_ =	sdelay $0x1  }
0x4d5: {  	v18 =	vld [tilespmem:s9+$0x40];
	_ =	sdelay $0x1  }
0x4d6: {  	v19 =	vld [tilespmem:s9+$0xC0]  }
0x4d7: {  	v16 =	vmul.f32 v16, v12;
	v17 =	vmul.f32 v17, v13;
	_ =	sdelay $0x1  }
0x4d8: {  	v16 =	vadd.f32 v17, v16;
	v17 =	vmul.f32 v18, v14;
	_ =	sdelay $0x1  }
0x4d9: {  	v16 =	vadd.f32 v17, v16;
	v17 =	vmul.f32 v19, v15;
	_ =	sdelay $0x1  }
0x4da: {  	v16 =	vadd.f32 v17, v16;
	_ =	sdelay $0x1  }
0x4db: {  	[tilespmem:s10+$0xFFFFFFD0] =	vst v16  }
0x4dc: {  	v16 =	vld [tilespmem:s9+$0xFFFFFF50]  }
0x4dd: {  	v17 =	vld [tilespmem:s9+$0xFFFFFFD0];
	_ =	sdelay $0x1  }
0x4de: {  	v18 =	vld [tilespmem:s9+$0x50];
	_ =	sdelay $0x1  }
0x4df: {  	v19 =	vld [tilespmem:s9+$0xD0]  }
0x4e0: {  	v16 =	vmul.f32 v16, v12;
	v17 =	vmul.f32 v17, v13;
	_ =	sdelay $0x1  }
0x4e1: {  	v18 =	vmul.f32 v18, v14;
	v16 =	vadd.f32 v17, v16;
	_ =	sdelay $0x1  }
0x4e2: {  	v17 =	vmul.f32 v19, v15;
	v16 =	vadd.f32 v18, v16;
	_ =	sdelay $0x1  }
0x4e3: {  	v16 =	vadd.f32 v17, v16;
	_ =	sdelay $0x1  }
0x4e4: {  	[tilespmem:s10+$0xFFFFFFE0] =	vst v16  }
0x4e5: {  	v18 =	vld [tilespmem:s9+$0xFFFFFF60]  }
0x4e6: {  	v19 =	vld [tilespmem:s9+$0xFFFFFFE0]  }
0x4e7: {  	v17 =	vld [tilespmem:s9+$0x60]  }
0x4e8: {  	s0 =	simm.s32 $0x1690;
	s12 =	simm.s32 $0x21;
	s29 =	simm.s32 $0x6600;
	v16 =	vld [tilespmem:s9+$0xE0]  }
.LBB2_11:
0x4e9: {  	_ = 	snop  }
0x4ea: {  	p0 =	sne.s32 s12, $0x2F;
	s9 =	sadd.s32 $0x200, s9;
	s10 =	sadd.s32 $0x80, s10  }
0x4eb: {  	s3 =	smov.u32 s12;
	s12 =	sadd.s32 $0x1, s12;
	v18 =	vmul.f32 v18, v12;
	v19 =	vmul.f32 v19, v13  }
0x4ec: {  	v17 =	vmul.f32 v17, v14  }
0x4ed: {  	v18 =	vadd.f32 v19, v18;
	v16 =	vmul.f32 v16, v15  }
0x4ee: {  	s3 =	sshll.u32 s3, $0x3  }
0x4ef: {  	v19 =	vmov s3;
	v17 =	vadd.f32 v17, v18  }
0x4f0: {  	v20 =	vor.u32 $0x2, v19;
	v18 =	vor.u32 $0x1, v19  }
0x4f1: {  	v16 =	vadd.f32 v16, v17;
	_ =	sdelay $0x1  }
0x4f2: {  	[tilespmem:s29+$0xFFFFFFF0] =	vst v16  }
0x4f3: {  	v16 =	vld [tilespmem:s0+$0xFFFFFF70]  }
0x4f4: {  	v17 =	vor.u32 $0x3, v19;
	v21 =	vld [tilespmem:s0+$0xFFFFFFF0]  }
0x4f5: {  	v22 =	vld [tilespmem:s0+$0x70]  }
0x4f6: {  	v23 =	vld [tilespmem:s0+$0xF0];
	s0 =	smov.u32 s9;
	_ =	sdelay $0x1  }
0x4f7: {  	v12 =	vmul.f32 v16, v12  }
0x4f8: {  	v13 =	vmul.f32 v21, v13  }
0x4f9: {  	v14 =	vmul.f32 v22, v14  }
0x4fa: {  	v12 =	vadd.f32 v13, v12;
	v13 =	vmul.f32 v23, v15;
	_ =	sdelay $0x1  }
0x4fb: {  	v12 =	vadd.f32 v14, v12;
	_ =	sdelay $0x1  }
0x4fc: {  	v12 =	vadd.f32 v13, v12;
	_ =	sdelay $0x1  }
0x4fd: {  	[tilespmem:s29+$0x0] =	vst v12;
	s29 =	smov.u32 s10  }
0x4fe: {  	v16 =	vld [tilespmem:s9+$0xFFFFFF80]  }
0x4ff: {  	v12 =	vld.idx.msk [tilespmem:v19+s1+$0x0], $0xffff  }
0x500: {  	v19 =	vld [tilespmem:s9+$0xFFFFFF00]  }
0x501: {  	v13 =	vld.idx.msk [tilespmem:v18+s1+$0x0], $0xffff  }
0x502: {  	v14 =	vld.idx.msk [tilespmem:v20+s1+$0x0], $0xffff  }
0x503: {  	v18 =	vld [tilespmem:s9+$0x0]  }
0x504: {  	v15 =	vld.idx.msk [tilespmem:v17+s1+$0x0], $0xffff  }
0x505: {  	v17 =	vld [tilespmem:s9+$0x80]  }
0x506: {  	v19 =	vmul.f32 v19, v12  }
0x507: {  	v16 =	vmul.f32 v16, v13  }
0x508: {  	v18 =	vmul.f32 v18, v14  }
0x509: {  	v16 =	vadd.f32 v16, v19  }
0x50a: {  	v17 =	vmul.f32 v17, v15  }
0x50b: {  	v16 =	vadd.f32 v18, v16;
	_ =	sdelay $0x1  }
0x50c: {  	v16 =	vadd.f32 v17, v16;
	_ =	sdelay $0x1  }
0x50d: {  	[tilespmem:s10+$0xFFFFFF90] =	vst v16  }
0x50e: {  	v16 =	vld [tilespmem:s9+$0xFFFFFF10]  }
0x50f: {  	v17 =	vld [tilespmem:s9+$0xFFFFFF90];
	_ =	sdelay $0x1  }
0x510: {  	v18 =	vld [tilespmem:s9+$0x10];
	_ =	sdelay $0x1  }
0x511: {  	v16 =	vmul.f32 v16, v12;
	v19 =	vld [tilespmem:s9+$0x90]  }
0x512: {  	v17 =	vmul.f32 v17, v13;
	_ =	sdelay $0x1  }
0x513: {  	v16 =	vadd.f32 v17, v16;
	v17 =	vmul.f32 v18, v14;
	_ =	sdelay $0x1  }
0x514: {  	v16 =	vadd.f32 v17, v16;
	v17 =	vmul.f32 v19, v15;
	_ =	sdelay $0x1  }
0x515: {  	v16 =	vadd.f32 v17, v16;
	_ =	sdelay $0x1  }
0x516: {  	[tilespmem:s10+$0xFFFFFFA0] =	vst v16  }
0x517: {  	v16 =	vld [tilespmem:s9+$0xFFFFFF20]  }
0x518: {  	v17 =	vld [tilespmem:s9+$0xFFFFFFA0]  }
0x519: {  	v18 =	vld [tilespmem:s9+$0x20];
	_ =	sdelay $0x2  }
0x51a: {  	v16 =	vmul.f32 v16, v12;
	v19 =	vld [tilespmem:s9+$0xA0]  }
0x51b: {  	v17 =	vmul.f32 v17, v13;
	_ =	sdelay $0x1  }
0x51c: {  	v16 =	vadd.f32 v17, v16;
	v17 =	vmul.f32 v18, v14;
	_ =	sdelay $0x1  }
0x51d: {  	v16 =	vadd.f32 v17, v16;
	v17 =	vmul.f32 v19, v15;
	_ =	sdelay $0x1  }
0x51e: {  	v16 =	vadd.f32 v17, v16;
	_ =	sdelay $0x1  }
0x51f: {  	[tilespmem:s10+$0xFFFFFFB0] =	vst v16  }
0x520: {  	v16 =	vld [tilespmem:s9+$0xFFFFFF30]  }
0x521: {  	v17 =	vld [tilespmem:s9+$0xFFFFFFB0]  }
0x522: {  	v18 =	vld [tilespmem:s9+$0x30];
	_ =	sdelay $0x2  }
0x523: {  	v16 =	vmul.f32 v16, v12;
	v19 =	vld [tilespmem:s9+$0xB0]  }
0x524: {  	v17 =	vmul.f32 v17, v13  }
0x525: {  	v18 =	vmul.f32 v18, v14  }
0x526: {  	v16 =	vadd.f32 v17, v16;
	_ =	sdelay $0x1  }
0x527: {  	v16 =	vadd.f32 v18, v16;
	v17 =	vmul.f32 v19, v15;
	_ =	sdelay $0x1  }
0x528: {  	v16 =	vadd.f32 v17, v16;
	_ =	sdelay $0x1  }
0x529: {  	[tilespmem:s10+$0xFFFFFFC0] =	vst v16  }
0x52a: {  	v16 =	vld [tilespmem:s9+$0xFFFFFF40]  }
0x52b: {  	v17 =	vld [tilespmem:s9+$0xFFFFFFC0];
	_ =	sdelay $0x1  }
0x52c: {  	v18 =	vld [tilespmem:s9+$0x40];
	_ =	sdelay $0x1  }
0x52d: {  	v16 =	vmul.f32 v16, v12;
	v19 =	vld [tilespmem:s9+$0xC0]  }
0x52e: {  	v17 =	vmul.f32 v17, v13;
	_ =	sdelay $0x1  }
0x52f: {  	v16 =	vadd.f32 v17, v16;
	v17 =	vmul.f32 v18, v14;
	_ =	sdelay $0x1  }
0x530: {  	v16 =	vadd.f32 v17, v16;
	v17 =	vmul.f32 v19, v15;
	_ =	sdelay $0x1  }
0x531: {  	v16 =	vadd.f32 v17, v16;
	_ =	sdelay $0x1  }
0x532: {  	[tilespmem:s10+$0xFFFFFFD0] =	vst v16  }
0x533: {  	v16 =	vld [tilespmem:s9+$0xFFFFFF50]  }
0x534: {  	v17 =	vld [tilespmem:s9+$0xFFFFFFD0]  }
0x535: {  	v18 =	vld [tilespmem:s9+$0x50]  }
0x536: {  	v19 =	vld [tilespmem:s9+$0xD0];
	_ =	sdelay $0x1  }
0x537: {  	v16 =	vmul.f32 v16, v12  }
0x538: {  	v17 =	vmul.f32 v17, v13  }
0x539: {  	v18 =	vmul.f32 v18, v14  }
0x53a: {  	v16 =	vadd.f32 v17, v16;
	v17 =	vmul.f32 v19, v15;
	_ =	sdelay $0x1  }
0x53b: {  	v16 =	vadd.f32 v18, v16;
	_ =	sdelay $0x1  }
0x53c: {  	v16 =	vadd.f32 v17, v16;
	_ =	sdelay $0x1  }
.Ltmp4:
0x53d: {  	[tilespmem:s10+$0xFFFFFFE0] =	vst v16;
	(pc) =	sbr.rel @p0 .LBB2_11-.Ltmp4, $4  }
0x53e: {  	v18 =	vld [tilespmem:s9+$0xFFFFFF60]  }
0x53f: {  	v19 =	vld [tilespmem:s9+$0xFFFFFFE0]  }
0x540: {  	v17 =	vld [tilespmem:s9+$0x60]  }
0x541: {  	v16 =	vld [tilespmem:s9+$0xE0]  }
0x542: {  	_ =	sdelay $0x1  }
0x543: {  	v18 =	vmul.f32 v18, v12;
	v19 =	vmul.f32 v19, v13;
	_ =	sdelay $0x1  }
0x544: {  	v17 =	vmul.f32 v17, v14;
	v18 =	vadd.f32 v19, v18;
	_ =	sdelay $0x1  }
0x545: {  	v16 =	vmul.f32 v16, v15;
	v17 =	vadd.f32 v17, v18;
	_ =	sdelay $0x1  }
0x546: {  	v16 =	vadd.f32 v16, v17;
	_ =	sdelay $0x1  }
0x547: {  	[tilespmem:s29+$0xFFFFFFF0] =	vst v16  }
0x548: {  	v16 =	vld [tilespmem:s0+$0xFFFFFF70]  }
0x549: {  	v17 =	vld [tilespmem:s0+$0xFFFFFFF0];
	_ =	sdelay $0x1  }
0x54a: {  	v18 =	vld [tilespmem:s0+$0x70];
	_ =	sdelay $0x1  }
0x54b: {  	v19 =	vld [tilespmem:s0+$0xF0]  }
0x54c: {  	v12 =	vmul.f32 v16, v12;
	v13 =	vmul.f32 v17, v13;
	_ =	sdelay $0x1  }
0x54d: {  	v14 =	vmul.f32 v18, v14;
	v12 =	vadd.f32 v13, v12;
	_ =	sdelay $0x1  }
0x54e: {  	v13 =	vmul.f32 v19, v15;
	v12 =	vadd.f32 v14, v12;
	_ =	sdelay $0x1  }
0x54f: {  	v12 =	vadd.f32 v13, v12;
	_ =	sdelay $0x1  }
0x550: {  	s12 =	simm.s32 $0x180;
	s3 =	simm.s32 $0x40;
	[tilespmem:s29+$0x0] =	vst v12  }
0x551: {  	v12 =	vmov s12;
	[tilespmem:s2], [sflag:$0x5] =	stream.indirect.gather [hbm4b:s8+s31], $0x200, s3, s31, $0xb8;
	[tilespmem:$0x1D190] =	vst v63  }
0x552: {  	_ =	swait.ge [sflag:s14], $0x2000  }
0x553: {  	v13 =	vor.u32 $0x1, v12;
	[sflag:s14] =	ssyncset.done $0x0  }
0x554: {  	s9 =	simm.s32 $0x3690;
	[sflag:s14] =	ssyncadd.s32 $0xFFFFE000  }
0x555: {  	v14 =	vor.u32 $0x2, v12;
	v16 =	vld [tilespmem:s9+$0xFFFFFF80]  }
0x556: {  	v15 =	vor.u32 $0x3, v12;
	v12 =	vld.idx.msk [tilespmem:v12+s1+$0x0], $0xffff  }
0x557: {  	v17 =	vld [tilespmem:s9+$0xFFFFFF00]  }
0x558: {  	v13 =	vld.idx.msk [tilespmem:v13+s1+$0x0], $0xffff  }
0x559: {  	v18 =	vld [tilespmem:s9+$0x0]  }
0x55a: {  	v14 =	vld.idx.msk [tilespmem:v14+s1+$0x0], $0xffff  }
0x55b: {  	v19 =	vld [tilespmem:s9+$0x80]  }
0x55c: {  	v15 =	vld.idx.msk [tilespmem:v15+s1+$0x0], $0xffff  }
0x55d: {  	v17 =	vmul.f32 v17, v12;
	v16 =	vmul.f32 v16, v13;
	_ =	sdelay $0x1  }
0x55e: {  	v18 =	vmul.f32 v18, v14;
	v16 =	vadd.f32 v16, v17;
	_ =	sdelay $0x1  }
0x55f: {  	v17 =	vmul.f32 v19, v15;
	v16 =	vadd.f32 v18, v16;
	_ =	sdelay $0x1  }
0x560: {  	v16 =	vadd.f32 v17, v16  }
0x561: {  	s10 =	simm.s32 $0x6E00  }
0x562: {  	[tilespmem:s10+$0xFFFFFF90] =	vst v16  }
0x563: {  	v16 =	vld [tilespmem:s9+$0xFFFFFF10]  }
0x564: {  	v17 =	vld [tilespmem:s9+$0xFFFFFF90];
	_ =	sdelay $0x1  }
0x565: {  	v18 =	vld [tilespmem:s9+$0x10];
	_ =	sdelay $0x1  }
0x566: {  	v19 =	vld [tilespmem:s9+$0x90]  }
0x567: {  	v16 =	vmul.f32 v16, v12;
	v17 =	vmul.f32 v17, v13;
	_ =	sdelay $0x1  }
0x568: {  	v16 =	vadd.f32 v17, v16;
	v17 =	vmul.f32 v18, v14;
	_ =	sdelay $0x1  }
0x569: {  	v16 =	vadd.f32 v17, v16;
	v17 =	vmul.f32 v19, v15;
	_ =	sdelay $0x1  }
0x56a: {  	v16 =	vadd.f32 v17, v16;
	_ =	sdelay $0x1  }
0x56b: {  	[tilespmem:s10+$0xFFFFFFA0] =	vst v16  }
0x56c: {  	v16 =	vld [tilespmem:s9+$0xFFFFFF20]  }
0x56d: {  	v17 =	vld [tilespmem:s9+$0xFFFFFFA0];
	_ =	sdelay $0x1  }
0x56e: {  	v18 =	vld [tilespmem:s9+$0x20];
	_ =	sdelay $0x1  }
0x56f: {  	v19 =	vld [tilespmem:s9+$0xA0]  }
0x570: {  	v16 =	vmul.f32 v16, v12;
	v17 =	vmul.f32 v17, v13;
	_ =	sdelay $0x1  }
0x571: {  	v16 =	vadd.f32 v17, v16;
	v17 =	vmul.f32 v18, v14;
	_ =	sdelay $0x1  }
0x572: {  	v16 =	vadd.f32 v17, v16;
	v17 =	vmul.f32 v19, v15;
	_ =	sdelay $0x1  }
0x573: {  	v16 =	vadd.f32 v17, v16;
	_ =	sdelay $0x1  }
0x574: {  	[tilespmem:s10+$0xFFFFFFB0] =	vst v16  }
0x575: {  	v16 =	vld [tilespmem:s9+$0xFFFFFF30]  }
0x576: {  	v17 =	vld [tilespmem:s9+$0xFFFFFFB0];
	_ =	sdelay $0x1  }
0x577: {  	v18 =	vld [tilespmem:s9+$0x30];
	_ =	sdelay $0x1  }
0x578: {  	v19 =	vld [tilespmem:s9+$0xB0]  }
0x579: {  	v16 =	vmul.f32 v16, v12;
	v17 =	vmul.f32 v17, v13;
	_ =	sdelay $0x1  }
0x57a: {  	v18 =	vmul.f32 v18, v14;
	v16 =	vadd.f32 v17, v16;
	_ =	sdelay $0x1  }
0x57b: {  	v17 =	vmul.f32 v19, v15;
	v16 =	vadd.f32 v18, v16;
	_ =	sdelay $0x1  }
0x57c: {  	v16 =	vadd.f32 v17, v16;
	_ =	sdelay $0x1  }
0x57d: {  	[tilespmem:s10+$0xFFFFFFC0] =	vst v16  }
0x57e: {  	v16 =	vld [tilespmem:s9+$0xFFFFFF40]  }
0x57f: {  	v17 =	vld [tilespmem:s9+$0xFFFFFFC0];
	_ =	sdelay $0x1  }
0x580: {  	v18 =	vld [tilespmem:s9+$0x40];
	_ =	sdelay $0x1  }
0x581: {  	v19 =	vld [tilespmem:s9+$0xC0]  }
0x582: {  	v16 =	vmul.f32 v16, v12;
	v17 =	vmul.f32 v17, v13;
	_ =	sdelay $0x1  }
0x583: {  	v16 =	vadd.f32 v17, v16;
	v17 =	vmul.f32 v18, v14;
	_ =	sdelay $0x1  }
0x584: {  	v16 =	vadd.f32 v17, v16;
	v17 =	vmul.f32 v19, v15;
	_ =	sdelay $0x1  }
0x585: {  	v16 =	vadd.f32 v17, v16;
	_ =	sdelay $0x1  }
0x586: {  	[tilespmem:s10+$0xFFFFFFD0] =	vst v16  }
0x587: {  	v16 =	vld [tilespmem:s9+$0xFFFFFF50]  }
0x588: {  	v17 =	vld [tilespmem:s9+$0xFFFFFFD0];
	_ =	sdelay $0x1  }
0x589: {  	v18 =	vld [tilespmem:s9+$0x50];
	_ =	sdelay $0x1  }
0x58a: {  	v19 =	vld [tilespmem:s9+$0xD0]  }
0x58b: {  	v16 =	vmul.f32 v16, v12;
	v17 =	vmul.f32 v17, v13;
	_ =	sdelay $0x1  }
0x58c: {  	v18 =	vmul.f32 v18, v14;
	v16 =	vadd.f32 v17, v16;
	_ =	sdelay $0x1  }
0x58d: {  	v17 =	vmul.f32 v19, v15;
	v16 =	vadd.f32 v18, v16;
	_ =	sdelay $0x1  }
0x58e: {  	v16 =	vadd.f32 v17, v16;
	_ =	sdelay $0x1  }
0x58f: {  	[tilespmem:s10+$0xFFFFFFE0] =	vst v16  }
0x590: {  	v18 =	vld [tilespmem:s9+$0xFFFFFF60]  }
0x591: {  	v19 =	vld [tilespmem:s9+$0xFFFFFFE0]  }
0x592: {  	v17 =	vld [tilespmem:s9+$0x60]  }
0x593: {  	s0 =	simm.s32 $0x3690;
	s12 =	simm.s32 $0x31;
	s29 =	simm.s32 $0x6E00;
	v16 =	vld [tilespmem:s9+$0xE0]  }
.LBB2_13:
0x594: {  	_ = 	snop  }
0x595: {  	p0 =	sne.s32 s12, $0x3F;
	s9 =	sadd.s32 $0x200, s9;
	s10 =	sadd.s32 $0x80, s10  }
0x596: {  	s3 =	smov.u32 s12;
	s12 =	sadd.s32 $0x1, s12;
	v18 =	vmul.f32 v18, v12;
	v19 =	vmul.f32 v19, v13  }
0x597: {  	v17 =	vmul.f32 v17, v14  }
0x598: {  	v18 =	vadd.f32 v19, v18;
	v16 =	vmul.f32 v16, v15  }
0x599: {  	s3 =	sshll.u32 s3, $0x3  }
0x59a: {  	v19 =	vmov s3;
	v17 =	vadd.f32 v17, v18  }
0x59b: {  	v20 =	vor.u32 $0x2, v19;
	v18 =	vor.u32 $0x1, v19  }
0x59c: {  	v16 =	vadd.f32 v16, v17;
	_ =	sdelay $0x1  }
0x59d: {  	[tilespmem:s29+$0xFFFFFFF0] =	vst v16  }
0x59e: {  	v16 =	vld [tilespmem:s0+$0xFFFFFF70]  }
0x59f: {  	v17 =	vor.u32 $0x3, v19;
	v21 =	vld [tilespmem:s0+$0xFFFFFFF0]  }
0x5a0: {  	v22 =	vld [tilespmem:s0+$0x70]  }
0x5a1: {  	v23 =	vld [tilespmem:s0+$0xF0];
	s0 =	smov.u32 s9;
	_ =	sdelay $0x1  }
0x5a2: {  	v12 =	vmul.f32 v16, v12  }
0x5a3: {  	v13 =	vmul.f32 v21, v13  }
0x5a4: {  	v14 =	vmul.f32 v22, v14  }
0x5a5: {  	v12 =	vadd.f32 v13, v12;
	v13 =	vmul.f32 v23, v15;
	_ =	sdelay $0x1  }
0x5a6: {  	v12 =	vadd.f32 v14, v12;
	_ =	sdelay $0x1  }
0x5a7: {  	v12 =	vadd.f32 v13, v12;
	_ =	sdelay $0x1  }
0x5a8: {  	[tilespmem:s29+$0x0] =	vst v12;
	s29 =	smov.u32 s10  }
0x5a9: {  	v16 =	vld [tilespmem:s9+$0xFFFFFF80]  }
0x5aa: {  	v12 =	vld.idx.msk [tilespmem:v19+s1+$0x0], $0xffff  }
0x5ab: {  	v19 =	vld [tilespmem:s9+$0xFFFFFF00]  }
0x5ac: {  	v13 =	vld.idx.msk [tilespmem:v18+s1+$0x0], $0xffff  }
0x5ad: {  	v14 =	vld.idx.msk [tilespmem:v20+s1+$0x0], $0xffff  }
0x5ae: {  	v18 =	vld [tilespmem:s9+$0x0]  }
0x5af: {  	v15 =	vld.idx.msk [tilespmem:v17+s1+$0x0], $0xffff  }
0x5b0: {  	v17 =	vld [tilespmem:s9+$0x80]  }
0x5b1: {  	v19 =	vmul.f32 v19, v12  }
0x5b2: {  	v16 =	vmul.f32 v16, v13  }
0x5b3: {  	v18 =	vmul.f32 v18, v14  }
0x5b4: {  	v16 =	vadd.f32 v16, v19  }
0x5b5: {  	v17 =	vmul.f32 v17, v15  }
0x5b6: {  	v16 =	vadd.f32 v18, v16;
	_ =	sdelay $0x1  }
0x5b7: {  	v16 =	vadd.f32 v17, v16;
	_ =	sdelay $0x1  }
0x5b8: {  	[tilespmem:s10+$0xFFFFFF90] =	vst v16  }
0x5b9: {  	v16 =	vld [tilespmem:s9+$0xFFFFFF10]  }
0x5ba: {  	v17 =	vld [tilespmem:s9+$0xFFFFFF90];
	_ =	sdelay $0x1  }
0x5bb: {  	v18 =	vld [tilespmem:s9+$0x10];
	_ =	sdelay $0x1  }
0x5bc: {  	v16 =	vmul.f32 v16, v12;
	v19 =	vld [tilespmem:s9+$0x90]  }
0x5bd: {  	v17 =	vmul.f32 v17, v13;
	_ =	sdelay $0x1  }
0x5be: {  	v16 =	vadd.f32 v17, v16;
	v17 =	vmul.f32 v18, v14;
	_ =	sdelay $0x1  }
0x5bf: {  	v16 =	vadd.f32 v17, v16;
	v17 =	vmul.f32 v19, v15;
	_ =	sdelay $0x1  }
0x5c0: {  	v16 =	vadd.f32 v17, v16;
	_ =	sdelay $0x1  }
0x5c1: {  	[tilespmem:s10+$0xFFFFFFA0] =	vst v16  }
0x5c2: {  	v16 =	vld [tilespmem:s9+$0xFFFFFF20]  }
0x5c3: {  	v17 =	vld [tilespmem:s9+$0xFFFFFFA0]  }
0x5c4: {  	v18 =	vld [tilespmem:s9+$0x20];
	_ =	sdelay $0x2  }
0x5c5: {  	v16 =	vmul.f32 v16, v12;
	v19 =	vld [tilespmem:s9+$0xA0]  }
0x5c6: {  	v17 =	vmul.f32 v17, v13;
	_ =	sdelay $0x1  }
0x5c7: {  	v16 =	vadd.f32 v17, v16;
	v17 =	vmul.f32 v18, v14;
	_ =	sdelay $0x1  }
0x5c8: {  	v16 =	vadd.f32 v17, v16;
	v17 =	vmul.f32 v19, v15;
	_ =	sdelay $0x1  }
0x5c9: {  	v16 =	vadd.f32 v17, v16;
	_ =	sdelay $0x1  }
0x5ca: {  	[tilespmem:s10+$0xFFFFFFB0] =	vst v16  }
0x5cb: {  	v16 =	vld [tilespmem:s9+$0xFFFFFF30]  }
0x5cc: {  	v17 =	vld [tilespmem:s9+$0xFFFFFFB0]  }
0x5cd: {  	v18 =	vld [tilespmem:s9+$0x30];
	_ =	sdelay $0x2  }
0x5ce: {  	v16 =	vmul.f32 v16, v12;
	v19 =	vld [tilespmem:s9+$0xB0]  }
0x5cf: {  	v17 =	vmul.f32 v17, v13  }
0x5d0: {  	v18 =	vmul.f32 v18, v14  }
0x5d1: {  	v16 =	vadd.f32 v17, v16;
	_ =	sdelay $0x1  }
0x5d2: {  	v16 =	vadd.f32 v18, v16;
	v17 =	vmul.f32 v19, v15;
	_ =	sdelay $0x1  }
0x5d3: {  	v16 =	vadd.f32 v17, v16;
	_ =	sdelay $0x1  }
0x5d4: {  	[tilespmem:s10+$0xFFFFFFC0] =	vst v16  }
0x5d5: {  	v16 =	vld [tilespmem:s9+$0xFFFFFF40]  }
0x5d6: {  	v17 =	vld [tilespmem:s9+$0xFFFFFFC0];
	_ =	sdelay $0x1  }
0x5d7: {  	v18 =	vld [tilespmem:s9+$0x40];
	_ =	sdelay $0x1  }
0x5d8: {  	v16 =	vmul.f32 v16, v12;
	v19 =	vld [tilespmem:s9+$0xC0]  }
0x5d9: {  	v17 =	vmul.f32 v17, v13;
	_ =	sdelay $0x1  }
0x5da: {  	v16 =	vadd.f32 v17, v16;
	v17 =	vmul.f32 v18, v14;
	_ =	sdelay $0x1  }
0x5db: {  	v16 =	vadd.f32 v17, v16;
	v17 =	vmul.f32 v19, v15;
	_ =	sdelay $0x1  }
0x5dc: {  	v16 =	vadd.f32 v17, v16;
	_ =	sdelay $0x1  }
0x5dd: {  	[tilespmem:s10+$0xFFFFFFD0] =	vst v16  }
0x5de: {  	v16 =	vld [tilespmem:s9+$0xFFFFFF50]  }
0x5df: {  	v17 =	vld [tilespmem:s9+$0xFFFFFFD0]  }
0x5e0: {  	v18 =	vld [tilespmem:s9+$0x50]  }
0x5e1: {  	v19 =	vld [tilespmem:s9+$0xD0];
	_ =	sdelay $0x1  }
0x5e2: {  	v16 =	vmul.f32 v16, v12  }
0x5e3: {  	v17 =	vmul.f32 v17, v13  }
0x5e4: {  	v18 =	vmul.f32 v18, v14  }
0x5e5: {  	v16 =	vadd.f32 v17, v16;
	v17 =	vmul.f32 v19, v15;
	_ =	sdelay $0x1  }
0x5e6: {  	v16 =	vadd.f32 v18, v16;
	_ =	sdelay $0x1  }
0x5e7: {  	v16 =	vadd.f32 v17, v16;
	_ =	sdelay $0x1  }
.Ltmp5:
0x5e8: {  	[tilespmem:s10+$0xFFFFFFE0] =	vst v16;
	(pc) =	sbr.rel @p0 .LBB2_13-.Ltmp5, $4  }
0x5e9: {  	v18 =	vld [tilespmem:s9+$0xFFFFFF60]  }
0x5ea: {  	v19 =	vld [tilespmem:s9+$0xFFFFFFE0]  }
0x5eb: {  	v17 =	vld [tilespmem:s9+$0x60]  }
0x5ec: {  	v16 =	vld [tilespmem:s9+$0xE0]  }
0x5ed: {  	_ =	sdelay $0x1  }
0x5ee: {  	v18 =	vmul.f32 v18, v12;
	v19 =	vmul.f32 v19, v13;
	_ =	sdelay $0x1  }
0x5ef: {  	v17 =	vmul.f32 v17, v14;
	v18 =	vadd.f32 v19, v18;
	_ =	sdelay $0x1  }
0x5f0: {  	v16 =	vmul.f32 v16, v15;
	v17 =	vadd.f32 v17, v18;
	_ =	sdelay $0x1  }
0x5f1: {  	v16 =	vadd.f32 v16, v17;
	_ =	sdelay $0x1  }
0x5f2: {  	[tilespmem:s29+$0xFFFFFFF0] =	vst v16  }
0x5f3: {  	v16 =	vld [tilespmem:s0+$0xFFFFFF70]  }
0x5f4: {  	v17 =	vld [tilespmem:s0+$0xFFFFFFF0];
	_ =	sdelay $0x1  }
0x5f5: {  	v18 =	vld [tilespmem:s0+$0x70];
	_ =	sdelay $0x1  }
0x5f6: {  	v19 =	vld [tilespmem:s0+$0xF0]  }
0x5f7: {  	v12 =	vmul.f32 v16, v12;
	v13 =	vmul.f32 v17, v13;
	_ =	sdelay $0x1  }
0x5f8: {  	v14 =	vmul.f32 v18, v14;
	v12 =	vadd.f32 v13, v12;
	_ =	sdelay $0x1  }
0x5f9: {  	v13 =	vmul.f32 v19, v15;
	v12 =	vadd.f32 v14, v12;
	_ =	sdelay $0x1  }
0x5fa: {  	v12 =	vadd.f32 v13, v12;
	_ =	sdelay $0x1  }
0x5fb: {  	s12 =	simm.s32 $0x200;
	[tilespmem:s29+$0x0] =	vst v12  }
0x5fc: {  	v12 =	vmov s12;
	_ =	swait.ge [sflag:s11], $0x2000  }
0x5fd: {  	v13 =	vor.u32 $0x1, v12;
	[sflag:s11] =	ssyncset.done $0x0  }
0x5fe: {  	s9 =	simm.s32 $0x1690;
	[sflag:s11] =	ssyncadd.s32 $0xFFFFE000  }
0x5ff: {  	v14 =	vor.u32 $0x2, v12;
	v16 =	vld [tilespmem:s9+$0xFFFFFF80]  }
0x600: {  	v17 =	vld [tilespmem:s9+$0xFFFFFF00]  }
0x601: {  	v15 =	vor.u32 $0x3, v12;
	v12 =	vld.idx.msk [tilespmem:v12+s1+$0x0], $0xffff  }
0x602: {  	v13 =	vld.idx.msk [tilespmem:v13+s1+$0x0], $0xffff  }
0x603: {  	v18 =	vld [tilespmem:s9+$0x0]  }
0x604: {  	v14 =	vld.idx.msk [tilespmem:v14+s1+$0x0], $0xffff  }
0x605: {  	v19 =	vld [tilespmem:s9+$0x80]  }
0x606: {  	v15 =	vld.idx.msk [tilespmem:v15+s1+$0x0], $0xffff  }
0x607: {  	v17 =	vmul.f32 v17, v12;
	v16 =	vmul.f32 v16, v13;
	_ =	sdelay $0x1  }
0x608: {  	v18 =	vmul.f32 v18, v14;
	v16 =	vadd.f32 v16, v17;
	_ =	sdelay $0x1  }
0x609: {  	v17 =	vmul.f32 v19, v15;
	v16 =	vadd.f32 v18, v16;
	_ =	sdelay $0x1  }
0x60a: {  	v16 =	vadd.f32 v17, v16  }
0x60b: {  	s10 =	simm.s32 $0x7600  }
0x60c: {  	[tilespmem:s10+$0xFFFFFF90] =	vst v16  }
0x60d: {  	v16 =	vld [tilespmem:s9+$0xFFFFFF10]  }
0x60e: {  	v17 =	vld [tilespmem:s9+$0xFFFFFF90];
	_ =	sdelay $0x1  }
0x60f: {  	v18 =	vld [tilespmem:s9+$0x10];
	_ =	sdelay $0x1  }
0x610: {  	v19 =	vld [tilespmem:s9+$0x90]  }
0x611: {  	v16 =	vmul.f32 v16, v12;
	v17 =	vmul.f32 v17, v13;
	_ =	sdelay $0x1  }
0x612: {  	v16 =	vadd.f32 v17, v16;
	v17 =	vmul.f32 v18, v14;
	_ =	sdelay $0x1  }
0x613: {  	v16 =	vadd.f32 v17, v16;
	v17 =	vmul.f32 v19, v15;
	_ =	sdelay $0x1  }
0x614: {  	v16 =	vadd.f32 v17, v16;
	_ =	sdelay $0x1  }
0x615: {  	[tilespmem:s10+$0xFFFFFFA0] =	vst v16  }
0x616: {  	v16 =	vld [tilespmem:s9+$0xFFFFFF20]  }
0x617: {  	v17 =	vld [tilespmem:s9+$0xFFFFFFA0];
	_ =	sdelay $0x1  }
0x618: {  	v18 =	vld [tilespmem:s9+$0x20];
	_ =	sdelay $0x1  }
0x619: {  	v19 =	vld [tilespmem:s9+$0xA0]  }
0x61a: {  	v16 =	vmul.f32 v16, v12;
	v17 =	vmul.f32 v17, v13;
	_ =	sdelay $0x1  }
0x61b: {  	v16 =	vadd.f32 v17, v16;
	v17 =	vmul.f32 v18, v14;
	_ =	sdelay $0x1  }
0x61c: {  	v16 =	vadd.f32 v17, v16;
	v17 =	vmul.f32 v19, v15;
	_ =	sdelay $0x1  }
0x61d: {  	v16 =	vadd.f32 v17, v16;
	_ =	sdelay $0x1  }
0x61e: {  	[tilespmem:s10+$0xFFFFFFB0] =	vst v16  }
0x61f: {  	v16 =	vld [tilespmem:s9+$0xFFFFFF30]  }
0x620: {  	v17 =	vld [tilespmem:s9+$0xFFFFFFB0];
	_ =	sdelay $0x1  }
0x621: {  	v18 =	vld [tilespmem:s9+$0x30];
	_ =	sdelay $0x1  }
0x622: {  	v19 =	vld [tilespmem:s9+$0xB0]  }
0x623: {  	v16 =	vmul.f32 v16, v12;
	v17 =	vmul.f32 v17, v13;
	_ =	sdelay $0x1  }
0x624: {  	v18 =	vmul.f32 v18, v14;
	v16 =	vadd.f32 v17, v16;
	_ =	sdelay $0x1  }
0x625: {  	v17 =	vmul.f32 v19, v15;
	v16 =	vadd.f32 v18, v16;
	_ =	sdelay $0x1  }
0x626: {  	v16 =	vadd.f32 v17, v16;
	_ =	sdelay $0x1  }
0x627: {  	[tilespmem:s10+$0xFFFFFFC0] =	vst v16  }
0x628: {  	v16 =	vld [tilespmem:s9+$0xFFFFFF40]  }
0x629: {  	v17 =	vld [tilespmem:s9+$0xFFFFFFC0];
	_ =	sdelay $0x1  }
0x62a: {  	v18 =	vld [tilespmem:s9+$0x40];
	_ =	sdelay $0x1  }
0x62b: {  	v19 =	vld [tilespmem:s9+$0xC0]  }
0x62c: {  	v16 =	vmul.f32 v16, v12;
	v17 =	vmul.f32 v17, v13;
	_ =	sdelay $0x1  }
0x62d: {  	v16 =	vadd.f32 v17, v16;
	v17 =	vmul.f32 v18, v14;
	_ =	sdelay $0x1  }
0x62e: {  	v16 =	vadd.f32 v17, v16;
	v17 =	vmul.f32 v19, v15;
	_ =	sdelay $0x1  }
0x62f: {  	v16 =	vadd.f32 v17, v16;
	_ =	sdelay $0x1  }
0x630: {  	[tilespmem:s10+$0xFFFFFFD0] =	vst v16  }
0x631: {  	v16 =	vld [tilespmem:s9+$0xFFFFFF50]  }
0x632: {  	v17 =	vld [tilespmem:s9+$0xFFFFFFD0];
	_ =	sdelay $0x1  }
0x633: {  	v18 =	vld [tilespmem:s9+$0x50];
	_ =	sdelay $0x1  }
0x634: {  	v19 =	vld [tilespmem:s9+$0xD0]  }
0x635: {  	v16 =	vmul.f32 v16, v12;
	v17 =	vmul.f32 v17, v13;
	_ =	sdelay $0x1  }
0x636: {  	v18 =	vmul.f32 v18, v14;
	v16 =	vadd.f32 v17, v16;
	_ =	sdelay $0x1  }
0x637: {  	v17 =	vmul.f32 v19, v15;
	v16 =	vadd.f32 v18, v16;
	_ =	sdelay $0x1  }
0x638: {  	v16 =	vadd.f32 v17, v16;
	_ =	sdelay $0x1  }
0x639: {  	[tilespmem:s10+$0xFFFFFFE0] =	vst v16  }
0x63a: {  	v18 =	vld [tilespmem:s9+$0xFFFFFF60]  }
0x63b: {  	v19 =	vld [tilespmem:s9+$0xFFFFFFE0]  }
0x63c: {  	v17 =	vld [tilespmem:s9+$0x60]  }
0x63d: {  	s0 =	simm.s32 $0x1690;
	s12 =	simm.s32 $0x41;
	s29 =	simm.s32 $0x7600;
	v16 =	vld [tilespmem:s9+$0xE0]  }
.LBB2_15:
0x63e: {  	_ = 	snop  }
0x63f: {  	p0 =	sne.s32 s12, $0x4F;
	s9 =	sadd.s32 $0x200, s9;
	s10 =	sadd.s32 $0x80, s10  }
0x640: {  	s3 =	smov.u32 s12;
	s12 =	sadd.s32 $0x1, s12;
	v18 =	vmul.f32 v18, v12;
	v19 =	vmul.f32 v19, v13  }
0x641: {  	v17 =	vmul.f32 v17, v14  }
0x642: {  	v18 =	vadd.f32 v19, v18;
	v16 =	vmul.f32 v16, v15  }
0x643: {  	s3 =	sshll.u32 s3, $0x3  }
0x644: {  	v19 =	vmov s3;
	v17 =	vadd.f32 v17, v18  }
0x645: {  	v20 =	vor.u32 $0x2, v19;
	v18 =	vor.u32 $0x1, v19  }
0x646: {  	v16 =	vadd.f32 v16, v17;
	_ =	sdelay $0x1  }
0x647: {  	[tilespmem:s29+$0xFFFFFFF0] =	vst v16  }
0x648: {  	v16 =	vld [tilespmem:s0+$0xFFFFFF70]  }
0x649: {  	v17 =	vor.u32 $0x3, v19;
	v21 =	vld [tilespmem:s0+$0xFFFFFFF0]  }
0x64a: {  	v22 =	vld [tilespmem:s0+$0x70]  }
0x64b: {  	v23 =	vld [tilespmem:s0+$0xF0];
	s0 =	smov.u32 s9;
	_ =	sdelay $0x1  }
0x64c: {  	v12 =	vmul.f32 v16, v12  }
0x64d: {  	v13 =	vmul.f32 v21, v13  }
0x64e: {  	v14 =	vmul.f32 v22, v14  }
0x64f: {  	v12 =	vadd.f32 v13, v12;
	v13 =	vmul.f32 v23, v15;
	_ =	sdelay $0x1  }
0x650: {  	v12 =	vadd.f32 v14, v12;
	_ =	sdelay $0x1  }
0x651: {  	v12 =	vadd.f32 v13, v12;
	_ =	sdelay $0x1  }
0x652: {  	[tilespmem:s29+$0x0] =	vst v12;
	s29 =	smov.u32 s10  }
0x653: {  	v16 =	vld [tilespmem:s9+$0xFFFFFF80]  }
0x654: {  	v12 =	vld.idx.msk [tilespmem:v19+s1+$0x0], $0xffff  }
0x655: {  	v19 =	vld [tilespmem:s9+$0xFFFFFF00]  }
0x656: {  	v13 =	vld.idx.msk [tilespmem:v18+s1+$0x0], $0xffff  }
0x657: {  	v14 =	vld.idx.msk [tilespmem:v20+s1+$0x0], $0xffff  }
0x658: {  	v18 =	vld [tilespmem:s9+$0x0]  }
0x659: {  	v15 =	vld.idx.msk [tilespmem:v17+s1+$0x0], $0xffff  }
0x65a: {  	v17 =	vld [tilespmem:s9+$0x80]  }
0x65b: {  	v19 =	vmul.f32 v19, v12  }
0x65c: {  	v16 =	vmul.f32 v16, v13  }
0x65d: {  	v18 =	vmul.f32 v18, v14  }
0x65e: {  	v16 =	vadd.f32 v16, v19  }
0x65f: {  	v17 =	vmul.f32 v17, v15  }
0x660: {  	v16 =	vadd.f32 v18, v16;
	_ =	sdelay $0x1  }
0x661: {  	v16 =	vadd.f32 v17, v16;
	_ =	sdelay $0x1  }
0x662: {  	[tilespmem:s10+$0xFFFFFF90] =	vst v16  }
0x663: {  	v16 =	vld [tilespmem:s9+$0xFFFFFF10]  }
0x664: {  	v17 =	vld [tilespmem:s9+$0xFFFFFF90];
	_ =	sdelay $0x1  }
0x665: {  	v18 =	vld [tilespmem:s9+$0x10];
	_ =	sdelay $0x1  }
0x666: {  	v16 =	vmul.f32 v16, v12;
	v19 =	vld [tilespmem:s9+$0x90]  }
0x667: {  	v17 =	vmul.f32 v17, v13;
	_ =	sdelay $0x1  }
0x668: {  	v16 =	vadd.f32 v17, v16;
	v17 =	vmul.f32 v18, v14;
	_ =	sdelay $0x1  }
0x669: {  	v16 =	vadd.f32 v17, v16;
	v17 =	vmul.f32 v19, v15;
	_ =	sdelay $0x1  }
0x66a: {  	v16 =	vadd.f32 v17, v16;
	_ =	sdelay $0x1  }
0x66b: {  	[tilespmem:s10+$0xFFFFFFA0] =	vst v16  }
0x66c: {  	v16 =	vld [tilespmem:s9+$0xFFFFFF20]  }
0x66d: {  	v17 =	vld [tilespmem:s9+$0xFFFFFFA0]  }
0x66e: {  	v18 =	vld [tilespmem:s9+$0x20];
	_ =	sdelay $0x2  }
0x66f: {  	v16 =	vmul.f32 v16, v12;
	v19 =	vld [tilespmem:s9+$0xA0]  }
0x670: {  	v17 =	vmul.f32 v17, v13;
	_ =	sdelay $0x1  }
0x671: {  	v16 =	vadd.f32 v17, v16;
	v17 =	vmul.f32 v18, v14;
	_ =	sdelay $0x1  }
0x672: {  	v16 =	vadd.f32 v17, v16;
	v17 =	vmul.f32 v19, v15;
	_ =	sdelay $0x1  }
0x673: {  	v16 =	vadd.f32 v17, v16;
	_ =	sdelay $0x1  }
0x674: {  	[tilespmem:s10+$0xFFFFFFB0] =	vst v16  }
0x675: {  	v16 =	vld [tilespmem:s9+$0xFFFFFF30]  }
0x676: {  	v17 =	vld [tilespmem:s9+$0xFFFFFFB0]  }
0x677: {  	v18 =	vld [tilespmem:s9+$0x30];
	_ =	sdelay $0x2  }
0x678: {  	v16 =	vmul.f32 v16, v12;
	v19 =	vld [tilespmem:s9+$0xB0]  }
0x679: {  	v17 =	vmul.f32 v17, v13  }
0x67a: {  	v18 =	vmul.f32 v18, v14  }
0x67b: {  	v16 =	vadd.f32 v17, v16;
	_ =	sdelay $0x1  }
0x67c: {  	v16 =	vadd.f32 v18, v16;
	v17 =	vmul.f32 v19, v15;
	_ =	sdelay $0x1  }
0x67d: {  	v16 =	vadd.f32 v17, v16;
	_ =	sdelay $0x1  }
0x67e: {  	[tilespmem:s10+$0xFFFFFFC0] =	vst v16  }
0x67f: {  	v16 =	vld [tilespmem:s9+$0xFFFFFF40]  }
0x680: {  	v17 =	vld [tilespmem:s9+$0xFFFFFFC0];
	_ =	sdelay $0x1  }
0x681: {  	v18 =	vld [tilespmem:s9+$0x40];
	_ =	sdelay $0x1  }
0x682: {  	v16 =	vmul.f32 v16, v12;
	v19 =	vld [tilespmem:s9+$0xC0]  }
0x683: {  	v17 =	vmul.f32 v17, v13;
	_ =	sdelay $0x1  }
0x684: {  	v16 =	vadd.f32 v17, v16;
	v17 =	vmul.f32 v18, v14;
	_ =	sdelay $0x1  }
0x685: {  	v16 =	vadd.f32 v17, v16;
	v17 =	vmul.f32 v19, v15;
	_ =	sdelay $0x1  }
0x686: {  	v16 =	vadd.f32 v17, v16;
	_ =	sdelay $0x1  }
0x687: {  	[tilespmem:s10+$0xFFFFFFD0] =	vst v16  }
0x688: {  	v16 =	vld [tilespmem:s9+$0xFFFFFF50]  }
0x689: {  	v17 =	vld [tilespmem:s9+$0xFFFFFFD0]  }
0x68a: {  	v18 =	vld [tilespmem:s9+$0x50]  }
0x68b: {  	v19 =	vld [tilespmem:s9+$0xD0];
	_ =	sdelay $0x1  }
0x68c: {  	v16 =	vmul.f32 v16, v12  }
0x68d: {  	v17 =	vmul.f32 v17, v13  }
0x68e: {  	v18 =	vmul.f32 v18, v14  }
0x68f: {  	v16 =	vadd.f32 v17, v16;
	v17 =	vmul.f32 v19, v15;
	_ =	sdelay $0x1  }
0x690: {  	v16 =	vadd.f32 v18, v16;
	_ =	sdelay $0x1  }
0x691: {  	v16 =	vadd.f32 v17, v16;
	_ =	sdelay $0x1  }
.Ltmp6:
0x692: {  	[tilespmem:s10+$0xFFFFFFE0] =	vst v16;
	(pc) =	sbr.rel @p0 .LBB2_15-.Ltmp6, $4  }
0x693: {  	v18 =	vld [tilespmem:s9+$0xFFFFFF60]  }
0x694: {  	v19 =	vld [tilespmem:s9+$0xFFFFFFE0]  }
0x695: {  	v17 =	vld [tilespmem:s9+$0x60]  }
0x696: {  	v16 =	vld [tilespmem:s9+$0xE0]  }
0x697: {  	_ =	sdelay $0x1  }
0x698: {  	v18 =	vmul.f32 v18, v12;
	v19 =	vmul.f32 v19, v13;
	_ =	sdelay $0x1  }
0x699: {  	v17 =	vmul.f32 v17, v14;
	v18 =	vadd.f32 v19, v18;
	_ =	sdelay $0x1  }
0x69a: {  	v16 =	vmul.f32 v16, v15;
	v17 =	vadd.f32 v17, v18;
	_ =	sdelay $0x1  }
0x69b: {  	v16 =	vadd.f32 v16, v17;
	_ =	sdelay $0x1  }
0x69c: {  	[tilespmem:s29+$0xFFFFFFF0] =	vst v16  }
0x69d: {  	v16 =	vld [tilespmem:s0+$0xFFFFFF70]  }
0x69e: {  	v21 =	vld [tilespmem:s0+$0xFFFFFFF0];
	_ =	sdelay $0x1  }
0x69f: {  	v22 =	vld [tilespmem:s0+$0x70];
	_ =	sdelay $0x1  }
0x6a0: {  	v23 =	vld [tilespmem:s0+$0xF0]  }
0x6a1: {  	v20 =	vmul.f32 v16, v12;
	v21 =	vmul.f32 v21, v13;
	_ =	sdelay $0x1  }
0x6a2: {  	v22 =	vmul.f32 v22, v14;
	v12 =	vadd.f32 v21, v20;
	_ =	sdelay $0x1  }
0x6a3: {  	v23 =	vmul.f32 v23, v15;
	v12 =	vadd.f32 v22, v12;
	_ =	sdelay $0x1  }
0x6a4: {  	s6 =	sadd.s32 $0x1, s6;
	v12 =	vadd.f32 v23, v12  }
0x6a5: {  	p0 =	sne.s32 s6, $0x7D  }
.Ltmp7:
0x6a6: {  	s3 =	simm.s32 $0x5590;
	[tilespmem:s29+$0x0] =	vst v12;
	s29 =	rddreg [dreg:$0x2];
	(pc) =	sbr.rel @p0 .LBB2_6-.Ltmp7, $4  }
0x6a7: {  	[spmem:s29] =	stream.indirect.scatter.add.f32 [tilespmem:s3], [sflag:$0x7], $0x80, s16, s17, $0xb8;
	[tilespmem:$0x1D190] =	vst v63  }
0x6a8: {  	_ =	swait.ge [sflag:s15], $0x2800  }
0x6a9: {  	[sflag:s15] =	ssyncset.done $0x0  }
0x6aa: {  	[sflag:s15] =	ssyncadd.s32 $0xFFFFD800  }
0x6ab: {  	[bflag:$0x0] =	sbarrier.arrive $0xFFFF  }
0x6ac: {  	s4 =	sld [smem:$0x7FD]  }
0x6ad: {  	s0 =	rddreg [dreg:$0x8]  }
0x6ae: {  	s3 =	rddreg [dreg:$0x1a];
	s0 =	sshrl.u32 s0, $0x3  }
0x6af: {  	[hbm:s3], [sflag:s4] =	dma.local [spmem:s0], $0x2800  }
0x6b0: {  	_ =	swait.ge [sflag:s15], $0x2800  }
0x6b1: {  	s10 =	rddreg [dreg:$0x1f]  }
0x6b2: {  	s12 =	rddreg [dreg:$0x1b];
	s4 =	sadd.s32 $0x1, s10  }
0x6b3: {  	p0 =	sne.s32 s4, s12  }
.Ltmp8:
0x6b4: {  	_ = 	snop;
	(pc) =	sbr.rel @p0 .LBB2_1-.Ltmp8, $4  }
0x6b5: {  	_ = 	snop  }
0x6b6: {  	[sflag:s15] =	ssyncset.done $0x0;
	s3 =	rddreg [dreg:$0x1e]  }
0x6b7: {  	[sflag:s15] =	ssyncadd.s32 $0xFFFFD800;
	s10 =	rddreg [dreg:$0x1d]  }
0x6b8: {  	s29 =	rddreg [dreg:$0x3]  }
0x6b9: {  	_ =	sfence.sel $0x180000  }
0x6ba: {  	[bflag:$0x0] =	sbarrier.arrive $0xFFFF  }
0x6bb: {  	_ =	strace $0x90000047  }
0x6bc: {  	s0 =	stileid.u32;
	[bflag:$0x2] =	sbarrier.arrive $0xFFFF  }
0x6bd: {  	p0 =	sne.s32 s0, $0x0;
	s0 =	rddreg [dreg:$0x4]  }
0x6be: {  	s0 =	sadd.s32 @!p0 $0x100000, s0  }
0x6bf: {  	[sflag:s0] =	ssyncadd.tile.s32 @!p0 $0x1;
	_ =	shalt  }
.Lfunc_end2:
_tile_overlayer_lowered:
.L_overlay_start_2:
0x6c0: {  	(tag) =	ssettag $0x2  }
0x6c1: {  	s0 =	rddreg [dreg:$0x0];
	s2 =	stileid.u32  }
0x6c2: {  	s1 =	rddreg [dreg:$0x1];
	p0 =	sne.s32 s2, $0x0  }
0x6c3: {  	s3 =	rddreg [dreg:$0x2];
	[bflag:$0x3] =	sbarrier.arrive $0xFFFF;
	s2 =	simm.s32 @!p0 $0x1C07  }
0x6c4: {  	[timem:s3], [sflag:s2] =	dma.local @!p0 [hbm:s0], s1  }
0x6c5: {  	s0 =	simm.s32 @!p0 $0x7  }
0x6c6: {  	_ =	swait.ge @!p0 [sflag:s0], s1  }
0x6c7: {  	s1 =	ssub.s32 @!p0 $0x0, s1;
	[sflag:s0] =	ssyncset.done @!p0 $0x0  }
0x6c8: {  	[sflag:s0] =	ssyncadd.s32 @!p0 s1  }
0x6c9: {  	[bflag:$0x3] =	sbarrier.arrive $0xFFFF  }
0x6ca: {  	_ =	shalt  }

</sc_bundles>
